<compile_context>
chip_gen: v7x
topology: tpu7x:2x2x1
jax: 0.10.2.dev20260603
libtpu: 0.0.44.dev20260713+nightly
codegen_flags: <defaults>
</compile_context>

<pallas_src>
import functools

import jax
import jax.numpy as jnp
from jax import lax
from jax.experimental import pallas as pl
from jax.experimental.pallas import tpu as pltpu
from jax.experimental.pallas import tpu_sc as plsc

N = 10000
E = 320000
H = 128
MNEG = 1000.0

NC = 2
NS = 16
NW = NC * NS
L = 128
GPT = 80
EPAD = NW * GPT * L
NPAD = 10240
NSL = NPAD // NS
NBUF = 2
IGC = 40
PNBUF = 2


@functools.cache
def _sc_kernels():
    mesh = plsc.VectorSubcoreMesh(
        core_axis_name="c", subcore_axis_name="s", num_cores=NC, num_subcores=NS)
    deg = functools.partial(
        pl.kernel, mesh=mesh,
        out_type=jax.ShapeDtypeStruct((NC * NPAD,), jnp.float32),
        scratch_types=[
            pltpu.VMEM_SHARED((NPAD,), jnp.float32),
            pltpu.VMEM((GPT, L), jnp.int32),
            pltpu.VMEM((L,), jnp.float32),
            pltpu.VMEM((NSL,), jnp.float32),
        ],
    )(_sc_degree_body)
    seg = functools.partial(
        pl.kernel, mesh=mesh,
        out_type=jax.ShapeDtypeStruct((NC, NPAD, H), jnp.float32),
        scratch_types=[
            pltpu.VMEM_SHARED((NPAD, H), jnp.float32),
            pltpu.VMEM((IGC, L), jnp.int32),
            pltpu.VMEM((IGC, L), jnp.int32),
            [pltpu.VMEM((L, H), jnp.float32) for _ in range(NBUF)],
            [pltpu.SemaphoreType.DMA for _ in range(NBUF)],
        ],
    )(_sc_segsum_body)
    pair = functools.partial(
        pl.kernel, mesh=mesh,
        out_type=jax.ShapeDtypeStruct((EPAD, H), jnp.float32),
        scratch_types=[
            pltpu.VMEM((GPT, L), jnp.int32),
            pltpu.VMEM((GPT, L), jnp.int32),
            pltpu.VMEM((GPT, L), jnp.int32),
            pltpu.VMEM((GPT, L), jnp.int32),
            pltpu.VMEM((GPT, L), jnp.int32),
            pltpu.VMEM((GPT, L), jnp.int32),
            [pltpu.VMEM((L, H), jnp.float32) for _ in range(PNBUF)],
            [pltpu.VMEM((L, H), jnp.float32) for _ in range(PNBUF)],
            [pltpu.SemaphoreType.DMA for _ in range(PNBUF)],
            [pltpu.SemaphoreType.DMA for _ in range(PNBUF)],
        ],
        compiler_params=pltpu.CompilerParams(needs_layout_passes=False),
    )(_sc_pair_body)
    return deg, seg, pair


def _sc_degree_body(dst2d, zeros_n, ones_l, degp, dacc, didx, ones_v, vbuf):
    c = lax.axis_index("c")
    s = lax.axis_index("s")
    wid = c * NS + s
    pltpu.sync_copy(zeros_n.at[pl.ds(s * NSL, NSL)], vbuf)
    pltpu.sync_copy(vbuf, dacc.at[pl.ds(s * NSL, NSL)])
    pltpu.sync_copy(ones_l, ones_v)
    pltpu.sync_copy(dst2d.at[pl.ds(wid * GPT, GPT)], didx)
    plsc.subcore_barrier()

    @pl.loop(0, GPT)
    def _(j):
        pltpu.sync_copy(ones_v, dacc.at[didx.at[j]], add=True)

    plsc.subcore_barrier()
    pltpu.sync_copy(dacc.at[pl.ds(s * NSL, NSL)], vbuf)
    pltpu.sync_copy(vbuf, degp.at[pl.ds(c * NPAD + s * NSL, NSL)])


def _sc_segsum_body(y, src2d, dst2d, zeros_nh, acc_out, acc, sidx, didx, rows, sems):
    c = lax.axis_index("c")
    s = lax.axis_index("s")
    wid = c * NS + s
    pltpu.sync_copy(zeros_nh.at[pl.ds(s * NSL, NSL)], acc.at[pl.ds(s * NSL, NSL)])
    plsc.subcore_barrier()

    @pl.loop(0, GPT // IGC)
    def _(ic):
        base = wid * GPT + ic * IGC
        pltpu.sync_copy(src2d.at[pl.ds(base, IGC)], sidx)
        pltpu.sync_copy(dst2d.at[pl.ds(base, IGC)], didx)
        for b in range(NBUF):
            pltpu.async_copy(y.at[sidx.at[b]], rows[b], sems[b])

        @pl.loop(0, IGC, step=NBUF)
        def _(j):
            for b in range(NBUF):
                jj = j + b
                pltpu.make_async_copy(y.at[sidx.at[jj]], rows[b], sems[b]).wait()
                pltpu.sync_copy(rows[b], acc.at[didx.at[jj]], add=True)

                @pl.when(jj < IGC - NBUF)
                def _():
                    pltpu.async_copy(y.at[sidx.at[jj + NBUF]], rows[b], sems[b])

    plsc.subcore_barrier()
    pltpu.sync_copy(acc.at[pl.ds(s * NSL, NSL)], acc_out.at[c, pl.ds(s * NSL, NSL)])


def _sc_pair_body(a_tab, b_tab, src2d, dst2d, sel2d, trash2d, g_out,
                  sidx, didx, selv2, csrc, cdst, cpos,
                  bufa, bufb, sema, semb):
    c = lax.axis_index("c")
    s = lax.axis_index("s")
    wid = c * NS + s
    pltpu.sync_copy(src2d.at[pl.ds(wid * GPT, GPT)], sidx)
    pltpu.sync_copy(dst2d.at[pl.ds(wid * GPT, GPT)], didx)
    pltpu.sync_copy(sel2d.at[pl.ds(wid * GPT, GPT)], selv2)
    pltpu.sync_copy(src2d.at[pl.ds(wid * GPT, GPT)], csrc)
    pltpu.sync_copy(dst2d.at[pl.ds(wid * GPT, GPT)], cdst)
    pltpu.sync_copy(trash2d, cpos)

    lanes = lax.iota(jnp.int32, 16)

    @pl.loop(0, GPT, init_carry=jnp.zeros((16,), jnp.int32))
    def _compact(j, cnt):
        for k in range(L // 16):
            selv = selv2[j, pl.ds(k * 16, 16)]
            srcv = sidx[j, pl.ds(k * 16, 16)]
            dstv = didx[j, pl.ds(k * 16, 16)]
            posv = wid * (GPT * L) + j * L + k * 16 + lanes
            m = selv != 0
            pref = plsc.cumsum(selv)
            dest = cnt + pref - 1
            dr = lax.shift_right_logical(dest, 7)
            dl = lax.bitwise_and(dest, 127)
            plsc.store_scatter(csrc, [dr, dl], srcv, mask=m)
            plsc.store_scatter(cdst, [dr, dl], dstv, mask=m)
            plsc.store_scatter(cpos, [dr, dl], posv, mask=m)
            cnt = cnt + plsc.all_reduce_population_count(m)
        return cnt

    cnt = _compact[0]
    gc = lax.shift_right_logical(cnt + 127, 7)

    for b in range(PNBUF):
        @pl.when(b < gc)
        def _():
            pltpu.async_copy(a_tab.at[csrc.at[b]], bufa[b], sema[b])
            pltpu.async_copy(b_tab.at[cdst.at[b]], bufb[b], semb[b])

    gc_pad = lax.bitwise_and(gc + (PNBUF - 1), jnp.int32(-PNBUF))

    @pl.loop(0, gc_pad, step=PNBUF)
    def _(j):
        for b in range(PNBUF):
            jj = j + b

            @pl.when(jj < gc)
            def _():
                pltpu.make_async_copy(a_tab.at[csrc.at[jj]], bufa[b], sema[b]).wait()
                pltpu.make_async_copy(b_tab.at[cdst.at[jj]], bufb[b], semb[b]).wait()

                @pl.loop(0, L, unroll=4)
                def _(r):
                    for k in range(H // 16):
                        plsc.addupdate(bufa[b].at[r, pl.ds(k * 16, 16)],
                                       bufb[b][r, pl.ds(k * 16, 16)])

                pltpu.sync_copy(bufa[b], g_out.at[cpos.at[jj]])

                @pl.when(jj + PNBUF < gc)
                def _():
                    pltpu.async_copy(a_tab.at[csrc.at[jj + PNBUF]], bufa[b], sema[b])
                    pltpu.async_copy(b_tab.at[cdst.at[jj + PNBUF]], bufb[b], semb[b])



def _tc_prep_kernel(x_ref, wg_ref, wp1_ref, war_ref, we_ref, be_ref, bar_ref,
                    bp1_ref, we2_ref, c0_ref, c1_ref, acc):
    i = pl.program_id(0)

    @pl.when(i == 0)
    def _():
        acc[...] = jnp.zeros_like(acc)

    acc[...] += jnp.sum(x_ref[...], axis=0, keepdims=True)

    @pl.when(i == pl.num_programs(0) - 1)
    def _():
        wc = war_ref[2 * H:, :]
        we2_ref[...] = jnp.dot(we_ref[...], wc, preferred_element_type=jnp.float32)
        c0_ref[...] = jnp.dot(be_ref[...], wc, preferred_element_type=jnp.float32) + bar_ref[...]
        g = jnp.dot(acc[...] * (1.0 / N), wg_ref[...], preferred_element_type=jnp.float32)
        w1ab = wp1_ref[:H, :] + wp1_ref[H:2 * H, :]
        c1_ref[...] = jnp.dot(g, w1ab, preferred_element_type=jnp.float32) + bp1_ref[...]


def _tc_prep(x, wg, wp1, war, we, be, bar, bp1):
    nb = 10
    bn = N // nb
    return pl.pallas_call(
        _tc_prep_kernel,
        grid=(nb,),
        in_specs=[
            pl.BlockSpec((bn, H), lambda i: (i, 0)),
            pl.BlockSpec((H, H), lambda i: (0, 0)),
            pl.BlockSpec((3 * H, H), lambda i: (0, 0)),
            pl.BlockSpec((3 * H, H), lambda i: (0, 0)),
            pl.BlockSpec((16, H), lambda i: (0, 0)),
            pl.BlockSpec((1, H), lambda i: (0, 0)),
            pl.BlockSpec((1, H), lambda i: (0, 0)),
            pl.BlockSpec((1, H), lambda i: (0, 0)),
        ],
        out_specs=[
            pl.BlockSpec((16, H), lambda i: (0, 0)),
            pl.BlockSpec((1, H), lambda i: (0, 0)),
            pl.BlockSpec((1, H), lambda i: (0, 0)),
        ],
        out_shape=[
            jax.ShapeDtypeStruct((16, H), jnp.float32),
            jax.ShapeDtypeStruct((1, H), jnp.float32),
            jax.ShapeDtypeStruct((1, H), jnp.float32),
        ],
        scratch_shapes=[pltpu.VMEM((1, H), jnp.float32)],
    )(x, wg, wp1, war, we, be, bar, bp1)


def _tc_first_kernel(x_ref, w_ref, degt_ref, y_ref, dinv_ref):
    deg = 1.0 + degt_ref[:, 0:1] + degt_ref[:, 1:2]
    dinv = lax.rsqrt(deg)
    dinv_ref[...] = dinv
    y_ref[...] = jnp.dot(x_ref[...], w_ref[...], preferred_element_type=jnp.float32) * dinv


def _tc_first(x, w0, degt):
    nb = 10
    bn = N // nb
    return pl.pallas_call(
        _tc_first_kernel,
        grid=(nb,),
        in_specs=[
            pl.BlockSpec((bn, H), lambda i: (i, 0)),
            pl.BlockSpec((H, H), lambda i: (0, 0)),
            pl.BlockSpec((bn, 2), lambda i: (i, 0)),
        ],
        out_specs=[
            pl.BlockSpec((bn, H), lambda i: (i, 0)),
            pl.BlockSpec((bn, 1), lambda i: (i, 0)),
        ],
        out_shape=[
            jax.ShapeDtypeStruct((N, H), jnp.float32),
            jax.ShapeDtypeStruct((N, 1), jnp.float32),
        ],
    )(x, w0, degt)


def _tc_layer_kernel(sp_ref, y_ref, dinv_ref, b_ref, w_ref, ynext_ref):
    s = sp_ref[0] + sp_ref[1]
    dinv = dinv_ref[...]
    out = jax.nn.relu(dinv * (s + y_ref[...]) + b_ref[...])
    ynext_ref[...] = jnp.dot(out, w_ref[...], preferred_element_type=jnp.float32) * dinv


def _tc_layer(sp, y, dinv, b, wnext):
    nb = 10
    bn = N // nb
    return pl.pallas_call(
        _tc_layer_kernel,
        grid=(nb,),
        in_specs=[
            pl.BlockSpec((2, bn, H), lambda i: (0, i, 0)),
            pl.BlockSpec((bn, H), lambda i: (i, 0)),
            pl.BlockSpec((bn, 1), lambda i: (i, 0)),
            pl.BlockSpec((1, H), lambda i: (0, 0)),
            pl.BlockSpec((H, H), lambda i: (0, 0)),
        ],
        out_specs=pl.BlockSpec((bn, H), lambda i: (i, 0)),
        out_shape=jax.ShapeDtypeStruct((N, H), jnp.float32),
    )(sp, y, dinv, b, wnext)


def _tc_last_kernel(sp_ref, y_ref, dinv_ref, b_ref, wa_ref, wb_ref, c0_ref,
                    a_ref, bt_ref):
    s = sp_ref[0] + sp_ref[1]
    out = jax.nn.relu(dinv_ref[...] * (s + y_ref[...]) + b_ref[...])
    a_ref[...] = jnp.dot(out, wa_ref[...], preferred_element_type=jnp.float32) + c0_ref[...]
    bt_ref[...] = jnp.dot(out, wb_ref[...], preferred_element_type=jnp.float32)


def _tc_last(sp, y, dinv, b, wa, wb, c0):
    nb = 10
    bn = N // nb
    return pl.pallas_call(
        _tc_last_kernel,
        grid=(nb,),
        in_specs=[
            pl.BlockSpec((2, bn, H), lambda i: (0, i, 0)),
            pl.BlockSpec((bn, H), lambda i: (i, 0)),
            pl.BlockSpec((bn, 1), lambda i: (i, 0)),
            pl.BlockSpec((1, H), lambda i: (0, 0)),
            pl.BlockSpec((H, H), lambda i: (0, 0)),
            pl.BlockSpec((H, H), lambda i: (0, 0)),
            pl.BlockSpec((1, H), lambda i: (0, 0)),
        ],
        out_specs=[
            pl.BlockSpec((bn, H), lambda i: (i, 0)),
            pl.BlockSpec((bn, H), lambda i: (i, 0)),
        ],
        out_shape=[
            jax.ShapeDtypeStruct((N, H), jnp.float32),
            jax.ShapeDtypeStruct((N, H), jnp.float32),
        ],
    )(sp, y, dinv, b, wa, wb, c0)


def _tc_edge_kernel(g_ref, ea_ref, sel_ref, we2_ref, c1_ref, wp1c_ref,
                    wp2_ref, bp2_ref, p_ref):
    er = jax.nn.relu(
        g_ref[...] + jnp.dot(ea_ref[...], we2_ref[...], preferred_element_type=jnp.float32))
    h = jax.nn.relu(
        jnp.dot(er, wp1c_ref[...], preferred_element_type=jnp.float32) + c1_ref[...])
    logit = jnp.dot(h, wp2_ref[...], preferred_element_type=jnp.float32) + bp2_ref[...]
    p = jax.nn.sigmoid(logit)
    p_ref[...] = jnp.where(sel_ref[...] != 0, p, -MNEG)


def _tc_edge(g, ea, sel, we2, c1, wp1c, wp2, bp2):
    be = 6400
    nb = E // be
    return pl.pallas_call(
        _tc_edge_kernel,
        grid=(nb,),
        in_specs=[
            pl.BlockSpec((be, H), lambda i: (i, 0)),
            pl.BlockSpec((be, 16), lambda i: (i, 0)),
            pl.BlockSpec((be, 1), lambda i: (i, 0)),
            pl.BlockSpec((16, H), lambda i: (0, 0)),
            pl.BlockSpec((1, H), lambda i: (0, 0)),
            pl.BlockSpec((H, H), lambda i: (0, 0)),
            pl.BlockSpec((H, 1), lambda i: (0, 0)),
            pl.BlockSpec((1, 1), lambda i: (0, 0)),
        ],
        out_specs=pl.BlockSpec((be, 1), lambda i: (i, 0)),
        out_shape=jax.ShapeDtypeStruct((E, 1), jnp.float32),
    )(g, ea, sel, we2, c1, wp1c, wp2, bp2)



def kernel(x, edge_attr, W0, b0, W1, b1, W2, b2, We, be, War, bar,
           Wp1, bp1, Wp2, bp2, Wg, edge_index, selection):
    src = edge_index[0].astype(jnp.int32)
    dst = edge_index[1].astype(jnp.int32)
    padn = EPAD - E
    padv = jnp.arange(padn, dtype=jnp.int32) % L
    src2d = jnp.concatenate([src, padv]).reshape(EPAD // L, L)
    dst2d = jnp.concatenate([dst, padv + N]).reshape(EPAD // L, L)

    zeros_n = jnp.zeros((NPAD,), jnp.float32)
    zeros_nh = jnp.zeros((NPAD, H), jnp.float32)
    ones_l = jnp.ones((L,), jnp.float32)

    we2, c0, c1 = _tc_prep(x, Wg, Wp1, War, We, be.reshape(1, H),
                           bar.reshape(1, H), bp1.reshape(1, H))

    _sc_degree, _sc_segsum, _sc_pair = _sc_kernels()

    degp = _sc_degree(dst2d, zeros_n, ones_l)
    degt = degp.reshape(NC, NPAD).T

    y0, dinv = _tc_first(x, W0, degt)
    sp0 = _sc_segsum(y0, src2d, dst2d, zeros_nh)
    y1 = _tc_layer(sp0, y0, dinv, b0.reshape(1, H), W1)
    sp1 = _sc_segsum(y1, src2d, dst2d, zeros_nh)
    y2 = _tc_layer(sp1, y1, dinv, b1.reshape(1, H), W2)
    sp2 = _sc_segsum(y2, src2d, dst2d, zeros_nh)

    wa = War[:H]
    wb = War[H:2 * H]
    a_tab, b_tab = _tc_last(sp2, y2, dinv, b2.reshape(1, H), wa, wb, c0)

    sel2d = jnp.concatenate(
        [selection.astype(jnp.int32), jnp.zeros((padn,), jnp.int32)]
    ).reshape(EPAD // L, L)
    trash2d = jnp.broadcast_to(
        jnp.arange(L, dtype=jnp.int32) + (EPAD - L), (GPT, L))
    g_pairs = _sc_pair(a_tab, b_tab, src2d, dst2d, sel2d, trash2d)

    sel = selection.astype(jnp.int32).reshape(E, 1)
    p = _tc_edge(g_pairs, edge_attr, sel, we2, c1, Wp1[2 * H:], Wp2,
                 bp2.reshape(1, 1))
    return p.reshape(E)

# --- scband reference (transcript-rebuilt; emitter-appended) ---
"""Pipeline reference for scband-graph-agent-84095459656235 (READ-ONLY COPY).

The authoritative reference and input builder live on the scoring server;
editing this copy changes nothing except your own understanding.
"""

import jax, jax.numpy as jnp
import numpy as np

M = 1000.0
N_NODES = 10000
E = 320000
D_IN = 128
D_EDGE = 16
H = 128


def _gcn_conv(x, src, dst, W, b):
    N = x.shape[0]
    loop = jnp.arange(N, dtype=src.dtype)
    s = jnp.concatenate([src, loop])
    d = jnp.concatenate([dst, loop])
    deg = jnp.zeros((N,), dtype=x.dtype).at[d].add(1.0)
    dinv = 1.0 / jnp.sqrt(jnp.clip(deg, 1.0))
    xw = x @ W
    norm = (dinv[s] * dinv[d])[:, None]
    msg = xw[s] * norm
    agg = jnp.zeros((N, W.shape[1]), dtype=x.dtype).at[d].add(msg)
    return agg + b


def _graph_rep(x, Wg):
    # stand-in for gnn_model.get_graph_rep(...).detach(): mean-pooled linear projection, detached
    return jax.lax.stop_gradient(jnp.mean(x @ Wg, axis=0))


def _forward(x, edge_attr, W0, b0, W1, b1, W2, b2, We, be, War, bar, Wp1, bp1, Wp2, bp2, Wg, edge_index, selection):
    src = edge_index[0]
    dst = edge_index[1]
    # n_conv = 3 GCN layers with ReLU
    out = jax.nn.relu(_gcn_conv(x, src, dst, W0, b0))
    out = jax.nn.relu(_gcn_conv(out, src, dst, W1, b1))
    out = jax.nn.relu(_gcn_conv(out, src, dst, W2, b2))
    # edge_emb
    full_edge_attr = edge_attr @ We + be
    # graph-level reps (graph == full_graph, N replication factor = 1)
    full_graph_rep = _graph_rep(x, Wg)
    subgraph_rep = _graph_rep(x, Wg)
    # edge_action_rep: cat([out[src], out[dst], edge_attr_emb]) -> Linear -> ReLU
    edge_in = jnp.concatenate([out[src], out[dst], full_edge_attr], axis=1)
    edge_reps = jax.nn.relu(edge_in @ War + bar)
    Eed = edge_reps.shape[0]
    g = jnp.broadcast_to(full_graph_rep[None, :], (Eed, full_graph_rep.shape[0]))
    sg = jnp.broadcast_to(subgraph_rep[None, :], (Eed, subgraph_rep.shape[0]))
    # edge_action_prob: Linear -> ReLU -> Linear -> Sigmoid
    h = jnp.concatenate([g, sg, edge_reps], axis=-1)
    h = jax.nn.relu(h @ Wp1 + bp1)
    p = jax.nn.sigmoid(h @ Wp2 + bp2).reshape(-1)
    # action_prob = -M everywhere except selected edges
    action_prob = jnp.where(selection, p, jnp.full_like(p, -M))
    return action_prob


def setup_inputs(seed: int = 0):
    key = jax.random.key(seed)
    ks = jax.random.split(key, 20)
    s = 0.05
    x = jax.random.normal(ks[0], (N_NODES, D_IN), dtype=jnp.float32)
    edge_index = jax.random.randint(ks[1], (2, E), 0, N_NODES)
    selection = jax.random.randint(ks[2], (E,), 0, 2).astype(bool)
    edge_attr = jax.random.normal(ks[3], (E, D_EDGE), dtype=jnp.float32)
    W0 = jax.random.normal(ks[4], (D_IN, H), dtype=jnp.float32) * s
    b0 = jnp.zeros((H,), dtype=jnp.float32)
    W1 = jax.random.normal(ks[5], (H, H), dtype=jnp.float32) * s
    b1 = jnp.zeros((H,), dtype=jnp.float32)
    W2 = jax.random.normal(ks[6], (H, H), dtype=jnp.float32) * s
    b2 = jnp.zeros((H,), dtype=jnp.float32)
    We = jax.random.normal(ks[7], (D_EDGE, H), dtype=jnp.float32) * s
    be = jnp.zeros((H,), dtype=jnp.float32)
    War = jax.random.normal(ks[8], (3 * H, H), dtype=jnp.float32) * s
    bar = jnp.zeros((H,), dtype=jnp.float32)
    Wp1 = jax.random.normal(ks[9], (3 * H, H), dtype=jnp.float32) * s
    bp1 = jnp.zeros((H,), dtype=jnp.float32)
    Wp2 = jax.random.normal(ks[10], (H, 1), dtype=jnp.float32) * s
    bp2 = jnp.zeros((1,), dtype=jnp.float32)
    Wg = jax.random.normal(ks[11], (D_IN, H), dtype=jnp.float32) * s
    return {"x": x, "edge_attr": edge_attr, "W0": W0, "b0": b0, "W1": W1, "b1": b1, "W2": W2, "b2": b2, "We": We, "be": be, "War": War, "bar": bar, "Wp1": Wp1, "bp1": bp1, "Wp2": Wp2, "bp2": bp2, "Wg": Wg, "edge_index": edge_index, "selection": selection}


def reference(x, edge_attr, W0, b0, W1, b1, W2, b2, We, be, War, bar, Wp1, bp1, Wp2, bp2, Wg, edge_index, selection):
    return _forward(x, edge_attr, W0, b0, W1, b1, W2, b2, We, be, War, bar, Wp1, bp1, Wp2, bp2, Wg, edge_index, selection)

if __name__ == "__main__":
    import jax
    _d = setup_inputs()
    print(jax.jit(kernel)(*tuple(_d.values())))

</pallas_src>

<mosaic_0001>
#map = affine_map<(d0, d1) -> (0, 0)>
#map1 = affine_map<(d0, d1) -> (0)>
module attributes {stable_mosaic.version = 14 : i64} {
  func.func @_sc_degree_body(%arg0: i32, %arg1: i32, %arg2: memref<2560x128xi32, #tpu.memory_space<hbm>>, %arg3: memref<10240xf32, #tpu.memory_space<hbm>>, %arg4: memref<128xf32, #tpu.memory_space<hbm>>, %arg5: memref<20480xf32, #tpu.memory_space<hbm>>, %arg6: memref<10240xf32, #tpu.memory_space<vmem_shared>>, %arg7: memref<80x128xi32, #tpu.memory_space<vmem>>, %arg8: memref<128xf32, #tpu.memory_space<vmem>>, %arg9: memref<640xf32, #tpu.memory_space<vmem>>) attributes {dimension_semantics = [#tpu.dimension_semantics<core_parallel>, #tpu.dimension_semantics<subcore_parallel>], iteration_bounds = array<i64: 2, 16>, scalar_prefetch = 0 : i64, scratch_operands = 4 : i64, tpu.core_type = #tpu.core_type<sc_vector_subcore>, window_params = [{transform_indices = #map}, {transform_indices = #map1}, {transform_indices = #map1}, {transform_indices = #map1}]} {
    %mul3A = arith.constant 16 : i32
    %mul3A_0 = arith.muli %arg0, %mul3A : i32
    %add3A = arith.addi %mul3A_0, %arg1 : i32
    %mul3A_1 = arith.constant 640 : i32
    %mul3A_2 = arith.muli %arg1, %mul3A_1 : i32
    "tpu.region"() ({
      %run_scoped3A = tpu.sem_alloc : memref<!tpu.dma_semaphore, #tpu.memory_space<semaphore_mem>>
      %dma_start3A = tpu.memref_slice %arg3[%mul3A_2] : memref<10240xf32, #tpu.memory_space<hbm>> -> memref<640xf32, #tpu.memory_space<hbm>>
      %dma_start3A_19 = tpu.memref_slice %arg3[%mul3A_2] : memref<10240xf32, #tpu.memory_space<hbm>> -> memref<640xf32, #tpu.memory_space<hbm>>
      tpu.enqueue_dma source(%dma_start3A_19 : memref<640xf32, #tpu.memory_space<hbm>>) target(%arg9 : memref<640xf32, #tpu.memory_space<vmem>>) target_semaphore(%run_scoped3A : memref<!tpu.dma_semaphore, #tpu.memory_space<semaphore_mem>>)
      %dma_wait3A = tpu.memref_slice %arg3[%mul3A_2] : memref<10240xf32, #tpu.memory_space<hbm>> -> memref<640xf32, #tpu.memory_space<hbm>>
      %dma_wait3A_20 = tpu.memref_slice %arg3[%mul3A_2] : memref<10240xf32, #tpu.memory_space<hbm>> -> memref<640xf32, #tpu.memory_space<hbm>>
      tpu.wait_dma2 semaphore(%run_scoped3A : memref<!tpu.dma_semaphore, #tpu.memory_space<semaphore_mem>>) src(%dma_wait3A_20 : memref<640xf32, #tpu.memory_space<hbm>>) dst(%arg9 : memref<640xf32, #tpu.memory_space<vmem>>)
      tpu.yield
    }) : () -> ()
    %mul3A_3 = arith.constant 640 : i32
    %mul3A_4 = arith.muli %arg1, %mul3A_3 : i32
    "tpu.region"() ({
      %run_scoped3A = tpu.sem_alloc : memref<!tpu.dma_semaphore, #tpu.memory_space<semaphore_mem>>
      %dma_start3A = tpu.memref_slice %arg6[%mul3A_4] : memref<10240xf32, #tpu.memory_space<vmem_shared>> -> memref<640xf32, #tpu.memory_space<vmem_shared>>
      %dma_start3A_19 = tpu.memref_slice %arg6[%mul3A_4] : memref<10240xf32, #tpu.memory_space<vmem_shared>> -> memref<640xf32, #tpu.memory_space<vmem_shared>>
      tpu.enqueue_dma source(%arg9 : memref<640xf32, #tpu.memory_space<vmem>>) target(%dma_start3A_19 : memref<640xf32, #tpu.memory_space<vmem_shared>>) target_semaphore(%run_scoped3A : memref<!tpu.dma_semaphore, #tpu.memory_space<semaphore_mem>>)
      %dma_wait3A = tpu.memref_slice %arg6[%mul3A_4] : memref<10240xf32, #tpu.memory_space<vmem_shared>> -> memref<640xf32, #tpu.memory_space<vmem_shared>>
      %dma_wait3A_20 = tpu.memref_slice %arg6[%mul3A_4] : memref<10240xf32, #tpu.memory_space<vmem_shared>> -> memref<640xf32, #tpu.memory_space<vmem_shared>>
      tpu.wait_dma2 semaphore(%run_scoped3A : memref<!tpu.dma_semaphore, #tpu.memory_space<semaphore_mem>>) src(%arg9 : memref<640xf32, #tpu.memory_space<vmem>>) dst(%dma_wait3A_20 : memref<640xf32, #tpu.memory_space<vmem_shared>>)
      tpu.yield
    }) : () -> ()
    "tpu.region"() ({
      %run_scoped3A = tpu.sem_alloc : memref<!tpu.dma_semaphore, #tpu.memory_space<semaphore_mem>>
      tpu.enqueue_dma source(%arg4 : memref<128xf32, #tpu.memory_space<hbm>>) target(%arg8 : memref<128xf32, #tpu.memory_space<vmem>>) target_semaphore(%run_scoped3A : memref<!tpu.dma_semaphore, #tpu.memory_space<semaphore_mem>>)
      tpu.wait_dma2 semaphore(%run_scoped3A : memref<!tpu.dma_semaphore, #tpu.memory_space<semaphore_mem>>) src(%arg4 : memref<128xf32, #tpu.memory_space<hbm>>) dst(%arg8 : memref<128xf32, #tpu.memory_space<vmem>>)
      tpu.yield
    }) : () -> ()
    %mul3A_5 = arith.constant 80 : i32
    %mul3A_6 = arith.muli %add3A, %mul3A_5 : i32
    "tpu.region"() ({
      %run_scoped3A = tpu.sem_alloc : memref<!tpu.dma_semaphore, #tpu.memory_space<semaphore_mem>>
      %dma_start3A = arith.constant 0 : i32
      %dma_start3A_19 = tpu.memref_slice %arg2[%mul3A_6, %dma_start3A] : memref<2560x128xi32, #tpu.memory_space<hbm>> -> memref<80x128xi32, #tpu.memory_space<hbm>>
      %dma_start3A_20 = arith.constant 0 : i32
      %dma_start3A_21 = tpu.memref_slice %arg2[%mul3A_6, %dma_start3A_20] : memref<2560x128xi32, #tpu.memory_space<hbm>> -> memref<80x128xi32, #tpu.memory_space<hbm>>
      tpu.enqueue_dma source(%dma_start3A_21 : memref<80x128xi32, #tpu.memory_space<hbm>>) target(%arg7 : memref<80x128xi32, #tpu.memory_space<vmem>>) target_semaphore(%run_scoped3A : memref<!tpu.dma_semaphore, #tpu.memory_space<semaphore_mem>>)
      %dma_wait3A = arith.constant 0 : i32
      %dma_wait3A_22 = tpu.memref_slice %arg2[%mul3A_6, %dma_wait3A] : memref<2560x128xi32, #tpu.memory_space<hbm>> -> memref<80x128xi32, #tpu.memory_space<hbm>>
      %dma_wait3A_23 = arith.constant 0 : i32
      %dma_wait3A_24 = tpu.memref_slice %arg2[%mul3A_6, %dma_wait3A_23] : memref<2560x128xi32, #tpu.memory_space<hbm>> -> memref<80x128xi32, #tpu.memory_space<hbm>>
      tpu.wait_dma2 semaphore(%run_scoped3A : memref<!tpu.dma_semaphore, #tpu.memory_space<semaphore_mem>>) src(%dma_wait3A_24 : memref<80x128xi32, #tpu.memory_space<hbm>>) dst(%arg7 : memref<80x128xi32, #tpu.memory_space<vmem>>)
      tpu.yield
    }) : () -> ()
    %barrier3A = arith.constant 0 : index
    tpu.barrier barrier_id(%barrier3A)
    %scan3A = arith.constant 0 : i32
    %scan3A_7 = arith.constant 80 : i32
    %scan3A_8 = arith.addi %scan3A, %scan3A_7 : i32
    %scan3A_9 = arith.constant 1 : i32
    scf.for %scan3A_19 = %scan3A to %scan3A_8 step %scan3A_9  : i32 {
      %mul3A_20 = arith.constant 1 : i32
      %mul3A_21 = arith.muli %scan3A_19, %mul3A_20 : i32
      %add3A_22 = arith.constant 0 : i32
      %add3A_23 = arith.addi %add3A_22, %mul3A_21 : i32
      "tpu.region"() ({
        %run_scoped3A = tpu.sem_alloc : memref<!tpu.dma_semaphore, #tpu.memory_space<semaphore_mem>>
        %dma_start3A = arith.constant 0 : i32
        %dma_start3A_24 = tpu.memref_slice %arg7[%add3A_23, %dma_start3A] : memref<80x128xi32, #tpu.memory_space<vmem>> -> memref<1x128xi32, #tpu.memory_space<vmem>>
        %dma_start3A_25 = tpu.memref_squeeze %dma_start3A_24 : memref<1x128xi32, #tpu.memory_space<vmem>> -> memref<128xi32, #tpu.memory_space<vmem>>
        %dma_start3A_26 = arith.constant 0 : i32
        %dma_start3A_27 = tpu.memref_slice %arg6[%dma_start3A_26] : memref<10240xf32, #tpu.memory_space<vmem_shared>> -> memref<10240xf32, #tpu.memory_space<vmem_shared>>
        tpu.enqueue_indirect_dma source(%arg8 : memref<128xf32, #tpu.memory_space<vmem>>) target(%dma_start3A_27 : memref<10240xf32, #tpu.memory_space<vmem_shared>>) offsets(%dma_start3A_25 : memref<128xi32, #tpu.memory_space<vmem>>) semaphore(%run_scoped3A : memref<!tpu.dma_semaphore, #tpu.memory_space<semaphore_mem>>) {add = true}
        %dma_wait3A = arith.constant 0 : i32
        %dma_wait3A_28 = tpu.memref_slice %arg7[%add3A_23, %dma_wait3A] : memref<80x128xi32, #tpu.memory_space<vmem>> -> memref<1x128xi32, #tpu.memory_space<vmem>>
        %dma_wait3A_29 = tpu.memref_squeeze %dma_wait3A_28 : memref<1x128xi32, #tpu.memory_space<vmem>> -> memref<128xi32, #tpu.memory_space<vmem>>
        %dma_wait3A_30 = arith.constant 0 : i32
        %dma_wait3A_31 = tpu.memref_slice %arg6[%dma_wait3A_30] : memref<10240xf32, #tpu.memory_space<vmem_shared>> -> memref<10240xf32, #tpu.memory_space<vmem_shared>>
        tpu.wait_indirect_dma semaphore(%run_scoped3A : memref<!tpu.dma_semaphore, #tpu.memory_space<semaphore_mem>>) src(%arg8 : memref<128xf32, #tpu.memory_space<vmem>>) dst(%dma_wait3A_31 : memref<10240xf32, #tpu.memory_space<vmem_shared>>)
        tpu.yield
      }) : () -> ()
    }
    %scan3A_10 = arith.constant 80 : i32
    %barrier3A_11 = arith.constant 0 : index
    tpu.barrier barrier_id(%barrier3A_11)
    %mul3A_12 = arith.constant 640 : i32
    %mul3A_13 = arith.muli %arg1, %mul3A_12 : i32
    "tpu.region"() ({
      %run_scoped3A = tpu.sem_alloc : memref<!tpu.dma_semaphore, #tpu.memory_space<semaphore_mem>>
      %dma_start3A = tpu.memref_slice %arg6[%mul3A_13] : memref<10240xf32, #tpu.memory_space<vmem_shared>> -> memref<640xf32, #tpu.memory_space<vmem_shared>>
      %dma_start3A_19 = tpu.memref_slice %arg6[%mul3A_13] : memref<10240xf32, #tpu.memory_space<vmem_shared>> -> memref<640xf32, #tpu.memory_space<vmem_shared>>
      tpu.enqueue_dma source(%dma_start3A_19 : memref<640xf32, #tpu.memory_space<vmem_shared>>) target(%arg9 : memref<640xf32, #tpu.memory_space<vmem>>) target_semaphore(%run_scoped3A : memref<!tpu.dma_semaphore, #tpu.memory_space<semaphore_mem>>)
      %dma_wait3A = tpu.memref_slice %arg6[%mul3A_13] : memref<10240xf32, #tpu.memory_space<vmem_shared>> -> memref<640xf32, #tpu.memory_space<vmem_shared>>
      %dma_wait3A_20 = tpu.memref_slice %arg6[%mul3A_13] : memref<10240xf32, #tpu.memory_space<vmem_shared>> -> memref<640xf32, #tpu.memory_space<vmem_shared>>
      tpu.wait_dma2 semaphore(%run_scoped3A : memref<!tpu.dma_semaphore, #tpu.memory_space<semaphore_mem>>) src(%dma_wait3A_20 : memref<640xf32, #tpu.memory_space<vmem_shared>>) dst(%arg9 : memref<640xf32, #tpu.memory_space<vmem>>)
      tpu.yield
    }) : () -> ()
    %mul3A_14 = arith.constant 10240 : i32
    %mul3A_15 = arith.muli %arg0, %mul3A_14 : i32
    %mul3A_16 = arith.constant 640 : i32
    %mul3A_17 = arith.muli %arg1, %mul3A_16 : i32
    %add3A_18 = arith.addi %mul3A_15, %mul3A_17 : i32
    "tpu.region"() ({
      %run_scoped3A = tpu.sem_alloc : memref<!tpu.dma_semaphore, #tpu.memory_space<semaphore_mem>>
      %dma_start3A = tpu.memref_slice %arg5[%add3A_18] : memref<20480xf32, #tpu.memory_space<hbm>> -> memref<640xf32, #tpu.memory_space<hbm>>
      %dma_start3A_19 = tpu.memref_slice %arg5[%add3A_18] : memref<20480xf32, #tpu.memory_space<hbm>> -> memref<640xf32, #tpu.memory_space<hbm>>
      tpu.enqueue_dma source(%arg9 : memref<640xf32, #tpu.memory_space<vmem>>) target(%dma_start3A_19 : memref<640xf32, #tpu.memory_space<hbm>>) target_semaphore(%run_scoped3A : memref<!tpu.dma_semaphore, #tpu.memory_space<semaphore_mem>>)
      %dma_wait3A = tpu.memref_slice %arg5[%add3A_18] : memref<20480xf32, #tpu.memory_space<hbm>> -> memref<640xf32, #tpu.memory_space<hbm>>
      %dma_wait3A_20 = tpu.memref_slice %arg5[%add3A_18] : memref<20480xf32, #tpu.memory_space<hbm>> -> memref<640xf32, #tpu.memory_space<hbm>>
      tpu.wait_dma2 semaphore(%run_scoped3A : memref<!tpu.dma_semaphore, #tpu.memory_space<semaphore_mem>>) src(%arg9 : memref<640xf32, #tpu.memory_space<vmem>>) dst(%dma_wait3A_20 : memref<640xf32, #tpu.memory_space<hbm>>)
      tpu.yield
    }) : () -> ()
    return
  }
}

#map = affine_map<(d0, d1) -> (0, 0)>
#map1 = affine_map<(d0, d1) -> (0, 0, 0)>
module attributes {stable_mosaic.version = 14 : i64} {
  func.func @_sc_segsum_body(%arg0: i32, %arg1: i32, %arg2: memref<10000x128xf32, #tpu.memory_space<hbm>>, %arg3: memref<2560x128xi32, #tpu.memory_space<hbm>>, %arg4: memref<2560x128xi32, #tpu.memory_space<hbm>>, %arg5: memref<10240x128xf32, #tpu.memory_space<hbm>>, %arg6: memref<2x10240x128xf32, #tpu.memory_space<hbm>>, %arg7: memref<10240x128xf32, #tpu.memory_space<vmem_shared>>, %arg8: memref<40x128xi32, #tpu.memory_space<vmem>>, %arg9: memref<40x128xi32, #tpu.memory_space<vmem>>, %arg10: memref<128x128xf32, #tpu.memory_space<vmem>>, %arg11: memref<128x128xf32, #tpu.memory_space<vmem>>, %arg12: memref<!tpu.dma_semaphore, #tpu.memory_space<semaphore_mem>>, %arg13: memref<!tpu.dma_semaphore, #tpu.memory_space<semaphore_mem>>) attributes {dimension_semantics = [#tpu.dimension_semantics<core_parallel>, #tpu.dimension_semantics<subcore_parallel>], iteration_bounds = array<i64: 2, 16>, scalar_prefetch = 0 : i64, scratch_operands = 7 : i64, tpu.core_type = #tpu.core_type<sc_vector_subcore>, window_params = [{transform_indices = #map}, {transform_indices = #map}, {transform_indices = #map}, {transform_indices = #map}, {transform_indices = #map1}]} {
    %mul3A = arith.constant 16 : i32
    %mul3A_0 = arith.muli %arg0, %mul3A : i32
    %add3A = arith.addi %mul3A_0, %arg1 : i32
    %mul3A_1 = arith.constant 640 : i32
    %mul3A_2 = arith.muli %arg1, %mul3A_1 : i32
    %mul3A_3 = arith.constant 640 : i32
    %mul3A_4 = arith.muli %arg1, %mul3A_3 : i32
    "tpu.region"() ({
      %run_scoped3A = tpu.sem_alloc : memref<!tpu.dma_semaphore, #tpu.memory_space<semaphore_mem>>
      %dma_start3A = arith.constant 0 : i32
      %dma_start3A_14 = tpu.memref_slice %arg7[%mul3A_4, %dma_start3A] : memref<10240x128xf32, #tpu.memory_space<vmem_shared>> -> memref<640x128xf32, #tpu.memory_space<vmem_shared>>
      %dma_start3A_15 = arith.constant 0 : i32
      %dma_start3A_16 = tpu.memref_slice %arg5[%mul3A_2, %dma_start3A_15] : memref<10240x128xf32, #tpu.memory_space<hbm>> -> memref<640x128xf32, #tpu.memory_space<hbm>>
      tpu.enqueue_dma source(%dma_start3A_16 : memref<640x128xf32, #tpu.memory_space<hbm>>) target(%dma_start3A_14 : memref<640x128xf32, #tpu.memory_space<vmem_shared>>) target_semaphore(%run_scoped3A : memref<!tpu.dma_semaphore, #tpu.memory_space<semaphore_mem>>)
      %dma_wait3A = arith.constant 0 : i32
      %dma_wait3A_17 = tpu.memref_slice %arg7[%mul3A_4, %dma_wait3A] : memref<10240x128xf32, #tpu.memory_space<vmem_shared>> -> memref<640x128xf32, #tpu.memory_space<vmem_shared>>
      %dma_wait3A_18 = arith.constant 0 : i32
      %dma_wait3A_19 = tpu.memref_slice %arg5[%mul3A_2, %dma_wait3A_18] : memref<10240x128xf32, #tpu.memory_space<hbm>> -> memref<640x128xf32, #tpu.memory_space<hbm>>
      tpu.wait_dma2 semaphore(%run_scoped3A : memref<!tpu.dma_semaphore, #tpu.memory_space<semaphore_mem>>) src(%dma_wait3A_19 : memref<640x128xf32, #tpu.memory_space<hbm>>) dst(%dma_wait3A_17 : memref<640x128xf32, #tpu.memory_space<vmem_shared>>)
      tpu.yield
    }) : () -> ()
    %barrier3A = arith.constant 0 : index
    tpu.barrier barrier_id(%barrier3A)
    %scan3A = arith.constant 0 : i32
    %scan3A_5 = arith.constant 2 : i32
    %scan3A_6 = arith.addi %scan3A, %scan3A_5 : i32
    %scan3A_7 = arith.constant 1 : i32
    scf.for %scan3A_14 = %scan3A to %scan3A_6 step %scan3A_7  : i32 {
      %mul3A_15 = arith.constant 1 : i32
      %mul3A_16 = arith.muli %scan3A_14, %mul3A_15 : i32
      %add3A_17 = arith.constant 0 : i32
      %add3A_18 = arith.addi %add3A_17, %mul3A_16 : i32
      %mul3A_19 = arith.constant 80 : i32
      %mul3A_20 = arith.muli %add3A, %mul3A_19 : i32
      %mul3A_21 = arith.constant 40 : i32
      %mul3A_22 = arith.muli %add3A_18, %mul3A_21 : i32
      %add3A_23 = arith.addi %mul3A_20, %mul3A_22 : i32
      "tpu.region"() ({
        %run_scoped3A = tpu.sem_alloc : memref<!tpu.dma_semaphore, #tpu.memory_space<semaphore_mem>>
        %dma_start3A_42 = arith.constant 0 : i32
        %dma_start3A_43 = tpu.memref_slice %arg3[%add3A_23, %dma_start3A_42] : memref<2560x128xi32, #tpu.memory_space<hbm>> -> memref<40x128xi32, #tpu.memory_space<hbm>>
        %dma_start3A_44 = arith.constant 0 : i32
        %dma_start3A_45 = tpu.memref_slice %arg3[%add3A_23, %dma_start3A_44] : memref<2560x128xi32, #tpu.memory_space<hbm>> -> memref<40x128xi32, #tpu.memory_space<hbm>>
        tpu.enqueue_dma source(%dma_start3A_45 : memref<40x128xi32, #tpu.memory_space<hbm>>) target(%arg8 : memref<40x128xi32, #tpu.memory_space<vmem>>) target_semaphore(%run_scoped3A : memref<!tpu.dma_semaphore, #tpu.memory_space<semaphore_mem>>)
        %dma_wait3A = arith.constant 0 : i32
        %dma_wait3A_46 = tpu.memref_slice %arg3[%add3A_23, %dma_wait3A] : memref<2560x128xi32, #tpu.memory_space<hbm>> -> memref<40x128xi32, #tpu.memory_space<hbm>>
        %dma_wait3A_47 = arith.constant 0 : i32
        %dma_wait3A_48 = tpu.memref_slice %arg3[%add3A_23, %dma_wait3A_47] : memref<2560x128xi32, #tpu.memory_space<hbm>> -> memref<40x128xi32, #tpu.memory_space<hbm>>
        tpu.wait_dma2 semaphore(%run_scoped3A : memref<!tpu.dma_semaphore, #tpu.memory_space<semaphore_mem>>) src(%dma_wait3A_48 : memref<40x128xi32, #tpu.memory_space<hbm>>) dst(%arg8 : memref<40x128xi32, #tpu.memory_space<vmem>>)
        tpu.yield
      }) : () -> ()
      "tpu.region"() ({
        %run_scoped3A = tpu.sem_alloc : memref<!tpu.dma_semaphore, #tpu.memory_space<semaphore_mem>>
        %dma_start3A_42 = arith.constant 0 : i32
        %dma_start3A_43 = tpu.memref_slice %arg4[%add3A_23, %dma_start3A_42] : memref<2560x128xi32, #tpu.memory_space<hbm>> -> memref<40x128xi32, #tpu.memory_space<hbm>>
        %dma_start3A_44 = arith.constant 0 : i32
        %dma_start3A_45 = tpu.memref_slice %arg4[%add3A_23, %dma_start3A_44] : memref<2560x128xi32, #tpu.memory_space<hbm>> -> memref<40x128xi32, #tpu.memory_space<hbm>>
        tpu.enqueue_dma source(%dma_start3A_45 : memref<40x128xi32, #tpu.memory_space<hbm>>) target(%arg9 : memref<40x128xi32, #tpu.memory_space<vmem>>) target_semaphore(%run_scoped3A : memref<!tpu.dma_semaphore, #tpu.memory_space<semaphore_mem>>)
        %dma_wait3A = arith.constant 0 : i32
        %dma_wait3A_46 = tpu.memref_slice %arg4[%add3A_23, %dma_wait3A] : memref<2560x128xi32, #tpu.memory_space<hbm>> -> memref<40x128xi32, #tpu.memory_space<hbm>>
        %dma_wait3A_47 = arith.constant 0 : i32
        %dma_wait3A_48 = tpu.memref_slice %arg4[%add3A_23, %dma_wait3A_47] : memref<2560x128xi32, #tpu.memory_space<hbm>> -> memref<40x128xi32, #tpu.memory_space<hbm>>
        tpu.wait_dma2 semaphore(%run_scoped3A : memref<!tpu.dma_semaphore, #tpu.memory_space<semaphore_mem>>) src(%dma_wait3A_48 : memref<40x128xi32, #tpu.memory_space<hbm>>) dst(%arg9 : memref<40x128xi32, #tpu.memory_space<vmem>>)
        tpu.yield
      }) : () -> ()
      %dma_start3A = arith.constant 0 : i32
      %dma_start3A_24 = arith.constant 0 : i32
      %dma_start3A_25 = tpu.memref_slice %arg8[%dma_start3A, %dma_start3A_24] : memref<40x128xi32, #tpu.memory_space<vmem>> -> memref<1x128xi32, #tpu.memory_space<vmem>>
      %dma_start3A_26 = tpu.memref_squeeze %dma_start3A_25 : memref<1x128xi32, #tpu.memory_space<vmem>> -> memref<128xi32, #tpu.memory_space<vmem>>
      %dma_start3A_27 = arith.constant 0 : i32
      %dma_start3A_28 = arith.constant 0 : i32
      %dma_start3A_29 = tpu.memref_slice %arg2[%dma_start3A_27, %dma_start3A_28] : memref<10000x128xf32, #tpu.memory_space<hbm>> -> memref<10000x128xf32, #tpu.memory_space<hbm>>
      tpu.enqueue_indirect_dma source(%dma_start3A_29 : memref<10000x128xf32, #tpu.memory_space<hbm>>) target(%arg10 : memref<128x128xf32, #tpu.memory_space<vmem>>) offsets(%dma_start3A_26 : memref<128xi32, #tpu.memory_space<vmem>>) semaphore(%arg12 : memref<!tpu.dma_semaphore, #tpu.memory_space<semaphore_mem>>)
      %dma_start3A_30 = arith.constant 1 : i32
      %dma_start3A_31 = arith.constant 0 : i32
      %dma_start3A_32 = tpu.memref_slice %arg8[%dma_start3A_30, %dma_start3A_31] : memref<40x128xi32, #tpu.memory_space<vmem>> -> memref<1x128xi32, #tpu.memory_space<vmem>>
      %dma_start3A_33 = tpu.memref_squeeze %dma_start3A_32 : memref<1x128xi32, #tpu.memory_space<vmem>> -> memref<128xi32, #tpu.memory_space<vmem>>
      %dma_start3A_34 = arith.constant 0 : i32
      %dma_start3A_35 = arith.constant 0 : i32
      %dma_start3A_36 = tpu.memref_slice %arg2[%dma_start3A_34, %dma_start3A_35] : memref<10000x128xf32, #tpu.memory_space<hbm>> -> memref<10000x128xf32, #tpu.memory_space<hbm>>
      tpu.enqueue_indirect_dma source(%dma_start3A_36 : memref<10000x128xf32, #tpu.memory_space<hbm>>) target(%arg11 : memref<128x128xf32, #tpu.memory_space<vmem>>) offsets(%dma_start3A_33 : memref<128xi32, #tpu.memory_space<vmem>>) semaphore(%arg13 : memref<!tpu.dma_semaphore, #tpu.memory_space<semaphore_mem>>)
      %scan3A_37 = arith.constant 0 : i32
      %scan3A_38 = arith.constant 20 : i32
      %scan3A_39 = arith.addi %scan3A_37, %scan3A_38 : i32
      %scan3A_40 = arith.constant 1 : i32
      scf.for %scan3A_42 = %scan3A_37 to %scan3A_39 step %scan3A_40  : i32 {
        %mul3A_43 = arith.constant 2 : i32
        %mul3A_44 = arith.muli %scan3A_42, %mul3A_43 : i32
        %add3A_45 = arith.constant 0 : i32
        %add3A_46 = arith.addi %add3A_45, %mul3A_44 : i32
        %add3A_47 = arith.constant 0 : i32
        %add3A_48 = arith.addi %add3A_46, %add3A_47 : i32
        %dma_wait3A = arith.constant 0 : i32
        %dma_wait3A_49 = tpu.memref_slice %arg8[%add3A_48, %dma_wait3A] : memref<40x128xi32, #tpu.memory_space<vmem>> -> memref<1x128xi32, #tpu.memory_space<vmem>>
        %dma_wait3A_50 = tpu.memref_squeeze %dma_wait3A_49 : memref<1x128xi32, #tpu.memory_space<vmem>> -> memref<128xi32, #tpu.memory_space<vmem>>
        %dma_wait3A_51 = arith.constant 0 : i32
        %dma_wait3A_52 = arith.constant 0 : i32
        %dma_wait3A_53 = tpu.memref_slice %arg2[%dma_wait3A_51, %dma_wait3A_52] : memref<10000x128xf32, #tpu.memory_space<hbm>> -> memref<10000x128xf32, #tpu.memory_space<hbm>>
        tpu.wait_indirect_dma semaphore(%arg12 : memref<!tpu.dma_semaphore, #tpu.memory_space<semaphore_mem>>) src(%dma_wait3A_53 : memref<10000x128xf32, #tpu.memory_space<hbm>>) dst(%arg10 : memref<128x128xf32, #tpu.memory_space<vmem>>)
        "tpu.region"() ({
          %run_scoped3A = tpu.sem_alloc : memref<!tpu.dma_semaphore, #tpu.memory_space<semaphore_mem>>
          %dma_start3A_69 = arith.constant 0 : i32
          %dma_start3A_70 = tpu.memref_slice %arg9[%add3A_48, %dma_start3A_69] : memref<40x128xi32, #tpu.memory_space<vmem>> -> memref<1x128xi32, #tpu.memory_space<vmem>>
          %dma_start3A_71 = tpu.memref_squeeze %dma_start3A_70 : memref<1x128xi32, #tpu.memory_space<vmem>> -> memref<128xi32, #tpu.memory_space<vmem>>
          %dma_start3A_72 = arith.constant 0 : i32
          %dma_start3A_73 = arith.constant 0 : i32
          %dma_start3A_74 = tpu.memref_slice %arg7[%dma_start3A_72, %dma_start3A_73] : memref<10240x128xf32, #tpu.memory_space<vmem_shared>> -> memref<10240x128xf32, #tpu.memory_space<vmem_shared>>
          tpu.enqueue_indirect_dma source(%arg10 : memref<128x128xf32, #tpu.memory_space<vmem>>) target(%dma_start3A_74 : memref<10240x128xf32, #tpu.memory_space<vmem_shared>>) offsets(%dma_start3A_71 : memref<128xi32, #tpu.memory_space<vmem>>) semaphore(%run_scoped3A : memref<!tpu.dma_semaphore, #tpu.memory_space<semaphore_mem>>) {add = true}
          %dma_wait3A_75 = arith.constant 0 : i32
          %dma_wait3A_76 = tpu.memref_slice %arg9[%add3A_48, %dma_wait3A_75] : memref<40x128xi32, #tpu.memory_space<vmem>> -> memref<1x128xi32, #tpu.memory_space<vmem>>
          %dma_wait3A_77 = tpu.memref_squeeze %dma_wait3A_76 : memref<1x128xi32, #tpu.memory_space<vmem>> -> memref<128xi32, #tpu.memory_space<vmem>>
          %dma_wait3A_78 = arith.constant 0 : i32
          %dma_wait3A_79 = arith.constant 0 : i32
          %dma_wait3A_80 = tpu.memref_slice %arg7[%dma_wait3A_78, %dma_wait3A_79] : memref<10240x128xf32, #tpu.memory_space<vmem_shared>> -> memref<10240x128xf32, #tpu.memory_space<vmem_shared>>
          tpu.wait_indirect_dma semaphore(%run_scoped3A : memref<!tpu.dma_semaphore, #tpu.memory_space<semaphore_mem>>) src(%arg10 : memref<128x128xf32, #tpu.memory_space<vmem>>) dst(%dma_wait3A_80 : memref<10240x128xf32, #tpu.memory_space<vmem_shared>>)
          tpu.yield
        }) : () -> ()
        %lt3A = arith.constant 38 : i32
        %lt3A_54 = arith.cmpi slt, %add3A_48, %lt3A : i32
        %convert_element_type3A = arith.extui %lt3A_54 : i1 to i32
        %cond3A = arith.constant 0 : i32
        %cond3A_55 = arith.cmpi ne, %convert_element_type3A, %cond3A : i32
        scf.if %cond3A_55 {
          %add3A_69 = arith.constant 2 : i32
          %add3A_70 = arith.addi %add3A_48, %add3A_69 : i32
          %dma_start3A_71 = arith.constant 0 : i32
          %dma_start3A_72 = tpu.memref_slice %arg8[%add3A_70, %dma_start3A_71] : memref<40x128xi32, #tpu.memory_space<vmem>> -> memref<1x128xi32, #tpu.memory_space<vmem>>
          %dma_start3A_73 = tpu.memref_squeeze %dma_start3A_72 : memref<1x128xi32, #tpu.memory_space<vmem>> -> memref<128xi32, #tpu.memory_space<vmem>>
          %dma_start3A_74 = arith.constant 0 : i32
          %dma_start3A_75 = arith.constant 0 : i32
          %dma_start3A_76 = tpu.memref_slice %arg2[%dma_start3A_74, %dma_start3A_75] : memref<10000x128xf32, #tpu.memory_space<hbm>> -> memref<10000x128xf32, #tpu.memory_space<hbm>>
          tpu.enqueue_indirect_dma source(%dma_start3A_76 : memref<10000x128xf32, #tpu.memory_space<hbm>>) target(%arg10 : memref<128x128xf32, #tpu.memory_space<vmem>>) offsets(%dma_start3A_73 : memref<128xi32, #tpu.memory_space<vmem>>) semaphore(%arg12 : memref<!tpu.dma_semaphore, #tpu.memory_space<semaphore_mem>>)
        } else {
        }
        %add3A_56 = arith.constant 1 : i32
        %add3A_57 = arith.addi %add3A_46, %add3A_56 : i32
        %dma_wait3A_58 = arith.constant 0 : i32
        %dma_wait3A_59 = tpu.memref_slice %arg8[%add3A_57, %dma_wait3A_58] : memref<40x128xi32, #tpu.memory_space<vmem>> -> memref<1x128xi32, #tpu.memory_space<vmem>>
        %dma_wait3A_60 = tpu.memref_squeeze %dma_wait3A_59 : memref<1x128xi32, #tpu.memory_space<vmem>> -> memref<128xi32, #tpu.memory_space<vmem>>
        %dma_wait3A_61 = arith.constant 0 : i32
        %dma_wait3A_62 = arith.constant 0 : i32
        %dma_wait3A_63 = tpu.memref_slice %arg2[%dma_wait3A_61, %dma_wait3A_62] : memref<10000x128xf32, #tpu.memory_space<hbm>> -> memref<10000x128xf32, #tpu.memory_space<hbm>>
        tpu.wait_indirect_dma semaphore(%arg13 : memref<!tpu.dma_semaphore, #tpu.memory_space<semaphore_mem>>) src(%dma_wait3A_63 : memref<10000x128xf32, #tpu.memory_space<hbm>>) dst(%arg11 : memref<128x128xf32, #tpu.memory_space<vmem>>)
        "tpu.region"() ({
          %run_scoped3A = tpu.sem_alloc : memref<!tpu.dma_semaphore, #tpu.memory_space<semaphore_mem>>
          %dma_start3A_69 = arith.constant 0 : i32
          %dma_start3A_70 = tpu.memref_slice %arg9[%add3A_57, %dma_start3A_69] : memref<40x128xi32, #tpu.memory_space<vmem>> -> memref<1x128xi32, #tpu.memory_space<vmem>>
          %dma_start3A_71 = tpu.memref_squeeze %dma_start3A_70 : memref<1x128xi32, #tpu.memory_space<vmem>> -> memref<128xi32, #tpu.memory_space<vmem>>
          %dma_start3A_72 = arith.constant 0 : i32
          %dma_start3A_73 = arith.constant 0 : i32
          %dma_start3A_74 = tpu.memref_slice %arg7[%dma_start3A_72, %dma_start3A_73] : memref<10240x128xf32, #tpu.memory_space<vmem_shared>> -> memref<10240x128xf32, #tpu.memory_space<vmem_shared>>
          tpu.enqueue_indirect_dma source(%arg11 : memref<128x128xf32, #tpu.memory_space<vmem>>) target(%dma_start3A_74 : memref<10240x128xf32, #tpu.memory_space<vmem_shared>>) offsets(%dma_start3A_71 : memref<128xi32, #tpu.memory_space<vmem>>) semaphore(%run_scoped3A : memref<!tpu.dma_semaphore, #tpu.memory_space<semaphore_mem>>) {add = true}
          %dma_wait3A_75 = arith.constant 0 : i32
          %dma_wait3A_76 = tpu.memref_slice %arg9[%add3A_57, %dma_wait3A_75] : memref<40x128xi32, #tpu.memory_space<vmem>> -> memref<1x128xi32, #tpu.memory_space<vmem>>
          %dma_wait3A_77 = tpu.memref_squeeze %dma_wait3A_76 : memref<1x128xi32, #tpu.memory_space<vmem>> -> memref<128xi32, #tpu.memory_space<vmem>>
          %dma_wait3A_78 = arith.constant 0 : i32
          %dma_wait3A_79 = arith.constant 0 : i32
          %dma_wait3A_80 = tpu.memref_slice %arg7[%dma_wait3A_78, %dma_wait3A_79] : memref<10240x128xf32, #tpu.memory_space<vmem_shared>> -> memref<10240x128xf32, #tpu.memory_space<vmem_shared>>
          tpu.wait_indirect_dma semaphore(%run_scoped3A : memref<!tpu.dma_semaphore, #tpu.memory_space<semaphore_mem>>) src(%arg11 : memref<128x128xf32, #tpu.memory_space<vmem>>) dst(%dma_wait3A_80 : memref<10240x128xf32, #tpu.memory_space<vmem_shared>>)
          tpu.yield
        }) : () -> ()
        %lt3A_64 = arith.constant 38 : i32
        %lt3A_65 = arith.cmpi slt, %add3A_57, %lt3A_64 : i32
        %convert_element_type3A_66 = arith.extui %lt3A_65 : i1 to i32
        %cond3A_67 = arith.constant 0 : i32
        %cond3A_68 = arith.cmpi ne, %convert_element_type3A_66, %cond3A_67 : i32
        scf.if %cond3A_68 {
          %add3A_69 = arith.constant 2 : i32
          %add3A_70 = arith.addi %add3A_57, %add3A_69 : i32
          %dma_start3A_71 = arith.constant 0 : i32
          %dma_start3A_72 = tpu.memref_slice %arg8[%add3A_70, %dma_start3A_71] : memref<40x128xi32, #tpu.memory_space<vmem>> -> memref<1x128xi32, #tpu.memory_space<vmem>>
          %dma_start3A_73 = tpu.memref_squeeze %dma_start3A_72 : memref<1x128xi32, #tpu.memory_space<vmem>> -> memref<128xi32, #tpu.memory_space<vmem>>
          %dma_start3A_74 = arith.constant 0 : i32
          %dma_start3A_75 = arith.constant 0 : i32
          %dma_start3A_76 = tpu.memref_slice %arg2[%dma_start3A_74, %dma_start3A_75] : memref<10000x128xf32, #tpu.memory_space<hbm>> -> memref<10000x128xf32, #tpu.memory_space<hbm>>
          tpu.enqueue_indirect_dma source(%dma_start3A_76 : memref<10000x128xf32, #tpu.memory_space<hbm>>) target(%arg11 : memref<128x128xf32, #tpu.memory_space<vmem>>) offsets(%dma_start3A_73 : memref<128xi32, #tpu.memory_space<vmem>>) semaphore(%arg13 : memref<!tpu.dma_semaphore, #tpu.memory_space<semaphore_mem>>)
        } else {
        }
      }
      %scan3A_41 = arith.constant 20 : i32
    }
    %scan3A_8 = arith.constant 2 : i32
    %barrier3A_9 = arith.constant 0 : index
    tpu.barrier barrier_id(%barrier3A_9)
    %mul3A_10 = arith.constant 640 : i32
    %mul3A_11 = arith.muli %arg1, %mul3A_10 : i32
    %mul3A_12 = arith.constant 640 : i32
    %mul3A_13 = arith.muli %arg1, %mul3A_12 : i32
    "tpu.region"() ({
      %run_scoped3A = tpu.sem_alloc : memref<!tpu.dma_semaphore, #tpu.memory_space<semaphore_mem>>
      %dma_start3A = arith.constant 0 : i32
      %dma_start3A_14 = tpu.memref_slice %arg6[%arg0, %mul3A_13, %dma_start3A] : memref<2x10240x128xf32, #tpu.memory_space<hbm>> -> memref<1x640x128xf32, #tpu.memory_space<hbm>>
      %dma_start3A_15 = tpu.memref_squeeze %dma_start3A_14 : memref<1x640x128xf32, #tpu.memory_space<hbm>> -> memref<640x128xf32, #tpu.memory_space<hbm>>
      %dma_start3A_16 = arith.constant 0 : i32
      %dma_start3A_17 = tpu.memref_slice %arg7[%mul3A_11, %dma_start3A_16] : memref<10240x128xf32, #tpu.memory_space<vmem_shared>> -> memref<640x128xf32, #tpu.memory_space<vmem_shared>>
      tpu.enqueue_dma source(%dma_start3A_17 : memref<640x128xf32, #tpu.memory_space<vmem_shared>>) target(%dma_start3A_15 : memref<640x128xf32, #tpu.memory_space<hbm>>) target_semaphore(%run_scoped3A : memref<!tpu.dma_semaphore, #tpu.memory_space<semaphore_mem>>)
      %dma_wait3A = arith.constant 0 : i32
      %dma_wait3A_18 = tpu.memref_slice %arg6[%arg0, %mul3A_13, %dma_wait3A] : memref<2x10240x128xf32, #tpu.memory_space<hbm>> -> memref<1x640x128xf32, #tpu.memory_space<hbm>>
      %dma_wait3A_19 = tpu.memref_squeeze %dma_wait3A_18 : memref<1x640x128xf32, #tpu.memory_space<hbm>> -> memref<640x128xf32, #tpu.memory_space<hbm>>
      %dma_wait3A_20 = arith.constant 0 : i32
      %dma_wait3A_21 = tpu.memref_slice %arg7[%mul3A_11, %dma_wait3A_20] : memref<10240x128xf32, #tpu.memory_space<vmem_shared>> -> memref<640x128xf32, #tpu.memory_space<vmem_shared>>
      tpu.wait_dma2 semaphore(%run_scoped3A : memref<!tpu.dma_semaphore, #tpu.memory_space<semaphore_mem>>) src(%dma_wait3A_21 : memref<640x128xf32, #tpu.memory_space<vmem_shared>>) dst(%dma_wait3A_19 : memref<640x128xf32, #tpu.memory_space<hbm>>)
      tpu.yield
    }) : () -> ()
    return
  }
}

#map = affine_map<(d0, d1) -> (0, 0)>
#map1 = affine_map<(d0, d1) -> (0, 0, 0)>
module attributes {stable_mosaic.version = 14 : i64} {
  func.func @_sc_segsum_body(%arg0: i32, %arg1: i32, %arg2: memref<10000x128xf32, #tpu.memory_space<hbm>>, %arg3: memref<2560x128xi32, #tpu.memory_space<hbm>>, %arg4: memref<2560x128xi32, #tpu.memory_space<hbm>>, %arg5: memref<10240x128xf32, #tpu.memory_space<hbm>>, %arg6: memref<2x10240x128xf32, #tpu.memory_space<hbm>>, %arg7: memref<10240x128xf32, #tpu.memory_space<vmem_shared>>, %arg8: memref<40x128xi32, #tpu.memory_space<vmem>>, %arg9: memref<40x128xi32, #tpu.memory_space<vmem>>, %arg10: memref<128x128xf32, #tpu.memory_space<vmem>>, %arg11: memref<128x128xf32, #tpu.memory_space<vmem>>, %arg12: memref<!tpu.dma_semaphore, #tpu.memory_space<semaphore_mem>>, %arg13: memref<!tpu.dma_semaphore, #tpu.memory_space<semaphore_mem>>) attributes {dimension_semantics = [#tpu.dimension_semantics<core_parallel>, #tpu.dimension_semantics<subcore_parallel>], iteration_bounds = array<i64: 2, 16>, scalar_prefetch = 0 : i64, scratch_operands = 7 : i64, tpu.core_type = #tpu.core_type<sc_vector_subcore>, window_params = [{transform_indices = #map}, {transform_indices = #map}, {transform_indices = #map}, {transform_indices = #map}, {transform_indices = #map1}]} {
    %mul3A = arith.constant 16 : i32
    %mul3A_0 = arith.muli %arg0, %mul3A : i32
    %add3A = arith.addi %mul3A_0, %arg1 : i32
    %mul3A_1 = arith.constant 640 : i32
    %mul3A_2 = arith.muli %arg1, %mul3A_1 : i32
    %mul3A_3 = arith.constant 640 : i32
    %mul3A_4 = arith.muli %arg1, %mul3A_3 : i32
    "tpu.region"() ({
      %run_scoped3A = tpu.sem_alloc : memref<!tpu.dma_semaphore, #tpu.memory_space<semaphore_mem>>
      %dma_start3A = arith.constant 0 : i32
      %dma_start3A_14 = tpu.memref_slice %arg7[%mul3A_4, %dma_start3A] : memref<10240x128xf32, #tpu.memory_space<vmem_shared>> -> memref<640x128xf32, #tpu.memory_space<vmem_shared>>
      %dma_start3A_15 = arith.constant 0 : i32
      %dma_start3A_16 = tpu.memref_slice %arg5[%mul3A_2, %dma_start3A_15] : memref<10240x128xf32, #tpu.memory_space<hbm>> -> memref<640x128xf32, #tpu.memory_space<hbm>>
      tpu.enqueue_dma source(%dma_start3A_16 : memref<640x128xf32, #tpu.memory_space<hbm>>) target(%dma_start3A_14 : memref<640x128xf32, #tpu.memory_space<vmem_shared>>) target_semaphore(%run_scoped3A : memref<!tpu.dma_semaphore, #tpu.memory_space<semaphore_mem>>)
      %dma_wait3A = arith.constant 0 : i32
      %dma_wait3A_17 = tpu.memref_slice %arg7[%mul3A_4, %dma_wait3A] : memref<10240x128xf32, #tpu.memory_space<vmem_shared>> -> memref<640x128xf32, #tpu.memory_space<vmem_shared>>
      %dma_wait3A_18 = arith.constant 0 : i32
      %dma_wait3A_19 = tpu.memref_slice %arg5[%mul3A_2, %dma_wait3A_18] : memref<10240x128xf32, #tpu.memory_space<hbm>> -> memref<640x128xf32, #tpu.memory_space<hbm>>
      tpu.wait_dma2 semaphore(%run_scoped3A : memref<!tpu.dma_semaphore, #tpu.memory_space<semaphore_mem>>) src(%dma_wait3A_19 : memref<640x128xf32, #tpu.memory_space<hbm>>) dst(%dma_wait3A_17 : memref<640x128xf32, #tpu.memory_space<vmem_shared>>)
      tpu.yield
    }) : () -> ()
    %barrier3A = arith.constant 0 : index
    tpu.barrier barrier_id(%barrier3A)
    %scan3A = arith.constant 0 : i32
    %scan3A_5 = arith.constant 2 : i32
    %scan3A_6 = arith.addi %scan3A, %scan3A_5 : i32
    %scan3A_7 = arith.constant 1 : i32
    scf.for %scan3A_14 = %scan3A to %scan3A_6 step %scan3A_7  : i32 {
      %mul3A_15 = arith.constant 1 : i32
      %mul3A_16 = arith.muli %scan3A_14, %mul3A_15 : i32
      %add3A_17 = arith.constant 0 : i32
      %add3A_18 = arith.addi %add3A_17, %mul3A_16 : i32
      %mul3A_19 = arith.constant 80 : i32
      %mul3A_20 = arith.muli %add3A, %mul3A_19 : i32
      %mul3A_21 = arith.constant 40 : i32
      %mul3A_22 = arith.muli %add3A_18, %mul3A_21 : i32
      %add3A_23 = arith.addi %mul3A_20, %mul3A_22 : i32
      "tpu.region"() ({
        %run_scoped3A = tpu.sem_alloc : memref<!tpu.dma_semaphore, #tpu.memory_space<semaphore_mem>>
        %dma_start3A_42 = arith.constant 0 : i32
        %dma_start3A_43 = tpu.memref_slice %arg3[%add3A_23, %dma_start3A_42] : memref<2560x128xi32, #tpu.memory_space<hbm>> -> memref<40x128xi32, #tpu.memory_space<hbm>>
        %dma_start3A_44 = arith.constant 0 : i32
        %dma_start3A_45 = tpu.memref_slice %arg3[%add3A_23, %dma_start3A_44] : memref<2560x128xi32, #tpu.memory_space<hbm>> -> memref<40x128xi32, #tpu.memory_space<hbm>>
        tpu.enqueue_dma source(%dma_start3A_45 : memref<40x128xi32, #tpu.memory_space<hbm>>) target(%arg8 : memref<40x128xi32, #tpu.memory_space<vmem>>) target_semaphore(%run_scoped3A : memref<!tpu.dma_semaphore, #tpu.memory_space<semaphore_mem>>)
        %dma_wait3A = arith.constant 0 : i32
        %dma_wait3A_46 = tpu.memref_slice %arg3[%add3A_23, %dma_wait3A] : memref<2560x128xi32, #tpu.memory_space<hbm>> -> memref<40x128xi32, #tpu.memory_space<hbm>>
        %dma_wait3A_47 = arith.constant 0 : i32
        %dma_wait3A_48 = tpu.memref_slice %arg3[%add3A_23, %dma_wait3A_47] : memref<2560x128xi32, #tpu.memory_space<hbm>> -> memref<40x128xi32, #tpu.memory_space<hbm>>
        tpu.wait_dma2 semaphore(%run_scoped3A : memref<!tpu.dma_semaphore, #tpu.memory_space<semaphore_mem>>) src(%dma_wait3A_48 : memref<40x128xi32, #tpu.memory_space<hbm>>) dst(%arg8 : memref<40x128xi32, #tpu.memory_space<vmem>>)
        tpu.yield
      }) : () -> ()
      "tpu.region"() ({
        %run_scoped3A = tpu.sem_alloc : memref<!tpu.dma_semaphore, #tpu.memory_space<semaphore_mem>>
        %dma_start3A_42 = arith.constant 0 : i32
        %dma_start3A_43 = tpu.memref_slice %arg4[%add3A_23, %dma_start3A_42] : memref<2560x128xi32, #tpu.memory_space<hbm>> -> memref<40x128xi32, #tpu.memory_space<hbm>>
        %dma_start3A_44 = arith.constant 0 : i32
        %dma_start3A_45 = tpu.memref_slice %arg4[%add3A_23, %dma_start3A_44] : memref<2560x128xi32, #tpu.memory_space<hbm>> -> memref<40x128xi32, #tpu.memory_space<hbm>>
        tpu.enqueue_dma source(%dma_start3A_45 : memref<40x128xi32, #tpu.memory_space<hbm>>) target(%arg9 : memref<40x128xi32, #tpu.memory_space<vmem>>) target_semaphore(%run_scoped3A : memref<!tpu.dma_semaphore, #tpu.memory_space<semaphore_mem>>)
        %dma_wait3A = arith.constant 0 : i32
        %dma_wait3A_46 = tpu.memref_slice %arg4[%add3A_23, %dma_wait3A] : memref<2560x128xi32, #tpu.memory_space<hbm>> -> memref<40x128xi32, #tpu.memory_space<hbm>>
        %dma_wait3A_47 = arith.constant 0 : i32
        %dma_wait3A_48 = tpu.memref_slice %arg4[%add3A_23, %dma_wait3A_47] : memref<2560x128xi32, #tpu.memory_space<hbm>> -> memref<40x128xi32, #tpu.memory_space<hbm>>
        tpu.wait_dma2 semaphore(%run_scoped3A : memref<!tpu.dma_semaphore, #tpu.memory_space<semaphore_mem>>) src(%dma_wait3A_48 : memref<40x128xi32, #tpu.memory_space<hbm>>) dst(%arg9 : memref<40x128xi32, #tpu.memory_space<vmem>>)
        tpu.yield
      }) : () -> ()
      %dma_start3A = arith.constant 0 : i32
      %dma_start3A_24 = arith.constant 0 : i32
      %dma_start3A_25 = tpu.memref_slice %arg8[%dma_start3A, %dma_start3A_24] : memref<40x128xi32, #tpu.memory_space<vmem>> -> memref<1x128xi32, #tpu.memory_space<vmem>>
      %dma_start3A_26 = tpu.memref_squeeze %dma_start3A_25 : memref<1x128xi32, #tpu.memory_space<vmem>> -> memref<128xi32, #tpu.memory_space<vmem>>
      %dma_start3A_27 = arith.constant 0 : i32
      %dma_start3A_28 = arith.constant 0 : i32
      %dma_start3A_29 = tpu.memref_slice %arg2[%dma_start3A_27, %dma_start3A_28] : memref<10000x128xf32, #tpu.memory_space<hbm>> -> memref<10000x128xf32, #tpu.memory_space<hbm>>
      tpu.enqueue_indirect_dma source(%dma_start3A_29 : memref<10000x128xf32, #tpu.memory_space<hbm>>) target(%arg10 : memref<128x128xf32, #tpu.memory_space<vmem>>) offsets(%dma_start3A_26 : memref<128xi32, #tpu.memory_space<vmem>>) semaphore(%arg12 : memref<!tpu.dma_semaphore, #tpu.memory_space<semaphore_mem>>)
      %dma_start3A_30 = arith.constant 1 : i32
      %dma_start3A_31 = arith.constant 0 : i32
      %dma_start3A_32 = tpu.memref_slice %arg8[%dma_start3A_30, %dma_start3A_31] : memref<40x128xi32, #tpu.memory_space<vmem>> -> memref<1x128xi32, #tpu.memory_space<vmem>>
      %dma_start3A_33 = tpu.memref_squeeze %dma_start3A_32 : memref<1x128xi32, #tpu.memory_space<vmem>> -> memref<128xi32, #tpu.memory_space<vmem>>
      %dma_start3A_34 = arith.constant 0 : i32
      %dma_start3A_35 = arith.constant 0 : i32
      %dma_start3A_36 = tpu.memref_slice %arg2[%dma_start3A_34, %dma_start3A_35] : memref<10000x128xf32, #tpu.memory_space<hbm>> -> memref<10000x128xf32, #tpu.memory_space<hbm>>
      tpu.enqueue_indirect_dma source(%dma_start3A_36 : memref<10000x128xf32, #tpu.memory_space<hbm>>) target(%arg11 : memref<128x128xf32, #tpu.memory_space<vmem>>) offsets(%dma_start3A_33 : memref<128xi32, #tpu.memory_space<vmem>>) semaphore(%arg13 : memref<!tpu.dma_semaphore, #tpu.memory_space<semaphore_mem>>)
      %scan3A_37 = arith.constant 0 : i32
      %scan3A_38 = arith.constant 20 : i32
      %scan3A_39 = arith.addi %scan3A_37, %scan3A_38 : i32
      %scan3A_40 = arith.constant 1 : i32
      scf.for %scan3A_42 = %scan3A_37 to %scan3A_39 step %scan3A_40  : i32 {
        %mul3A_43 = arith.constant 2 : i32
        %mul3A_44 = arith.muli %scan3A_42, %mul3A_43 : i32
        %add3A_45 = arith.constant 0 : i32
        %add3A_46 = arith.addi %add3A_45, %mul3A_44 : i32
        %add3A_47 = arith.constant 0 : i32
        %add3A_48 = arith.addi %add3A_46, %add3A_47 : i32
        %dma_wait3A = arith.constant 0 : i32
        %dma_wait3A_49 = tpu.memref_slice %arg8[%add3A_48, %dma_wait3A] : memref<40x128xi32, #tpu.memory_space<vmem>> -> memref<1x128xi32, #tpu.memory_space<vmem>>
        %dma_wait3A_50 = tpu.memref_squeeze %dma_wait3A_49 : memref<1x128xi32, #tpu.memory_space<vmem>> -> memref<128xi32, #tpu.memory_space<vmem>>
        %dma_wait3A_51 = arith.constant 0 : i32
        %dma_wait3A_52 = arith.constant 0 : i32
        %dma_wait3A_53 = tpu.memref_slice %arg2[%dma_wait3A_51, %dma_wait3A_52] : memref<10000x128xf32, #tpu.memory_space<hbm>> -> memref<10000x128xf32, #tpu.memory_space<hbm>>
        tpu.wait_indirect_dma semaphore(%arg12 : memref<!tpu.dma_semaphore, #tpu.memory_space<semaphore_mem>>) src(%dma_wait3A_53 : memref<10000x128xf32, #tpu.memory_space<hbm>>) dst(%arg10 : memref<128x128xf32, #tpu.memory_space<vmem>>)
        "tpu.region"() ({
          %run_scoped3A = tpu.sem_alloc : memref<!tpu.dma_semaphore, #tpu.memory_space<semaphore_mem>>
          %dma_start3A_69 = arith.constant 0 : i32
          %dma_start3A_70 = tpu.memref_slice %arg9[%add3A_48, %dma_start3A_69] : memref<40x128xi32, #tpu.memory_space<vmem>> -> memref<1x128xi32, #tpu.memory_space<vmem>>
          %dma_start3A_71 = tpu.memref_squeeze %dma_start3A_70 : memref<1x128xi32, #tpu.memory_space<vmem>> -> memref<128xi32, #tpu.memory_space<vmem>>
          %dma_start3A_72 = arith.constant 0 : i32
          %dma_start3A_73 = arith.constant 0 : i32
          %dma_start3A_74 = tpu.memref_slice %arg7[%dma_start3A_72, %dma_start3A_73] : memref<10240x128xf32, #tpu.memory_space<vmem_shared>> -> memref<10240x128xf32, #tpu.memory_space<vmem_shared>>
          tpu.enqueue_indirect_dma source(%arg10 : memref<128x128xf32, #tpu.memory_space<vmem>>) target(%dma_start3A_74 : memref<10240x128xf32, #tpu.memory_space<vmem_shared>>) offsets(%dma_start3A_71 : memref<128xi32, #tpu.memory_space<vmem>>) semaphore(%run_scoped3A : memref<!tpu.dma_semaphore, #tpu.memory_space<semaphore_mem>>) {add = true}
          %dma_wait3A_75 = arith.constant 0 : i32
          %dma_wait3A_76 = tpu.memref_slice %arg9[%add3A_48, %dma_wait3A_75] : memref<40x128xi32, #tpu.memory_space<vmem>> -> memref<1x128xi32, #tpu.memory_space<vmem>>
          %dma_wait3A_77 = tpu.memref_squeeze %dma_wait3A_76 : memref<1x128xi32, #tpu.memory_space<vmem>> -> memref<128xi32, #tpu.memory_space<vmem>>
          %dma_wait3A_78 = arith.constant 0 : i32
          %dma_wait3A_79 = arith.constant 0 : i32
          %dma_wait3A_80 = tpu.memref_slice %arg7[%dma_wait3A_78, %dma_wait3A_79] : memref<10240x128xf32, #tpu.memory_space<vmem_shared>> -> memref<10240x128xf32, #tpu.memory_space<vmem_shared>>
          tpu.wait_indirect_dma semaphore(%run_scoped3A : memref<!tpu.dma_semaphore, #tpu.memory_space<semaphore_mem>>) src(%arg10 : memref<128x128xf32, #tpu.memory_space<vmem>>) dst(%dma_wait3A_80 : memref<10240x128xf32, #tpu.memory_space<vmem_shared>>)
          tpu.yield
        }) : () -> ()
        %lt3A = arith.constant 38 : i32
        %lt3A_54 = arith.cmpi slt, %add3A_48, %lt3A : i32
        %convert_element_type3A = arith.extui %lt3A_54 : i1 to i32
        %cond3A = arith.constant 0 : i32
        %cond3A_55 = arith.cmpi ne, %convert_element_type3A, %cond3A : i32
        scf.if %cond3A_55 {
          %add3A_69 = arith.constant 2 : i32
          %add3A_70 = arith.addi %add3A_48, %add3A_69 : i32
          %dma_start3A_71 = arith.constant 0 : i32
          %dma_start3A_72 = tpu.memref_slice %arg8[%add3A_70, %dma_start3A_71] : memref<40x128xi32, #tpu.memory_space<vmem>> -> memref<1x128xi32, #tpu.memory_space<vmem>>
          %dma_start3A_73 = tpu.memref_squeeze %dma_start3A_72 : memref<1x128xi32, #tpu.memory_space<vmem>> -> memref<128xi32, #tpu.memory_space<vmem>>
          %dma_start3A_74 = arith.constant 0 : i32
          %dma_start3A_75 = arith.constant 0 : i32
          %dma_start3A_76 = tpu.memref_slice %arg2[%dma_start3A_74, %dma_start3A_75] : memref<10000x128xf32, #tpu.memory_space<hbm>> -> memref<10000x128xf32, #tpu.memory_space<hbm>>
          tpu.enqueue_indirect_dma source(%dma_start3A_76 : memref<10000x128xf32, #tpu.memory_space<hbm>>) target(%arg10 : memref<128x128xf32, #tpu.memory_space<vmem>>) offsets(%dma_start3A_73 : memref<128xi32, #tpu.memory_space<vmem>>) semaphore(%arg12 : memref<!tpu.dma_semaphore, #tpu.memory_space<semaphore_mem>>)
        } else {
        }
        %add3A_56 = arith.constant 1 : i32
        %add3A_57 = arith.addi %add3A_46, %add3A_56 : i32
        %dma_wait3A_58 = arith.constant 0 : i32
        %dma_wait3A_59 = tpu.memref_slice %arg8[%add3A_57, %dma_wait3A_58] : memref<40x128xi32, #tpu.memory_space<vmem>> -> memref<1x128xi32, #tpu.memory_space<vmem>>
        %dma_wait3A_60 = tpu.memref_squeeze %dma_wait3A_59 : memref<1x128xi32, #tpu.memory_space<vmem>> -> memref<128xi32, #tpu.memory_space<vmem>>
        %dma_wait3A_61 = arith.constant 0 : i32
        %dma_wait3A_62 = arith.constant 0 : i32
        %dma_wait3A_63 = tpu.memref_slice %arg2[%dma_wait3A_61, %dma_wait3A_62] : memref<10000x128xf32, #tpu.memory_space<hbm>> -> memref<10000x128xf32, #tpu.memory_space<hbm>>
        tpu.wait_indirect_dma semaphore(%arg13 : memref<!tpu.dma_semaphore, #tpu.memory_space<semaphore_mem>>) src(%dma_wait3A_63 : memref<10000x128xf32, #tpu.memory_space<hbm>>) dst(%arg11 : memref<128x128xf32, #tpu.memory_space<vmem>>)
        "tpu.region"() ({
          %run_scoped3A = tpu.sem_alloc : memref<!tpu.dma_semaphore, #tpu.memory_space<semaphore_mem>>
          %dma_start3A_69 = arith.constant 0 : i32
          %dma_start3A_70 = tpu.memref_slice %arg9[%add3A_57, %dma_start3A_69] : memref<40x128xi32, #tpu.memory_space<vmem>> -> memref<1x128xi32, #tpu.memory_space<vmem>>
          %dma_start3A_71 = tpu.memref_squeeze %dma_start3A_70 : memref<1x128xi32, #tpu.memory_space<vmem>> -> memref<128xi32, #tpu.memory_space<vmem>>
          %dma_start3A_72 = arith.constant 0 : i32
          %dma_start3A_73 = arith.constant 0 : i32
          %dma_start3A_74 = tpu.memref_slice %arg7[%dma_start3A_72, %dma_start3A_73] : memref<10240x128xf32, #tpu.memory_space<vmem_shared>> -> memref<10240x128xf32, #tpu.memory_space<vmem_shared>>
          tpu.enqueue_indirect_dma source(%arg11 : memref<128x128xf32, #tpu.memory_space<vmem>>) target(%dma_start3A_74 : memref<10240x128xf32, #tpu.memory_space<vmem_shared>>) offsets(%dma_start3A_71 : memref<128xi32, #tpu.memory_space<vmem>>) semaphore(%run_scoped3A : memref<!tpu.dma_semaphore, #tpu.memory_space<semaphore_mem>>) {add = true}
          %dma_wait3A_75 = arith.constant 0 : i32
          %dma_wait3A_76 = tpu.memref_slice %arg9[%add3A_57, %dma_wait3A_75] : memref<40x128xi32, #tpu.memory_space<vmem>> -> memref<1x128xi32, #tpu.memory_space<vmem>>
          %dma_wait3A_77 = tpu.memref_squeeze %dma_wait3A_76 : memref<1x128xi32, #tpu.memory_space<vmem>> -> memref<128xi32, #tpu.memory_space<vmem>>
          %dma_wait3A_78 = arith.constant 0 : i32
          %dma_wait3A_79 = arith.constant 0 : i32
          %dma_wait3A_80 = tpu.memref_slice %arg7[%dma_wait3A_78, %dma_wait3A_79] : memref<10240x128xf32, #tpu.memory_space<vmem_shared>> -> memref<10240x128xf32, #tpu.memory_space<vmem_shared>>
          tpu.wait_indirect_dma semaphore(%run_scoped3A : memref<!tpu.dma_semaphore, #tpu.memory_space<semaphore_mem>>) src(%arg11 : memref<128x128xf32, #tpu.memory_space<vmem>>) dst(%dma_wait3A_80 : memref<10240x128xf32, #tpu.memory_space<vmem_shared>>)
          tpu.yield
        }) : () -> ()
        %lt3A_64 = arith.constant 38 : i32
        %lt3A_65 = arith.cmpi slt, %add3A_57, %lt3A_64 : i32
        %convert_element_type3A_66 = arith.extui %lt3A_65 : i1 to i32
        %cond3A_67 = arith.constant 0 : i32
        %cond3A_68 = arith.cmpi ne, %convert_element_type3A_66, %cond3A_67 : i32
        scf.if %cond3A_68 {
          %add3A_69 = arith.constant 2 : i32
          %add3A_70 = arith.addi %add3A_57, %add3A_69 : i32
          %dma_start3A_71 = arith.constant 0 : i32
          %dma_start3A_72 = tpu.memref_slice %arg8[%add3A_70, %dma_start3A_71] : memref<40x128xi32, #tpu.memory_space<vmem>> -> memref<1x128xi32, #tpu.memory_space<vmem>>
          %dma_start3A_73 = tpu.memref_squeeze %dma_start3A_72 : memref<1x128xi32, #tpu.memory_space<vmem>> -> memref<128xi32, #tpu.memory_space<vmem>>
          %dma_start3A_74 = arith.constant 0 : i32
          %dma_start3A_75 = arith.constant 0 : i32
          %dma_start3A_76 = tpu.memref_slice %arg2[%dma_start3A_74, %dma_start3A_75] : memref<10000x128xf32, #tpu.memory_space<hbm>> -> memref<10000x128xf32, #tpu.memory_space<hbm>>
          tpu.enqueue_indirect_dma source(%dma_start3A_76 : memref<10000x128xf32, #tpu.memory_space<hbm>>) target(%arg11 : memref<128x128xf32, #tpu.memory_space<vmem>>) offsets(%dma_start3A_73 : memref<128xi32, #tpu.memory_space<vmem>>) semaphore(%arg13 : memref<!tpu.dma_semaphore, #tpu.memory_space<semaphore_mem>>)
        } else {
        }
      }
      %scan3A_41 = arith.constant 20 : i32
    }
    %scan3A_8 = arith.constant 2 : i32
    %barrier3A_9 = arith.constant 0 : index
    tpu.barrier barrier_id(%barrier3A_9)
    %mul3A_10 = arith.constant 640 : i32
    %mul3A_11 = arith.muli %arg1, %mul3A_10 : i32
    %mul3A_12 = arith.constant 640 : i32
    %mul3A_13 = arith.muli %arg1, %mul3A_12 : i32
    "tpu.region"() ({
      %run_scoped3A = tpu.sem_alloc : memref<!tpu.dma_semaphore, #tpu.memory_space<semaphore_mem>>
      %dma_start3A = arith.constant 0 : i32
      %dma_start3A_14 = tpu.memref_slice %arg6[%arg0, %mul3A_13, %dma_start3A] : memref<2x10240x128xf32, #tpu.memory_space<hbm>> -> memref<1x640x128xf32, #tpu.memory_space<hbm>>
      %dma_start3A_15 = tpu.memref_squeeze %dma_start3A_14 : memref<1x640x128xf32, #tpu.memory_space<hbm>> -> memref<640x128xf32, #tpu.memory_space<hbm>>
      %dma_start3A_16 = arith.constant 0 : i32
      %dma_start3A_17 = tpu.memref_slice %arg7[%mul3A_11, %dma_start3A_16] : memref<10240x128xf32, #tpu.memory_space<vmem_shared>> -> memref<640x128xf32, #tpu.memory_space<vmem_shared>>
      tpu.enqueue_dma source(%dma_start3A_17 : memref<640x128xf32, #tpu.memory_space<vmem_shared>>) target(%dma_start3A_15 : memref<640x128xf32, #tpu.memory_space<hbm>>) target_semaphore(%run_scoped3A : memref<!tpu.dma_semaphore, #tpu.memory_space<semaphore_mem>>)
      %dma_wait3A = arith.constant 0 : i32
      %dma_wait3A_18 = tpu.memref_slice %arg6[%arg0, %mul3A_13, %dma_wait3A] : memref<2x10240x128xf32, #tpu.memory_space<hbm>> -> memref<1x640x128xf32, #tpu.memory_space<hbm>>
      %dma_wait3A_19 = tpu.memref_squeeze %dma_wait3A_18 : memref<1x640x128xf32, #tpu.memory_space<hbm>> -> memref<640x128xf32, #tpu.memory_space<hbm>>
      %dma_wait3A_20 = arith.constant 0 : i32
      %dma_wait3A_21 = tpu.memref_slice %arg7[%mul3A_11, %dma_wait3A_20] : memref<10240x128xf32, #tpu.memory_space<vmem_shared>> -> memref<640x128xf32, #tpu.memory_space<vmem_shared>>
      tpu.wait_dma2 semaphore(%run_scoped3A : memref<!tpu.dma_semaphore, #tpu.memory_space<semaphore_mem>>) src(%dma_wait3A_21 : memref<640x128xf32, #tpu.memory_space<vmem_shared>>) dst(%dma_wait3A_19 : memref<640x128xf32, #tpu.memory_space<hbm>>)
      tpu.yield
    }) : () -> ()
    return
  }
}

#map = affine_map<(d0, d1) -> (0, 0)>
#map1 = affine_map<(d0, d1) -> (0, 0, 0)>
module attributes {stable_mosaic.version = 14 : i64} {
  func.func @_sc_segsum_body(%arg0: i32, %arg1: i32, %arg2: memref<10000x128xf32, #tpu.memory_space<hbm>>, %arg3: memref<2560x128xi32, #tpu.memory_space<hbm>>, %arg4: memref<2560x128xi32, #tpu.memory_space<hbm>>, %arg5: memref<10240x128xf32, #tpu.memory_space<hbm>>, %arg6: memref<2x10240x128xf32, #tpu.memory_space<hbm>>, %arg7: memref<10240x128xf32, #tpu.memory_space<vmem_shared>>, %arg8: memref<40x128xi32, #tpu.memory_space<vmem>>, %arg9: memref<40x128xi32, #tpu.memory_space<vmem>>, %arg10: memref<128x128xf32, #tpu.memory_space<vmem>>, %arg11: memref<128x128xf32, #tpu.memory_space<vmem>>, %arg12: memref<!tpu.dma_semaphore, #tpu.memory_space<semaphore_mem>>, %arg13: memref<!tpu.dma_semaphore, #tpu.memory_space<semaphore_mem>>) attributes {dimension_semantics = [#tpu.dimension_semantics<core_parallel>, #tpu.dimension_semantics<subcore_parallel>], iteration_bounds = array<i64: 2, 16>, scalar_prefetch = 0 : i64, scratch_operands = 7 : i64, tpu.core_type = #tpu.core_type<sc_vector_subcore>, window_params = [{transform_indices = #map}, {transform_indices = #map}, {transform_indices = #map}, {transform_indices = #map}, {transform_indices = #map1}]} {
    %mul3A = arith.constant 16 : i32
    %mul3A_0 = arith.muli %arg0, %mul3A : i32
    %add3A = arith.addi %mul3A_0, %arg1 : i32
    %mul3A_1 = arith.constant 640 : i32
    %mul3A_2 = arith.muli %arg1, %mul3A_1 : i32
    %mul3A_3 = arith.constant 640 : i32
    %mul3A_4 = arith.muli %arg1, %mul3A_3 : i32
    "tpu.region"() ({
      %run_scoped3A = tpu.sem_alloc : memref<!tpu.dma_semaphore, #tpu.memory_space<semaphore_mem>>
      %dma_start3A = arith.constant 0 : i32
      %dma_start3A_14 = tpu.memref_slice %arg7[%mul3A_4, %dma_start3A] : memref<10240x128xf32, #tpu.memory_space<vmem_shared>> -> memref<640x128xf32, #tpu.memory_space<vmem_shared>>
      %dma_start3A_15 = arith.constant 0 : i32
      %dma_start3A_16 = tpu.memref_slice %arg5[%mul3A_2, %dma_start3A_15] : memref<10240x128xf32, #tpu.memory_space<hbm>> -> memref<640x128xf32, #tpu.memory_space<hbm>>
      tpu.enqueue_dma source(%dma_start3A_16 : memref<640x128xf32, #tpu.memory_space<hbm>>) target(%dma_start3A_14 : memref<640x128xf32, #tpu.memory_space<vmem_shared>>) target_semaphore(%run_scoped3A : memref<!tpu.dma_semaphore, #tpu.memory_space<semaphore_mem>>)
      %dma_wait3A = arith.constant 0 : i32
      %dma_wait3A_17 = tpu.memref_slice %arg7[%mul3A_4, %dma_wait3A] : memref<10240x128xf32, #tpu.memory_space<vmem_shared>> -> memref<640x128xf32, #tpu.memory_space<vmem_shared>>
      %dma_wait3A_18 = arith.constant 0 : i32
      %dma_wait3A_19 = tpu.memref_slice %arg5[%mul3A_2, %dma_wait3A_18] : memref<10240x128xf32, #tpu.memory_space<hbm>> -> memref<640x128xf32, #tpu.memory_space<hbm>>
      tpu.wait_dma2 semaphore(%run_scoped3A : memref<!tpu.dma_semaphore, #tpu.memory_space<semaphore_mem>>) src(%dma_wait3A_19 : memref<640x128xf32, #tpu.memory_space<hbm>>) dst(%dma_wait3A_17 : memref<640x128xf32, #tpu.memory_space<vmem_shared>>)
      tpu.yield
    }) : () -> ()
    %barrier3A = arith.constant 0 : index
    tpu.barrier barrier_id(%barrier3A)
    %scan3A = arith.constant 0 : i32
    %scan3A_5 = arith.constant 2 : i32
    %scan3A_6 = arith.addi %scan3A, %scan3A_5 : i32
    %scan3A_7 = arith.constant 1 : i32
    scf.for %scan3A_14 = %scan3A to %scan3A_6 step %scan3A_7  : i32 {
      %mul3A_15 = arith.constant 1 : i32
      %mul3A_16 = arith.muli %scan3A_14, %mul3A_15 : i32
      %add3A_17 = arith.constant 0 : i32
      %add3A_18 = arith.addi %add3A_17, %mul3A_16 : i32
      %mul3A_19 = arith.constant 80 : i32
      %mul3A_20 = arith.muli %add3A, %mul3A_19 : i32
      %mul3A_21 = arith.constant 40 : i32
      %mul3A_22 = arith.muli %add3A_18, %mul3A_21 : i32
      %add3A_23 = arith.addi %mul3A_20, %mul3A_22 : i32
      "tpu.region"() ({
        %run_scoped3A = tpu.sem_alloc : memref<!tpu.dma_semaphore, #tpu.memory_space<semaphore_mem>>
        %dma_start3A_42 = arith.constant 0 : i32
        %dma_start3A_43 = tpu.memref_slice %arg3[%add3A_23, %dma_start3A_42] : memref<2560x128xi32, #tpu.memory_space<hbm>> -> memref<40x128xi32, #tpu.memory_space<hbm>>
        %dma_start3A_44 = arith.constant 0 : i32
        %dma_start3A_45 = tpu.memref_slice %arg3[%add3A_23, %dma_start3A_44] : memref<2560x128xi32, #tpu.memory_space<hbm>> -> memref<40x128xi32, #tpu.memory_space<hbm>>
        tpu.enqueue_dma source(%dma_start3A_45 : memref<40x128xi32, #tpu.memory_space<hbm>>) target(%arg8 : memref<40x128xi32, #tpu.memory_space<vmem>>) target_semaphore(%run_scoped3A : memref<!tpu.dma_semaphore, #tpu.memory_space<semaphore_mem>>)
        %dma_wait3A = arith.constant 0 : i32
        %dma_wait3A_46 = tpu.memref_slice %arg3[%add3A_23, %dma_wait3A] : memref<2560x128xi32, #tpu.memory_space<hbm>> -> memref<40x128xi32, #tpu.memory_space<hbm>>
        %dma_wait3A_47 = arith.constant 0 : i32
        %dma_wait3A_48 = tpu.memref_slice %arg3[%add3A_23, %dma_wait3A_47] : memref<2560x128xi32, #tpu.memory_space<hbm>> -> memref<40x128xi32, #tpu.memory_space<hbm>>
        tpu.wait_dma2 semaphore(%run_scoped3A : memref<!tpu.dma_semaphore, #tpu.memory_space<semaphore_mem>>) src(%dma_wait3A_48 : memref<40x128xi32, #tpu.memory_space<hbm>>) dst(%arg8 : memref<40x128xi32, #tpu.memory_space<vmem>>)
        tpu.yield
      }) : () -> ()
      "tpu.region"() ({
        %run_scoped3A = tpu.sem_alloc : memref<!tpu.dma_semaphore, #tpu.memory_space<semaphore_mem>>
        %dma_start3A_42 = arith.constant 0 : i32
        %dma_start3A_43 = tpu.memref_slice %arg4[%add3A_23, %dma_start3A_42] : memref<2560x128xi32, #tpu.memory_space<hbm>> -> memref<40x128xi32, #tpu.memory_space<hbm>>
        %dma_start3A_44 = arith.constant 0 : i32
        %dma_start3A_45 = tpu.memref_slice %arg4[%add3A_23, %dma_start3A_44] : memref<2560x128xi32, #tpu.memory_space<hbm>> -> memref<40x128xi32, #tpu.memory_space<hbm>>
        tpu.enqueue_dma source(%dma_start3A_45 : memref<40x128xi32, #tpu.memory_space<hbm>>) target(%arg9 : memref<40x128xi32, #tpu.memory_space<vmem>>) target_semaphore(%run_scoped3A : memref<!tpu.dma_semaphore, #tpu.memory_space<semaphore_mem>>)
        %dma_wait3A = arith.constant 0 : i32
        %dma_wait3A_46 = tpu.memref_slice %arg4[%add3A_23, %dma_wait3A] : memref<2560x128xi32, #tpu.memory_space<hbm>> -> memref<40x128xi32, #tpu.memory_space<hbm>>
        %dma_wait3A_47 = arith.constant 0 : i32
        %dma_wait3A_48 = tpu.memref_slice %arg4[%add3A_23, %dma_wait3A_47] : memref<2560x128xi32, #tpu.memory_space<hbm>> -> memref<40x128xi32, #tpu.memory_space<hbm>>
        tpu.wait_dma2 semaphore(%run_scoped3A : memref<!tpu.dma_semaphore, #tpu.memory_space<semaphore_mem>>) src(%dma_wait3A_48 : memref<40x128xi32, #tpu.memory_space<hbm>>) dst(%arg9 : memref<40x128xi32, #tpu.memory_space<vmem>>)
        tpu.yield
      }) : () -> ()
      %dma_start3A = arith.constant 0 : i32
      %dma_start3A_24 = arith.constant 0 : i32
      %dma_start3A_25 = tpu.memref_slice %arg8[%dma_start3A, %dma_start3A_24] : memref<40x128xi32, #tpu.memory_space<vmem>> -> memref<1x128xi32, #tpu.memory_space<vmem>>
      %dma_start3A_26 = tpu.memref_squeeze %dma_start3A_25 : memref<1x128xi32, #tpu.memory_space<vmem>> -> memref<128xi32, #tpu.memory_space<vmem>>
      %dma_start3A_27 = arith.constant 0 : i32
      %dma_start3A_28 = arith.constant 0 : i32
      %dma_start3A_29 = tpu.memref_slice %arg2[%dma_start3A_27, %dma_start3A_28] : memref<10000x128xf32, #tpu.memory_space<hbm>> -> memref<10000x128xf32, #tpu.memory_space<hbm>>
      tpu.enqueue_indirect_dma source(%dma_start3A_29 : memref<10000x128xf32, #tpu.memory_space<hbm>>) target(%arg10 : memref<128x128xf32, #tpu.memory_space<vmem>>) offsets(%dma_start3A_26 : memref<128xi32, #tpu.memory_space<vmem>>) semaphore(%arg12 : memref<!tpu.dma_semaphore, #tpu.memory_space<semaphore_mem>>)
      %dma_start3A_30 = arith.constant 1 : i32
      %dma_start3A_31 = arith.constant 0 : i32
      %dma_start3A_32 = tpu.memref_slice %arg8[%dma_start3A_30, %dma_start3A_31] : memref<40x128xi32, #tpu.memory_space<vmem>> -> memref<1x128xi32, #tpu.memory_space<vmem>>
      %dma_start3A_33 = tpu.memref_squeeze %dma_start3A_32 : memref<1x128xi32, #tpu.memory_space<vmem>> -> memref<128xi32, #tpu.memory_space<vmem>>
      %dma_start3A_34 = arith.constant 0 : i32
      %dma_start3A_35 = arith.constant 0 : i32
      %dma_start3A_36 = tpu.memref_slice %arg2[%dma_start3A_34, %dma_start3A_35] : memref<10000x128xf32, #tpu.memory_space<hbm>> -> memref<10000x128xf32, #tpu.memory_space<hbm>>
      tpu.enqueue_indirect_dma source(%dma_start3A_36 : memref<10000x128xf32, #tpu.memory_space<hbm>>) target(%arg11 : memref<128x128xf32, #tpu.memory_space<vmem>>) offsets(%dma_start3A_33 : memref<128xi32, #tpu.memory_space<vmem>>) semaphore(%arg13 : memref<!tpu.dma_semaphore, #tpu.memory_space<semaphore_mem>>)
      %scan3A_37 = arith.constant 0 : i32
      %scan3A_38 = arith.constant 20 : i32
      %scan3A_39 = arith.addi %scan3A_37, %scan3A_38 : i32
      %scan3A_40 = arith.constant 1 : i32
      scf.for %scan3A_42 = %scan3A_37 to %scan3A_39 step %scan3A_40  : i32 {
        %mul3A_43 = arith.constant 2 : i32
        %mul3A_44 = arith.muli %scan3A_42, %mul3A_43 : i32
        %add3A_45 = arith.constant 0 : i32
        %add3A_46 = arith.addi %add3A_45, %mul3A_44 : i32
        %add3A_47 = arith.constant 0 : i32
        %add3A_48 = arith.addi %add3A_46, %add3A_47 : i32
        %dma_wait3A = arith.constant 0 : i32
        %dma_wait3A_49 = tpu.memref_slice %arg8[%add3A_48, %dma_wait3A] : memref<40x128xi32, #tpu.memory_space<vmem>> -> memref<1x128xi32, #tpu.memory_space<vmem>>
        %dma_wait3A_50 = tpu.memref_squeeze %dma_wait3A_49 : memref<1x128xi32, #tpu.memory_space<vmem>> -> memref<128xi32, #tpu.memory_space<vmem>>
        %dma_wait3A_51 = arith.constant 0 : i32
        %dma_wait3A_52 = arith.constant 0 : i32
        %dma_wait3A_53 = tpu.memref_slice %arg2[%dma_wait3A_51, %dma_wait3A_52] : memref<10000x128xf32, #tpu.memory_space<hbm>> -> memref<10000x128xf32, #tpu.memory_space<hbm>>
        tpu.wait_indirect_dma semaphore(%arg12 : memref<!tpu.dma_semaphore, #tpu.memory_space<semaphore_mem>>) src(%dma_wait3A_53 : memref<10000x128xf32, #tpu.memory_space<hbm>>) dst(%arg10 : memref<128x128xf32, #tpu.memory_space<vmem>>)
        "tpu.region"() ({
          %run_scoped3A = tpu.sem_alloc : memref<!tpu.dma_semaphore, #tpu.memory_space<semaphore_mem>>
          %dma_start3A_69 = arith.constant 0 : i32
          %dma_start3A_70 = tpu.memref_slice %arg9[%add3A_48, %dma_start3A_69] : memref<40x128xi32, #tpu.memory_space<vmem>> -> memref<1x128xi32, #tpu.memory_space<vmem>>
          %dma_start3A_71 = tpu.memref_squeeze %dma_start3A_70 : memref<1x128xi32, #tpu.memory_space<vmem>> -> memref<128xi32, #tpu.memory_space<vmem>>
          %dma_start3A_72 = arith.constant 0 : i32
          %dma_start3A_73 = arith.constant 0 : i32
          %dma_start3A_74 = tpu.memref_slice %arg7[%dma_start3A_72, %dma_start3A_73] : memref<10240x128xf32, #tpu.memory_space<vmem_shared>> -> memref<10240x128xf32, #tpu.memory_space<vmem_shared>>
          tpu.enqueue_indirect_dma source(%arg10 : memref<128x128xf32, #tpu.memory_space<vmem>>) target(%dma_start3A_74 : memref<10240x128xf32, #tpu.memory_space<vmem_shared>>) offsets(%dma_start3A_71 : memref<128xi32, #tpu.memory_space<vmem>>) semaphore(%run_scoped3A : memref<!tpu.dma_semaphore, #tpu.memory_space<semaphore_mem>>) {add = true}
          %dma_wait3A_75 = arith.constant 0 : i32
          %dma_wait3A_76 = tpu.memref_slice %arg9[%add3A_48, %dma_wait3A_75] : memref<40x128xi32, #tpu.memory_space<vmem>> -> memref<1x128xi32, #tpu.memory_space<vmem>>
          %dma_wait3A_77 = tpu.memref_squeeze %dma_wait3A_76 : memref<1x128xi32, #tpu.memory_space<vmem>> -> memref<128xi32, #tpu.memory_space<vmem>>
          %dma_wait3A_78 = arith.constant 0 : i32
          %dma_wait3A_79 = arith.constant 0 : i32
          %dma_wait3A_80 = tpu.memref_slice %arg7[%dma_wait3A_78, %dma_wait3A_79] : memref<10240x128xf32, #tpu.memory_space<vmem_shared>> -> memref<10240x128xf32, #tpu.memory_space<vmem_shared>>
          tpu.wait_indirect_dma semaphore(%run_scoped3A : memref<!tpu.dma_semaphore, #tpu.memory_space<semaphore_mem>>) src(%arg10 : memref<128x128xf32, #tpu.memory_space<vmem>>) dst(%dma_wait3A_80 : memref<10240x128xf32, #tpu.memory_space<vmem_shared>>)
          tpu.yield
        }) : () -> ()
        %lt3A = arith.constant 38 : i32
        %lt3A_54 = arith.cmpi slt, %add3A_48, %lt3A : i32
        %convert_element_type3A = arith.extui %lt3A_54 : i1 to i32
        %cond3A = arith.constant 0 : i32
        %cond3A_55 = arith.cmpi ne, %convert_element_type3A, %cond3A : i32
        scf.if %cond3A_55 {
          %add3A_69 = arith.constant 2 : i32
          %add3A_70 = arith.addi %add3A_48, %add3A_69 : i32
          %dma_start3A_71 = arith.constant 0 : i32
          %dma_start3A_72 = tpu.memref_slice %arg8[%add3A_70, %dma_start3A_71] : memref<40x128xi32, #tpu.memory_space<vmem>> -> memref<1x128xi32, #tpu.memory_space<vmem>>
          %dma_start3A_73 = tpu.memref_squeeze %dma_start3A_72 : memref<1x128xi32, #tpu.memory_space<vmem>> -> memref<128xi32, #tpu.memory_space<vmem>>
          %dma_start3A_74 = arith.constant 0 : i32
          %dma_start3A_75 = arith.constant 0 : i32
          %dma_start3A_76 = tpu.memref_slice %arg2[%dma_start3A_74, %dma_start3A_75] : memref<10000x128xf32, #tpu.memory_space<hbm>> -> memref<10000x128xf32, #tpu.memory_space<hbm>>
          tpu.enqueue_indirect_dma source(%dma_start3A_76 : memref<10000x128xf32, #tpu.memory_space<hbm>>) target(%arg10 : memref<128x128xf32, #tpu.memory_space<vmem>>) offsets(%dma_start3A_73 : memref<128xi32, #tpu.memory_space<vmem>>) semaphore(%arg12 : memref<!tpu.dma_semaphore, #tpu.memory_space<semaphore_mem>>)
        } else {
        }
        %add3A_56 = arith.constant 1 : i32
        %add3A_57 = arith.addi %add3A_46, %add3A_56 : i32
        %dma_wait3A_58 = arith.constant 0 : i32
        %dma_wait3A_59 = tpu.memref_slice %arg8[%add3A_57, %dma_wait3A_58] : memref<40x128xi32, #tpu.memory_space<vmem>> -> memref<1x128xi32, #tpu.memory_space<vmem>>
        %dma_wait3A_60 = tpu.memref_squeeze %dma_wait3A_59 : memref<1x128xi32, #tpu.memory_space<vmem>> -> memref<128xi32, #tpu.memory_space<vmem>>
        %dma_wait3A_61 = arith.constant 0 : i32
        %dma_wait3A_62 = arith.constant 0 : i32
        %dma_wait3A_63 = tpu.memref_slice %arg2[%dma_wait3A_61, %dma_wait3A_62] : memref<10000x128xf32, #tpu.memory_space<hbm>> -> memref<10000x128xf32, #tpu.memory_space<hbm>>
        tpu.wait_indirect_dma semaphore(%arg13 : memref<!tpu.dma_semaphore, #tpu.memory_space<semaphore_mem>>) src(%dma_wait3A_63 : memref<10000x128xf32, #tpu.memory_space<hbm>>) dst(%arg11 : memref<128x128xf32, #tpu.memory_space<vmem>>)
        "tpu.region"() ({
          %run_scoped3A = tpu.sem_alloc : memref<!tpu.dma_semaphore, #tpu.memory_space<semaphore_mem>>
          %dma_start3A_69 = arith.constant 0 : i32
          %dma_start3A_70 = tpu.memref_slice %arg9[%add3A_57, %dma_start3A_69] : memref<40x128xi32, #tpu.memory_space<vmem>> -> memref<1x128xi32, #tpu.memory_space<vmem>>
          %dma_start3A_71 = tpu.memref_squeeze %dma_start3A_70 : memref<1x128xi32, #tpu.memory_space<vmem>> -> memref<128xi32, #tpu.memory_space<vmem>>
          %dma_start3A_72 = arith.constant 0 : i32
          %dma_start3A_73 = arith.constant 0 : i32
          %dma_start3A_74 = tpu.memref_slice %arg7[%dma_start3A_72, %dma_start3A_73] : memref<10240x128xf32, #tpu.memory_space<vmem_shared>> -> memref<10240x128xf32, #tpu.memory_space<vmem_shared>>
          tpu.enqueue_indirect_dma source(%arg11 : memref<128x128xf32, #tpu.memory_space<vmem>>) target(%dma_start3A_74 : memref<10240x128xf32, #tpu.memory_space<vmem_shared>>) offsets(%dma_start3A_71 : memref<128xi32, #tpu.memory_space<vmem>>) semaphore(%run_scoped3A : memref<!tpu.dma_semaphore, #tpu.memory_space<semaphore_mem>>) {add = true}
          %dma_wait3A_75 = arith.constant 0 : i32
          %dma_wait3A_76 = tpu.memref_slice %arg9[%add3A_57, %dma_wait3A_75] : memref<40x128xi32, #tpu.memory_space<vmem>> -> memref<1x128xi32, #tpu.memory_space<vmem>>
          %dma_wait3A_77 = tpu.memref_squeeze %dma_wait3A_76 : memref<1x128xi32, #tpu.memory_space<vmem>> -> memref<128xi32, #tpu.memory_space<vmem>>
          %dma_wait3A_78 = arith.constant 0 : i32
          %dma_wait3A_79 = arith.constant 0 : i32
          %dma_wait3A_80 = tpu.memref_slice %arg7[%dma_wait3A_78, %dma_wait3A_79] : memref<10240x128xf32, #tpu.memory_space<vmem_shared>> -> memref<10240x128xf32, #tpu.memory_space<vmem_shared>>
          tpu.wait_indirect_dma semaphore(%run_scoped3A : memref<!tpu.dma_semaphore, #tpu.memory_space<semaphore_mem>>) src(%arg11 : memref<128x128xf32, #tpu.memory_space<vmem>>) dst(%dma_wait3A_80 : memref<10240x128xf32, #tpu.memory_space<vmem_shared>>)
          tpu.yield
        }) : () -> ()
        %lt3A_64 = arith.constant 38 : i32
        %lt3A_65 = arith.cmpi slt, %add3A_57, %lt3A_64 : i32
        %convert_element_type3A_66 = arith.extui %lt3A_65 : i1 to i32
        %cond3A_67 = arith.constant 0 : i32
        %cond3A_68 = arith.cmpi ne, %convert_element_type3A_66, %cond3A_67 : i32
        scf.if %cond3A_68 {
          %add3A_69 = arith.constant 2 : i32
          %add3A_70 = arith.addi %add3A_57, %add3A_69 : i32
          %dma_start3A_71 = arith.constant 0 : i32
          %dma_start3A_72 = tpu.memref_slice %arg8[%add3A_70, %dma_start3A_71] : memref<40x128xi32, #tpu.memory_space<vmem>> -> memref<1x128xi32, #tpu.memory_space<vmem>>
          %dma_start3A_73 = tpu.memref_squeeze %dma_start3A_72 : memref<1x128xi32, #tpu.memory_space<vmem>> -> memref<128xi32, #tpu.memory_space<vmem>>
          %dma_start3A_74 = arith.constant 0 : i32
          %dma_start3A_75 = arith.constant 0 : i32
          %dma_start3A_76 = tpu.memref_slice %arg2[%dma_start3A_74, %dma_start3A_75] : memref<10000x128xf32, #tpu.memory_space<hbm>> -> memref<10000x128xf32, #tpu.memory_space<hbm>>
          tpu.enqueue_indirect_dma source(%dma_start3A_76 : memref<10000x128xf32, #tpu.memory_space<hbm>>) target(%arg11 : memref<128x128xf32, #tpu.memory_space<vmem>>) offsets(%dma_start3A_73 : memref<128xi32, #tpu.memory_space<vmem>>) semaphore(%arg13 : memref<!tpu.dma_semaphore, #tpu.memory_space<semaphore_mem>>)
        } else {
        }
      }
      %scan3A_41 = arith.constant 20 : i32
    }
    %scan3A_8 = arith.constant 2 : i32
    %barrier3A_9 = arith.constant 0 : index
    tpu.barrier barrier_id(%barrier3A_9)
    %mul3A_10 = arith.constant 640 : i32
    %mul3A_11 = arith.muli %arg1, %mul3A_10 : i32
    %mul3A_12 = arith.constant 640 : i32
    %mul3A_13 = arith.muli %arg1, %mul3A_12 : i32
    "tpu.region"() ({
      %run_scoped3A = tpu.sem_alloc : memref<!tpu.dma_semaphore, #tpu.memory_space<semaphore_mem>>
      %dma_start3A = arith.constant 0 : i32
      %dma_start3A_14 = tpu.memref_slice %arg6[%arg0, %mul3A_13, %dma_start3A] : memref<2x10240x128xf32, #tpu.memory_space<hbm>> -> memref<1x640x128xf32, #tpu.memory_space<hbm>>
      %dma_start3A_15 = tpu.memref_squeeze %dma_start3A_14 : memref<1x640x128xf32, #tpu.memory_space<hbm>> -> memref<640x128xf32, #tpu.memory_space<hbm>>
      %dma_start3A_16 = arith.constant 0 : i32
      %dma_start3A_17 = tpu.memref_slice %arg7[%mul3A_11, %dma_start3A_16] : memref<10240x128xf32, #tpu.memory_space<vmem_shared>> -> memref<640x128xf32, #tpu.memory_space<vmem_shared>>
      tpu.enqueue_dma source(%dma_start3A_17 : memref<640x128xf32, #tpu.memory_space<vmem_shared>>) target(%dma_start3A_15 : memref<640x128xf32, #tpu.memory_space<hbm>>) target_semaphore(%run_scoped3A : memref<!tpu.dma_semaphore, #tpu.memory_space<semaphore_mem>>)
      %dma_wait3A = arith.constant 0 : i32
      %dma_wait3A_18 = tpu.memref_slice %arg6[%arg0, %mul3A_13, %dma_wait3A] : memref<2x10240x128xf32, #tpu.memory_space<hbm>> -> memref<1x640x128xf32, #tpu.memory_space<hbm>>
      %dma_wait3A_19 = tpu.memref_squeeze %dma_wait3A_18 : memref<1x640x128xf32, #tpu.memory_space<hbm>> -> memref<640x128xf32, #tpu.memory_space<hbm>>
      %dma_wait3A_20 = arith.constant 0 : i32
      %dma_wait3A_21 = tpu.memref_slice %arg7[%mul3A_11, %dma_wait3A_20] : memref<10240x128xf32, #tpu.memory_space<vmem_shared>> -> memref<640x128xf32, #tpu.memory_space<vmem_shared>>
      tpu.wait_dma2 semaphore(%run_scoped3A : memref<!tpu.dma_semaphore, #tpu.memory_space<semaphore_mem>>) src(%dma_wait3A_21 : memref<640x128xf32, #tpu.memory_space<vmem_shared>>) dst(%dma_wait3A_19 : memref<640x128xf32, #tpu.memory_space<hbm>>)
      tpu.yield
    }) : () -> ()
    return
  }
}

#map = affine_map<(d0, d1) -> (0, 0)>
module attributes {stable_mosaic.version = 14 : i64} {
  func.func @_sc_pair_body(%arg0: i32, %arg1: i32, %arg2: memref<10000x128xf32, #tpu.memory_space<hbm>>, %arg3: memref<10000x128xf32, #tpu.memory_space<hbm>>, %arg4: memref<2560x128xi32, #tpu.memory_space<hbm>>, %arg5: memref<2560x128xi32, #tpu.memory_space<hbm>>, %arg6: memref<2560x128xi32, #tpu.memory_space<hbm>>, %arg7: memref<80x128xi32, #tpu.memory_space<hbm>>, %arg8: memref<327680x128xf32, #tpu.memory_space<hbm>>, %arg9: memref<80x128xi32, #tpu.memory_space<vmem>>, %arg10: memref<80x128xi32, #tpu.memory_space<vmem>>, %arg11: memref<80x128xi32, #tpu.memory_space<vmem>>, %arg12: memref<80x128xi32, #tpu.memory_space<vmem>>, %arg13: memref<80x128xi32, #tpu.memory_space<vmem>>, %arg14: memref<80x128xi32, #tpu.memory_space<vmem>>, %arg15: memref<128x128xf32, #tpu.memory_space<vmem>>, %arg16: memref<128x128xf32, #tpu.memory_space<vmem>>, %arg17: memref<128x128xf32, #tpu.memory_space<vmem>>, %arg18: memref<128x128xf32, #tpu.memory_space<vmem>>, %arg19: memref<!tpu.dma_semaphore, #tpu.memory_space<semaphore_mem>>, %arg20: memref<!tpu.dma_semaphore, #tpu.memory_space<semaphore_mem>>, %arg21: memref<!tpu.dma_semaphore, #tpu.memory_space<semaphore_mem>>, %arg22: memref<!tpu.dma_semaphore, #tpu.memory_space<semaphore_mem>>) attributes {dimension_semantics = [#tpu.dimension_semantics<core_parallel>, #tpu.dimension_semantics<subcore_parallel>], iteration_bounds = array<i64: 2, 16>, scalar_prefetch = 0 : i64, scratch_operands = 14 : i64, tpu.core_type = #tpu.core_type<sc_vector_subcore>, window_params = [{transform_indices = #map}, {transform_indices = #map}, {transform_indices = #map}, {transform_indices = #map}, {transform_indices = #map}, {transform_indices = #map}, {transform_indices = #map}]} {
    %mul3A = arith.constant 16 : i32
    %mul3A_0 = arith.muli %arg0, %mul3A : i32
    %add3A = arith.addi %mul3A_0, %arg1 : i32
    %mul3A_1 = arith.constant 80 : i32
    %mul3A_2 = arith.muli %add3A, %mul3A_1 : i32
    "tpu.region"() ({
      %run_scoped3A = tpu.sem_alloc : memref<!tpu.dma_semaphore, #tpu.memory_space<semaphore_mem>>
      %dma_start3A = arith.constant 0 : i32
      %dma_start3A_46 = tpu.memref_slice %arg4[%mul3A_2, %dma_start3A] : memref<2560x128xi32, #tpu.memory_space<hbm>> -> memref<80x128xi32, #tpu.memory_space<hbm>>
      %dma_start3A_47 = arith.constant 0 : i32
      %dma_start3A_48 = tpu.memref_slice %arg4[%mul3A_2, %dma_start3A_47] : memref<2560x128xi32, #tpu.memory_space<hbm>> -> memref<80x128xi32, #tpu.memory_space<hbm>>
      tpu.enqueue_dma source(%dma_start3A_48 : memref<80x128xi32, #tpu.memory_space<hbm>>) target(%arg9 : memref<80x128xi32, #tpu.memory_space<vmem>>) target_semaphore(%run_scoped3A : memref<!tpu.dma_semaphore, #tpu.memory_space<semaphore_mem>>)
      %dma_wait3A = arith.constant 0 : i32
      %dma_wait3A_49 = tpu.memref_slice %arg4[%mul3A_2, %dma_wait3A] : memref<2560x128xi32, #tpu.memory_space<hbm>> -> memref<80x128xi32, #tpu.memory_space<hbm>>
      %dma_wait3A_50 = arith.constant 0 : i32
      %dma_wait3A_51 = tpu.memref_slice %arg4[%mul3A_2, %dma_wait3A_50] : memref<2560x128xi32, #tpu.memory_space<hbm>> -> memref<80x128xi32, #tpu.memory_space<hbm>>
      tpu.wait_dma2 semaphore(%run_scoped3A : memref<!tpu.dma_semaphore, #tpu.memory_space<semaphore_mem>>) src(%dma_wait3A_51 : memref<80x128xi32, #tpu.memory_space<hbm>>) dst(%arg9 : memref<80x128xi32, #tpu.memory_space<vmem>>)
      tpu.yield
    }) : () -> ()
    %mul3A_3 = arith.constant 80 : i32
    %mul3A_4 = arith.muli %add3A, %mul3A_3 : i32
    "tpu.region"() ({
      %run_scoped3A = tpu.sem_alloc : memref<!tpu.dma_semaphore, #tpu.memory_space<semaphore_mem>>
      %dma_start3A = arith.constant 0 : i32
      %dma_start3A_46 = tpu.memref_slice %arg5[%mul3A_4, %dma_start3A] : memref<2560x128xi32, #tpu.memory_space<hbm>> -> memref<80x128xi32, #tpu.memory_space<hbm>>
      %dma_start3A_47 = arith.constant 0 : i32
      %dma_start3A_48 = tpu.memref_slice %arg5[%mul3A_4, %dma_start3A_47] : memref<2560x128xi32, #tpu.memory_space<hbm>> -> memref<80x128xi32, #tpu.memory_space<hbm>>
      tpu.enqueue_dma source(%dma_start3A_48 : memref<80x128xi32, #tpu.memory_space<hbm>>) target(%arg10 : memref<80x128xi32, #tpu.memory_space<vmem>>) target_semaphore(%run_scoped3A : memref<!tpu.dma_semaphore, #tpu.memory_space<semaphore_mem>>)
      %dma_wait3A = arith.constant 0 : i32
      %dma_wait3A_49 = tpu.memref_slice %arg5[%mul3A_4, %dma_wait3A] : memref<2560x128xi32, #tpu.memory_space<hbm>> -> memref<80x128xi32, #tpu.memory_space<hbm>>
      %dma_wait3A_50 = arith.constant 0 : i32
      %dma_wait3A_51 = tpu.memref_slice %arg5[%mul3A_4, %dma_wait3A_50] : memref<2560x128xi32, #tpu.memory_space<hbm>> -> memref<80x128xi32, #tpu.memory_space<hbm>>
      tpu.wait_dma2 semaphore(%run_scoped3A : memref<!tpu.dma_semaphore, #tpu.memory_space<semaphore_mem>>) src(%dma_wait3A_51 : memref<80x128xi32, #tpu.memory_space<hbm>>) dst(%arg10 : memref<80x128xi32, #tpu.memory_space<vmem>>)
      tpu.yield
    }) : () -> ()
    %mul3A_5 = arith.constant 80 : i32
    %mul3A_6 = arith.muli %add3A, %mul3A_5 : i32
    "tpu.region"() ({
      %run_scoped3A = tpu.sem_alloc : memref<!tpu.dma_semaphore, #tpu.memory_space<semaphore_mem>>
      %dma_start3A = arith.constant 0 : i32
      %dma_start3A_46 = tpu.memref_slice %arg6[%mul3A_6, %dma_start3A] : memref<2560x128xi32, #tpu.memory_space<hbm>> -> memref<80x128xi32, #tpu.memory_space<hbm>>
      %dma_start3A_47 = arith.constant 0 : i32
      %dma_start3A_48 = tpu.memref_slice %arg6[%mul3A_6, %dma_start3A_47] : memref<2560x128xi32, #tpu.memory_space<hbm>> -> memref<80x128xi32, #tpu.memory_space<hbm>>
      tpu.enqueue_dma source(%dma_start3A_48 : memref<80x128xi32, #tpu.memory_space<hbm>>) target(%arg11 : memref<80x128xi32, #tpu.memory_space<vmem>>) target_semaphore(%run_scoped3A : memref<!tpu.dma_semaphore, #tpu.memory_space<semaphore_mem>>)
      %dma_wait3A = arith.constant 0 : i32
      %dma_wait3A_49 = tpu.memref_slice %arg6[%mul3A_6, %dma_wait3A] : memref<2560x128xi32, #tpu.memory_space<hbm>> -> memref<80x128xi32, #tpu.memory_space<hbm>>
      %dma_wait3A_50 = arith.constant 0 : i32
      %dma_wait3A_51 = tpu.memref_slice %arg6[%mul3A_6, %dma_wait3A_50] : memref<2560x128xi32, #tpu.memory_space<hbm>> -> memref<80x128xi32, #tpu.memory_space<hbm>>
      tpu.wait_dma2 semaphore(%run_scoped3A : memref<!tpu.dma_semaphore, #tpu.memory_space<semaphore_mem>>) src(%dma_wait3A_51 : memref<80x128xi32, #tpu.memory_space<hbm>>) dst(%arg11 : memref<80x128xi32, #tpu.memory_space<vmem>>)
      tpu.yield
    }) : () -> ()
    %mul3A_7 = arith.constant 80 : i32
    %mul3A_8 = arith.muli %add3A, %mul3A_7 : i32
    "tpu.region"() ({
      %run_scoped3A = tpu.sem_alloc : memref<!tpu.dma_semaphore, #tpu.memory_space<semaphore_mem>>
      %dma_start3A = arith.constant 0 : i32
      %dma_start3A_46 = tpu.memref_slice %arg4[%mul3A_8, %dma_start3A] : memref<2560x128xi32, #tpu.memory_space<hbm>> -> memref<80x128xi32, #tpu.memory_space<hbm>>
      %dma_start3A_47 = arith.constant 0 : i32
      %dma_start3A_48 = tpu.memref_slice %arg4[%mul3A_8, %dma_start3A_47] : memref<2560x128xi32, #tpu.memory_space<hbm>> -> memref<80x128xi32, #tpu.memory_space<hbm>>
      tpu.enqueue_dma source(%dma_start3A_48 : memref<80x128xi32, #tpu.memory_space<hbm>>) target(%arg12 : memref<80x128xi32, #tpu.memory_space<vmem>>) target_semaphore(%run_scoped3A : memref<!tpu.dma_semaphore, #tpu.memory_space<semaphore_mem>>)
      %dma_wait3A = arith.constant 0 : i32
      %dma_wait3A_49 = tpu.memref_slice %arg4[%mul3A_8, %dma_wait3A] : memref<2560x128xi32, #tpu.memory_space<hbm>> -> memref<80x128xi32, #tpu.memory_space<hbm>>
      %dma_wait3A_50 = arith.constant 0 : i32
      %dma_wait3A_51 = tpu.memref_slice %arg4[%mul3A_8, %dma_wait3A_50] : memref<2560x128xi32, #tpu.memory_space<hbm>> -> memref<80x128xi32, #tpu.memory_space<hbm>>
      tpu.wait_dma2 semaphore(%run_scoped3A : memref<!tpu.dma_semaphore, #tpu.memory_space<semaphore_mem>>) src(%dma_wait3A_51 : memref<80x128xi32, #tpu.memory_space<hbm>>) dst(%arg12 : memref<80x128xi32, #tpu.memory_space<vmem>>)
      tpu.yield
    }) : () -> ()
    %mul3A_9 = arith.constant 80 : i32
    %mul3A_10 = arith.muli %add3A, %mul3A_9 : i32
    "tpu.region"() ({
      %run_scoped3A = tpu.sem_alloc : memref<!tpu.dma_semaphore, #tpu.memory_space<semaphore_mem>>
      %dma_start3A = arith.constant 0 : i32
      %dma_start3A_46 = tpu.memref_slice %arg5[%mul3A_10, %dma_start3A] : memref<2560x128xi32, #tpu.memory_space<hbm>> -> memref<80x128xi32, #tpu.memory_space<hbm>>
      %dma_start3A_47 = arith.constant 0 : i32
      %dma_start3A_48 = tpu.memref_slice %arg5[%mul3A_10, %dma_start3A_47] : memref<2560x128xi32, #tpu.memory_space<hbm>> -> memref<80x128xi32, #tpu.memory_space<hbm>>
      tpu.enqueue_dma source(%dma_start3A_48 : memref<80x128xi32, #tpu.memory_space<hbm>>) target(%arg13 : memref<80x128xi32, #tpu.memory_space<vmem>>) target_semaphore(%run_scoped3A : memref<!tpu.dma_semaphore, #tpu.memory_space<semaphore_mem>>)
      %dma_wait3A = arith.constant 0 : i32
      %dma_wait3A_49 = tpu.memref_slice %arg5[%mul3A_10, %dma_wait3A] : memref<2560x128xi32, #tpu.memory_space<hbm>> -> memref<80x128xi32, #tpu.memory_space<hbm>>
      %dma_wait3A_50 = arith.constant 0 : i32
      %dma_wait3A_51 = tpu.memref_slice %arg5[%mul3A_10, %dma_wait3A_50] : memref<2560x128xi32, #tpu.memory_space<hbm>> -> memref<80x128xi32, #tpu.memory_space<hbm>>
      tpu.wait_dma2 semaphore(%run_scoped3A : memref<!tpu.dma_semaphore, #tpu.memory_space<semaphore_mem>>) src(%dma_wait3A_51 : memref<80x128xi32, #tpu.memory_space<hbm>>) dst(%arg13 : memref<80x128xi32, #tpu.memory_space<vmem>>)
      tpu.yield
    }) : () -> ()
    "tpu.region"() ({
      %run_scoped3A = tpu.sem_alloc : memref<!tpu.dma_semaphore, #tpu.memory_space<semaphore_mem>>
      tpu.enqueue_dma source(%arg7 : memref<80x128xi32, #tpu.memory_space<hbm>>) target(%arg14 : memref<80x128xi32, #tpu.memory_space<vmem>>) target_semaphore(%run_scoped3A : memref<!tpu.dma_semaphore, #tpu.memory_space<semaphore_mem>>)
      tpu.wait_dma2 semaphore(%run_scoped3A : memref<!tpu.dma_semaphore, #tpu.memory_space<semaphore_mem>>) src(%arg7 : memref<80x128xi32, #tpu.memory_space<hbm>>) dst(%arg14 : memref<80x128xi32, #tpu.memory_space<vmem>>)
      tpu.yield
    }) : () -> ()
    %iota3A = tpu.iota {dimensions = array<i32: 0>} : vector<16xi32>
    %broadcast_in_dim3A = arith.constant 0 : i32
    %broadcast_in_dim3A_11 = vector.broadcast %broadcast_in_dim3A : i32 to vector<16xi32>
    %scan3A = arith.constant 0 : i32
    %scan3A_12 = arith.constant 80 : i32
    %scan3A_13 = arith.addi %scan3A, %scan3A_12 : i32
    %scan3A_14 = arith.constant 1 : i32
    %scan3A_15 = scf.for %scan3A_46 = %scan3A to %scan3A_13 step %scan3A_14 iter_args(%scan3A_47 = %broadcast_in_dim3A_11) -> (vector<16xi32>)  : i32 {
      %mul3A_48 = arith.constant 1 : i32
      %mul3A_49 = arith.muli %scan3A_46, %mul3A_48 : i32
      %add3A_50 = arith.constant 0 : i32
      %add3A_51 = arith.addi %add3A_50, %mul3A_49 : i32
      %get3A = arith.index_cast %add3A_51 : i32 to index
      %get3A_52 = arith.constant 0 : index
      %get3A_53 = tpu.vector_load %arg11[%get3A, %get3A_52] {strides = array<i32>} : memref<80x128xi32, #tpu.memory_space<vmem>>, vector<16xi32>,
      %get3A_54 = arith.index_cast %add3A_51 : i32 to index
      %get3A_55 = arith.constant 0 : index
      %get3A_56 = tpu.vector_load %arg9[%get3A_54, %get3A_55] {strides = array<i32>} : memref<80x128xi32, #tpu.memory_space<vmem>>, vector<16xi32>,
      %get3A_57 = arith.index_cast %add3A_51 : i32 to index
      %get3A_58 = arith.constant 0 : index
      %get3A_59 = tpu.vector_load %arg10[%get3A_57, %get3A_58] {strides = array<i32>} : memref<80x128xi32, #tpu.memory_space<vmem>>, vector<16xi32>,
      %mul3A_60 = arith.constant 10240 : i32
      %mul3A_61 = arith.muli %add3A, %mul3A_60 : i32
      %mul3A_62 = arith.constant 128 : i32
      %mul3A_63 = arith.muli %add3A_51, %mul3A_62 : i32
      %add3A_64 = arith.addi %mul3A_61, %mul3A_63 : i32
      %add3A_65 = arith.constant 0 : i32
      %add3A_66 = arith.addi %add3A_64, %add3A_65 : i32
      %add3A_67 = vector.broadcast %add3A_66 : i32 to vector<16xi32>
      %add3A_68 = arith.addi %add3A_67, %iota3A : vector<16xi32>
      %ne3A = arith.constant 0 : i32
      %ne3A_69 = vector.broadcast %ne3A : i32 to vector<16xi32>
      %ne3A_70 = arith.cmpi ne, %get3A_53, %ne3A_69 : vector<16xi32>
      %broadcast_in_dim3A_71 = arith.constant true
      %broadcast_in_dim3A_72 = vector.broadcast %broadcast_in_dim3A_71 : i1 to vector<16xi1>
      %masked_cumsum3A = tpu.scan <sum>, %get3A_53 masked %broadcast_in_dim3A_72 : vector<16xi32>, vector<16xi1> -> vector<16xi32>
      %add3A_73 = arith.addi %scan3A_47, %masked_cumsum3A : vector<16xi32>
      %sub3A_74 = arith.constant 1 : i32
      %sub3A_75 = vector.broadcast %sub3A_74 : i32 to vector<16xi32>
      %sub3A_76 = arith.subi %add3A_73, %sub3A_75 : vector<16xi32>
      %shift_right_logical3A_77 = arith.constant 7 : i32
      %shift_right_logical3A_78 = vector.broadcast %shift_right_logical3A_77 : i32 to vector<16xi32>
      %shift_right_logical3A_79 = arith.shrui %sub3A_76, %shift_right_logical3A_78 : vector<16xi32>
      %and3A_80 = arith.constant 127 : i32
      %and3A_81 = vector.broadcast %and3A_80 : i32 to vector<16xi32>
      %and3A_82 = arith.andi %sub3A_76, %and3A_81 : vector<16xi32>
      tpu.vector_store_idx %arg12[%shift_right_logical3A_79, %and3A_82], %get3A_56 masked %ne3A_70 : memref<80x128xi32, #tpu.memory_space<vmem>>[vector<16xi32>, vector<16xi32>], vector<16xi32>, vector<16xi1>
      tpu.vector_store_idx %arg13[%shift_right_logical3A_79, %and3A_82], %get3A_59 masked %ne3A_70 : memref<80x128xi32, #tpu.memory_space<vmem>>[vector<16xi32>, vector<16xi32>], vector<16xi32>, vector<16xi1>
      tpu.vector_store_idx %arg14[%shift_right_logical3A_79, %and3A_82], %add3A_68 masked %ne3A_70 : memref<80x128xi32, #tpu.memory_space<vmem>>[vector<16xi32>, vector<16xi32>], vector<16xi32>, vector<16xi1>
      %all_reduce_population_count3A = tpu.all_reduce %ne3A_70 {dim = 0 : i64, kind = #tpu.reduction_kind<sum>} : vector<16xi1> -> vector<16xi32>
      %add3A_83 = arith.addi %scan3A_47, %all_reduce_population_count3A : vector<16xi32>
      %get3A_84 = arith.index_cast %add3A_51 : i32 to index
      %get3A_85 = arith.constant 16 : index
      %get3A_86 = tpu.vector_load %arg11[%get3A_84, %get3A_85] {strides = array<i32>} : memref<80x128xi32, #tpu.memory_space<vmem>>, vector<16xi32>,
      %get3A_87 = arith.index_cast %add3A_51 : i32 to index
      %get3A_88 = arith.constant 16 : index
      %get3A_89 = tpu.vector_load %arg9[%get3A_87, %get3A_88] {strides = array<i32>} : memref<80x128xi32, #tpu.memory_space<vmem>>, vector<16xi32>,
      %get3A_90 = arith.index_cast %add3A_51 : i32 to index
      %get3A_91 = arith.constant 16 : index
      %get3A_92 = tpu.vector_load %arg10[%get3A_90, %get3A_91] {strides = array<i32>} : memref<80x128xi32, #tpu.memory_space<vmem>>, vector<16xi32>,
      %mul3A_93 = arith.constant 10240 : i32
      %mul3A_94 = arith.muli %add3A, %mul3A_93 : i32
      %mul3A_95 = arith.constant 128 : i32
      %mul3A_96 = arith.muli %add3A_51, %mul3A_95 : i32
      %add3A_97 = arith.addi %mul3A_94, %mul3A_96 : i32
      %add3A_98 = arith.constant 16 : i32
      %add3A_99 = arith.addi %add3A_97, %add3A_98 : i32
      %add3A_100 = vector.broadcast %add3A_99 : i32 to vector<16xi32>
      %add3A_101 = arith.addi %add3A_100, %iota3A : vector<16xi32>
      %ne3A_102 = arith.constant 0 : i32
      %ne3A_103 = vector.broadcast %ne3A_102 : i32 to vector<16xi32>
      %ne3A_104 = arith.cmpi ne, %get3A_86, %ne3A_103 : vector<16xi32>
      %broadcast_in_dim3A_105 = arith.constant true
      %broadcast_in_dim3A_106 = vector.broadcast %broadcast_in_dim3A_105 : i1 to vector<16xi1>
      %masked_cumsum3A_107 = tpu.scan <sum>, %get3A_86 masked %broadcast_in_dim3A_106 : vector<16xi32>, vector<16xi1> -> vector<16xi32>
      %add3A_108 = arith.addi %add3A_83, %masked_cumsum3A_107 : vector<16xi32>
      %sub3A_109 = arith.constant 1 : i32
      %sub3A_110 = vector.broadcast %sub3A_109 : i32 to vector<16xi32>
      %sub3A_111 = arith.subi %add3A_108, %sub3A_110 : vector<16xi32>
      %shift_right_logical3A_112 = arith.constant 7 : i32
      %shift_right_logical3A_113 = vector.broadcast %shift_right_logical3A_112 : i32 to vector<16xi32>
      %shift_right_logical3A_114 = arith.shrui %sub3A_111, %shift_right_logical3A_113 : vector<16xi32>
      %and3A_115 = arith.constant 127 : i32
      %and3A_116 = vector.broadcast %and3A_115 : i32 to vector<16xi32>
      %and3A_117 = arith.andi %sub3A_111, %and3A_116 : vector<16xi32>
      tpu.vector_store_idx %arg12[%shift_right_logical3A_114, %and3A_117], %get3A_89 masked %ne3A_104 : memref<80x128xi32, #tpu.memory_space<vmem>>[vector<16xi32>, vector<16xi32>], vector<16xi32>, vector<16xi1>
      tpu.vector_store_idx %arg13[%shift_right_logical3A_114, %and3A_117], %get3A_92 masked %ne3A_104 : memref<80x128xi32, #tpu.memory_space<vmem>>[vector<16xi32>, vector<16xi32>], vector<16xi32>, vector<16xi1>
      tpu.vector_store_idx %arg14[%shift_right_logical3A_114, %and3A_117], %add3A_101 masked %ne3A_104 : memref<80x128xi32, #tpu.memory_space<vmem>>[vector<16xi32>, vector<16xi32>], vector<16xi32>, vector<16xi1>
      %all_reduce_population_count3A_118 = tpu.all_reduce %ne3A_104 {dim = 0 : i64, kind = #tpu.reduction_kind<sum>} : vector<16xi1> -> vector<16xi32>
      %add3A_119 = arith.addi %add3A_83, %all_reduce_population_count3A_118 : vector<16xi32>
      %get3A_120 = arith.index_cast %add3A_51 : i32 to index
      %get3A_121 = arith.constant 32 : index
      %get3A_122 = tpu.vector_load %arg11[%get3A_120, %get3A_121] {strides = array<i32>} : memref<80x128xi32, #tpu.memory_space<vmem>>, vector<16xi32>,
      %get3A_123 = arith.index_cast %add3A_51 : i32 to index
      %get3A_124 = arith.constant 32 : index
      %get3A_125 = tpu.vector_load %arg9[%get3A_123, %get3A_124] {strides = array<i32>} : memref<80x128xi32, #tpu.memory_space<vmem>>, vector<16xi32>,
      %get3A_126 = arith.index_cast %add3A_51 : i32 to index
      %get3A_127 = arith.constant 32 : index
      %get3A_128 = tpu.vector_load %arg10[%get3A_126, %get3A_127] {strides = array<i32>} : memref<80x128xi32, #tpu.memory_space<vmem>>, vector<16xi32>,
      %mul3A_129 = arith.constant 10240 : i32
      %mul3A_130 = arith.muli %add3A, %mul3A_129 : i32
      %mul3A_131 = arith.constant 128 : i32
      %mul3A_132 = arith.muli %add3A_51, %mul3A_131 : i32
      %add3A_133 = arith.addi %mul3A_130, %mul3A_132 : i32
      %add3A_134 = arith.constant 32 : i32
      %add3A_135 = arith.addi %add3A_133, %add3A_134 : i32
      %add3A_136 = vector.broadcast %add3A_135 : i32 to vector<16xi32>
      %add3A_137 = arith.addi %add3A_136, %iota3A : vector<16xi32>
      %ne3A_138 = arith.constant 0 : i32
      %ne3A_139 = vector.broadcast %ne3A_138 : i32 to vector<16xi32>
      %ne3A_140 = arith.cmpi ne, %get3A_122, %ne3A_139 : vector<16xi32>
      %broadcast_in_dim3A_141 = arith.constant true
      %broadcast_in_dim3A_142 = vector.broadcast %broadcast_in_dim3A_141 : i1 to vector<16xi1>
      %masked_cumsum3A_143 = tpu.scan <sum>, %get3A_122 masked %broadcast_in_dim3A_142 : vector<16xi32>, vector<16xi1> -> vector<16xi32>
      %add3A_144 = arith.addi %add3A_119, %masked_cumsum3A_143 : vector<16xi32>
      %sub3A_145 = arith.constant 1 : i32
      %sub3A_146 = vector.broadcast %sub3A_145 : i32 to vector<16xi32>
      %sub3A_147 = arith.subi %add3A_144, %sub3A_146 : vector<16xi32>
      %shift_right_logical3A_148 = arith.constant 7 : i32
      %shift_right_logical3A_149 = vector.broadcast %shift_right_logical3A_148 : i32 to vector<16xi32>
      %shift_right_logical3A_150 = arith.shrui %sub3A_147, %shift_right_logical3A_149 : vector<16xi32>
      %and3A_151 = arith.constant 127 : i32
      %and3A_152 = vector.broadcast %and3A_151 : i32 to vector<16xi32>
      %and3A_153 = arith.andi %sub3A_147, %and3A_152 : vector<16xi32>
      tpu.vector_store_idx %arg12[%shift_right_logical3A_150, %and3A_153], %get3A_125 masked %ne3A_140 : memref<80x128xi32, #tpu.memory_space<vmem>>[vector<16xi32>, vector<16xi32>], vector<16xi32>, vector<16xi1>
      tpu.vector_store_idx %arg13[%shift_right_logical3A_150, %and3A_153], %get3A_128 masked %ne3A_140 : memref<80x128xi32, #tpu.memory_space<vmem>>[vector<16xi32>, vector<16xi32>], vector<16xi32>, vector<16xi1>
      tpu.vector_store_idx %arg14[%shift_right_logical3A_150, %and3A_153], %add3A_137 masked %ne3A_140 : memref<80x128xi32, #tpu.memory_space<vmem>>[vector<16xi32>, vector<16xi32>], vector<16xi32>, vector<16xi1>
      %all_reduce_population_count3A_154 = tpu.all_reduce %ne3A_140 {dim = 0 : i64, kind = #tpu.reduction_kind<sum>} : vector<16xi1> -> vector<16xi32>
      %add3A_155 = arith.addi %add3A_119, %all_reduce_population_count3A_154 : vector<16xi32>
      %get3A_156 = arith.index_cast %add3A_51 : i32 to index
      %get3A_157 = arith.constant 48 : index
      %get3A_158 = tpu.vector_load %arg11[%get3A_156, %get3A_157] {strides = array<i32>} : memref<80x128xi32, #tpu.memory_space<vmem>>, vector<16xi32>,
      %get3A_159 = arith.index_cast %add3A_51 : i32 to index
      %get3A_160 = arith.constant 48 : index
      %get3A_161 = tpu.vector_load %arg9[%get3A_159, %get3A_160] {strides = array<i32>} : memref<80x128xi32, #tpu.memory_space<vmem>>, vector<16xi32>,
      %get3A_162 = arith.index_cast %add3A_51 : i32 to index
      %get3A_163 = arith.constant 48 : index
      %get3A_164 = tpu.vector_load %arg10[%get3A_162, %get3A_163] {strides = array<i32>} : memref<80x128xi32, #tpu.memory_space<vmem>>, vector<16xi32>,
      %mul3A_165 = arith.constant 10240 : i32
      %mul3A_166 = arith.muli %add3A, %mul3A_165 : i32
      %mul3A_167 = arith.constant 128 : i32
      %mul3A_168 = arith.muli %add3A_51, %mul3A_167 : i32
      %add3A_169 = arith.addi %mul3A_166, %mul3A_168 : i32
      %add3A_170 = arith.constant 48 : i32
      %add3A_171 = arith.addi %add3A_169, %add3A_170 : i32
      %add3A_172 = vector.broadcast %add3A_171 : i32 to vector<16xi32>
      %add3A_173 = arith.addi %add3A_172, %iota3A : vector<16xi32>
      %ne3A_174 = arith.constant 0 : i32
      %ne3A_175 = vector.broadcast %ne3A_174 : i32 to vector<16xi32>
      %ne3A_176 = arith.cmpi ne, %get3A_158, %ne3A_175 : vector<16xi32>
      %broadcast_in_dim3A_177 = arith.constant true
      %broadcast_in_dim3A_178 = vector.broadcast %broadcast_in_dim3A_177 : i1 to vector<16xi1>
      %masked_cumsum3A_179 = tpu.scan <sum>, %get3A_158 masked %broadcast_in_dim3A_178 : vector<16xi32>, vector<16xi1> -> vector<16xi32>
      %add3A_180 = arith.addi %add3A_155, %masked_cumsum3A_179 : vector<16xi32>
      %sub3A_181 = arith.constant 1 : i32
      %sub3A_182 = vector.broadcast %sub3A_181 : i32 to vector<16xi32>
      %sub3A_183 = arith.subi %add3A_180, %sub3A_182 : vector<16xi32>
      %shift_right_logical3A_184 = arith.constant 7 : i32
      %shift_right_logical3A_185 = vector.broadcast %shift_right_logical3A_184 : i32 to vector<16xi32>
      %shift_right_logical3A_186 = arith.shrui %sub3A_183, %shift_right_logical3A_185 : vector<16xi32>
      %and3A_187 = arith.constant 127 : i32
      %and3A_188 = vector.broadcast %and3A_187 : i32 to vector<16xi32>
      %and3A_189 = arith.andi %sub3A_183, %and3A_188 : vector<16xi32>
      tpu.vector_store_idx %arg12[%shift_right_logical3A_186, %and3A_189], %get3A_161 masked %ne3A_176 : memref<80x128xi32, #tpu.memory_space<vmem>>[vector<16xi32>, vector<16xi32>], vector<16xi32>, vector<16xi1>
      tpu.vector_store_idx %arg13[%shift_right_logical3A_186, %and3A_189], %get3A_164 masked %ne3A_176 : memref<80x128xi32, #tpu.memory_space<vmem>>[vector<16xi32>, vector<16xi32>], vector<16xi32>, vector<16xi1>
      tpu.vector_store_idx %arg14[%shift_right_logical3A_186, %and3A_189], %add3A_173 masked %ne3A_176 : memref<80x128xi32, #tpu.memory_space<vmem>>[vector<16xi32>, vector<16xi32>], vector<16xi32>, vector<16xi1>
      %all_reduce_population_count3A_190 = tpu.all_reduce %ne3A_176 {dim = 0 : i64, kind = #tpu.reduction_kind<sum>} : vector<16xi1> -> vector<16xi32>
      %add3A_191 = arith.addi %add3A_155, %all_reduce_population_count3A_190 : vector<16xi32>
      %get3A_192 = arith.index_cast %add3A_51 : i32 to index
      %get3A_193 = arith.constant 64 : index
      %get3A_194 = tpu.vector_load %arg11[%get3A_192, %get3A_193] {strides = array<i32>} : memref<80x128xi32, #tpu.memory_space<vmem>>, vector<16xi32>,
      %get3A_195 = arith.index_cast %add3A_51 : i32 to index
      %get3A_196 = arith.constant 64 : index
      %get3A_197 = tpu.vector_load %arg9[%get3A_195, %get3A_196] {strides = array<i32>} : memref<80x128xi32, #tpu.memory_space<vmem>>, vector<16xi32>,
      %get3A_198 = arith.index_cast %add3A_51 : i32 to index
      %get3A_199 = arith.constant 64 : index
      %get3A_200 = tpu.vector_load %arg10[%get3A_198, %get3A_199] {strides = array<i32>} : memref<80x128xi32, #tpu.memory_space<vmem>>, vector<16xi32>,
      %mul3A_201 = arith.constant 10240 : i32
      %mul3A_202 = arith.muli %add3A, %mul3A_201 : i32
      %mul3A_203 = arith.constant 128 : i32
      %mul3A_204 = arith.muli %add3A_51, %mul3A_203 : i32
      %add3A_205 = arith.addi %mul3A_202, %mul3A_204 : i32
      %add3A_206 = arith.constant 64 : i32
      %add3A_207 = arith.addi %add3A_205, %add3A_206 : i32
      %add3A_208 = vector.broadcast %add3A_207 : i32 to vector<16xi32>
      %add3A_209 = arith.addi %add3A_208, %iota3A : vector<16xi32>
      %ne3A_210 = arith.constant 0 : i32
      %ne3A_211 = vector.broadcast %ne3A_210 : i32 to vector<16xi32>
      %ne3A_212 = arith.cmpi ne, %get3A_194, %ne3A_211 : vector<16xi32>
      %broadcast_in_dim3A_213 = arith.constant true
      %broadcast_in_dim3A_214 = vector.broadcast %broadcast_in_dim3A_213 : i1 to vector<16xi1>
      %masked_cumsum3A_215 = tpu.scan <sum>, %get3A_194 masked %broadcast_in_dim3A_214 : vector<16xi32>, vector<16xi1> -> vector<16xi32>
      %add3A_216 = arith.addi %add3A_191, %masked_cumsum3A_215 : vector<16xi32>
      %sub3A_217 = arith.constant 1 : i32
      %sub3A_218 = vector.broadcast %sub3A_217 : i32 to vector<16xi32>
      %sub3A_219 = arith.subi %add3A_216, %sub3A_218 : vector<16xi32>
      %shift_right_logical3A_220 = arith.constant 7 : i32
      %shift_right_logical3A_221 = vector.broadcast %shift_right_logical3A_220 : i32 to vector<16xi32>
      %shift_right_logical3A_222 = arith.shrui %sub3A_219, %shift_right_logical3A_221 : vector<16xi32>
      %and3A_223 = arith.constant 127 : i32
      %and3A_224 = vector.broadcast %and3A_223 : i32 to vector<16xi32>
      %and3A_225 = arith.andi %sub3A_219, %and3A_224 : vector<16xi32>
      tpu.vector_store_idx %arg12[%shift_right_logical3A_222, %and3A_225], %get3A_197 masked %ne3A_212 : memref<80x128xi32, #tpu.memory_space<vmem>>[vector<16xi32>, vector<16xi32>], vector<16xi32>, vector<16xi1>
      tpu.vector_store_idx %arg13[%shift_right_logical3A_222, %and3A_225], %get3A_200 masked %ne3A_212 : memref<80x128xi32, #tpu.memory_space<vmem>>[vector<16xi32>, vector<16xi32>], vector<16xi32>, vector<16xi1>
      tpu.vector_store_idx %arg14[%shift_right_logical3A_222, %and3A_225], %add3A_209 masked %ne3A_212 : memref<80x128xi32, #tpu.memory_space<vmem>>[vector<16xi32>, vector<16xi32>], vector<16xi32>, vector<16xi1>
      %all_reduce_population_count3A_226 = tpu.all_reduce %ne3A_212 {dim = 0 : i64, kind = #tpu.reduction_kind<sum>} : vector<16xi1> -> vector<16xi32>
      %add3A_227 = arith.addi %add3A_191, %all_reduce_population_count3A_226 : vector<16xi32>
      %get3A_228 = arith.index_cast %add3A_51 : i32 to index
      %get3A_229 = arith.constant 80 : index
      %get3A_230 = tpu.vector_load %arg11[%get3A_228, %get3A_229] {strides = array<i32>} : memref<80x128xi32, #tpu.memory_space<vmem>>, vector<16xi32>,
      %get3A_231 = arith.index_cast %add3A_51 : i32 to index
      %get3A_232 = arith.constant 80 : index
      %get3A_233 = tpu.vector_load %arg9[%get3A_231, %get3A_232] {strides = array<i32>} : memref<80x128xi32, #tpu.memory_space<vmem>>, vector<16xi32>,
      %get3A_234 = arith.index_cast %add3A_51 : i32 to index
      %get3A_235 = arith.constant 80 : index
      %get3A_236 = tpu.vector_load %arg10[%get3A_234, %get3A_235] {strides = array<i32>} : memref<80x128xi32, #tpu.memory_space<vmem>>, vector<16xi32>,
      %mul3A_237 = arith.constant 10240 : i32
      %mul3A_238 = arith.muli %add3A, %mul3A_237 : i32
      %mul3A_239 = arith.constant 128 : i32
      %mul3A_240 = arith.muli %add3A_51, %mul3A_239 : i32
      %add3A_241 = arith.addi %mul3A_238, %mul3A_240 : i32
      %add3A_242 = arith.constant 80 : i32
      %add3A_243 = arith.addi %add3A_241, %add3A_242 : i32
      %add3A_244 = vector.broadcast %add3A_243 : i32 to vector<16xi32>
      %add3A_245 = arith.addi %add3A_244, %iota3A : vector<16xi32>
      %ne3A_246 = arith.constant 0 : i32
      %ne3A_247 = vector.broadcast %ne3A_246 : i32 to vector<16xi32>
      %ne3A_248 = arith.cmpi ne, %get3A_230, %ne3A_247 : vector<16xi32>
      %broadcast_in_dim3A_249 = arith.constant true
      %broadcast_in_dim3A_250 = vector.broadcast %broadcast_in_dim3A_249 : i1 to vector<16xi1>
      %masked_cumsum3A_251 = tpu.scan <sum>, %get3A_230 masked %broadcast_in_dim3A_250 : vector<16xi32>, vector<16xi1> -> vector<16xi32>
      %add3A_252 = arith.addi %add3A_227, %masked_cumsum3A_251 : vector<16xi32>
      %sub3A_253 = arith.constant 1 : i32
      %sub3A_254 = vector.broadcast %sub3A_253 : i32 to vector<16xi32>
      %sub3A_255 = arith.subi %add3A_252, %sub3A_254 : vector<16xi32>
      %shift_right_logical3A_256 = arith.constant 7 : i32
      %shift_right_logical3A_257 = vector.broadcast %shift_right_logical3A_256 : i32 to vector<16xi32>
      %shift_right_logical3A_258 = arith.shrui %sub3A_255, %shift_right_logical3A_257 : vector<16xi32>
      %and3A_259 = arith.constant 127 : i32
      %and3A_260 = vector.broadcast %and3A_259 : i32 to vector<16xi32>
      %and3A_261 = arith.andi %sub3A_255, %and3A_260 : vector<16xi32>
      tpu.vector_store_idx %arg12[%shift_right_logical3A_258, %and3A_261], %get3A_233 masked %ne3A_248 : memref<80x128xi32, #tpu.memory_space<vmem>>[vector<16xi32>, vector<16xi32>], vector<16xi32>, vector<16xi1>
      tpu.vector_store_idx %arg13[%shift_right_logical3A_258, %and3A_261], %get3A_236 masked %ne3A_248 : memref<80x128xi32, #tpu.memory_space<vmem>>[vector<16xi32>, vector<16xi32>], vector<16xi32>, vector<16xi1>
      tpu.vector_store_idx %arg14[%shift_right_logical3A_258, %and3A_261], %add3A_245 masked %ne3A_248 : memref<80x128xi32, #tpu.memory_space<vmem>>[vector<16xi32>, vector<16xi32>], vector<16xi32>, vector<16xi1>
      %all_reduce_population_count3A_262 = tpu.all_reduce %ne3A_248 {dim = 0 : i64, kind = #tpu.reduction_kind<sum>} : vector<16xi1> -> vector<16xi32>
      %add3A_263 = arith.addi %add3A_227, %all_reduce_population_count3A_262 : vector<16xi32>
      %get3A_264 = arith.index_cast %add3A_51 : i32 to index
      %get3A_265 = arith.constant 96 : index
      %get3A_266 = tpu.vector_load %arg11[%get3A_264, %get3A_265] {strides = array<i32>} : memref<80x128xi32, #tpu.memory_space<vmem>>, vector<16xi32>,
      %get3A_267 = arith.index_cast %add3A_51 : i32 to index
      %get3A_268 = arith.constant 96 : index
      %get3A_269 = tpu.vector_load %arg9[%get3A_267, %get3A_268] {strides = array<i32>} : memref<80x128xi32, #tpu.memory_space<vmem>>, vector<16xi32>,
      %get3A_270 = arith.index_cast %add3A_51 : i32 to index
      %get3A_271 = arith.constant 96 : index
      %get3A_272 = tpu.vector_load %arg10[%get3A_270, %get3A_271] {strides = array<i32>} : memref<80x128xi32, #tpu.memory_space<vmem>>, vector<16xi32>,
      %mul3A_273 = arith.constant 10240 : i32
      %mul3A_274 = arith.muli %add3A, %mul3A_273 : i32
      %mul3A_275 = arith.constant 128 : i32
      %mul3A_276 = arith.muli %add3A_51, %mul3A_275 : i32
      %add3A_277 = arith.addi %mul3A_274, %mul3A_276 : i32
      %add3A_278 = arith.constant 96 : i32
      %add3A_279 = arith.addi %add3A_277, %add3A_278 : i32
      %add3A_280 = vector.broadcast %add3A_279 : i32 to vector<16xi32>
      %add3A_281 = arith.addi %add3A_280, %iota3A : vector<16xi32>
      %ne3A_282 = arith.constant 0 : i32
      %ne3A_283 = vector.broadcast %ne3A_282 : i32 to vector<16xi32>
      %ne3A_284 = arith.cmpi ne, %get3A_266, %ne3A_283 : vector<16xi32>
      %broadcast_in_dim3A_285 = arith.constant true
      %broadcast_in_dim3A_286 = vector.broadcast %broadcast_in_dim3A_285 : i1 to vector<16xi1>
      %masked_cumsum3A_287 = tpu.scan <sum>, %get3A_266 masked %broadcast_in_dim3A_286 : vector<16xi32>, vector<16xi1> -> vector<16xi32>
      %add3A_288 = arith.addi %add3A_263, %masked_cumsum3A_287 : vector<16xi32>
      %sub3A_289 = arith.constant 1 : i32
      %sub3A_290 = vector.broadcast %sub3A_289 : i32 to vector<16xi32>
      %sub3A_291 = arith.subi %add3A_288, %sub3A_290 : vector<16xi32>
      %shift_right_logical3A_292 = arith.constant 7 : i32
      %shift_right_logical3A_293 = vector.broadcast %shift_right_logical3A_292 : i32 to vector<16xi32>
      %shift_right_logical3A_294 = arith.shrui %sub3A_291, %shift_right_logical3A_293 : vector<16xi32>
      %and3A_295 = arith.constant 127 : i32
      %and3A_296 = vector.broadcast %and3A_295 : i32 to vector<16xi32>
      %and3A_297 = arith.andi %sub3A_291, %and3A_296 : vector<16xi32>
      tpu.vector_store_idx %arg12[%shift_right_logical3A_294, %and3A_297], %get3A_269 masked %ne3A_284 : memref<80x128xi32, #tpu.memory_space<vmem>>[vector<16xi32>, vector<16xi32>], vector<16xi32>, vector<16xi1>
      tpu.vector_store_idx %arg13[%shift_right_logical3A_294, %and3A_297], %get3A_272 masked %ne3A_284 : memref<80x128xi32, #tpu.memory_space<vmem>>[vector<16xi32>, vector<16xi32>], vector<16xi32>, vector<16xi1>
      tpu.vector_store_idx %arg14[%shift_right_logical3A_294, %and3A_297], %add3A_281 masked %ne3A_284 : memref<80x128xi32, #tpu.memory_space<vmem>>[vector<16xi32>, vector<16xi32>], vector<16xi32>, vector<16xi1>
      %all_reduce_population_count3A_298 = tpu.all_reduce %ne3A_284 {dim = 0 : i64, kind = #tpu.reduction_kind<sum>} : vector<16xi1> -> vector<16xi32>
      %add3A_299 = arith.addi %add3A_263, %all_reduce_population_count3A_298 : vector<16xi32>
      %get3A_300 = arith.index_cast %add3A_51 : i32 to index
      %get3A_301 = arith.constant 112 : index
      %get3A_302 = tpu.vector_load %arg11[%get3A_300, %get3A_301] {strides = array<i32>} : memref<80x128xi32, #tpu.memory_space<vmem>>, vector<16xi32>,
      %get3A_303 = arith.index_cast %add3A_51 : i32 to index
      %get3A_304 = arith.constant 112 : index
      %get3A_305 = tpu.vector_load %arg9[%get3A_303, %get3A_304] {strides = array<i32>} : memref<80x128xi32, #tpu.memory_space<vmem>>, vector<16xi32>,
      %get3A_306 = arith.index_cast %add3A_51 : i32 to index
      %get3A_307 = arith.constant 112 : index
      %get3A_308 = tpu.vector_load %arg10[%get3A_306, %get3A_307] {strides = array<i32>} : memref<80x128xi32, #tpu.memory_space<vmem>>, vector<16xi32>,
      %mul3A_309 = arith.constant 10240 : i32
      %mul3A_310 = arith.muli %add3A, %mul3A_309 : i32
      %mul3A_311 = arith.constant 128 : i32
      %mul3A_312 = arith.muli %add3A_51, %mul3A_311 : i32
      %add3A_313 = arith.addi %mul3A_310, %mul3A_312 : i32
      %add3A_314 = arith.constant 112 : i32
      %add3A_315 = arith.addi %add3A_313, %add3A_314 : i32
      %add3A_316 = vector.broadcast %add3A_315 : i32 to vector<16xi32>
      %add3A_317 = arith.addi %add3A_316, %iota3A : vector<16xi32>
      %ne3A_318 = arith.constant 0 : i32
      %ne3A_319 = vector.broadcast %ne3A_318 : i32 to vector<16xi32>
      %ne3A_320 = arith.cmpi ne, %get3A_302, %ne3A_319 : vector<16xi32>
      %broadcast_in_dim3A_321 = arith.constant true
      %broadcast_in_dim3A_322 = vector.broadcast %broadcast_in_dim3A_321 : i1 to vector<16xi1>
      %masked_cumsum3A_323 = tpu.scan <sum>, %get3A_302 masked %broadcast_in_dim3A_322 : vector<16xi32>, vector<16xi1> -> vector<16xi32>
      %add3A_324 = arith.addi %add3A_299, %masked_cumsum3A_323 : vector<16xi32>
      %sub3A_325 = arith.constant 1 : i32
      %sub3A_326 = vector.broadcast %sub3A_325 : i32 to vector<16xi32>
      %sub3A_327 = arith.subi %add3A_324, %sub3A_326 : vector<16xi32>
      %shift_right_logical3A_328 = arith.constant 7 : i32
      %shift_right_logical3A_329 = vector.broadcast %shift_right_logical3A_328 : i32 to vector<16xi32>
      %shift_right_logical3A_330 = arith.shrui %sub3A_327, %shift_right_logical3A_329 : vector<16xi32>
      %and3A_331 = arith.constant 127 : i32
      %and3A_332 = vector.broadcast %and3A_331 : i32 to vector<16xi32>
      %and3A_333 = arith.andi %sub3A_327, %and3A_332 : vector<16xi32>
      tpu.vector_store_idx %arg12[%shift_right_logical3A_330, %and3A_333], %get3A_305 masked %ne3A_320 : memref<80x128xi32, #tpu.memory_space<vmem>>[vector<16xi32>, vector<16xi32>], vector<16xi32>, vector<16xi1>
      tpu.vector_store_idx %arg13[%shift_right_logical3A_330, %and3A_333], %get3A_308 masked %ne3A_320 : memref<80x128xi32, #tpu.memory_space<vmem>>[vector<16xi32>, vector<16xi32>], vector<16xi32>, vector<16xi1>
      tpu.vector_store_idx %arg14[%shift_right_logical3A_330, %and3A_333], %add3A_317 masked %ne3A_320 : memref<80x128xi32, #tpu.memory_space<vmem>>[vector<16xi32>, vector<16xi32>], vector<16xi32>, vector<16xi1>
      %all_reduce_population_count3A_334 = tpu.all_reduce %ne3A_320 {dim = 0 : i64, kind = #tpu.reduction_kind<sum>} : vector<16xi1> -> vector<16xi32>
      %add3A_335 = arith.addi %add3A_299, %all_reduce_population_count3A_334 : vector<16xi32>
      scf.yield %add3A_335 : vector<16xi32>
    }
    %scan3A_16 = arith.constant 80 : i32
    %slice3A = vector.extract_strided_slice %scan3A_15 {offsets = [0], sizes = [1], strides = [1]} : vector<16xi32> to vector<1xi32>
    %squeeze3A = vector.extract %slice3A[0] : i32 from vector<1xi32>
    %add3A_17 = arith.constant 127 : i32
    %add3A_18 = arith.addi %squeeze3A, %add3A_17 : i32
    %shift_right_logical3A = arith.constant 7 : i32
    %shift_right_logical3A_19 = arith.shrui %add3A_18, %shift_right_logical3A : i32
    %gt3A = arith.constant 0 : i32
    %gt3A_20 = arith.cmpi sgt, %shift_right_logical3A_19, %gt3A : i32
    %convert_element_type3A = arith.extui %gt3A_20 : i1 to i32
    %cond3A = arith.constant 0 : i32
    %cond3A_21 = arith.cmpi ne, %convert_element_type3A, %cond3A : i32
    scf.if %cond3A_21 {
      %dma_start3A = arith.constant 0 : i32
      %dma_start3A_46 = arith.constant 0 : i32
      %dma_start3A_47 = tpu.memref_slice %arg12[%dma_start3A, %dma_start3A_46] : memref<80x128xi32, #tpu.memory_space<vmem>> -> memref<1x128xi32, #tpu.memory_space<vmem>>
      %dma_start3A_48 = tpu.memref_squeeze %dma_start3A_47 : memref<1x128xi32, #tpu.memory_space<vmem>> -> memref<128xi32, #tpu.memory_space<vmem>>
      %dma_start3A_49 = arith.constant 0 : i32
      %dma_start3A_50 = arith.constant 0 : i32
      %dma_start3A_51 = tpu.memref_slice %arg2[%dma_start3A_49, %dma_start3A_50] : memref<10000x128xf32, #tpu.memory_space<hbm>> -> memref<10000x128xf32, #tpu.memory_space<hbm>>
      tpu.enqueue_indirect_dma source(%dma_start3A_51 : memref<10000x128xf32, #tpu.memory_space<hbm>>) target(%arg15 : memref<128x128xf32, #tpu.memory_space<vmem>>) offsets(%dma_start3A_48 : memref<128xi32, #tpu.memory_space<vmem>>) semaphore(%arg19 : memref<!tpu.dma_semaphore, #tpu.memory_space<semaphore_mem>>)
      %dma_start3A_52 = arith.constant 0 : i32
      %dma_start3A_53 = arith.constant 0 : i32
      %dma_start3A_54 = tpu.memref_slice %arg13[%dma_start3A_52, %dma_start3A_53] : memref<80x128xi32, #tpu.memory_space<vmem>> -> memref<1x128xi32, #tpu.memory_space<vmem>>
      %dma_start3A_55 = tpu.memref_squeeze %dma_start3A_54 : memref<1x128xi32, #tpu.memory_space<vmem>> -> memref<128xi32, #tpu.memory_space<vmem>>
      %dma_start3A_56 = arith.constant 0 : i32
      %dma_start3A_57 = arith.constant 0 : i32
      %dma_start3A_58 = tpu.memref_slice %arg3[%dma_start3A_56, %dma_start3A_57] : memref<10000x128xf32, #tpu.memory_space<hbm>> -> memref<10000x128xf32, #tpu.memory_space<hbm>>
      tpu.enqueue_indirect_dma source(%dma_start3A_58 : memref<10000x128xf32, #tpu.memory_space<hbm>>) target(%arg17 : memref<128x128xf32, #tpu.memory_space<vmem>>) offsets(%dma_start3A_55 : memref<128xi32, #tpu.memory_space<vmem>>) semaphore(%arg21 : memref<!tpu.dma_semaphore, #tpu.memory_space<semaphore_mem>>)
    } else {
    }
    %gt3A_22 = arith.constant 1 : i32
    %gt3A_23 = arith.cmpi sgt, %shift_right_logical3A_19, %gt3A_22 : i32
    %convert_element_type3A_24 = arith.extui %gt3A_23 : i1 to i32
    %cond3A_25 = arith.constant 0 : i32
    %cond3A_26 = arith.cmpi ne, %convert_element_type3A_24, %cond3A_25 : i32
    scf.if %cond3A_26 {
      %dma_start3A = arith.constant 1 : i32
      %dma_start3A_46 = arith.constant 0 : i32
      %dma_start3A_47 = tpu.memref_slice %arg12[%dma_start3A, %dma_start3A_46] : memref<80x128xi32, #tpu.memory_space<vmem>> -> memref<1x128xi32, #tpu.memory_space<vmem>>
      %dma_start3A_48 = tpu.memref_squeeze %dma_start3A_47 : memref<1x128xi32, #tpu.memory_space<vmem>> -> memref<128xi32, #tpu.memory_space<vmem>>
      %dma_start3A_49 = arith.constant 0 : i32
      %dma_start3A_50 = arith.constant 0 : i32
      %dma_start3A_51 = tpu.memref_slice %arg2[%dma_start3A_49, %dma_start3A_50] : memref<10000x128xf32, #tpu.memory_space<hbm>> -> memref<10000x128xf32, #tpu.memory_space<hbm>>
      tpu.enqueue_indirect_dma source(%dma_start3A_51 : memref<10000x128xf32, #tpu.memory_space<hbm>>) target(%arg16 : memref<128x128xf32, #tpu.memory_space<vmem>>) offsets(%dma_start3A_48 : memref<128xi32, #tpu.memory_space<vmem>>) semaphore(%arg20 : memref<!tpu.dma_semaphore, #tpu.memory_space<semaphore_mem>>)
      %dma_start3A_52 = arith.constant 1 : i32
      %dma_start3A_53 = arith.constant 0 : i32
      %dma_start3A_54 = tpu.memref_slice %arg13[%dma_start3A_52, %dma_start3A_53] : memref<80x128xi32, #tpu.memory_space<vmem>> -> memref<1x128xi32, #tpu.memory_space<vmem>>
      %dma_start3A_55 = tpu.memref_squeeze %dma_start3A_54 : memref<1x128xi32, #tpu.memory_space<vmem>> -> memref<128xi32, #tpu.memory_space<vmem>>
      %dma_start3A_56 = arith.constant 0 : i32
      %dma_start3A_57 = arith.constant 0 : i32
      %dma_start3A_58 = tpu.memref_slice %arg3[%dma_start3A_56, %dma_start3A_57] : memref<10000x128xf32, #tpu.memory_space<hbm>> -> memref<10000x128xf32, #tpu.memory_space<hbm>>
      tpu.enqueue_indirect_dma source(%dma_start3A_58 : memref<10000x128xf32, #tpu.memory_space<hbm>>) target(%arg18 : memref<128x128xf32, #tpu.memory_space<vmem>>) offsets(%dma_start3A_55 : memref<128xi32, #tpu.memory_space<vmem>>) semaphore(%arg22 : memref<!tpu.dma_semaphore, #tpu.memory_space<semaphore_mem>>)
    } else {
    }
    %add3A_27 = arith.constant 1 : i32
    %add3A_28 = arith.addi %shift_right_logical3A_19, %add3A_27 : i32
    %and3A = arith.constant -2 : i32
    %and3A_29 = arith.andi %add3A_28, %and3A : i32
    %sub3A = arith.constant 0 : i32
    %sub3A_30 = arith.subi %and3A_29, %sub3A : i32
    %sub3A_31 = arith.constant 2 : i32
    %sub3A_32 = arith.constant 1 : i32
    %sub3A_33 = arith.subi %sub3A_31, %sub3A_32 : i32
    %add3A_34 = arith.addi %sub3A_30, %sub3A_33 : i32
    %div3A = arith.constant 2 : i32
    %div3A_35 = arith.divsi %add3A_34, %div3A : i32
    %while3A = arith.constant 2 : i32
    %while3A_36 = arith.constant 0 : i32
    %while3A_37 = arith.constant 0 : i32
    %while3A_38 = arith.subi %div3A_35, %while3A_37 : i32
    %while3A_39 = arith.addi %while3A_37, %while3A_38 : i32
    %while3A_40 = arith.constant 1 : i32
    %while3A_41 = arith.divsi %while3A_38, %while3A_40 : i32
    %while3A_42 = arith.muli %while3A_41, %while3A_40 : i32
    %while3A_43 = arith.addi %while3A_37, %while3A_42 : i32
    %while3A_44 = arith.constant 1 : i32
    scf.for %while3A_46 = %while3A_37 to %while3A_43 step %while3A_44  : i32 {
      %mul3A_47 = arith.muli %while3A_46, %while3A : i32
      %add3A_48 = arith.addi %while3A_36, %mul3A_47 : i32
      %add3A_49 = arith.constant 0 : i32
      %add3A_50 = arith.addi %add3A_48, %add3A_49 : i32
      %lt3A = arith.cmpi slt, %add3A_50, %shift_right_logical3A_19 : i32
      %convert_element_type3A_51 = arith.extui %lt3A : i1 to i32
      %cond3A_52 = arith.constant 0 : i32
      %cond3A_53 = arith.cmpi ne, %convert_element_type3A_51, %cond3A_52 : i32
      scf.if %cond3A_53 {
        %dma_wait3A = arith.constant 0 : i32
        %dma_wait3A_60 = tpu.memref_slice %arg12[%add3A_50, %dma_wait3A] : memref<80x128xi32, #tpu.memory_space<vmem>> -> memref<1x128xi32, #tpu.memory_space<vmem>>
        %dma_wait3A_61 = tpu.memref_squeeze %dma_wait3A_60 : memref<1x128xi32, #tpu.memory_space<vmem>> -> memref<128xi32, #tpu.memory_space<vmem>>
        %dma_wait3A_62 = arith.constant 0 : i32
        %dma_wait3A_63 = arith.constant 0 : i32
        %dma_wait3A_64 = tpu.memref_slice %arg2[%dma_wait3A_62, %dma_wait3A_63] : memref<10000x128xf32, #tpu.memory_space<hbm>> -> memref<10000x128xf32, #tpu.memory_space<hbm>>
        tpu.wait_indirect_dma semaphore(%arg19 : memref<!tpu.dma_semaphore, #tpu.memory_space<semaphore_mem>>) src(%dma_wait3A_64 : memref<10000x128xf32, #tpu.memory_space<hbm>>) dst(%arg15 : memref<128x128xf32, #tpu.memory_space<vmem>>)
        %dma_wait3A_65 = arith.constant 0 : i32
        %dma_wait3A_66 = tpu.memref_slice %arg13[%add3A_50, %dma_wait3A_65] : memref<80x128xi32, #tpu.memory_space<vmem>> -> memref<1x128xi32, #tpu.memory_space<vmem>>
        %dma_wait3A_67 = tpu.memref_squeeze %dma_wait3A_66 : memref<1x128xi32, #tpu.memory_space<vmem>> -> memref<128xi32, #tpu.memory_space<vmem>>
        %dma_wait3A_68 = arith.constant 0 : i32
        %dma_wait3A_69 = arith.constant 0 : i32
        %dma_wait3A_70 = tpu.memref_slice %arg3[%dma_wait3A_68, %dma_wait3A_69] : memref<10000x128xf32, #tpu.memory_space<hbm>> -> memref<10000x128xf32, #tpu.memory_space<hbm>>
        tpu.wait_indirect_dma semaphore(%arg21 : memref<!tpu.dma_semaphore, #tpu.memory_space<semaphore_mem>>) src(%dma_wait3A_70 : memref<10000x128xf32, #tpu.memory_space<hbm>>) dst(%arg17 : memref<128x128xf32, #tpu.memory_space<vmem>>)
        %scan3A_71 = arith.constant 0 : i32
        %scan3A_72 = arith.constant 128 : i32
        %scan3A_73 = arith.addi %scan3A_71, %scan3A_72 : i32
        %scan3A_74 = arith.constant 4 : i32
        scf.for %scan3A_82 = %scan3A_71 to %scan3A_73 step %scan3A_74  : i32 {
          %mul3A_83 = arith.constant 1 : i32
          %mul3A_84 = arith.muli %scan3A_82, %mul3A_83 : i32
          %add3A_85 = arith.constant 0 : i32
          %add3A_86 = arith.addi %add3A_85, %mul3A_84 : i32
          %get3A = arith.index_cast %add3A_86 : i32 to index
          %get3A_87 = arith.constant 0 : index
          %get3A_88 = tpu.vector_load %arg17[%get3A, %get3A_87] {strides = array<i32>} : memref<128x128xf32, #tpu.memory_space<vmem>>, vector<16xf32>,
          %swap3A = arith.index_cast %add3A_86 : i32 to index
          %swap3A_89 = arith.constant 0 : index
          %swap3A_90 = tpu.vector_load %arg15[%swap3A, %swap3A_89] {strides = array<i32>} : memref<128x128xf32, #tpu.memory_space<vmem>>, vector<16xf32>,
          tpu.vector_store %arg15[%swap3A, %swap3A_89], %get3A_88 {add = true, strides = array<i32>} : memref<128x128xf32, #tpu.memory_space<vmem>>, vector<16xf32>,
          %get3A_91 = arith.index_cast %add3A_86 : i32 to index
          %get3A_92 = arith.constant 16 : index
          %get3A_93 = tpu.vector_load %arg17[%get3A_91, %get3A_92] {strides = array<i32>} : memref<128x128xf32, #tpu.memory_space<vmem>>, vector<16xf32>,
          %swap3A_94 = arith.index_cast %add3A_86 : i32 to index
          %swap3A_95 = arith.constant 16 : index
          %swap3A_96 = tpu.vector_load %arg15[%swap3A_94, %swap3A_95] {strides = array<i32>} : memref<128x128xf32, #tpu.memory_space<vmem>>, vector<16xf32>,
          tpu.vector_store %arg15[%swap3A_94, %swap3A_95], %get3A_93 {add = true, strides = array<i32>} : memref<128x128xf32, #tpu.memory_space<vmem>>, vector<16xf32>,
          %get3A_97 = arith.index_cast %add3A_86 : i32 to index
          %get3A_98 = arith.constant 32 : index
          %get3A_99 = tpu.vector_load %arg17[%get3A_97, %get3A_98] {strides = array<i32>} : memref<128x128xf32, #tpu.memory_space<vmem>>, vector<16xf32>,
          %swap3A_100 = arith.index_cast %add3A_86 : i32 to index
          %swap3A_101 = arith.constant 32 : index
          %swap3A_102 = tpu.vector_load %arg15[%swap3A_100, %swap3A_101] {strides = array<i32>} : memref<128x128xf32, #tpu.memory_space<vmem>>, vector<16xf32>,
          tpu.vector_store %arg15[%swap3A_100, %swap3A_101], %get3A_99 {add = true, strides = array<i32>} : memref<128x128xf32, #tpu.memory_space<vmem>>, vector<16xf32>,
          %get3A_103 = arith.index_cast %add3A_86 : i32 to index
          %get3A_104 = arith.constant 48 : index
          %get3A_105 = tpu.vector_load %arg17[%get3A_103, %get3A_104] {strides = array<i32>} : memref<128x128xf32, #tpu.memory_space<vmem>>, vector<16xf32>,
          %swap3A_106 = arith.index_cast %add3A_86 : i32 to index
          %swap3A_107 = arith.constant 48 : index
          %swap3A_108 = tpu.vector_load %arg15[%swap3A_106, %swap3A_107] {strides = array<i32>} : memref<128x128xf32, #tpu.memory_space<vmem>>, vector<16xf32>,
          tpu.vector_store %arg15[%swap3A_106, %swap3A_107], %get3A_105 {add = true, strides = array<i32>} : memref<128x128xf32, #tpu.memory_space<vmem>>, vector<16xf32>,
          %get3A_109 = arith.index_cast %add3A_86 : i32 to index
          %get3A_110 = arith.constant 64 : index
          %get3A_111 = tpu.vector_load %arg17[%get3A_109, %get3A_110] {strides = array<i32>} : memref<128x128xf32, #tpu.memory_space<vmem>>, vector<16xf32>,
          %swap3A_112 = arith.index_cast %add3A_86 : i32 to index
          %swap3A_113 = arith.constant 64 : index
          %swap3A_114 = tpu.vector_load %arg15[%swap3A_112, %swap3A_113] {strides = array<i32>} : memref<128x128xf32, #tpu.memory_space<vmem>>, vector<16xf32>,
          tpu.vector_store %arg15[%swap3A_112, %swap3A_113], %get3A_111 {add = true, strides = array<i32>} : memref<128x128xf32, #tpu.memory_space<vmem>>, vector<16xf32>,
          %get3A_115 = arith.index_cast %add3A_86 : i32 to index
          %get3A_116 = arith.constant 80 : index
          %get3A_117 = tpu.vector_load %arg17[%get3A_115, %get3A_116] {strides = array<i32>} : memref<128x128xf32, #tpu.memory_space<vmem>>, vector<16xf32>,
          %swap3A_118 = arith.index_cast %add3A_86 : i32 to index
          %swap3A_119 = arith.constant 80 : index
          %swap3A_120 = tpu.vector_load %arg15[%swap3A_118, %swap3A_119] {strides = array<i32>} : memref<128x128xf32, #tpu.memory_space<vmem>>, vector<16xf32>,
          tpu.vector_store %arg15[%swap3A_118, %swap3A_119], %get3A_117 {add = true, strides = array<i32>} : memref<128x128xf32, #tpu.memory_space<vmem>>, vector<16xf32>,
          %get3A_121 = arith.index_cast %add3A_86 : i32 to index
          %get3A_122 = arith.constant 96 : index
          %get3A_123 = tpu.vector_load %arg17[%get3A_121, %get3A_122] {strides = array<i32>} : memref<128x128xf32, #tpu.memory_space<vmem>>, vector<16xf32>,
          %swap3A_124 = arith.index_cast %add3A_86 : i32 to index
          %swap3A_125 = arith.constant 96 : index
          %swap3A_126 = tpu.vector_load %arg15[%swap3A_124, %swap3A_125] {strides = array<i32>} : memref<128x128xf32, #tpu.memory_space<vmem>>, vector<16xf32>,
          tpu.vector_store %arg15[%swap3A_124, %swap3A_125], %get3A_123 {add = true, strides = array<i32>} : memref<128x128xf32, #tpu.memory_space<vmem>>, vector<16xf32>,
          %get3A_127 = arith.index_cast %add3A_86 : i32 to index
          %get3A_128 = arith.constant 112 : index
          %get3A_129 = tpu.vector_load %arg17[%get3A_127, %get3A_128] {strides = array<i32>} : memref<128x128xf32, #tpu.memory_space<vmem>>, vector<16xf32>,
          %swap3A_130 = arith.index_cast %add3A_86 : i32 to index
          %swap3A_131 = arith.constant 112 : index
          %swap3A_132 = tpu.vector_load %arg15[%swap3A_130, %swap3A_131] {strides = array<i32>} : memref<128x128xf32, #tpu.memory_space<vmem>>, vector<16xf32>,
          tpu.vector_store %arg15[%swap3A_130, %swap3A_131], %get3A_129 {add = true, strides = array<i32>} : memref<128x128xf32, #tpu.memory_space<vmem>>, vector<16xf32>,
          %scan3A_133 = arith.constant 1 : i32
          %scan3A_134 = arith.addi %scan3A_82, %scan3A_133 : i32
          %mul3A_135 = arith.constant 1 : i32
          %mul3A_136 = arith.muli %scan3A_134, %mul3A_135 : i32
          %add3A_137 = arith.constant 0 : i32
          %add3A_138 = arith.addi %add3A_137, %mul3A_136 : i32
          %get3A_139 = arith.index_cast %add3A_138 : i32 to index
          %get3A_140 = arith.constant 0 : index
          %get3A_141 = tpu.vector_load %arg17[%get3A_139, %get3A_140] {strides = array<i32>} : memref<128x128xf32, #tpu.memory_space<vmem>>, vector<16xf32>,
          %swap3A_142 = arith.index_cast %add3A_138 : i32 to index
          %swap3A_143 = arith.constant 0 : index
          %swap3A_144 = tpu.vector_load %arg15[%swap3A_142, %swap3A_143] {strides = array<i32>} : memref<128x128xf32, #tpu.memory_space<vmem>>, vector<16xf32>,
          tpu.vector_store %arg15[%swap3A_142, %swap3A_143], %get3A_141 {add = true, strides = array<i32>} : memref<128x128xf32, #tpu.memory_space<vmem>>, vector<16xf32>,
          %get3A_145 = arith.index_cast %add3A_138 : i32 to index
          %get3A_146 = arith.constant 16 : index
          %get3A_147 = tpu.vector_load %arg17[%get3A_145, %get3A_146] {strides = array<i32>} : memref<128x128xf32, #tpu.memory_space<vmem>>, vector<16xf32>,
          %swap3A_148 = arith.index_cast %add3A_138 : i32 to index
          %swap3A_149 = arith.constant 16 : index
          %swap3A_150 = tpu.vector_load %arg15[%swap3A_148, %swap3A_149] {strides = array<i32>} : memref<128x128xf32, #tpu.memory_space<vmem>>, vector<16xf32>,
          tpu.vector_store %arg15[%swap3A_148, %swap3A_149], %get3A_147 {add = true, strides = array<i32>} : memref<128x128xf32, #tpu.memory_space<vmem>>, vector<16xf32>,
          %get3A_151 = arith.index_cast %add3A_138 : i32 to index
          %get3A_152 = arith.constant 32 : index
          %get3A_153 = tpu.vector_load %arg17[%get3A_151, %get3A_152] {strides = array<i32>} : memref<128x128xf32, #tpu.memory_space<vmem>>, vector<16xf32>,
          %swap3A_154 = arith.index_cast %add3A_138 : i32 to index
          %swap3A_155 = arith.constant 32 : index
          %swap3A_156 = tpu.vector_load %arg15[%swap3A_154, %swap3A_155] {strides = array<i32>} : memref<128x128xf32, #tpu.memory_space<vmem>>, vector<16xf32>,
          tpu.vector_store %arg15[%swap3A_154, %swap3A_155], %get3A_153 {add = true, strides = array<i32>} : memref<128x128xf32, #tpu.memory_space<vmem>>, vector<16xf32>,
          %get3A_157 = arith.index_cast %add3A_138 : i32 to index
          %get3A_158 = arith.constant 48 : index
          %get3A_159 = tpu.vector_load %arg17[%get3A_157, %get3A_158] {strides = array<i32>} : memref<128x128xf32, #tpu.memory_space<vmem>>, vector<16xf32>,
          %swap3A_160 = arith.index_cast %add3A_138 : i32 to index
          %swap3A_161 = arith.constant 48 : index
          %swap3A_162 = tpu.vector_load %arg15[%swap3A_160, %swap3A_161] {strides = array<i32>} : memref<128x128xf32, #tpu.memory_space<vmem>>, vector<16xf32>,
          tpu.vector_store %arg15[%swap3A_160, %swap3A_161], %get3A_159 {add = true, strides = array<i32>} : memref<128x128xf32, #tpu.memory_space<vmem>>, vector<16xf32>,
          %get3A_163 = arith.index_cast %add3A_138 : i32 to index
          %get3A_164 = arith.constant 64 : index
          %get3A_165 = tpu.vector_load %arg17[%get3A_163, %get3A_164] {strides = array<i32>} : memref<128x128xf32, #tpu.memory_space<vmem>>, vector<16xf32>,
          %swap3A_166 = arith.index_cast %add3A_138 : i32 to index
          %swap3A_167 = arith.constant 64 : index
          %swap3A_168 = tpu.vector_load %arg15[%swap3A_166, %swap3A_167] {strides = array<i32>} : memref<128x128xf32, #tpu.memory_space<vmem>>, vector<16xf32>,
          tpu.vector_store %arg15[%swap3A_166, %swap3A_167], %get3A_165 {add = true, strides = array<i32>} : memref<128x128xf32, #tpu.memory_space<vmem>>, vector<16xf32>,
          %get3A_169 = arith.index_cast %add3A_138 : i32 to index
          %get3A_170 = arith.constant 80 : index
          %get3A_171 = tpu.vector_load %arg17[%get3A_169, %get3A_170] {strides = array<i32>} : memref<128x128xf32, #tpu.memory_space<vmem>>, vector<16xf32>,
          %swap3A_172 = arith.index_cast %add3A_138 : i32 to index
          %swap3A_173 = arith.constant 80 : index
          %swap3A_174 = tpu.vector_load %arg15[%swap3A_172, %swap3A_173] {strides = array<i32>} : memref<128x128xf32, #tpu.memory_space<vmem>>, vector<16xf32>,
          tpu.vector_store %arg15[%swap3A_172, %swap3A_173], %get3A_171 {add = true, strides = array<i32>} : memref<128x128xf32, #tpu.memory_space<vmem>>, vector<16xf32>,
          %get3A_175 = arith.index_cast %add3A_138 : i32 to index
          %get3A_176 = arith.constant 96 : index
          %get3A_177 = tpu.vector_load %arg17[%get3A_175, %get3A_176] {strides = array<i32>} : memref<128x128xf32, #tpu.memory_space<vmem>>, vector<16xf32>,
          %swap3A_178 = arith.index_cast %add3A_138 : i32 to index
          %swap3A_179 = arith.constant 96 : index
          %swap3A_180 = tpu.vector_load %arg15[%swap3A_178, %swap3A_179] {strides = array<i32>} : memref<128x128xf32, #tpu.memory_space<vmem>>, vector<16xf32>,
          tpu.vector_store %arg15[%swap3A_178, %swap3A_179], %get3A_177 {add = true, strides = array<i32>} : memref<128x128xf32, #tpu.memory_space<vmem>>, vector<16xf32>,
          %get3A_181 = arith.index_cast %add3A_138 : i32 to index
          %get3A_182 = arith.constant 112 : index
          %get3A_183 = tpu.vector_load %arg17[%get3A_181, %get3A_182] {strides = array<i32>} : memref<128x128xf32, #tpu.memory_space<vmem>>, vector<16xf32>,
          %swap3A_184 = arith.index_cast %add3A_138 : i32 to index
          %swap3A_185 = arith.constant 112 : index
          %swap3A_186 = tpu.vector_load %arg15[%swap3A_184, %swap3A_185] {strides = array<i32>} : memref<128x128xf32, #tpu.memory_space<vmem>>, vector<16xf32>,
          tpu.vector_store %arg15[%swap3A_184, %swap3A_185], %get3A_183 {add = true, strides = array<i32>} : memref<128x128xf32, #tpu.memory_space<vmem>>, vector<16xf32>,
          %scan3A_187 = arith.constant 2 : i32
          %scan3A_188 = arith.addi %scan3A_82, %scan3A_187 : i32
          %mul3A_189 = arith.constant 1 : i32
          %mul3A_190 = arith.muli %scan3A_188, %mul3A_189 : i32
          %add3A_191 = arith.constant 0 : i32
          %add3A_192 = arith.addi %add3A_191, %mul3A_190 : i32
          %get3A_193 = arith.index_cast %add3A_192 : i32 to index
          %get3A_194 = arith.constant 0 : index
          %get3A_195 = tpu.vector_load %arg17[%get3A_193, %get3A_194] {strides = array<i32>} : memref<128x128xf32, #tpu.memory_space<vmem>>, vector<16xf32>,
          %swap3A_196 = arith.index_cast %add3A_192 : i32 to index
          %swap3A_197 = arith.constant 0 : index
          %swap3A_198 = tpu.vector_load %arg15[%swap3A_196, %swap3A_197] {strides = array<i32>} : memref<128x128xf32, #tpu.memory_space<vmem>>, vector<16xf32>,
          tpu.vector_store %arg15[%swap3A_196, %swap3A_197], %get3A_195 {add = true, strides = array<i32>} : memref<128x128xf32, #tpu.memory_space<vmem>>, vector<16xf32>,
          %get3A_199 = arith.index_cast %add3A_192 : i32 to index
          %get3A_200 = arith.constant 16 : index
          %get3A_201 = tpu.vector_load %arg17[%get3A_199, %get3A_200] {strides = array<i32>} : memref<128x128xf32, #tpu.memory_space<vmem>>, vector<16xf32>,
          %swap3A_202 = arith.index_cast %add3A_192 : i32 to index
          %swap3A_203 = arith.constant 16 : index
          %swap3A_204 = tpu.vector_load %arg15[%swap3A_202, %swap3A_203] {strides = array<i32>} : memref<128x128xf32, #tpu.memory_space<vmem>>, vector<16xf32>,
          tpu.vector_store %arg15[%swap3A_202, %swap3A_203], %get3A_201 {add = true, strides = array<i32>} : memref<128x128xf32, #tpu.memory_space<vmem>>, vector<16xf32>,
          %get3A_205 = arith.index_cast %add3A_192 : i32 to index
          %get3A_206 = arith.constant 32 : index
          %get3A_207 = tpu.vector_load %arg17[%get3A_205, %get3A_206] {strides = array<i32>} : memref<128x128xf32, #tpu.memory_space<vmem>>, vector<16xf32>,
          %swap3A_208 = arith.index_cast %add3A_192 : i32 to index
          %swap3A_209 = arith.constant 32 : index
          %swap3A_210 = tpu.vector_load %arg15[%swap3A_208, %swap3A_209] {strides = array<i32>} : memref<128x128xf32, #tpu.memory_space<vmem>>, vector<16xf32>,
          tpu.vector_store %arg15[%swap3A_208, %swap3A_209], %get3A_207 {add = true, strides = array<i32>} : memref<128x128xf32, #tpu.memory_space<vmem>>, vector<16xf32>,
          %get3A_211 = arith.index_cast %add3A_192 : i32 to index
          %get3A_212 = arith.constant 48 : index
          %get3A_213 = tpu.vector_load %arg17[%get3A_211, %get3A_212] {strides = array<i32>} : memref<128x128xf32, #tpu.memory_space<vmem>>, vector<16xf32>,
          %swap3A_214 = arith.index_cast %add3A_192 : i32 to index
          %swap3A_215 = arith.constant 48 : index
          %swap3A_216 = tpu.vector_load %arg15[%swap3A_214, %swap3A_215] {strides = array<i32>} : memref<128x128xf32, #tpu.memory_space<vmem>>, vector<16xf32>,
          tpu.vector_store %arg15[%swap3A_214, %swap3A_215], %get3A_213 {add = true, strides = array<i32>} : memref<128x128xf32, #tpu.memory_space<vmem>>, vector<16xf32>,
          %get3A_217 = arith.index_cast %add3A_192 : i32 to index
          %get3A_218 = arith.constant 64 : index
          %get3A_219 = tpu.vector_load %arg17[%get3A_217, %get3A_218] {strides = array<i32>} : memref<128x128xf32, #tpu.memory_space<vmem>>, vector<16xf32>,
          %swap3A_220 = arith.index_cast %add3A_192 : i32 to index
          %swap3A_221 = arith.constant 64 : index
          %swap3A_222 = tpu.vector_load %arg15[%swap3A_220, %swap3A_221] {strides = array<i32>} : memref<128x128xf32, #tpu.memory_space<vmem>>, vector<16xf32>,
          tpu.vector_store %arg15[%swap3A_220, %swap3A_221], %get3A_219 {add = true, strides = array<i32>} : memref<128x128xf32, #tpu.memory_space<vmem>>, vector<16xf32>,
          %get3A_223 = arith.index_cast %add3A_192 : i32 to index
          %get3A_224 = arith.constant 80 : index
          %get3A_225 = tpu.vector_load %arg17[%get3A_223, %get3A_224] {strides = array<i32>} : memref<128x128xf32, #tpu.memory_space<vmem>>, vector<16xf32>,
          %swap3A_226 = arith.index_cast %add3A_192 : i32 to index
          %swap3A_227 = arith.constant 80 : index
          %swap3A_228 = tpu.vector_load %arg15[%swap3A_226, %swap3A_227] {strides = array<i32>} : memref<128x128xf32, #tpu.memory_space<vmem>>, vector<16xf32>,
          tpu.vector_store %arg15[%swap3A_226, %swap3A_227], %get3A_225 {add = true, strides = array<i32>} : memref<128x128xf32, #tpu.memory_space<vmem>>, vector<16xf32>,
          %get3A_229 = arith.index_cast %add3A_192 : i32 to index
          %get3A_230 = arith.constant 96 : index
          %get3A_231 = tpu.vector_load %arg17[%get3A_229, %get3A_230] {strides = array<i32>} : memref<128x128xf32, #tpu.memory_space<vmem>>, vector<16xf32>,
          %swap3A_232 = arith.index_cast %add3A_192 : i32 to index
          %swap3A_233 = arith.constant 96 : index
          %swap3A_234 = tpu.vector_load %arg15[%swap3A_232, %swap3A_233] {strides = array<i32>} : memref<128x128xf32, #tpu.memory_space<vmem>>, vector<16xf32>,
          tpu.vector_store %arg15[%swap3A_232, %swap3A_233], %get3A_231 {add = true, strides = array<i32>} : memref<128x128xf32, #tpu.memory_space<vmem>>, vector<16xf32>,
          %get3A_235 = arith.index_cast %add3A_192 : i32 to index
          %get3A_236 = arith.constant 112 : index
          %get3A_237 = tpu.vector_load %arg17[%get3A_235, %get3A_236] {strides = array<i32>} : memref<128x128xf32, #tpu.memory_space<vmem>>, vector<16xf32>,
          %swap3A_238 = arith.index_cast %add3A_192 : i32 to index
          %swap3A_239 = arith.constant 112 : index
          %swap3A_240 = tpu.vector_load %arg15[%swap3A_238, %swap3A_239] {strides = array<i32>} : memref<128x128xf32, #tpu.memory_space<vmem>>, vector<16xf32>,
          tpu.vector_store %arg15[%swap3A_238, %swap3A_239], %get3A_237 {add = true, strides = array<i32>} : memref<128x128xf32, #tpu.memory_space<vmem>>, vector<16xf32>,
          %scan3A_241 = arith.constant 3 : i32
          %scan3A_242 = arith.addi %scan3A_82, %scan3A_241 : i32
          %mul3A_243 = arith.constant 1 : i32
          %mul3A_244 = arith.muli %scan3A_242, %mul3A_243 : i32
          %add3A_245 = arith.constant 0 : i32
          %add3A_246 = arith.addi %add3A_245, %mul3A_244 : i32
          %get3A_247 = arith.index_cast %add3A_246 : i32 to index
          %get3A_248 = arith.constant 0 : index
          %get3A_249 = tpu.vector_load %arg17[%get3A_247, %get3A_248] {strides = array<i32>} : memref<128x128xf32, #tpu.memory_space<vmem>>, vector<16xf32>,
          %swap3A_250 = arith.index_cast %add3A_246 : i32 to index
          %swap3A_251 = arith.constant 0 : index
          %swap3A_252 = tpu.vector_load %arg15[%swap3A_250, %swap3A_251] {strides = array<i32>} : memref<128x128xf32, #tpu.memory_space<vmem>>, vector<16xf32>,
          tpu.vector_store %arg15[%swap3A_250, %swap3A_251], %get3A_249 {add = true, strides = array<i32>} : memref<128x128xf32, #tpu.memory_space<vmem>>, vector<16xf32>,
          %get3A_253 = arith.index_cast %add3A_246 : i32 to index
          %get3A_254 = arith.constant 16 : index
          %get3A_255 = tpu.vector_load %arg17[%get3A_253, %get3A_254] {strides = array<i32>} : memref<128x128xf32, #tpu.memory_space<vmem>>, vector<16xf32>,
          %swap3A_256 = arith.index_cast %add3A_246 : i32 to index
          %swap3A_257 = arith.constant 16 : index
          %swap3A_258 = tpu.vector_load %arg15[%swap3A_256, %swap3A_257] {strides = array<i32>} : memref<128x128xf32, #tpu.memory_space<vmem>>, vector<16xf32>,
          tpu.vector_store %arg15[%swap3A_256, %swap3A_257], %get3A_255 {add = true, strides = array<i32>} : memref<128x128xf32, #tpu.memory_space<vmem>>, vector<16xf32>,
          %get3A_259 = arith.index_cast %add3A_246 : i32 to index
          %get3A_260 = arith.constant 32 : index
          %get3A_261 = tpu.vector_load %arg17[%get3A_259, %get3A_260] {strides = array<i32>} : memref<128x128xf32, #tpu.memory_space<vmem>>, vector<16xf32>,
          %swap3A_262 = arith.index_cast %add3A_246 : i32 to index
          %swap3A_263 = arith.constant 32 : index
          %swap3A_264 = tpu.vector_load %arg15[%swap3A_262, %swap3A_263] {strides = array<i32>} : memref<128x128xf32, #tpu.memory_space<vmem>>, vector<16xf32>,
          tpu.vector_store %arg15[%swap3A_262, %swap3A_263], %get3A_261 {add = true, strides = array<i32>} : memref<128x128xf32, #tpu.memory_space<vmem>>, vector<16xf32>,
          %get3A_265 = arith.index_cast %add3A_246 : i32 to index
          %get3A_266 = arith.constant 48 : index
          %get3A_267 = tpu.vector_load %arg17[%get3A_265, %get3A_266] {strides = array<i32>} : memref<128x128xf32, #tpu.memory_space<vmem>>, vector<16xf32>,
          %swap3A_268 = arith.index_cast %add3A_246 : i32 to index
          %swap3A_269 = arith.constant 48 : index
          %swap3A_270 = tpu.vector_load %arg15[%swap3A_268, %swap3A_269] {strides = array<i32>} : memref<128x128xf32, #tpu.memory_space<vmem>>, vector<16xf32>,
          tpu.vector_store %arg15[%swap3A_268, %swap3A_269], %get3A_267 {add = true, strides = array<i32>} : memref<128x128xf32, #tpu.memory_space<vmem>>, vector<16xf32>,
          %get3A_271 = arith.index_cast %add3A_246 : i32 to index
          %get3A_272 = arith.constant 64 : index
          %get3A_273 = tpu.vector_load %arg17[%get3A_271, %get3A_272] {strides = array<i32>} : memref<128x128xf32, #tpu.memory_space<vmem>>, vector<16xf32>,
          %swap3A_274 = arith.index_cast %add3A_246 : i32 to index
          %swap3A_275 = arith.constant 64 : index
          %swap3A_276 = tpu.vector_load %arg15[%swap3A_274, %swap3A_275] {strides = array<i32>} : memref<128x128xf32, #tpu.memory_space<vmem>>, vector<16xf32>,
          tpu.vector_store %arg15[%swap3A_274, %swap3A_275], %get3A_273 {add = true, strides = array<i32>} : memref<128x128xf32, #tpu.memory_space<vmem>>, vector<16xf32>,
          %get3A_277 = arith.index_cast %add3A_246 : i32 to index
          %get3A_278 = arith.constant 80 : index
          %get3A_279 = tpu.vector_load %arg17[%get3A_277, %get3A_278] {strides = array<i32>} : memref<128x128xf32, #tpu.memory_space<vmem>>, vector<16xf32>,
          %swap3A_280 = arith.index_cast %add3A_246 : i32 to index
          %swap3A_281 = arith.constant 80 : index
          %swap3A_282 = tpu.vector_load %arg15[%swap3A_280, %swap3A_281] {strides = array<i32>} : memref<128x128xf32, #tpu.memory_space<vmem>>, vector<16xf32>,
          tpu.vector_store %arg15[%swap3A_280, %swap3A_281], %get3A_279 {add = true, strides = array<i32>} : memref<128x128xf32, #tpu.memory_space<vmem>>, vector<16xf32>,
          %get3A_283 = arith.index_cast %add3A_246 : i32 to index
          %get3A_284 = arith.constant 96 : index
          %get3A_285 = tpu.vector_load %arg17[%get3A_283, %get3A_284] {strides = array<i32>} : memref<128x128xf32, #tpu.memory_space<vmem>>, vector<16xf32>,
          %swap3A_286 = arith.index_cast %add3A_246 : i32 to index
          %swap3A_287 = arith.constant 96 : index
          %swap3A_288 = tpu.vector_load %arg15[%swap3A_286, %swap3A_287] {strides = array<i32>} : memref<128x128xf32, #tpu.memory_space<vmem>>, vector<16xf32>,
          tpu.vector_store %arg15[%swap3A_286, %swap3A_287], %get3A_285 {add = true, strides = array<i32>} : memref<128x128xf32, #tpu.memory_space<vmem>>, vector<16xf32>,
          %get3A_289 = arith.index_cast %add3A_246 : i32 to index
          %get3A_290 = arith.constant 112 : index
          %get3A_291 = tpu.vector_load %arg17[%get3A_289, %get3A_290] {strides = array<i32>} : memref<128x128xf32, #tpu.memory_space<vmem>>, vector<16xf32>,
          %swap3A_292 = arith.index_cast %add3A_246 : i32 to index
          %swap3A_293 = arith.constant 112 : index
          %swap3A_294 = tpu.vector_load %arg15[%swap3A_292, %swap3A_293] {strides = array<i32>} : memref<128x128xf32, #tpu.memory_space<vmem>>, vector<16xf32>,
          tpu.vector_store %arg15[%swap3A_292, %swap3A_293], %get3A_291 {add = true, strides = array<i32>} : memref<128x128xf32, #tpu.memory_space<vmem>>, vector<16xf32>,
        }
        %scan3A_75 = arith.constant 128 : i32
        "tpu.region"() ({
          %run_scoped3A = tpu.sem_alloc : memref<!tpu.dma_semaphore, #tpu.memory_space<semaphore_mem>>
          %dma_start3A = arith.constant 0 : i32
          %dma_start3A_82 = tpu.memref_slice %arg14[%add3A_50, %dma_start3A] : memref<80x128xi32, #tpu.memory_space<vmem>> -> memref<1x128xi32, #tpu.memory_space<vmem>>
          %dma_start3A_83 = tpu.memref_squeeze %dma_start3A_82 : memref<1x128xi32, #tpu.memory_space<vmem>> -> memref<128xi32, #tpu.memory_space<vmem>>
          %dma_start3A_84 = arith.constant 0 : i32
          %dma_start3A_85 = arith.constant 0 : i32
          %dma_start3A_86 = tpu.memref_slice %arg8[%dma_start3A_84, %dma_start3A_85] : memref<327680x128xf32, #tpu.memory_space<hbm>> -> memref<327680x128xf32, #tpu.memory_space<hbm>>
          tpu.enqueue_indirect_dma source(%arg15 : memref<128x128xf32, #tpu.memory_space<vmem>>) target(%dma_start3A_86 : memref<327680x128xf32, #tpu.memory_space<hbm>>) offsets(%dma_start3A_83 : memref<128xi32, #tpu.memory_space<vmem>>) semaphore(%run_scoped3A : memref<!tpu.dma_semaphore, #tpu.memory_space<semaphore_mem>>)
          %dma_wait3A_87 = arith.constant 0 : i32
          %dma_wait3A_88 = tpu.memref_slice %arg14[%add3A_50, %dma_wait3A_87] : memref<80x128xi32, #tpu.memory_space<vmem>> -> memref<1x128xi32, #tpu.memory_space<vmem>>
          %dma_wait3A_89 = tpu.memref_squeeze %dma_wait3A_88 : memref<1x128xi32, #tpu.memory_space<vmem>> -> memref<128xi32, #tpu.memory_space<vmem>>
          %dma_wait3A_90 = arith.constant 0 : i32
          %dma_wait3A_91 = arith.constant 0 : i32
          %dma_wait3A_92 = tpu.memref_slice %arg8[%dma_wait3A_90, %dma_wait3A_91] : memref<327680x128xf32, #tpu.memory_space<hbm>> -> memref<327680x128xf32, #tpu.memory_space<hbm>>
          tpu.wait_indirect_dma semaphore(%run_scoped3A : memref<!tpu.dma_semaphore, #tpu.memory_space<semaphore_mem>>) src(%arg15 : memref<128x128xf32, #tpu.memory_space<vmem>>) dst(%dma_wait3A_92 : memref<327680x128xf32, #tpu.memory_space<hbm>>)
          tpu.yield
        }) : () -> ()
        %add3A_76 = arith.constant 2 : i32
        %add3A_77 = arith.addi %add3A_50, %add3A_76 : i32
        %lt3A_78 = arith.cmpi slt, %add3A_77, %shift_right_logical3A_19 : i32
        %convert_element_type3A_79 = arith.extui %lt3A_78 : i1 to i32
        %cond3A_80 = arith.constant 0 : i32
        %cond3A_81 = arith.cmpi ne, %convert_element_type3A_79, %cond3A_80 : i32
        scf.if %cond3A_81 {
          %add3A_82 = arith.constant 2 : i32
          %add3A_83 = arith.addi %add3A_50, %add3A_82 : i32
          %dma_start3A = arith.constant 0 : i32
          %dma_start3A_84 = tpu.memref_slice %arg12[%add3A_83, %dma_start3A] : memref<80x128xi32, #tpu.memory_space<vmem>> -> memref<1x128xi32, #tpu.memory_space<vmem>>
          %dma_start3A_85 = tpu.memref_squeeze %dma_start3A_84 : memref<1x128xi32, #tpu.memory_space<vmem>> -> memref<128xi32, #tpu.memory_space<vmem>>
          %dma_start3A_86 = arith.constant 0 : i32
          %dma_start3A_87 = arith.constant 0 : i32
          %dma_start3A_88 = tpu.memref_slice %arg2[%dma_start3A_86, %dma_start3A_87] : memref<10000x128xf32, #tpu.memory_space<hbm>> -> memref<10000x128xf32, #tpu.memory_space<hbm>>
          tpu.enqueue_indirect_dma source(%dma_start3A_88 : memref<10000x128xf32, #tpu.memory_space<hbm>>) target(%arg15 : memref<128x128xf32, #tpu.memory_space<vmem>>) offsets(%dma_start3A_85 : memref<128xi32, #tpu.memory_space<vmem>>) semaphore(%arg19 : memref<!tpu.dma_semaphore, #tpu.memory_space<semaphore_mem>>)
          %add3A_89 = arith.constant 2 : i32
          %add3A_90 = arith.addi %add3A_50, %add3A_89 : i32
          %dma_start3A_91 = arith.constant 0 : i32
          %dma_start3A_92 = tpu.memref_slice %arg13[%add3A_90, %dma_start3A_91] : memref<80x128xi32, #tpu.memory_space<vmem>> -> memref<1x128xi32, #tpu.memory_space<vmem>>
          %dma_start3A_93 = tpu.memref_squeeze %dma_start3A_92 : memref<1x128xi32, #tpu.memory_space<vmem>> -> memref<128xi32, #tpu.memory_space<vmem>>
          %dma_start3A_94 = arith.constant 0 : i32
          %dma_start3A_95 = arith.constant 0 : i32
          %dma_start3A_96 = tpu.memref_slice %arg3[%dma_start3A_94, %dma_start3A_95] : memref<10000x128xf32, #tpu.memory_space<hbm>> -> memref<10000x128xf32, #tpu.memory_space<hbm>>
          tpu.enqueue_indirect_dma source(%dma_start3A_96 : memref<10000x128xf32, #tpu.memory_space<hbm>>) target(%arg17 : memref<128x128xf32, #tpu.memory_space<vmem>>) offsets(%dma_start3A_93 : memref<128xi32, #tpu.memory_space<vmem>>) semaphore(%arg21 : memref<!tpu.dma_semaphore, #tpu.memory_space<semaphore_mem>>)
        } else {
        }
      } else {
      }
      %add3A_54 = arith.constant 1 : i32
      %add3A_55 = arith.addi %add3A_48, %add3A_54 : i32
      %lt3A_56 = arith.cmpi slt, %add3A_55, %shift_right_logical3A_19 : i32
      %convert_element_type3A_57 = arith.extui %lt3A_56 : i1 to i32
      %cond3A_58 = arith.constant 0 : i32
      %cond3A_59 = arith.cmpi ne, %convert_element_type3A_57, %cond3A_58 : i32
      scf.if %cond3A_59 {
        %dma_wait3A = arith.constant 0 : i32
        %dma_wait3A_60 = tpu.memref_slice %arg12[%add3A_55, %dma_wait3A] : memref<80x128xi32, #tpu.memory_space<vmem>> -> memref<1x128xi32, #tpu.memory_space<vmem>>
        %dma_wait3A_61 = tpu.memref_squeeze %dma_wait3A_60 : memref<1x128xi32, #tpu.memory_space<vmem>> -> memref<128xi32, #tpu.memory_space<vmem>>
        %dma_wait3A_62 = arith.constant 0 : i32
        %dma_wait3A_63 = arith.constant 0 : i32
        %dma_wait3A_64 = tpu.memref_slice %arg2[%dma_wait3A_62, %dma_wait3A_63] : memref<10000x128xf32, #tpu.memory_space<hbm>> -> memref<10000x128xf32, #tpu.memory_space<hbm>>
        tpu.wait_indirect_dma semaphore(%arg20 : memref<!tpu.dma_semaphore, #tpu.memory_space<semaphore_mem>>) src(%dma_wait3A_64 : memref<10000x128xf32, #tpu.memory_space<hbm>>) dst(%arg16 : memref<128x128xf32, #tpu.memory_space<vmem>>)
        %dma_wait3A_65 = arith.constant 0 : i32
        %dma_wait3A_66 = tpu.memref_slice %arg13[%add3A_55, %dma_wait3A_65] : memref<80x128xi32, #tpu.memory_space<vmem>> -> memref<1x128xi32, #tpu.memory_space<vmem>>
        %dma_wait3A_67 = tpu.memref_squeeze %dma_wait3A_66 : memref<1x128xi32, #tpu.memory_space<vmem>> -> memref<128xi32, #tpu.memory_space<vmem>>
        %dma_wait3A_68 = arith.constant 0 : i32
        %dma_wait3A_69 = arith.constant 0 : i32
        %dma_wait3A_70 = tpu.memref_slice %arg3[%dma_wait3A_68, %dma_wait3A_69] : memref<10000x128xf32, #tpu.memory_space<hbm>> -> memref<10000x128xf32, #tpu.memory_space<hbm>>
        tpu.wait_indirect_dma semaphore(%arg22 : memref<!tpu.dma_semaphore, #tpu.memory_space<semaphore_mem>>) src(%dma_wait3A_70 : memref<10000x128xf32, #tpu.memory_space<hbm>>) dst(%arg18 : memref<128x128xf32, #tpu.memory_space<vmem>>)
        %scan3A_71 = arith.constant 0 : i32
        %scan3A_72 = arith.constant 128 : i32
        %scan3A_73 = arith.addi %scan3A_71, %scan3A_72 : i32
        %scan3A_74 = arith.constant 4 : i32
        scf.for %scan3A_82 = %scan3A_71 to %scan3A_73 step %scan3A_74  : i32 {
          %mul3A_83 = arith.constant 1 : i32
          %mul3A_84 = arith.muli %scan3A_82, %mul3A_83 : i32
          %add3A_85 = arith.constant 0 : i32
          %add3A_86 = arith.addi %add3A_85, %mul3A_84 : i32
          %get3A = arith.index_cast %add3A_86 : i32 to index
          %get3A_87 = arith.constant 0 : index
          %get3A_88 = tpu.vector_load %arg18[%get3A, %get3A_87] {strides = array<i32>} : memref<128x128xf32, #tpu.memory_space<vmem>>, vector<16xf32>,
          %swap3A = arith.index_cast %add3A_86 : i32 to index
          %swap3A_89 = arith.constant 0 : index
          %swap3A_90 = tpu.vector_load %arg16[%swap3A, %swap3A_89] {strides = array<i32>} : memref<128x128xf32, #tpu.memory_space<vmem>>, vector<16xf32>,
          tpu.vector_store %arg16[%swap3A, %swap3A_89], %get3A_88 {add = true, strides = array<i32>} : memref<128x128xf32, #tpu.memory_space<vmem>>, vector<16xf32>,
          %get3A_91 = arith.index_cast %add3A_86 : i32 to index
          %get3A_92 = arith.constant 16 : index
          %get3A_93 = tpu.vector_load %arg18[%get3A_91, %get3A_92] {strides = array<i32>} : memref<128x128xf32, #tpu.memory_space<vmem>>, vector<16xf32>,
          %swap3A_94 = arith.index_cast %add3A_86 : i32 to index
          %swap3A_95 = arith.constant 16 : index
          %swap3A_96 = tpu.vector_load %arg16[%swap3A_94, %swap3A_95] {strides = array<i32>} : memref<128x128xf32, #tpu.memory_space<vmem>>, vector<16xf32>,
          tpu.vector_store %arg16[%swap3A_94, %swap3A_95], %get3A_93 {add = true, strides = array<i32>} : memref<128x128xf32, #tpu.memory_space<vmem>>, vector<16xf32>,
          %get3A_97 = arith.index_cast %add3A_86 : i32 to index
          %get3A_98 = arith.constant 32 : index
          %get3A_99 = tpu.vector_load %arg18[%get3A_97, %get3A_98] {strides = array<i32>} : memref<128x128xf32, #tpu.memory_space<vmem>>, vector<16xf32>,
          %swap3A_100 = arith.index_cast %add3A_86 : i32 to index
          %swap3A_101 = arith.constant 32 : index
          %swap3A_102 = tpu.vector_load %arg16[%swap3A_100, %swap3A_101] {strides = array<i32>} : memref<128x128xf32, #tpu.memory_space<vmem>>, vector<16xf32>,
          tpu.vector_store %arg16[%swap3A_100, %swap3A_101], %get3A_99 {add = true, strides = array<i32>} : memref<128x128xf32, #tpu.memory_space<vmem>>, vector<16xf32>,
          %get3A_103 = arith.index_cast %add3A_86 : i32 to index
          %get3A_104 = arith.constant 48 : index
          %get3A_105 = tpu.vector_load %arg18[%get3A_103, %get3A_104] {strides = array<i32>} : memref<128x128xf32, #tpu.memory_space<vmem>>, vector<16xf32>,
          %swap3A_106 = arith.index_cast %add3A_86 : i32 to index
          %swap3A_107 = arith.constant 48 : index
          %swap3A_108 = tpu.vector_load %arg16[%swap3A_106, %swap3A_107] {strides = array<i32>} : memref<128x128xf32, #tpu.memory_space<vmem>>, vector<16xf32>,
          tpu.vector_store %arg16[%swap3A_106, %swap3A_107], %get3A_105 {add = true, strides = array<i32>} : memref<128x128xf32, #tpu.memory_space<vmem>>, vector<16xf32>,
          %get3A_109 = arith.index_cast %add3A_86 : i32 to index
          %get3A_110 = arith.constant 64 : index
          %get3A_111 = tpu.vector_load %arg18[%get3A_109, %get3A_110] {strides = array<i32>} : memref<128x128xf32, #tpu.memory_space<vmem>>, vector<16xf32>,
          %swap3A_112 = arith.index_cast %add3A_86 : i32 to index
          %swap3A_113 = arith.constant 64 : index
          %swap3A_114 = tpu.vector_load %arg16[%swap3A_112, %swap3A_113] {strides = array<i32>} : memref<128x128xf32, #tpu.memory_space<vmem>>, vector<16xf32>,
          tpu.vector_store %arg16[%swap3A_112, %swap3A_113], %get3A_111 {add = true, strides = array<i32>} : memref<128x128xf32, #tpu.memory_space<vmem>>, vector<16xf32>,
          %get3A_115 = arith.index_cast %add3A_86 : i32 to index
          %get3A_116 = arith.constant 80 : index
          %get3A_117 = tpu.vector_load %arg18[%get3A_115, %get3A_116] {strides = array<i32>} : memref<128x128xf32, #tpu.memory_space<vmem>>, vector<16xf32>,
          %swap3A_118 = arith.index_cast %add3A_86 : i32 to index
          %swap3A_119 = arith.constant 80 : index
          %swap3A_120 = tpu.vector_load %arg16[%swap3A_118, %swap3A_119] {strides = array<i32>} : memref<128x128xf32, #tpu.memory_space<vmem>>, vector<16xf32>,
          tpu.vector_store %arg16[%swap3A_118, %swap3A_119], %get3A_117 {add = true, strides = array<i32>} : memref<128x128xf32, #tpu.memory_space<vmem>>, vector<16xf32>,
          %get3A_121 = arith.index_cast %add3A_86 : i32 to index
          %get3A_122 = arith.constant 96 : index
          %get3A_123 = tpu.vector_load %arg18[%get3A_121, %get3A_122] {strides = array<i32>} : memref<128x128xf32, #tpu.memory_space<vmem>>, vector<16xf32>,
          %swap3A_124 = arith.index_cast %add3A_86 : i32 to index
          %swap3A_125 = arith.constant 96 : index
          %swap3A_126 = tpu.vector_load %arg16[%swap3A_124, %swap3A_125] {strides = array<i32>} : memref<128x128xf32, #tpu.memory_space<vmem>>, vector<16xf32>,
          tpu.vector_store %arg16[%swap3A_124, %swap3A_125], %get3A_123 {add = true, strides = array<i32>} : memref<128x128xf32, #tpu.memory_space<vmem>>, vector<16xf32>,
          %get3A_127 = arith.index_cast %add3A_86 : i32 to index
          %get3A_128 = arith.constant 112 : index
          %get3A_129 = tpu.vector_load %arg18[%get3A_127, %get3A_128] {strides = array<i32>} : memref<128x128xf32, #tpu.memory_space<vmem>>, vector<16xf32>,
          %swap3A_130 = arith.index_cast %add3A_86 : i32 to index
          %swap3A_131 = arith.constant 112 : index
          %swap3A_132 = tpu.vector_load %arg16[%swap3A_130, %swap3A_131] {strides = array<i32>} : memref<128x128xf32, #tpu.memory_space<vmem>>, vector<16xf32>,
          tpu.vector_store %arg16[%swap3A_130, %swap3A_131], %get3A_129 {add = true, strides = array<i32>} : memref<128x128xf32, #tpu.memory_space<vmem>>, vector<16xf32>,
          %scan3A_133 = arith.constant 1 : i32
          %scan3A_134 = arith.addi %scan3A_82, %scan3A_133 : i32
          %mul3A_135 = arith.constant 1 : i32
          %mul3A_136 = arith.muli %scan3A_134, %mul3A_135 : i32
          %add3A_137 = arith.constant 0 : i32
          %add3A_138 = arith.addi %add3A_137, %mul3A_136 : i32
          %get3A_139 = arith.index_cast %add3A_138 : i32 to index
          %get3A_140 = arith.constant 0 : index
          %get3A_141 = tpu.vector_load %arg18[%get3A_139, %get3A_140] {strides = array<i32>} : memref<128x128xf32, #tpu.memory_space<vmem>>, vector<16xf32>,
          %swap3A_142 = arith.index_cast %add3A_138 : i32 to index
          %swap3A_143 = arith.constant 0 : index
          %swap3A_144 = tpu.vector_load %arg16[%swap3A_142, %swap3A_143] {strides = array<i32>} : memref<128x128xf32, #tpu.memory_space<vmem>>, vector<16xf32>,
          tpu.vector_store %arg16[%swap3A_142, %swap3A_143], %get3A_141 {add = true, strides = array<i32>} : memref<128x128xf32, #tpu.memory_space<vmem>>, vector<16xf32>,
          %get3A_145 = arith.index_cast %add3A_138 : i32 to index
          %get3A_146 = arith.constant 16 : index
          %get3A_147 = tpu.vector_load %arg18[%get3A_145, %get3A_146] {strides = array<i32>} : memref<128x128xf32, #tpu.memory_space<vmem>>, vector<16xf32>,
          %swap3A_148 = arith.index_cast %add3A_138 : i32 to index
          %swap3A_149 = arith.constant 16 : index
          %swap3A_150 = tpu.vector_load %arg16[%swap3A_148, %swap3A_149] {strides = array<i32>} : memref<128x128xf32, #tpu.memory_space<vmem>>, vector<16xf32>,
          tpu.vector_store %arg16[%swap3A_148, %swap3A_149], %get3A_147 {add = true, strides = array<i32>} : memref<128x128xf32, #tpu.memory_space<vmem>>, vector<16xf32>,
          %get3A_151 = arith.index_cast %add3A_138 : i32 to index
          %get3A_152 = arith.constant 32 : index
          %get3A_153 = tpu.vector_load %arg18[%get3A_151, %get3A_152] {strides = array<i32>} : memref<128x128xf32, #tpu.memory_space<vmem>>, vector<16xf32>,
          %swap3A_154 = arith.index_cast %add3A_138 : i32 to index
          %swap3A_155 = arith.constant 32 : index
          %swap3A_156 = tpu.vector_load %arg16[%swap3A_154, %swap3A_155] {strides = array<i32>} : memref<128x128xf32, #tpu.memory_space<vmem>>, vector<16xf32>,
          tpu.vector_store %arg16[%swap3A_154, %swap3A_155], %get3A_153 {add = true, strides = array<i32>} : memref<128x128xf32, #tpu.memory_space<vmem>>, vector<16xf32>,
          %get3A_157 = arith.index_cast %add3A_138 : i32 to index
          %get3A_158 = arith.constant 48 : index
          %get3A_159 = tpu.vector_load %arg18[%get3A_157, %get3A_158] {strides = array<i32>} : memref<128x128xf32, #tpu.memory_space<vmem>>, vector<16xf32>,
          %swap3A_160 = arith.index_cast %add3A_138 : i32 to index
          %swap3A_161 = arith.constant 48 : index
          %swap3A_162 = tpu.vector_load %arg16[%swap3A_160, %swap3A_161] {strides = array<i32>} : memref<128x128xf32, #tpu.memory_space<vmem>>, vector<16xf32>,
          tpu.vector_store %arg16[%swap3A_160, %swap3A_161], %get3A_159 {add = true, strides = array<i32>} : memref<128x128xf32, #tpu.memory_space<vmem>>, vector<16xf32>,
          %get3A_163 = arith.index_cast %add3A_138 : i32 to index
          %get3A_164 = arith.constant 64 : index
          %get3A_165 = tpu.vector_load %arg18[%get3A_163, %get3A_164] {strides = array<i32>} : memref<128x128xf32, #tpu.memory_space<vmem>>, vector<16xf32>,
          %swap3A_166 = arith.index_cast %add3A_138 : i32 to index
          %swap3A_167 = arith.constant 64 : index
          %swap3A_168 = tpu.vector_load %arg16[%swap3A_166, %swap3A_167] {strides = array<i32>} : memref<128x128xf32, #tpu.memory_space<vmem>>, vector<16xf32>,
          tpu.vector_store %arg16[%swap3A_166, %swap3A_167], %get3A_165 {add = true, strides = array<i32>} : memref<128x128xf32, #tpu.memory_space<vmem>>, vector<16xf32>,
          %get3A_169 = arith.index_cast %add3A_138 : i32 to index
          %get3A_170 = arith.constant 80 : index
          %get3A_171 = tpu.vector_load %arg18[%get3A_169, %get3A_170] {strides = array<i32>} : memref<128x128xf32, #tpu.memory_space<vmem>>, vector<16xf32>,
          %swap3A_172 = arith.index_cast %add3A_138 : i32 to index
          %swap3A_173 = arith.constant 80 : index
          %swap3A_174 = tpu.vector_load %arg16[%swap3A_172, %swap3A_173] {strides = array<i32>} : memref<128x128xf32, #tpu.memory_space<vmem>>, vector<16xf32>,
          tpu.vector_store %arg16[%swap3A_172, %swap3A_173], %get3A_171 {add = true, strides = array<i32>} : memref<128x128xf32, #tpu.memory_space<vmem>>, vector<16xf32>,
          %get3A_175 = arith.index_cast %add3A_138 : i32 to index
          %get3A_176 = arith.constant 96 : index
          %get3A_177 = tpu.vector_load %arg18[%get3A_175, %get3A_176] {strides = array<i32>} : memref<128x128xf32, #tpu.memory_space<vmem>>, vector<16xf32>,
          %swap3A_178 = arith.index_cast %add3A_138 : i32 to index
          %swap3A_179 = arith.constant 96 : index
          %swap3A_180 = tpu.vector_load %arg16[%swap3A_178, %swap3A_179] {strides = array<i32>} : memref<128x128xf32, #tpu.memory_space<vmem>>, vector<16xf32>,
          tpu.vector_store %arg16[%swap3A_178, %swap3A_179], %get3A_177 {add = true, strides = array<i32>} : memref<128x128xf32, #tpu.memory_space<vmem>>, vector<16xf32>,
          %get3A_181 = arith.index_cast %add3A_138 : i32 to index
          %get3A_182 = arith.constant 112 : index
          %get3A_183 = tpu.vector_load %arg18[%get3A_181, %get3A_182] {strides = array<i32>} : memref<128x128xf32, #tpu.memory_space<vmem>>, vector<16xf32>,
          %swap3A_184 = arith.index_cast %add3A_138 : i32 to index
          %swap3A_185 = arith.constant 112 : index
          %swap3A_186 = tpu.vector_load %arg16[%swap3A_184, %swap3A_185] {strides = array<i32>} : memref<128x128xf32, #tpu.memory_space<vmem>>, vector<16xf32>,
          tpu.vector_store %arg16[%swap3A_184, %swap3A_185], %get3A_183 {add = true, strides = array<i32>} : memref<128x128xf32, #tpu.memory_space<vmem>>, vector<16xf32>,
          %scan3A_187 = arith.constant 2 : i32
          %scan3A_188 = arith.addi %scan3A_82, %scan3A_187 : i32
          %mul3A_189 = arith.constant 1 : i32
          %mul3A_190 = arith.muli %scan3A_188, %mul3A_189 : i32
          %add3A_191 = arith.constant 0 : i32
          %add3A_192 = arith.addi %add3A_191, %mul3A_190 : i32
          %get3A_193 = arith.index_cast %add3A_192 : i32 to index
          %get3A_194 = arith.constant 0 : index
          %get3A_195 = tpu.vector_load %arg18[%get3A_193, %get3A_194] {strides = array<i32>} : memref<128x128xf32, #tpu.memory_space<vmem>>, vector<16xf32>,
          %swap3A_196 = arith.index_cast %add3A_192 : i32 to index
          %swap3A_197 = arith.constant 0 : index
          %swap3A_198 = tpu.vector_load %arg16[%swap3A_196, %swap3A_197] {strides = array<i32>} : memref<128x128xf32, #tpu.memory_space<vmem>>, vector<16xf32>,
          tpu.vector_store %arg16[%swap3A_196, %swap3A_197], %get3A_195 {add = true, strides = array<i32>} : memref<128x128xf32, #tpu.memory_space<vmem>>, vector<16xf32>,
          %get3A_199 = arith.index_cast %add3A_192 : i32 to index
          %get3A_200 = arith.constant 16 : index
          %get3A_201 = tpu.vector_load %arg18[%get3A_199, %get3A_200] {strides = array<i32>} : memref<128x128xf32, #tpu.memory_space<vmem>>, vector<16xf32>,
          %swap3A_202 = arith.index_cast %add3A_192 : i32 to index
          %swap3A_203 = arith.constant 16 : index
          %swap3A_204 = tpu.vector_load %arg16[%swap3A_202, %swap3A_203] {strides = array<i32>} : memref<128x128xf32, #tpu.memory_space<vmem>>, vector<16xf32>,
          tpu.vector_store %arg16[%swap3A_202, %swap3A_203], %get3A_201 {add = true, strides = array<i32>} : memref<128x128xf32, #tpu.memory_space<vmem>>, vector<16xf32>,
          %get3A_205 = arith.index_cast %add3A_192 : i32 to index
          %get3A_206 = arith.constant 32 : index
          %get3A_207 = tpu.vector_load %arg18[%get3A_205, %get3A_206] {strides = array<i32>} : memref<128x128xf32, #tpu.memory_space<vmem>>, vector<16xf32>,
          %swap3A_208 = arith.index_cast %add3A_192 : i32 to index
          %swap3A_209 = arith.constant 32 : index
          %swap3A_210 = tpu.vector_load %arg16[%swap3A_208, %swap3A_209] {strides = array<i32>} : memref<128x128xf32, #tpu.memory_space<vmem>>, vector<16xf32>,
          tpu.vector_store %arg16[%swap3A_208, %swap3A_209], %get3A_207 {add = true, strides = array<i32>} : memref<128x128xf32, #tpu.memory_space<vmem>>, vector<16xf32>,
          %get3A_211 = arith.index_cast %add3A_192 : i32 to index
          %get3A_212 = arith.constant 48 : index
          %get3A_213 = tpu.vector_load %arg18[%get3A_211, %get3A_212] {strides = array<i32>} : memref<128x128xf32, #tpu.memory_space<vmem>>, vector<16xf32>,
          %swap3A_214 = arith.index_cast %add3A_192 : i32 to index
          %swap3A_215 = arith.constant 48 : index
          %swap3A_216 = tpu.vector_load %arg16[%swap3A_214, %swap3A_215] {strides = array<i32>} : memref<128x128xf32, #tpu.memory_space<vmem>>, vector<16xf32>,
          tpu.vector_store %arg16[%swap3A_214, %swap3A_215], %get3A_213 {add = true, strides = array<i32>} : memref<128x128xf32, #tpu.memory_space<vmem>>, vector<16xf32>,
          %get3A_217 = arith.index_cast %add3A_192 : i32 to index
          %get3A_218 = arith.constant 64 : index
          %get3A_219 = tpu.vector_load %arg18[%get3A_217, %get3A_218] {strides = array<i32>} : memref<128x128xf32, #tpu.memory_space<vmem>>, vector<16xf32>,
          %swap3A_220 = arith.index_cast %add3A_192 : i32 to index
          %swap3A_221 = arith.constant 64 : index
          %swap3A_222 = tpu.vector_load %arg16[%swap3A_220, %swap3A_221] {strides = array<i32>} : memref<128x128xf32, #tpu.memory_space<vmem>>, vector<16xf32>,
          tpu.vector_store %arg16[%swap3A_220, %swap3A_221], %get3A_219 {add = true, strides = array<i32>} : memref<128x128xf32, #tpu.memory_space<vmem>>, vector<16xf32>,
          %get3A_223 = arith.index_cast %add3A_192 : i32 to index
          %get3A_224 = arith.constant 80 : index
          %get3A_225 = tpu.vector_load %arg18[%get3A_223, %get3A_224] {strides = array<i32>} : memref<128x128xf32, #tpu.memory_space<vmem>>, vector<16xf32>,
          %swap3A_226 = arith.index_cast %add3A_192 : i32 to index
          %swap3A_227 = arith.constant 80 : index
          %swap3A_228 = tpu.vector_load %arg16[%swap3A_226, %swap3A_227] {strides = array<i32>} : memref<128x128xf32, #tpu.memory_space<vmem>>, vector<16xf32>,
          tpu.vector_store %arg16[%swap3A_226, %swap3A_227], %get3A_225 {add = true, strides = array<i32>} : memref<128x128xf32, #tpu.memory_space<vmem>>, vector<16xf32>,
          %get3A_229 = arith.index_cast %add3A_192 : i32 to index
          %get3A_230 = arith.constant 96 : index
          %get3A_231 = tpu.vector_load %arg18[%get3A_229, %get3A_230] {strides = array<i32>} : memref<128x128xf32, #tpu.memory_space<vmem>>, vector<16xf32>,
          %swap3A_232 = arith.index_cast %add3A_192 : i32 to index
          %swap3A_233 = arith.constant 96 : index
          %swap3A_234 = tpu.vector_load %arg16[%swap3A_232, %swap3A_233] {strides = array<i32>} : memref<128x128xf32, #tpu.memory_space<vmem>>, vector<16xf32>,
          tpu.vector_store %arg16[%swap3A_232, %swap3A_233], %get3A_231 {add = true, strides = array<i32>} : memref<128x128xf32, #tpu.memory_space<vmem>>, vector<16xf32>,
          %get3A_235 = arith.index_cast %add3A_192 : i32 to index
          %get3A_236 = arith.constant 112 : index
          %get3A_237 = tpu.vector_load %arg18[%get3A_235, %get3A_236] {strides = array<i32>} : memref<128x128xf32, #tpu.memory_space<vmem>>, vector<16xf32>,
          %swap3A_238 = arith.index_cast %add3A_192 : i32 to index
          %swap3A_239 = arith.constant 112 : index
          %swap3A_240 = tpu.vector_load %arg16[%swap3A_238, %swap3A_239] {strides = array<i32>} : memref<128x128xf32, #tpu.memory_space<vmem>>, vector<16xf32>,
          tpu.vector_store %arg16[%swap3A_238, %swap3A_239], %get3A_237 {add = true, strides = array<i32>} : memref<128x128xf32, #tpu.memory_space<vmem>>, vector<16xf32>,
          %scan3A_241 = arith.constant 3 : i32
          %scan3A_242 = arith.addi %scan3A_82, %scan3A_241 : i32
          %mul3A_243 = arith.constant 1 : i32
          %mul3A_244 = arith.muli %scan3A_242, %mul3A_243 : i32
          %add3A_245 = arith.constant 0 : i32
          %add3A_246 = arith.addi %add3A_245, %mul3A_244 : i32
          %get3A_247 = arith.index_cast %add3A_246 : i32 to index
          %get3A_248 = arith.constant 0 : index
          %get3A_249 = tpu.vector_load %arg18[%get3A_247, %get3A_248] {strides = array<i32>} : memref<128x128xf32, #tpu.memory_space<vmem>>, vector<16xf32>,
          %swap3A_250 = arith.index_cast %add3A_246 : i32 to index
          %swap3A_251 = arith.constant 0 : index
          %swap3A_252 = tpu.vector_load %arg16[%swap3A_250, %swap3A_251] {strides = array<i32>} : memref<128x128xf32, #tpu.memory_space<vmem>>, vector<16xf32>,
          tpu.vector_store %arg16[%swap3A_250, %swap3A_251], %get3A_249 {add = true, strides = array<i32>} : memref<128x128xf32, #tpu.memory_space<vmem>>, vector<16xf32>,
          %get3A_253 = arith.index_cast %add3A_246 : i32 to index
          %get3A_254 = arith.constant 16 : index
          %get3A_255 = tpu.vector_load %arg18[%get3A_253, %get3A_254] {strides = array<i32>} : memref<128x128xf32, #tpu.memory_space<vmem>>, vector<16xf32>,
          %swap3A_256 = arith.index_cast %add3A_246 : i32 to index
          %swap3A_257 = arith.constant 16 : index
          %swap3A_258 = tpu.vector_load %arg16[%swap3A_256, %swap3A_257] {strides = array<i32>} : memref<128x128xf32, #tpu.memory_space<vmem>>, vector<16xf32>,
          tpu.vector_store %arg16[%swap3A_256, %swap3A_257], %get3A_255 {add = true, strides = array<i32>} : memref<128x128xf32, #tpu.memory_space<vmem>>, vector<16xf32>,
          %get3A_259 = arith.index_cast %add3A_246 : i32 to index
          %get3A_260 = arith.constant 32 : index
          %get3A_261 = tpu.vector_load %arg18[%get3A_259, %get3A_260] {strides = array<i32>} : memref<128x128xf32, #tpu.memory_space<vmem>>, vector<16xf32>,
          %swap3A_262 = arith.index_cast %add3A_246 : i32 to index
          %swap3A_263 = arith.constant 32 : index
          %swap3A_264 = tpu.vector_load %arg16[%swap3A_262, %swap3A_263] {strides = array<i32>} : memref<128x128xf32, #tpu.memory_space<vmem>>, vector<16xf32>,
          tpu.vector_store %arg16[%swap3A_262, %swap3A_263], %get3A_261 {add = true, strides = array<i32>} : memref<128x128xf32, #tpu.memory_space<vmem>>, vector<16xf32>,
          %get3A_265 = arith.index_cast %add3A_246 : i32 to index
          %get3A_266 = arith.constant 48 : index
          %get3A_267 = tpu.vector_load %arg18[%get3A_265, %get3A_266] {strides = array<i32>} : memref<128x128xf32, #tpu.memory_space<vmem>>, vector<16xf32>,
          %swap3A_268 = arith.index_cast %add3A_246 : i32 to index
          %swap3A_269 = arith.constant 48 : index
          %swap3A_270 = tpu.vector_load %arg16[%swap3A_268, %swap3A_269] {strides = array<i32>} : memref<128x128xf32, #tpu.memory_space<vmem>>, vector<16xf32>,
          tpu.vector_store %arg16[%swap3A_268, %swap3A_269], %get3A_267 {add = true, strides = array<i32>} : memref<128x128xf32, #tpu.memory_space<vmem>>, vector<16xf32>,
          %get3A_271 = arith.index_cast %add3A_246 : i32 to index
          %get3A_272 = arith.constant 64 : index
          %get3A_273 = tpu.vector_load %arg18[%get3A_271, %get3A_272] {strides = array<i32>} : memref<128x128xf32, #tpu.memory_space<vmem>>, vector<16xf32>,
          %swap3A_274 = arith.index_cast %add3A_246 : i32 to index
          %swap3A_275 = arith.constant 64 : index
          %swap3A_276 = tpu.vector_load %arg16[%swap3A_274, %swap3A_275] {strides = array<i32>} : memref<128x128xf32, #tpu.memory_space<vmem>>, vector<16xf32>,
          tpu.vector_store %arg16[%swap3A_274, %swap3A_275], %get3A_273 {add = true, strides = array<i32>} : memref<128x128xf32, #tpu.memory_space<vmem>>, vector<16xf32>,
          %get3A_277 = arith.index_cast %add3A_246 : i32 to index
          %get3A_278 = arith.constant 80 : index
          %get3A_279 = tpu.vector_load %arg18[%get3A_277, %get3A_278] {strides = array<i32>} : memref<128x128xf32, #tpu.memory_space<vmem>>, vector<16xf32>,
          %swap3A_280 = arith.index_cast %add3A_246 : i32 to index
          %swap3A_281 = arith.constant 80 : index
          %swap3A_282 = tpu.vector_load %arg16[%swap3A_280, %swap3A_281] {strides = array<i32>} : memref<128x128xf32, #tpu.memory_space<vmem>>, vector<16xf32>,
          tpu.vector_store %arg16[%swap3A_280, %swap3A_281], %get3A_279 {add = true, strides = array<i32>} : memref<128x128xf32, #tpu.memory_space<vmem>>, vector<16xf32>,
          %get3A_283 = arith.index_cast %add3A_246 : i32 to index
          %get3A_284 = arith.constant 96 : index
          %get3A_285 = tpu.vector_load %arg18[%get3A_283, %get3A_284] {strides = array<i32>} : memref<128x128xf32, #tpu.memory_space<vmem>>, vector<16xf32>,
          %swap3A_286 = arith.index_cast %add3A_246 : i32 to index
          %swap3A_287 = arith.constant 96 : index
          %swap3A_288 = tpu.vector_load %arg16[%swap3A_286, %swap3A_287] {strides = array<i32>} : memref<128x128xf32, #tpu.memory_space<vmem>>, vector<16xf32>,
          tpu.vector_store %arg16[%swap3A_286, %swap3A_287], %get3A_285 {add = true, strides = array<i32>} : memref<128x128xf32, #tpu.memory_space<vmem>>, vector<16xf32>,
          %get3A_289 = arith.index_cast %add3A_246 : i32 to index
          %get3A_290 = arith.constant 112 : index
          %get3A_291 = tpu.vector_load %arg18[%get3A_289, %get3A_290] {strides = array<i32>} : memref<128x128xf32, #tpu.memory_space<vmem>>, vector<16xf32>,
          %swap3A_292 = arith.index_cast %add3A_246 : i32 to index
          %swap3A_293 = arith.constant 112 : index
          %swap3A_294 = tpu.vector_load %arg16[%swap3A_292, %swap3A_293] {strides = array<i32>} : memref<128x128xf32, #tpu.memory_space<vmem>>, vector<16xf32>,
          tpu.vector_store %arg16[%swap3A_292, %swap3A_293], %get3A_291 {add = true, strides = array<i32>} : memref<128x128xf32, #tpu.memory_space<vmem>>, vector<16xf32>,
        }
        %scan3A_75 = arith.constant 128 : i32
        "tpu.region"() ({
          %run_scoped3A = tpu.sem_alloc : memref<!tpu.dma_semaphore, #tpu.memory_space<semaphore_mem>>
          %dma_start3A = arith.constant 0 : i32
          %dma_start3A_82 = tpu.memref_slice %arg14[%add3A_55, %dma_start3A] : memref<80x128xi32, #tpu.memory_space<vmem>> -> memref<1x128xi32, #tpu.memory_space<vmem>>
          %dma_start3A_83 = tpu.memref_squeeze %dma_start3A_82 : memref<1x128xi32, #tpu.memory_space<vmem>> -> memref<128xi32, #tpu.memory_space<vmem>>
          %dma_start3A_84 = arith.constant 0 : i32
          %dma_start3A_85 = arith.constant 0 : i32
          %dma_start3A_86 = tpu.memref_slice %arg8[%dma_start3A_84, %dma_start3A_85] : memref<327680x128xf32, #tpu.memory_space<hbm>> -> memref<327680x128xf32, #tpu.memory_space<hbm>>
          tpu.enqueue_indirect_dma source(%arg16 : memref<128x128xf32, #tpu.memory_space<vmem>>) target(%dma_start3A_86 : memref<327680x128xf32, #tpu.memory_space<hbm>>) offsets(%dma_start3A_83 : memref<128xi32, #tpu.memory_space<vmem>>) semaphore(%run_scoped3A : memref<!tpu.dma_semaphore, #tpu.memory_space<semaphore_mem>>)
          %dma_wait3A_87 = arith.constant 0 : i32
          %dma_wait3A_88 = tpu.memref_slice %arg14[%add3A_55, %dma_wait3A_87] : memref<80x128xi32, #tpu.memory_space<vmem>> -> memref<1x128xi32, #tpu.memory_space<vmem>>
          %dma_wait3A_89 = tpu.memref_squeeze %dma_wait3A_88 : memref<1x128xi32, #tpu.memory_space<vmem>> -> memref<128xi32, #tpu.memory_space<vmem>>
          %dma_wait3A_90 = arith.constant 0 : i32
          %dma_wait3A_91 = arith.constant 0 : i32
          %dma_wait3A_92 = tpu.memref_slice %arg8[%dma_wait3A_90, %dma_wait3A_91] : memref<327680x128xf32, #tpu.memory_space<hbm>> -> memref<327680x128xf32, #tpu.memory_space<hbm>>
          tpu.wait_indirect_dma semaphore(%run_scoped3A : memref<!tpu.dma_semaphore, #tpu.memory_space<semaphore_mem>>) src(%arg16 : memref<128x128xf32, #tpu.memory_space<vmem>>) dst(%dma_wait3A_92 : memref<327680x128xf32, #tpu.memory_space<hbm>>)
          tpu.yield
        }) : () -> ()
        %add3A_76 = arith.constant 2 : i32
        %add3A_77 = arith.addi %add3A_55, %add3A_76 : i32
        %lt3A_78 = arith.cmpi slt, %add3A_77, %shift_right_logical3A_19 : i32
        %convert_element_type3A_79 = arith.extui %lt3A_78 : i1 to i32
        %cond3A_80 = arith.constant 0 : i32
        %cond3A_81 = arith.cmpi ne, %convert_element_type3A_79, %cond3A_80 : i32
        scf.if %cond3A_81 {
          %add3A_82 = arith.constant 2 : i32
          %add3A_83 = arith.addi %add3A_55, %add3A_82 : i32
          %dma_start3A = arith.constant 0 : i32
          %dma_start3A_84 = tpu.memref_slice %arg12[%add3A_83, %dma_start3A] : memref<80x128xi32, #tpu.memory_space<vmem>> -> memref<1x128xi32, #tpu.memory_space<vmem>>
          %dma_start3A_85 = tpu.memref_squeeze %dma_start3A_84 : memref<1x128xi32, #tpu.memory_space<vmem>> -> memref<128xi32, #tpu.memory_space<vmem>>
          %dma_start3A_86 = arith.constant 0 : i32
          %dma_start3A_87 = arith.constant 0 : i32
          %dma_start3A_88 = tpu.memref_slice %arg2[%dma_start3A_86, %dma_start3A_87] : memref<10000x128xf32, #tpu.memory_space<hbm>> -> memref<10000x128xf32, #tpu.memory_space<hbm>>
          tpu.enqueue_indirect_dma source(%dma_start3A_88 : memref<10000x128xf32, #tpu.memory_space<hbm>>) target(%arg16 : memref<128x128xf32, #tpu.memory_space<vmem>>) offsets(%dma_start3A_85 : memref<128xi32, #tpu.memory_space<vmem>>) semaphore(%arg20 : memref<!tpu.dma_semaphore, #tpu.memory_space<semaphore_mem>>)
          %add3A_89 = arith.constant 2 : i32
          %add3A_90 = arith.addi %add3A_55, %add3A_89 : i32
          %dma_start3A_91 = arith.constant 0 : i32
          %dma_start3A_92 = tpu.memref_slice %arg13[%add3A_90, %dma_start3A_91] : memref<80x128xi32, #tpu.memory_space<vmem>> -> memref<1x128xi32, #tpu.memory_space<vmem>>
          %dma_start3A_93 = tpu.memref_squeeze %dma_start3A_92 : memref<1x128xi32, #tpu.memory_space<vmem>> -> memref<128xi32, #tpu.memory_space<vmem>>
          %dma_start3A_94 = arith.constant 0 : i32
          %dma_start3A_95 = arith.constant 0 : i32
          %dma_start3A_96 = tpu.memref_slice %arg3[%dma_start3A_94, %dma_start3A_95] : memref<10000x128xf32, #tpu.memory_space<hbm>> -> memref<10000x128xf32, #tpu.memory_space<hbm>>
          tpu.enqueue_indirect_dma source(%dma_start3A_96 : memref<10000x128xf32, #tpu.memory_space<hbm>>) target(%arg18 : memref<128x128xf32, #tpu.memory_space<vmem>>) offsets(%dma_start3A_93 : memref<128xi32, #tpu.memory_space<vmem>>) semaphore(%arg22 : memref<!tpu.dma_semaphore, #tpu.memory_space<semaphore_mem>>)
        } else {
        }
      } else {
      }
    }
    %while3A_45 = arith.constant 1 : i32
    scf.for %while3A_46 = %while3A_43 to %while3A_39 step %while3A_45  : i32 {
      %mul3A_47 = arith.muli %while3A_46, %while3A : i32
      %add3A_48 = arith.addi %while3A_36, %mul3A_47 : i32
      %add3A_49 = arith.constant 0 : i32
      %add3A_50 = arith.addi %add3A_48, %add3A_49 : i32
      %lt3A = arith.cmpi slt, %add3A_50, %shift_right_logical3A_19 : i32
      %convert_element_type3A_51 = arith.extui %lt3A : i1 to i32
      %cond3A_52 = arith.constant 0 : i32
      %cond3A_53 = arith.cmpi ne, %convert_element_type3A_51, %cond3A_52 : i32
      scf.if %cond3A_53 {
        %dma_wait3A = arith.constant 0 : i32
        %dma_wait3A_60 = tpu.memref_slice %arg12[%add3A_50, %dma_wait3A] : memref<80x128xi32, #tpu.memory_space<vmem>> -> memref<1x128xi32, #tpu.memory_space<vmem>>
        %dma_wait3A_61 = tpu.memref_squeeze %dma_wait3A_60 : memref<1x128xi32, #tpu.memory_space<vmem>> -> memref<128xi32, #tpu.memory_space<vmem>>
        %dma_wait3A_62 = arith.constant 0 : i32
        %dma_wait3A_63 = arith.constant 0 : i32
        %dma_wait3A_64 = tpu.memref_slice %arg2[%dma_wait3A_62, %dma_wait3A_63] : memref<10000x128xf32, #tpu.memory_space<hbm>> -> memref<10000x128xf32, #tpu.memory_space<hbm>>
        tpu.wait_indirect_dma semaphore(%arg19 : memref<!tpu.dma_semaphore, #tpu.memory_space<semaphore_mem>>) src(%dma_wait3A_64 : memref<10000x128xf32, #tpu.memory_space<hbm>>) dst(%arg15 : memref<128x128xf32, #tpu.memory_space<vmem>>)
        %dma_wait3A_65 = arith.constant 0 : i32
        %dma_wait3A_66 = tpu.memref_slice %arg13[%add3A_50, %dma_wait3A_65] : memref<80x128xi32, #tpu.memory_space<vmem>> -> memref<1x128xi32, #tpu.memory_space<vmem>>
        %dma_wait3A_67 = tpu.memref_squeeze %dma_wait3A_66 : memref<1x128xi32, #tpu.memory_space<vmem>> -> memref<128xi32, #tpu.memory_space<vmem>>
        %dma_wait3A_68 = arith.constant 0 : i32
        %dma_wait3A_69 = arith.constant 0 : i32
        %dma_wait3A_70 = tpu.memref_slice %arg3[%dma_wait3A_68, %dma_wait3A_69] : memref<10000x128xf32, #tpu.memory_space<hbm>> -> memref<10000x128xf32, #tpu.memory_space<hbm>>
        tpu.wait_indirect_dma semaphore(%arg21 : memref<!tpu.dma_semaphore, #tpu.memory_space<semaphore_mem>>) src(%dma_wait3A_70 : memref<10000x128xf32, #tpu.memory_space<hbm>>) dst(%arg17 : memref<128x128xf32, #tpu.memory_space<vmem>>)
        %scan3A_71 = arith.constant 0 : i32
        %scan3A_72 = arith.constant 128 : i32
        %scan3A_73 = arith.addi %scan3A_71, %scan3A_72 : i32
        %scan3A_74 = arith.constant 4 : i32
        scf.for %scan3A_82 = %scan3A_71 to %scan3A_73 step %scan3A_74  : i32 {
          %mul3A_83 = arith.constant 1 : i32
          %mul3A_84 = arith.muli %scan3A_82, %mul3A_83 : i32
          %add3A_85 = arith.constant 0 : i32
          %add3A_86 = arith.addi %add3A_85, %mul3A_84 : i32
          %get3A = arith.index_cast %add3A_86 : i32 to index
          %get3A_87 = arith.constant 0 : index
          %get3A_88 = tpu.vector_load %arg17[%get3A, %get3A_87] {strides = array<i32>} : memref<128x128xf32, #tpu.memory_space<vmem>>, vector<16xf32>,
          %swap3A = arith.index_cast %add3A_86 : i32 to index
          %swap3A_89 = arith.constant 0 : index
          %swap3A_90 = tpu.vector_load %arg15[%swap3A, %swap3A_89] {strides = array<i32>} : memref<128x128xf32, #tpu.memory_space<vmem>>, vector<16xf32>,
          tpu.vector_store %arg15[%swap3A, %swap3A_89], %get3A_88 {add = true, strides = array<i32>} : memref<128x128xf32, #tpu.memory_space<vmem>>, vector<16xf32>,
          %get3A_91 = arith.index_cast %add3A_86 : i32 to index
          %get3A_92 = arith.constant 16 : index
          %get3A_93 = tpu.vector_load %arg17[%get3A_91, %get3A_92] {strides = array<i32>} : memref<128x128xf32, #tpu.memory_space<vmem>>, vector<16xf32>,
          %swap3A_94 = arith.index_cast %add3A_86 : i32 to index
          %swap3A_95 = arith.constant 16 : index
          %swap3A_96 = tpu.vector_load %arg15[%swap3A_94, %swap3A_95] {strides = array<i32>} : memref<128x128xf32, #tpu.memory_space<vmem>>, vector<16xf32>,
          tpu.vector_store %arg15[%swap3A_94, %swap3A_95], %get3A_93 {add = true, strides = array<i32>} : memref<128x128xf32, #tpu.memory_space<vmem>>, vector<16xf32>,
          %get3A_97 = arith.index_cast %add3A_86 : i32 to index
          %get3A_98 = arith.constant 32 : index
          %get3A_99 = tpu.vector_load %arg17[%get3A_97, %get3A_98] {strides = array<i32>} : memref<128x128xf32, #tpu.memory_space<vmem>>, vector<16xf32>,
          %swap3A_100 = arith.index_cast %add3A_86 : i32 to index
          %swap3A_101 = arith.constant 32 : index
          %swap3A_102 = tpu.vector_load %arg15[%swap3A_100, %swap3A_101] {strides = array<i32>} : memref<128x128xf32, #tpu.memory_space<vmem>>, vector<16xf32>,
          tpu.vector_store %arg15[%swap3A_100, %swap3A_101], %get3A_99 {add = true, strides = array<i32>} : memref<128x128xf32, #tpu.memory_space<vmem>>, vector<16xf32>,
          %get3A_103 = arith.index_cast %add3A_86 : i32 to index
          %get3A_104 = arith.constant 48 : index
          %get3A_105 = tpu.vector_load %arg17[%get3A_103, %get3A_104] {strides = array<i32>} : memref<128x128xf32, #tpu.memory_space<vmem>>, vector<16xf32>,
          %swap3A_106 = arith.index_cast %add3A_86 : i32 to index
          %swap3A_107 = arith.constant 48 : index
          %swap3A_108 = tpu.vector_load %arg15[%swap3A_106, %swap3A_107] {strides = array<i32>} : memref<128x128xf32, #tpu.memory_space<vmem>>, vector<16xf32>,
          tpu.vector_store %arg15[%swap3A_106, %swap3A_107], %get3A_105 {add = true, strides = array<i32>} : memref<128x128xf32, #tpu.memory_space<vmem>>, vector<16xf32>,
          %get3A_109 = arith.index_cast %add3A_86 : i32 to index
          %get3A_110 = arith.constant 64 : index
          %get3A_111 = tpu.vector_load %arg17[%get3A_109, %get3A_110] {strides = array<i32>} : memref<128x128xf32, #tpu.memory_space<vmem>>, vector<16xf32>,
          %swap3A_112 = arith.index_cast %add3A_86 : i32 to index
          %swap3A_113 = arith.constant 64 : index
          %swap3A_114 = tpu.vector_load %arg15[%swap3A_112, %swap3A_113] {strides = array<i32>} : memref<128x128xf32, #tpu.memory_space<vmem>>, vector<16xf32>,
          tpu.vector_store %arg15[%swap3A_112, %swap3A_113], %get3A_111 {add = true, strides = array<i32>} : memref<128x128xf32, #tpu.memory_space<vmem>>, vector<16xf32>,
          %get3A_115 = arith.index_cast %add3A_86 : i32 to index
          %get3A_116 = arith.constant 80 : index
          %get3A_117 = tpu.vector_load %arg17[%get3A_115, %get3A_116] {strides = array<i32>} : memref<128x128xf32, #tpu.memory_space<vmem>>, vector<16xf32>,
          %swap3A_118 = arith.index_cast %add3A_86 : i32 to index
          %swap3A_119 = arith.constant 80 : index
          %swap3A_120 = tpu.vector_load %arg15[%swap3A_118, %swap3A_119] {strides = array<i32>} : memref<128x128xf32, #tpu.memory_space<vmem>>, vector<16xf32>,
          tpu.vector_store %arg15[%swap3A_118, %swap3A_119], %get3A_117 {add = true, strides = array<i32>} : memref<128x128xf32, #tpu.memory_space<vmem>>, vector<16xf32>,
          %get3A_121 = arith.index_cast %add3A_86 : i32 to index
          %get3A_122 = arith.constant 96 : index
          %get3A_123 = tpu.vector_load %arg17[%get3A_121, %get3A_122] {strides = array<i32>} : memref<128x128xf32, #tpu.memory_space<vmem>>, vector<16xf32>,
          %swap3A_124 = arith.index_cast %add3A_86 : i32 to index
          %swap3A_125 = arith.constant 96 : index
          %swap3A_126 = tpu.vector_load %arg15[%swap3A_124, %swap3A_125] {strides = array<i32>} : memref<128x128xf32, #tpu.memory_space<vmem>>, vector<16xf32>,
          tpu.vector_store %arg15[%swap3A_124, %swap3A_125], %get3A_123 {add = true, strides = array<i32>} : memref<128x128xf32, #tpu.memory_space<vmem>>, vector<16xf32>,
          %get3A_127 = arith.index_cast %add3A_86 : i32 to index
          %get3A_128 = arith.constant 112 : index
          %get3A_129 = tpu.vector_load %arg17[%get3A_127, %get3A_128] {strides = array<i32>} : memref<128x128xf32, #tpu.memory_space<vmem>>, vector<16xf32>,
          %swap3A_130 = arith.index_cast %add3A_86 : i32 to index
          %swap3A_131 = arith.constant 112 : index
          %swap3A_132 = tpu.vector_load %arg15[%swap3A_130, %swap3A_131] {strides = array<i32>} : memref<128x128xf32, #tpu.memory_space<vmem>>, vector<16xf32>,
          tpu.vector_store %arg15[%swap3A_130, %swap3A_131], %get3A_129 {add = true, strides = array<i32>} : memref<128x128xf32, #tpu.memory_space<vmem>>, vector<16xf32>,
          %scan3A_133 = arith.constant 1 : i32
          %scan3A_134 = arith.addi %scan3A_82, %scan3A_133 : i32
          %mul3A_135 = arith.constant 1 : i32
          %mul3A_136 = arith.muli %scan3A_134, %mul3A_135 : i32
          %add3A_137 = arith.constant 0 : i32
          %add3A_138 = arith.addi %add3A_137, %mul3A_136 : i32
          %get3A_139 = arith.index_cast %add3A_138 : i32 to index
          %get3A_140 = arith.constant 0 : index
          %get3A_141 = tpu.vector_load %arg17[%get3A_139, %get3A_140] {strides = array<i32>} : memref<128x128xf32, #tpu.memory_space<vmem>>, vector<16xf32>,
          %swap3A_142 = arith.index_cast %add3A_138 : i32 to index
          %swap3A_143 = arith.constant 0 : index
          %swap3A_144 = tpu.vector_load %arg15[%swap3A_142, %swap3A_143] {strides = array<i32>} : memref<128x128xf32, #tpu.memory_space<vmem>>, vector<16xf32>,
          tpu.vector_store %arg15[%swap3A_142, %swap3A_143], %get3A_141 {add = true, strides = array<i32>} : memref<128x128xf32, #tpu.memory_space<vmem>>, vector<16xf32>,
          %get3A_145 = arith.index_cast %add3A_138 : i32 to index
          %get3A_146 = arith.constant 16 : index
          %get3A_147 = tpu.vector_load %arg17[%get3A_145, %get3A_146] {strides = array<i32>} : memref<128x128xf32, #tpu.memory_space<vmem>>, vector<16xf32>,
          %swap3A_148 = arith.index_cast %add3A_138 : i32 to index
          %swap3A_149 = arith.constant 16 : index
          %swap3A_150 = tpu.vector_load %arg15[%swap3A_148, %swap3A_149] {strides = array<i32>} : memref<128x128xf32, #tpu.memory_space<vmem>>, vector<16xf32>,
          tpu.vector_store %arg15[%swap3A_148, %swap3A_149], %get3A_147 {add = true, strides = array<i32>} : memref<128x128xf32, #tpu.memory_space<vmem>>, vector<16xf32>,
          %get3A_151 = arith.index_cast %add3A_138 : i32 to index
          %get3A_152 = arith.constant 32 : index
          %get3A_153 = tpu.vector_load %arg17[%get3A_151, %get3A_152] {strides = array<i32>} : memref<128x128xf32, #tpu.memory_space<vmem>>, vector<16xf32>,
          %swap3A_154 = arith.index_cast %add3A_138 : i32 to index
          %swap3A_155 = arith.constant 32 : index
          %swap3A_156 = tpu.vector_load %arg15[%swap3A_154, %swap3A_155] {strides = array<i32>} : memref<128x128xf32, #tpu.memory_space<vmem>>, vector<16xf32>,
          tpu.vector_store %arg15[%swap3A_154, %swap3A_155], %get3A_153 {add = true, strides = array<i32>} : memref<128x128xf32, #tpu.memory_space<vmem>>, vector<16xf32>,
          %get3A_157 = arith.index_cast %add3A_138 : i32 to index
          %get3A_158 = arith.constant 48 : index
          %get3A_159 = tpu.vector_load %arg17[%get3A_157, %get3A_158] {strides = array<i32>} : memref<128x128xf32, #tpu.memory_space<vmem>>, vector<16xf32>,
          %swap3A_160 = arith.index_cast %add3A_138 : i32 to index
          %swap3A_161 = arith.constant 48 : index
          %swap3A_162 = tpu.vector_load %arg15[%swap3A_160, %swap3A_161] {strides = array<i32>} : memref<128x128xf32, #tpu.memory_space<vmem>>, vector<16xf32>,
          tpu.vector_store %arg15[%swap3A_160, %swap3A_161], %get3A_159 {add = true, strides = array<i32>} : memref<128x128xf32, #tpu.memory_space<vmem>>, vector<16xf32>,
          %get3A_163 = arith.index_cast %add3A_138 : i32 to index
          %get3A_164 = arith.constant 64 : index
          %get3A_165 = tpu.vector_load %arg17[%get3A_163, %get3A_164] {strides = array<i32>} : memref<128x128xf32, #tpu.memory_space<vmem>>, vector<16xf32>,
          %swap3A_166 = arith.index_cast %add3A_138 : i32 to index
          %swap3A_167 = arith.constant 64 : index
          %swap3A_168 = tpu.vector_load %arg15[%swap3A_166, %swap3A_167] {strides = array<i32>} : memref<128x128xf32, #tpu.memory_space<vmem>>, vector<16xf32>,
          tpu.vector_store %arg15[%swap3A_166, %swap3A_167], %get3A_165 {add = true, strides = array<i32>} : memref<128x128xf32, #tpu.memory_space<vmem>>, vector<16xf32>,
          %get3A_169 = arith.index_cast %add3A_138 : i32 to index
          %get3A_170 = arith.constant 80 : index
          %get3A_171 = tpu.vector_load %arg17[%get3A_169, %get3A_170] {strides = array<i32>} : memref<128x128xf32, #tpu.memory_space<vmem>>, vector<16xf32>,
          %swap3A_172 = arith.index_cast %add3A_138 : i32 to index
          %swap3A_173 = arith.constant 80 : index
          %swap3A_174 = tpu.vector_load %arg15[%swap3A_172, %swap3A_173] {strides = array<i32>} : memref<128x128xf32, #tpu.memory_space<vmem>>, vector<16xf32>,
          tpu.vector_store %arg15[%swap3A_172, %swap3A_173], %get3A_171 {add = true, strides = array<i32>} : memref<128x128xf32, #tpu.memory_space<vmem>>, vector<16xf32>,
          %get3A_175 = arith.index_cast %add3A_138 : i32 to index
          %get3A_176 = arith.constant 96 : index
          %get3A_177 = tpu.vector_load %arg17[%get3A_175, %get3A_176] {strides = array<i32>} : memref<128x128xf32, #tpu.memory_space<vmem>>, vector<16xf32>,
          %swap3A_178 = arith.index_cast %add3A_138 : i32 to index
          %swap3A_179 = arith.constant 96 : index
          %swap3A_180 = tpu.vector_load %arg15[%swap3A_178, %swap3A_179] {strides = array<i32>} : memref<128x128xf32, #tpu.memory_space<vmem>>, vector<16xf32>,
          tpu.vector_store %arg15[%swap3A_178, %swap3A_179], %get3A_177 {add = true, strides = array<i32>} : memref<128x128xf32, #tpu.memory_space<vmem>>, vector<16xf32>,
          %get3A_181 = arith.index_cast %add3A_138 : i32 to index
          %get3A_182 = arith.constant 112 : index
          %get3A_183 = tpu.vector_load %arg17[%get3A_181, %get3A_182] {strides = array<i32>} : memref<128x128xf32, #tpu.memory_space<vmem>>, vector<16xf32>,
          %swap3A_184 = arith.index_cast %add3A_138 : i32 to index
          %swap3A_185 = arith.constant 112 : index
          %swap3A_186 = tpu.vector_load %arg15[%swap3A_184, %swap3A_185] {strides = array<i32>} : memref<128x128xf32, #tpu.memory_space<vmem>>, vector<16xf32>,
          tpu.vector_store %arg15[%swap3A_184, %swap3A_185], %get3A_183 {add = true, strides = array<i32>} : memref<128x128xf32, #tpu.memory_space<vmem>>, vector<16xf32>,
          %scan3A_187 = arith.constant 2 : i32
          %scan3A_188 = arith.addi %scan3A_82, %scan3A_187 : i32
          %mul3A_189 = arith.constant 1 : i32
          %mul3A_190 = arith.muli %scan3A_188, %mul3A_189 : i32
          %add3A_191 = arith.constant 0 : i32
          %add3A_192 = arith.addi %add3A_191, %mul3A_190 : i32
          %get3A_193 = arith.index_cast %add3A_192 : i32 to index
          %get3A_194 = arith.constant 0 : index
          %get3A_195 = tpu.vector_load %arg17[%get3A_193, %get3A_194] {strides = array<i32>} : memref<128x128xf32, #tpu.memory_space<vmem>>, vector<16xf32>,
          %swap3A_196 = arith.index_cast %add3A_192 : i32 to index
          %swap3A_197 = arith.constant 0 : index
          %swap3A_198 = tpu.vector_load %arg15[%swap3A_196, %swap3A_197] {strides = array<i32>} : memref<128x128xf32, #tpu.memory_space<vmem>>, vector<16xf32>,
          tpu.vector_store %arg15[%swap3A_196, %swap3A_197], %get3A_195 {add = true, strides = array<i32>} : memref<128x128xf32, #tpu.memory_space<vmem>>, vector<16xf32>,
          %get3A_199 = arith.index_cast %add3A_192 : i32 to index
          %get3A_200 = arith.constant 16 : index
          %get3A_201 = tpu.vector_load %arg17[%get3A_199, %get3A_200] {strides = array<i32>} : memref<128x128xf32, #tpu.memory_space<vmem>>, vector<16xf32>,
          %swap3A_202 = arith.index_cast %add3A_192 : i32 to index
          %swap3A_203 = arith.constant 16 : index
          %swap3A_204 = tpu.vector_load %arg15[%swap3A_202, %swap3A_203] {strides = array<i32>} : memref<128x128xf32, #tpu.memory_space<vmem>>, vector<16xf32>,
          tpu.vector_store %arg15[%swap3A_202, %swap3A_203], %get3A_201 {add = true, strides = array<i32>} : memref<128x128xf32, #tpu.memory_space<vmem>>, vector<16xf32>,
          %get3A_205 = arith.index_cast %add3A_192 : i32 to index
          %get3A_206 = arith.constant 32 : index
          %get3A_207 = tpu.vector_load %arg17[%get3A_205, %get3A_206] {strides = array<i32>} : memref<128x128xf32, #tpu.memory_space<vmem>>, vector<16xf32>,
          %swap3A_208 = arith.index_cast %add3A_192 : i32 to index
          %swap3A_209 = arith.constant 32 : index
          %swap3A_210 = tpu.vector_load %arg15[%swap3A_208, %swap3A_209] {strides = array<i32>} : memref<128x128xf32, #tpu.memory_space<vmem>>, vector<16xf32>,
          tpu.vector_store %arg15[%swap3A_208, %swap3A_209], %get3A_207 {add = true, strides = array<i32>} : memref<128x128xf32, #tpu.memory_space<vmem>>, vector<16xf32>,
          %get3A_211 = arith.index_cast %add3A_192 : i32 to index
          %get3A_212 = arith.constant 48 : index
          %get3A_213 = tpu.vector_load %arg17[%get3A_211, %get3A_212] {strides = array<i32>} : memref<128x128xf32, #tpu.memory_space<vmem>>, vector<16xf32>,
          %swap3A_214 = arith.index_cast %add3A_192 : i32 to index
          %swap3A_215 = arith.constant 48 : index
          %swap3A_216 = tpu.vector_load %arg15[%swap3A_214, %swap3A_215] {strides = array<i32>} : memref<128x128xf32, #tpu.memory_space<vmem>>, vector<16xf32>,
          tpu.vector_store %arg15[%swap3A_214, %swap3A_215], %get3A_213 {add = true, strides = array<i32>} : memref<128x128xf32, #tpu.memory_space<vmem>>, vector<16xf32>,
          %get3A_217 = arith.index_cast %add3A_192 : i32 to index
          %get3A_218 = arith.constant 64 : index
          %get3A_219 = tpu.vector_load %arg17[%get3A_217, %get3A_218] {strides = array<i32>} : memref<128x128xf32, #tpu.memory_space<vmem>>, vector<16xf32>,
          %swap3A_220 = arith.index_cast %add3A_192 : i32 to index
          %swap3A_221 = arith.constant 64 : index
          %swap3A_222 = tpu.vector_load %arg15[%swap3A_220, %swap3A_221] {strides = array<i32>} : memref<128x128xf32, #tpu.memory_space<vmem>>, vector<16xf32>,
          tpu.vector_store %arg15[%swap3A_220, %swap3A_221], %get3A_219 {add = true, strides = array<i32>} : memref<128x128xf32, #tpu.memory_space<vmem>>, vector<16xf32>,
          %get3A_223 = arith.index_cast %add3A_192 : i32 to index
          %get3A_224 = arith.constant 80 : index
          %get3A_225 = tpu.vector_load %arg17[%get3A_223, %get3A_224] {strides = array<i32>} : memref<128x128xf32, #tpu.memory_space<vmem>>, vector<16xf32>,
          %swap3A_226 = arith.index_cast %add3A_192 : i32 to index
          %swap3A_227 = arith.constant 80 : index
          %swap3A_228 = tpu.vector_load %arg15[%swap3A_226, %swap3A_227] {strides = array<i32>} : memref<128x128xf32, #tpu.memory_space<vmem>>, vector<16xf32>,
          tpu.vector_store %arg15[%swap3A_226, %swap3A_227], %get3A_225 {add = true, strides = array<i32>} : memref<128x128xf32, #tpu.memory_space<vmem>>, vector<16xf32>,
          %get3A_229 = arith.index_cast %add3A_192 : i32 to index
          %get3A_230 = arith.constant 96 : index
          %get3A_231 = tpu.vector_load %arg17[%get3A_229, %get3A_230] {strides = array<i32>} : memref<128x128xf32, #tpu.memory_space<vmem>>, vector<16xf32>,
          %swap3A_232 = arith.index_cast %add3A_192 : i32 to index
          %swap3A_233 = arith.constant 96 : index
          %swap3A_234 = tpu.vector_load %arg15[%swap3A_232, %swap3A_233] {strides = array<i32>} : memref<128x128xf32, #tpu.memory_space<vmem>>, vector<16xf32>,
          tpu.vector_store %arg15[%swap3A_232, %swap3A_233], %get3A_231 {add = true, strides = array<i32>} : memref<128x128xf32, #tpu.memory_space<vmem>>, vector<16xf32>,
          %get3A_235 = arith.index_cast %add3A_192 : i32 to index
          %get3A_236 = arith.constant 112 : index
          %get3A_237 = tpu.vector_load %arg17[%get3A_235, %get3A_236] {strides = array<i32>} : memref<128x128xf32, #tpu.memory_space<vmem>>, vector<16xf32>,
          %swap3A_238 = arith.index_cast %add3A_192 : i32 to index
          %swap3A_239 = arith.constant 112 : index
          %swap3A_240 = tpu.vector_load %arg15[%swap3A_238, %swap3A_239] {strides = array<i32>} : memref<128x128xf32, #tpu.memory_space<vmem>>, vector<16xf32>,
          tpu.vector_store %arg15[%swap3A_238, %swap3A_239], %get3A_237 {add = true, strides = array<i32>} : memref<128x128xf32, #tpu.memory_space<vmem>>, vector<16xf32>,
          %scan3A_241 = arith.constant 3 : i32
          %scan3A_242 = arith.addi %scan3A_82, %scan3A_241 : i32
          %mul3A_243 = arith.constant 1 : i32
          %mul3A_244 = arith.muli %scan3A_242, %mul3A_243 : i32
          %add3A_245 = arith.constant 0 : i32
          %add3A_246 = arith.addi %add3A_245, %mul3A_244 : i32
          %get3A_247 = arith.index_cast %add3A_246 : i32 to index
          %get3A_248 = arith.constant 0 : index
          %get3A_249 = tpu.vector_load %arg17[%get3A_247, %get3A_248] {strides = array<i32>} : memref<128x128xf32, #tpu.memory_space<vmem>>, vector<16xf32>,
          %swap3A_250 = arith.index_cast %add3A_246 : i32 to index
          %swap3A_251 = arith.constant 0 : index
          %swap3A_252 = tpu.vector_load %arg15[%swap3A_250, %swap3A_251] {strides = array<i32>} : memref<128x128xf32, #tpu.memory_space<vmem>>, vector<16xf32>,
          tpu.vector_store %arg15[%swap3A_250, %swap3A_251], %get3A_249 {add = true, strides = array<i32>} : memref<128x128xf32, #tpu.memory_space<vmem>>, vector<16xf32>,
          %get3A_253 = arith.index_cast %add3A_246 : i32 to index
          %get3A_254 = arith.constant 16 : index
          %get3A_255 = tpu.vector_load %arg17[%get3A_253, %get3A_254] {strides = array<i32>} : memref<128x128xf32, #tpu.memory_space<vmem>>, vector<16xf32>,
          %swap3A_256 = arith.index_cast %add3A_246 : i32 to index
          %swap3A_257 = arith.constant 16 : index
          %swap3A_258 = tpu.vector_load %arg15[%swap3A_256, %swap3A_257] {strides = array<i32>} : memref<128x128xf32, #tpu.memory_space<vmem>>, vector<16xf32>,
          tpu.vector_store %arg15[%swap3A_256, %swap3A_257], %get3A_255 {add = true, strides = array<i32>} : memref<128x128xf32, #tpu.memory_space<vmem>>, vector<16xf32>,
          %get3A_259 = arith.index_cast %add3A_246 : i32 to index
          %get3A_260 = arith.constant 32 : index
          %get3A_261 = tpu.vector_load %arg17[%get3A_259, %get3A_260] {strides = array<i32>} : memref<128x128xf32, #tpu.memory_space<vmem>>, vector<16xf32>,
          %swap3A_262 = arith.index_cast %add3A_246 : i32 to index
          %swap3A_263 = arith.constant 32 : index
          %swap3A_264 = tpu.vector_load %arg15[%swap3A_262, %swap3A_263] {strides = array<i32>} : memref<128x128xf32, #tpu.memory_space<vmem>>, vector<16xf32>,
          tpu.vector_store %arg15[%swap3A_262, %swap3A_263], %get3A_261 {add = true, strides = array<i32>} : memref<128x128xf32, #tpu.memory_space<vmem>>, vector<16xf32>,
          %get3A_265 = arith.index_cast %add3A_246 : i32 to index
          %get3A_266 = arith.constant 48 : index
          %get3A_267 = tpu.vector_load %arg17[%get3A_265, %get3A_266] {strides = array<i32>} : memref<128x128xf32, #tpu.memory_space<vmem>>, vector<16xf32>,
          %swap3A_268 = arith.index_cast %add3A_246 : i32 to index
          %swap3A_269 = arith.constant 48 : index
          %swap3A_270 = tpu.vector_load %arg15[%swap3A_268, %swap3A_269] {strides = array<i32>} : memref<128x128xf32, #tpu.memory_space<vmem>>, vector<16xf32>,
          tpu.vector_store %arg15[%swap3A_268, %swap3A_269], %get3A_267 {add = true, strides = array<i32>} : memref<128x128xf32, #tpu.memory_space<vmem>>, vector<16xf32>,
          %get3A_271 = arith.index_cast %add3A_246 : i32 to index
          %get3A_272 = arith.constant 64 : index
          %get3A_273 = tpu.vector_load %arg17[%get3A_271, %get3A_272] {strides = array<i32>} : memref<128x128xf32, #tpu.memory_space<vmem>>, vector<16xf32>,
          %swap3A_274 = arith.index_cast %add3A_246 : i32 to index
          %swap3A_275 = arith.constant 64 : index
          %swap3A_276 = tpu.vector_load %arg15[%swap3A_274, %swap3A_275] {strides = array<i32>} : memref<128x128xf32, #tpu.memory_space<vmem>>, vector<16xf32>,
          tpu.vector_store %arg15[%swap3A_274, %swap3A_275], %get3A_273 {add = true, strides = array<i32>} : memref<128x128xf32, #tpu.memory_space<vmem>>, vector<16xf32>,
          %get3A_277 = arith.index_cast %add3A_246 : i32 to index
          %get3A_278 = arith.constant 80 : index
          %get3A_279 = tpu.vector_load %arg17[%get3A_277, %get3A_278] {strides = array<i32>} : memref<128x128xf32, #tpu.memory_space<vmem>>, vector<16xf32>,
          %swap3A_280 = arith.index_cast %add3A_246 : i32 to index
          %swap3A_281 = arith.constant 80 : index
          %swap3A_282 = tpu.vector_load %arg15[%swap3A_280, %swap3A_281] {strides = array<i32>} : memref<128x128xf32, #tpu.memory_space<vmem>>, vector<16xf32>,
          tpu.vector_store %arg15[%swap3A_280, %swap3A_281], %get3A_279 {add = true, strides = array<i32>} : memref<128x128xf32, #tpu.memory_space<vmem>>, vector<16xf32>,
          %get3A_283 = arith.index_cast %add3A_246 : i32 to index
          %get3A_284 = arith.constant 96 : index
          %get3A_285 = tpu.vector_load %arg17[%get3A_283, %get3A_284] {strides = array<i32>} : memref<128x128xf32, #tpu.memory_space<vmem>>, vector<16xf32>,
          %swap3A_286 = arith.index_cast %add3A_246 : i32 to index
          %swap3A_287 = arith.constant 96 : index
          %swap3A_288 = tpu.vector_load %arg15[%swap3A_286, %swap3A_287] {strides = array<i32>} : memref<128x128xf32, #tpu.memory_space<vmem>>, vector<16xf32>,
          tpu.vector_store %arg15[%swap3A_286, %swap3A_287], %get3A_285 {add = true, strides = array<i32>} : memref<128x128xf32, #tpu.memory_space<vmem>>, vector<16xf32>,
          %get3A_289 = arith.index_cast %add3A_246 : i32 to index
          %get3A_290 = arith.constant 112 : index
          %get3A_291 = tpu.vector_load %arg17[%get3A_289, %get3A_290] {strides = array<i32>} : memref<128x128xf32, #tpu.memory_space<vmem>>, vector<16xf32>,
          %swap3A_292 = arith.index_cast %add3A_246 : i32 to index
          %swap3A_293 = arith.constant 112 : index
          %swap3A_294 = tpu.vector_load %arg15[%swap3A_292, %swap3A_293] {strides = array<i32>} : memref<128x128xf32, #tpu.memory_space<vmem>>, vector<16xf32>,
          tpu.vector_store %arg15[%swap3A_292, %swap3A_293], %get3A_291 {add = true, strides = array<i32>} : memref<128x128xf32, #tpu.memory_space<vmem>>, vector<16xf32>,
        }
        %scan3A_75 = arith.constant 128 : i32
        "tpu.region"() ({
          %run_scoped3A = tpu.sem_alloc : memref<!tpu.dma_semaphore, #tpu.memory_space<semaphore_mem>>
          %dma_start3A = arith.constant 0 : i32
          %dma_start3A_82 = tpu.memref_slice %arg14[%add3A_50, %dma_start3A] : memref<80x128xi32, #tpu.memory_space<vmem>> -> memref<1x128xi32, #tpu.memory_space<vmem>>
          %dma_start3A_83 = tpu.memref_squeeze %dma_start3A_82 : memref<1x128xi32, #tpu.memory_space<vmem>> -> memref<128xi32, #tpu.memory_space<vmem>>
          %dma_start3A_84 = arith.constant 0 : i32
          %dma_start3A_85 = arith.constant 0 : i32
          %dma_start3A_86 = tpu.memref_slice %arg8[%dma_start3A_84, %dma_start3A_85] : memref<327680x128xf32, #tpu.memory_space<hbm>> -> memref<327680x128xf32, #tpu.memory_space<hbm>>
          tpu.enqueue_indirect_dma source(%arg15 : memref<128x128xf32, #tpu.memory_space<vmem>>) target(%dma_start3A_86 : memref<327680x128xf32, #tpu.memory_space<hbm>>) offsets(%dma_start3A_83 : memref<128xi32, #tpu.memory_space<vmem>>) semaphore(%run_scoped3A : memref<!tpu.dma_semaphore, #tpu.memory_space<semaphore_mem>>)
          %dma_wait3A_87 = arith.constant 0 : i32
          %dma_wait3A_88 = tpu.memref_slice %arg14[%add3A_50, %dma_wait3A_87] : memref<80x128xi32, #tpu.memory_space<vmem>> -> memref<1x128xi32, #tpu.memory_space<vmem>>
          %dma_wait3A_89 = tpu.memref_squeeze %dma_wait3A_88 : memref<1x128xi32, #tpu.memory_space<vmem>> -> memref<128xi32, #tpu.memory_space<vmem>>
          %dma_wait3A_90 = arith.constant 0 : i32
          %dma_wait3A_91 = arith.constant 0 : i32
          %dma_wait3A_92 = tpu.memref_slice %arg8[%dma_wait3A_90, %dma_wait3A_91] : memref<327680x128xf32, #tpu.memory_space<hbm>> -> memref<327680x128xf32, #tpu.memory_space<hbm>>
          tpu.wait_indirect_dma semaphore(%run_scoped3A : memref<!tpu.dma_semaphore, #tpu.memory_space<semaphore_mem>>) src(%arg15 : memref<128x128xf32, #tpu.memory_space<vmem>>) dst(%dma_wait3A_92 : memref<327680x128xf32, #tpu.memory_space<hbm>>)
          tpu.yield
        }) : () -> ()
        %add3A_76 = arith.constant 2 : i32
        %add3A_77 = arith.addi %add3A_50, %add3A_76 : i32
        %lt3A_78 = arith.cmpi slt, %add3A_77, %shift_right_logical3A_19 : i32
        %convert_element_type3A_79 = arith.extui %lt3A_78 : i1 to i32
        %cond3A_80 = arith.constant 0 : i32
        %cond3A_81 = arith.cmpi ne, %convert_element_type3A_79, %cond3A_80 : i32
        scf.if %cond3A_81 {
          %add3A_82 = arith.constant 2 : i32
          %add3A_83 = arith.addi %add3A_50, %add3A_82 : i32
          %dma_start3A = arith.constant 0 : i32
          %dma_start3A_84 = tpu.memref_slice %arg12[%add3A_83, %dma_start3A] : memref<80x128xi32, #tpu.memory_space<vmem>> -> memref<1x128xi32, #tpu.memory_space<vmem>>
          %dma_start3A_85 = tpu.memref_squeeze %dma_start3A_84 : memref<1x128xi32, #tpu.memory_space<vmem>> -> memref<128xi32, #tpu.memory_space<vmem>>
          %dma_start3A_86 = arith.constant 0 : i32
          %dma_start3A_87 = arith.constant 0 : i32
          %dma_start3A_88 = tpu.memref_slice %arg2[%dma_start3A_86, %dma_start3A_87] : memref<10000x128xf32, #tpu.memory_space<hbm>> -> memref<10000x128xf32, #tpu.memory_space<hbm>>
          tpu.enqueue_indirect_dma source(%dma_start3A_88 : memref<10000x128xf32, #tpu.memory_space<hbm>>) target(%arg15 : memref<128x128xf32, #tpu.memory_space<vmem>>) offsets(%dma_start3A_85 : memref<128xi32, #tpu.memory_space<vmem>>) semaphore(%arg19 : memref<!tpu.dma_semaphore, #tpu.memory_space<semaphore_mem>>)
          %add3A_89 = arith.constant 2 : i32
          %add3A_90 = arith.addi %add3A_50, %add3A_89 : i32
          %dma_start3A_91 = arith.constant 0 : i32
          %dma_start3A_92 = tpu.memref_slice %arg13[%add3A_90, %dma_start3A_91] : memref<80x128xi32, #tpu.memory_space<vmem>> -> memref<1x128xi32, #tpu.memory_space<vmem>>
          %dma_start3A_93 = tpu.memref_squeeze %dma_start3A_92 : memref<1x128xi32, #tpu.memory_space<vmem>> -> memref<128xi32, #tpu.memory_space<vmem>>
          %dma_start3A_94 = arith.constant 0 : i32
          %dma_start3A_95 = arith.constant 0 : i32
          %dma_start3A_96 = tpu.memref_slice %arg3[%dma_start3A_94, %dma_start3A_95] : memref<10000x128xf32, #tpu.memory_space<hbm>> -> memref<10000x128xf32, #tpu.memory_space<hbm>>
          tpu.enqueue_indirect_dma source(%dma_start3A_96 : memref<10000x128xf32, #tpu.memory_space<hbm>>) target(%arg17 : memref<128x128xf32, #tpu.memory_space<vmem>>) offsets(%dma_start3A_93 : memref<128xi32, #tpu.memory_space<vmem>>) semaphore(%arg21 : memref<!tpu.dma_semaphore, #tpu.memory_space<semaphore_mem>>)
        } else {
        }
      } else {
      }
      %add3A_54 = arith.constant 1 : i32
      %add3A_55 = arith.addi %add3A_48, %add3A_54 : i32
      %lt3A_56 = arith.cmpi slt, %add3A_55, %shift_right_logical3A_19 : i32
      %convert_element_type3A_57 = arith.extui %lt3A_56 : i1 to i32
      %cond3A_58 = arith.constant 0 : i32
      %cond3A_59 = arith.cmpi ne, %convert_element_type3A_57, %cond3A_58 : i32
      scf.if %cond3A_59 {
        %dma_wait3A = arith.constant 0 : i32
        %dma_wait3A_60 = tpu.memref_slice %arg12[%add3A_55, %dma_wait3A] : memref<80x128xi32, #tpu.memory_space<vmem>> -> memref<1x128xi32, #tpu.memory_space<vmem>>
        %dma_wait3A_61 = tpu.memref_squeeze %dma_wait3A_60 : memref<1x128xi32, #tpu.memory_space<vmem>> -> memref<128xi32, #tpu.memory_space<vmem>>
        %dma_wait3A_62 = arith.constant 0 : i32
        %dma_wait3A_63 = arith.constant 0 : i32
        %dma_wait3A_64 = tpu.memref_slice %arg2[%dma_wait3A_62, %dma_wait3A_63] : memref<10000x128xf32, #tpu.memory_space<hbm>> -> memref<10000x128xf32, #tpu.memory_space<hbm>>
        tpu.wait_indirect_dma semaphore(%arg20 : memref<!tpu.dma_semaphore, #tpu.memory_space<semaphore_mem>>) src(%dma_wait3A_64 : memref<10000x128xf32, #tpu.memory_space<hbm>>) dst(%arg16 : memref<128x128xf32, #tpu.memory_space<vmem>>)
        %dma_wait3A_65 = arith.constant 0 : i32
        %dma_wait3A_66 = tpu.memref_slice %arg13[%add3A_55, %dma_wait3A_65] : memref<80x128xi32, #tpu.memory_space<vmem>> -> memref<1x128xi32, #tpu.memory_space<vmem>>
        %dma_wait3A_67 = tpu.memref_squeeze %dma_wait3A_66 : memref<1x128xi32, #tpu.memory_space<vmem>> -> memref<128xi32, #tpu.memory_space<vmem>>
        %dma_wait3A_68 = arith.constant 0 : i32
        %dma_wait3A_69 = arith.constant 0 : i32
        %dma_wait3A_70 = tpu.memref_slice %arg3[%dma_wait3A_68, %dma_wait3A_69] : memref<10000x128xf32, #tpu.memory_space<hbm>> -> memref<10000x128xf32, #tpu.memory_space<hbm>>
        tpu.wait_indirect_dma semaphore(%arg22 : memref<!tpu.dma_semaphore, #tpu.memory_space<semaphore_mem>>) src(%dma_wait3A_70 : memref<10000x128xf32, #tpu.memory_space<hbm>>) dst(%arg18 : memref<128x128xf32, #tpu.memory_space<vmem>>)
        %scan3A_71 = arith.constant 0 : i32
        %scan3A_72 = arith.constant 128 : i32
        %scan3A_73 = arith.addi %scan3A_71, %scan3A_72 : i32
        %scan3A_74 = arith.constant 4 : i32
        scf.for %scan3A_82 = %scan3A_71 to %scan3A_73 step %scan3A_74  : i32 {
          %mul3A_83 = arith.constant 1 : i32
          %mul3A_84 = arith.muli %scan3A_82, %mul3A_83 : i32
          %add3A_85 = arith.constant 0 : i32
          %add3A_86 = arith.addi %add3A_85, %mul3A_84 : i32
          %get3A = arith.index_cast %add3A_86 : i32 to index
          %get3A_87 = arith.constant 0 : index
          %get3A_88 = tpu.vector_load %arg18[%get3A, %get3A_87] {strides = array<i32>} : memref<128x128xf32, #tpu.memory_space<vmem>>, vector<16xf32>,
          %swap3A = arith.index_cast %add3A_86 : i32 to index
          %swap3A_89 = arith.constant 0 : index
          %swap3A_90 = tpu.vector_load %arg16[%swap3A, %swap3A_89] {strides = array<i32>} : memref<128x128xf32, #tpu.memory_space<vmem>>, vector<16xf32>,
          tpu.vector_store %arg16[%swap3A, %swap3A_89], %get3A_88 {add = true, strides = array<i32>} : memref<128x128xf32, #tpu.memory_space<vmem>>, vector<16xf32>,
          %get3A_91 = arith.index_cast %add3A_86 : i32 to index
          %get3A_92 = arith.constant 16 : index
          %get3A_93 = tpu.vector_load %arg18[%get3A_91, %get3A_92] {strides = array<i32>} : memref<128x128xf32, #tpu.memory_space<vmem>>, vector<16xf32>,
          %swap3A_94 = arith.index_cast %add3A_86 : i32 to index
          %swap3A_95 = arith.constant 16 : index
          %swap3A_96 = tpu.vector_load %arg16[%swap3A_94, %swap3A_95] {strides = array<i32>} : memref<128x128xf32, #tpu.memory_space<vmem>>, vector<16xf32>,
          tpu.vector_store %arg16[%swap3A_94, %swap3A_95], %get3A_93 {add = true, strides = array<i32>} : memref<128x128xf32, #tpu.memory_space<vmem>>, vector<16xf32>,
          %get3A_97 = arith.index_cast %add3A_86 : i32 to index
          %get3A_98 = arith.constant 32 : index
          %get3A_99 = tpu.vector_load %arg18[%get3A_97, %get3A_98] {strides = array<i32>} : memref<128x128xf32, #tpu.memory_space<vmem>>, vector<16xf32>,
          %swap3A_100 = arith.index_cast %add3A_86 : i32 to index
          %swap3A_101 = arith.constant 32 : index
          %swap3A_102 = tpu.vector_load %arg16[%swap3A_100, %swap3A_101] {strides = array<i32>} : memref<128x128xf32, #tpu.memory_space<vmem>>, vector<16xf32>,
          tpu.vector_store %arg16[%swap3A_100, %swap3A_101], %get3A_99 {add = true, strides = array<i32>} : memref<128x128xf32, #tpu.memory_space<vmem>>, vector<16xf32>,
          %get3A_103 = arith.index_cast %add3A_86 : i32 to index
          %get3A_104 = arith.constant 48 : index
          %get3A_105 = tpu.vector_load %arg18[%get3A_103, %get3A_104] {strides = array<i32>} : memref<128x128xf32, #tpu.memory_space<vmem>>, vector<16xf32>,
          %swap3A_106 = arith.index_cast %add3A_86 : i32 to index
          %swap3A_107 = arith.constant 48 : index
          %swap3A_108 = tpu.vector_load %arg16[%swap3A_106, %swap3A_107] {strides = array<i32>} : memref<128x128xf32, #tpu.memory_space<vmem>>, vector<16xf32>,
          tpu.vector_store %arg16[%swap3A_106, %swap3A_107], %get3A_105 {add = true, strides = array<i32>} : memref<128x128xf32, #tpu.memory_space<vmem>>, vector<16xf32>,
          %get3A_109 = arith.index_cast %add3A_86 : i32 to index
          %get3A_110 = arith.constant 64 : index
          %get3A_111 = tpu.vector_load %arg18[%get3A_109, %get3A_110] {strides = array<i32>} : memref<128x128xf32, #tpu.memory_space<vmem>>, vector<16xf32>,
          %swap3A_112 = arith.index_cast %add3A_86 : i32 to index
          %swap3A_113 = arith.constant 64 : index
          %swap3A_114 = tpu.vector_load %arg16[%swap3A_112, %swap3A_113] {strides = array<i32>} : memref<128x128xf32, #tpu.memory_space<vmem>>, vector<16xf32>,
          tpu.vector_store %arg16[%swap3A_112, %swap3A_113], %get3A_111 {add = true, strides = array<i32>} : memref<128x128xf32, #tpu.memory_space<vmem>>, vector<16xf32>,
          %get3A_115 = arith.index_cast %add3A_86 : i32 to index
          %get3A_116 = arith.constant 80 : index
          %get3A_117 = tpu.vector_load %arg18[%get3A_115, %get3A_116] {strides = array<i32>} : memref<128x128xf32, #tpu.memory_space<vmem>>, vector<16xf32>,
          %swap3A_118 = arith.index_cast %add3A_86 : i32 to index
          %swap3A_119 = arith.constant 80 : index
          %swap3A_120 = tpu.vector_load %arg16[%swap3A_118, %swap3A_119] {strides = array<i32>} : memref<128x128xf32, #tpu.memory_space<vmem>>, vector<16xf32>,
          tpu.vector_store %arg16[%swap3A_118, %swap3A_119], %get3A_117 {add = true, strides = array<i32>} : memref<128x128xf32, #tpu.memory_space<vmem>>, vector<16xf32>,
          %get3A_121 = arith.index_cast %add3A_86 : i32 to index
          %get3A_122 = arith.constant 96 : index
          %get3A_123 = tpu.vector_load %arg18[%get3A_121, %get3A_122] {strides = array<i32>} : memref<128x128xf32, #tpu.memory_space<vmem>>, vector<16xf32>,
          %swap3A_124 = arith.index_cast %add3A_86 : i32 to index
          %swap3A_125 = arith.constant 96 : index
          %swap3A_126 = tpu.vector_load %arg16[%swap3A_124, %swap3A_125] {strides = array<i32>} : memref<128x128xf32, #tpu.memory_space<vmem>>, vector<16xf32>,
          tpu.vector_store %arg16[%swap3A_124, %swap3A_125], %get3A_123 {add = true, strides = array<i32>} : memref<128x128xf32, #tpu.memory_space<vmem>>, vector<16xf32>,
          %get3A_127 = arith.index_cast %add3A_86 : i32 to index
          %get3A_128 = arith.constant 112 : index
          %get3A_129 = tpu.vector_load %arg18[%get3A_127, %get3A_128] {strides = array<i32>} : memref<128x128xf32, #tpu.memory_space<vmem>>, vector<16xf32>,
          %swap3A_130 = arith.index_cast %add3A_86 : i32 to index
          %swap3A_131 = arith.constant 112 : index
          %swap3A_132 = tpu.vector_load %arg16[%swap3A_130, %swap3A_131] {strides = array<i32>} : memref<128x128xf32, #tpu.memory_space<vmem>>, vector<16xf32>,
          tpu.vector_store %arg16[%swap3A_130, %swap3A_131], %get3A_129 {add = true, strides = array<i32>} : memref<128x128xf32, #tpu.memory_space<vmem>>, vector<16xf32>,
          %scan3A_133 = arith.constant 1 : i32
          %scan3A_134 = arith.addi %scan3A_82, %scan3A_133 : i32
          %mul3A_135 = arith.constant 1 : i32
          %mul3A_136 = arith.muli %scan3A_134, %mul3A_135 : i32
          %add3A_137 = arith.constant 0 : i32
          %add3A_138 = arith.addi %add3A_137, %mul3A_136 : i32
          %get3A_139 = arith.index_cast %add3A_138 : i32 to index
          %get3A_140 = arith.constant 0 : index
          %get3A_141 = tpu.vector_load %arg18[%get3A_139, %get3A_140] {strides = array<i32>} : memref<128x128xf32, #tpu.memory_space<vmem>>, vector<16xf32>,
          %swap3A_142 = arith.index_cast %add3A_138 : i32 to index
          %swap3A_143 = arith.constant 0 : index
          %swap3A_144 = tpu.vector_load %arg16[%swap3A_142, %swap3A_143] {strides = array<i32>} : memref<128x128xf32, #tpu.memory_space<vmem>>, vector<16xf32>,
          tpu.vector_store %arg16[%swap3A_142, %swap3A_143], %get3A_141 {add = true, strides = array<i32>} : memref<128x128xf32, #tpu.memory_space<vmem>>, vector<16xf32>,
          %get3A_145 = arith.index_cast %add3A_138 : i32 to index
          %get3A_146 = arith.constant 16 : index
          %get3A_147 = tpu.vector_load %arg18[%get3A_145, %get3A_146] {strides = array<i32>} : memref<128x128xf32, #tpu.memory_space<vmem>>, vector<16xf32>,
          %swap3A_148 = arith.index_cast %add3A_138 : i32 to index
          %swap3A_149 = arith.constant 16 : index
          %swap3A_150 = tpu.vector_load %arg16[%swap3A_148, %swap3A_149] {strides = array<i32>} : memref<128x128xf32, #tpu.memory_space<vmem>>, vector<16xf32>,
          tpu.vector_store %arg16[%swap3A_148, %swap3A_149], %get3A_147 {add = true, strides = array<i32>} : memref<128x128xf32, #tpu.memory_space<vmem>>, vector<16xf32>,
          %get3A_151 = arith.index_cast %add3A_138 : i32 to index
          %get3A_152 = arith.constant 32 : index
          %get3A_153 = tpu.vector_load %arg18[%get3A_151, %get3A_152] {strides = array<i32>} : memref<128x128xf32, #tpu.memory_space<vmem>>, vector<16xf32>,
          %swap3A_154 = arith.index_cast %add3A_138 : i32 to index
          %swap3A_155 = arith.constant 32 : index
          %swap3A_156 = tpu.vector_load %arg16[%swap3A_154, %swap3A_155] {strides = array<i32>} : memref<128x128xf32, #tpu.memory_space<vmem>>, vector<16xf32>,
          tpu.vector_store %arg16[%swap3A_154, %swap3A_155], %get3A_153 {add = true, strides = array<i32>} : memref<128x128xf32, #tpu.memory_space<vmem>>, vector<16xf32>,
          %get3A_157 = arith.index_cast %add3A_138 : i32 to index
          %get3A_158 = arith.constant 48 : index
          %get3A_159 = tpu.vector_load %arg18[%get3A_157, %get3A_158] {strides = array<i32>} : memref<128x128xf32, #tpu.memory_space<vmem>>, vector<16xf32>,
          %swap3A_160 = arith.index_cast %add3A_138 : i32 to index
          %swap3A_161 = arith.constant 48 : index
          %swap3A_162 = tpu.vector_load %arg16[%swap3A_160, %swap3A_161] {strides = array<i32>} : memref<128x128xf32, #tpu.memory_space<vmem>>, vector<16xf32>,
          tpu.vector_store %arg16[%swap3A_160, %swap3A_161], %get3A_159 {add = true, strides = array<i32>} : memref<128x128xf32, #tpu.memory_space<vmem>>, vector<16xf32>,
          %get3A_163 = arith.index_cast %add3A_138 : i32 to index
          %get3A_164 = arith.constant 64 : index
          %get3A_165 = tpu.vector_load %arg18[%get3A_163, %get3A_164] {strides = array<i32>} : memref<128x128xf32, #tpu.memory_space<vmem>>, vector<16xf32>,
          %swap3A_166 = arith.index_cast %add3A_138 : i32 to index
          %swap3A_167 = arith.constant 64 : index
          %swap3A_168 = tpu.vector_load %arg16[%swap3A_166, %swap3A_167] {strides = array<i32>} : memref<128x128xf32, #tpu.memory_space<vmem>>, vector<16xf32>,
          tpu.vector_store %arg16[%swap3A_166, %swap3A_167], %get3A_165 {add = true, strides = array<i32>} : memref<128x128xf32, #tpu.memory_space<vmem>>, vector<16xf32>,
          %get3A_169 = arith.index_cast %add3A_138 : i32 to index
          %get3A_170 = arith.constant 80 : index
          %get3A_171 = tpu.vector_load %arg18[%get3A_169, %get3A_170] {strides = array<i32>} : memref<128x128xf32, #tpu.memory_space<vmem>>, vector<16xf32>,
          %swap3A_172 = arith.index_cast %add3A_138 : i32 to index
          %swap3A_173 = arith.constant 80 : index
          %swap3A_174 = tpu.vector_load %arg16[%swap3A_172, %swap3A_173] {strides = array<i32>} : memref<128x128xf32, #tpu.memory_space<vmem>>, vector<16xf32>,
          tpu.vector_store %arg16[%swap3A_172, %swap3A_173], %get3A_171 {add = true, strides = array<i32>} : memref<128x128xf32, #tpu.memory_space<vmem>>, vector<16xf32>,
          %get3A_175 = arith.index_cast %add3A_138 : i32 to index
          %get3A_176 = arith.constant 96 : index
          %get3A_177 = tpu.vector_load %arg18[%get3A_175, %get3A_176] {strides = array<i32>} : memref<128x128xf32, #tpu.memory_space<vmem>>, vector<16xf32>,
          %swap3A_178 = arith.index_cast %add3A_138 : i32 to index
          %swap3A_179 = arith.constant 96 : index
          %swap3A_180 = tpu.vector_load %arg16[%swap3A_178, %swap3A_179] {strides = array<i32>} : memref<128x128xf32, #tpu.memory_space<vmem>>, vector<16xf32>,
          tpu.vector_store %arg16[%swap3A_178, %swap3A_179], %get3A_177 {add = true, strides = array<i32>} : memref<128x128xf32, #tpu.memory_space<vmem>>, vector<16xf32>,
          %get3A_181 = arith.index_cast %add3A_138 : i32 to index
          %get3A_182 = arith.constant 112 : index
          %get3A_183 = tpu.vector_load %arg18[%get3A_181, %get3A_182] {strides = array<i32>} : memref<128x128xf32, #tpu.memory_space<vmem>>, vector<16xf32>,
          %swap3A_184 = arith.index_cast %add3A_138 : i32 to index
          %swap3A_185 = arith.constant 112 : index
          %swap3A_186 = tpu.vector_load %arg16[%swap3A_184, %swap3A_185] {strides = array<i32>} : memref<128x128xf32, #tpu.memory_space<vmem>>, vector<16xf32>,
          tpu.vector_store %arg16[%swap3A_184, %swap3A_185], %get3A_183 {add = true, strides = array<i32>} : memref<128x128xf32, #tpu.memory_space<vmem>>, vector<16xf32>,
          %scan3A_187 = arith.constant 2 : i32
          %scan3A_188 = arith.addi %scan3A_82, %scan3A_187 : i32
          %mul3A_189 = arith.constant 1 : i32
          %mul3A_190 = arith.muli %scan3A_188, %mul3A_189 : i32
          %add3A_191 = arith.constant 0 : i32
          %add3A_192 = arith.addi %add3A_191, %mul3A_190 : i32
          %get3A_193 = arith.index_cast %add3A_192 : i32 to index
          %get3A_194 = arith.constant 0 : index
          %get3A_195 = tpu.vector_load %arg18[%get3A_193, %get3A_194] {strides = array<i32>} : memref<128x128xf32, #tpu.memory_space<vmem>>, vector<16xf32>,
          %swap3A_196 = arith.index_cast %add3A_192 : i32 to index
          %swap3A_197 = arith.constant 0 : index
          %swap3A_198 = tpu.vector_load %arg16[%swap3A_196, %swap3A_197] {strides = array<i32>} : memref<128x128xf32, #tpu.memory_space<vmem>>, vector<16xf32>,
          tpu.vector_store %arg16[%swap3A_196, %swap3A_197], %get3A_195 {add = true, strides = array<i32>} : memref<128x128xf32, #tpu.memory_space<vmem>>, vector<16xf32>,
          %get3A_199 = arith.index_cast %add3A_192 : i32 to index
          %get3A_200 = arith.constant 16 : index
          %get3A_201 = tpu.vector_load %arg18[%get3A_199, %get3A_200] {strides = array<i32>} : memref<128x128xf32, #tpu.memory_space<vmem>>, vector<16xf32>,
          %swap3A_202 = arith.index_cast %add3A_192 : i32 to index
          %swap3A_203 = arith.constant 16 : index
          %swap3A_204 = tpu.vector_load %arg16[%swap3A_202, %swap3A_203] {strides = array<i32>} : memref<128x128xf32, #tpu.memory_space<vmem>>, vector<16xf32>,
          tpu.vector_store %arg16[%swap3A_202, %swap3A_203], %get3A_201 {add = true, strides = array<i32>} : memref<128x128xf32, #tpu.memory_space<vmem>>, vector<16xf32>,
          %get3A_205 = arith.index_cast %add3A_192 : i32 to index
          %get3A_206 = arith.constant 32 : index
          %get3A_207 = tpu.vector_load %arg18[%get3A_205, %get3A_206] {strides = array<i32>} : memref<128x128xf32, #tpu.memory_space<vmem>>, vector<16xf32>,
          %swap3A_208 = arith.index_cast %add3A_192 : i32 to index
          %swap3A_209 = arith.constant 32 : index
          %swap3A_210 = tpu.vector_load %arg16[%swap3A_208, %swap3A_209] {strides = array<i32>} : memref<128x128xf32, #tpu.memory_space<vmem>>, vector<16xf32>,
          tpu.vector_store %arg16[%swap3A_208, %swap3A_209], %get3A_207 {add = true, strides = array<i32>} : memref<128x128xf32, #tpu.memory_space<vmem>>, vector<16xf32>,
          %get3A_211 = arith.index_cast %add3A_192 : i32 to index
          %get3A_212 = arith.constant 48 : index
          %get3A_213 = tpu.vector_load %arg18[%get3A_211, %get3A_212] {strides = array<i32>} : memref<128x128xf32, #tpu.memory_space<vmem>>, vector<16xf32>,
          %swap3A_214 = arith.index_cast %add3A_192 : i32 to index
          %swap3A_215 = arith.constant 48 : index
          %swap3A_216 = tpu.vector_load %arg16[%swap3A_214, %swap3A_215] {strides = array<i32>} : memref<128x128xf32, #tpu.memory_space<vmem>>, vector<16xf32>,
          tpu.vector_store %arg16[%swap3A_214, %swap3A_215], %get3A_213 {add = true, strides = array<i32>} : memref<128x128xf32, #tpu.memory_space<vmem>>, vector<16xf32>,
          %get3A_217 = arith.index_cast %add3A_192 : i32 to index
          %get3A_218 = arith.constant 64 : index
          %get3A_219 = tpu.vector_load %arg18[%get3A_217, %get3A_218] {strides = array<i32>} : memref<128x128xf32, #tpu.memory_space<vmem>>, vector<16xf32>,
          %swap3A_220 = arith.index_cast %add3A_192 : i32 to index
          %swap3A_221 = arith.constant 64 : index
          %swap3A_222 = tpu.vector_load %arg16[%swap3A_220, %swap3A_221] {strides = array<i32>} : memref<128x128xf32, #tpu.memory_space<vmem>>, vector<16xf32>,
          tpu.vector_store %arg16[%swap3A_220, %swap3A_221], %get3A_219 {add = true, strides = array<i32>} : memref<128x128xf32, #tpu.memory_space<vmem>>, vector<16xf32>,
          %get3A_223 = arith.index_cast %add3A_192 : i32 to index
          %get3A_224 = arith.constant 80 : index
          %get3A_225 = tpu.vector_load %arg18[%get3A_223, %get3A_224] {strides = array<i32>} : memref<128x128xf32, #tpu.memory_space<vmem>>, vector<16xf32>,
          %swap3A_226 = arith.index_cast %add3A_192 : i32 to index
          %swap3A_227 = arith.constant 80 : index
          %swap3A_228 = tpu.vector_load %arg16[%swap3A_226, %swap3A_227] {strides = array<i32>} : memref<128x128xf32, #tpu.memory_space<vmem>>, vector<16xf32>,
          tpu.vector_store %arg16[%swap3A_226, %swap3A_227], %get3A_225 {add = true, strides = array<i32>} : memref<128x128xf32, #tpu.memory_space<vmem>>, vector<16xf32>,
          %get3A_229 = arith.index_cast %add3A_192 : i32 to index
          %get3A_230 = arith.constant 96 : index
          %get3A_231 = tpu.vector_load %arg18[%get3A_229, %get3A_230] {strides = array<i32>} : memref<128x128xf32, #tpu.memory_space<vmem>>, vector<16xf32>,
          %swap3A_232 = arith.index_cast %add3A_192 : i32 to index
          %swap3A_233 = arith.constant 96 : index
          %swap3A_234 = tpu.vector_load %arg16[%swap3A_232, %swap3A_233] {strides = array<i32>} : memref<128x128xf32, #tpu.memory_space<vmem>>, vector<16xf32>,
          tpu.vector_store %arg16[%swap3A_232, %swap3A_233], %get3A_231 {add = true, strides = array<i32>} : memref<128x128xf32, #tpu.memory_space<vmem>>, vector<16xf32>,
          %get3A_235 = arith.index_cast %add3A_192 : i32 to index
          %get3A_236 = arith.constant 112 : index
          %get3A_237 = tpu.vector_load %arg18[%get3A_235, %get3A_236] {strides = array<i32>} : memref<128x128xf32, #tpu.memory_space<vmem>>, vector<16xf32>,
          %swap3A_238 = arith.index_cast %add3A_192 : i32 to index
          %swap3A_239 = arith.constant 112 : index
          %swap3A_240 = tpu.vector_load %arg16[%swap3A_238, %swap3A_239] {strides = array<i32>} : memref<128x128xf32, #tpu.memory_space<vmem>>, vector<16xf32>,
          tpu.vector_store %arg16[%swap3A_238, %swap3A_239], %get3A_237 {add = true, strides = array<i32>} : memref<128x128xf32, #tpu.memory_space<vmem>>, vector<16xf32>,
          %scan3A_241 = arith.constant 3 : i32
          %scan3A_242 = arith.addi %scan3A_82, %scan3A_241 : i32
          %mul3A_243 = arith.constant 1 : i32
          %mul3A_244 = arith.muli %scan3A_242, %mul3A_243 : i32
          %add3A_245 = arith.constant 0 : i32
          %add3A_246 = arith.addi %add3A_245, %mul3A_244 : i32
          %get3A_247 = arith.index_cast %add3A_246 : i32 to index
          %get3A_248 = arith.constant 0 : index
          %get3A_249 = tpu.vector_load %arg18[%get3A_247, %get3A_248] {strides = array<i32>} : memref<128x128xf32, #tpu.memory_space<vmem>>, vector<16xf32>,
          %swap3A_250 = arith.index_cast %add3A_246 : i32 to index
          %swap3A_251 = arith.constant 0 : index
          %swap3A_252 = tpu.vector_load %arg16[%swap3A_250, %swap3A_251] {strides = array<i32>} : memref<128x128xf32, #tpu.memory_space<vmem>>, vector<16xf32>,
          tpu.vector_store %arg16[%swap3A_250, %swap3A_251], %get3A_249 {add = true, strides = array<i32>} : memref<128x128xf32, #tpu.memory_space<vmem>>, vector<16xf32>,
          %get3A_253 = arith.index_cast %add3A_246 : i32 to index
          %get3A_254 = arith.constant 16 : index
          %get3A_255 = tpu.vector_load %arg18[%get3A_253, %get3A_254] {strides = array<i32>} : memref<128x128xf32, #tpu.memory_space<vmem>>, vector<16xf32>,
          %swap3A_256 = arith.index_cast %add3A_246 : i32 to index
          %swap3A_257 = arith.constant 16 : index
          %swap3A_258 = tpu.vector_load %arg16[%swap3A_256, %swap3A_257] {strides = array<i32>} : memref<128x128xf32, #tpu.memory_space<vmem>>, vector<16xf32>,
          tpu.vector_store %arg16[%swap3A_256, %swap3A_257], %get3A_255 {add = true, strides = array<i32>} : memref<128x128xf32, #tpu.memory_space<vmem>>, vector<16xf32>,
          %get3A_259 = arith.index_cast %add3A_246 : i32 to index
          %get3A_260 = arith.constant 32 : index
          %get3A_261 = tpu.vector_load %arg18[%get3A_259, %get3A_260] {strides = array<i32>} : memref<128x128xf32, #tpu.memory_space<vmem>>, vector<16xf32>,
          %swap3A_262 = arith.index_cast %add3A_246 : i32 to index
          %swap3A_263 = arith.constant 32 : index
          %swap3A_264 = tpu.vector_load %arg16[%swap3A_262, %swap3A_263] {strides = array<i32>} : memref<128x128xf32, #tpu.memory_space<vmem>>, vector<16xf32>,
          tpu.vector_store %arg16[%swap3A_262, %swap3A_263], %get3A_261 {add = true, strides = array<i32>} : memref<128x128xf32, #tpu.memory_space<vmem>>, vector<16xf32>,
          %get3A_265 = arith.index_cast %add3A_246 : i32 to index
          %get3A_266 = arith.constant 48 : index
          %get3A_267 = tpu.vector_load %arg18[%get3A_265, %get3A_266] {strides = array<i32>} : memref<128x128xf32, #tpu.memory_space<vmem>>, vector<16xf32>,
          %swap3A_268 = arith.index_cast %add3A_246 : i32 to index
          %swap3A_269 = arith.constant 48 : index
          %swap3A_270 = tpu.vector_load %arg16[%swap3A_268, %swap3A_269] {strides = array<i32>} : memref<128x128xf32, #tpu.memory_space<vmem>>, vector<16xf32>,
          tpu.vector_store %arg16[%swap3A_268, %swap3A_269], %get3A_267 {add = true, strides = array<i32>} : memref<128x128xf32, #tpu.memory_space<vmem>>, vector<16xf32>,
          %get3A_271 = arith.index_cast %add3A_246 : i32 to index
          %get3A_272 = arith.constant 64 : index
          %get3A_273 = tpu.vector_load %arg18[%get3A_271, %get3A_272] {strides = array<i32>} : memref<128x128xf32, #tpu.memory_space<vmem>>, vector<16xf32>,
          %swap3A_274 = arith.index_cast %add3A_246 : i32 to index
          %swap3A_275 = arith.constant 64 : index
          %swap3A_276 = tpu.vector_load %arg16[%swap3A_274, %swap3A_275] {strides = array<i32>} : memref<128x128xf32, #tpu.memory_space<vmem>>, vector<16xf32>,
          tpu.vector_store %arg16[%swap3A_274, %swap3A_275], %get3A_273 {add = true, strides = array<i32>} : memref<128x128xf32, #tpu.memory_space<vmem>>, vector<16xf32>,
          %get3A_277 = arith.index_cast %add3A_246 : i32 to index
          %get3A_278 = arith.constant 80 : index
          %get3A_279 = tpu.vector_load %arg18[%get3A_277, %get3A_278] {strides = array<i32>} : memref<128x128xf32, #tpu.memory_space<vmem>>, vector<16xf32>,
          %swap3A_280 = arith.index_cast %add3A_246 : i32 to index
          %swap3A_281 = arith.constant 80 : index
          %swap3A_282 = tpu.vector_load %arg16[%swap3A_280, %swap3A_281] {strides = array<i32>} : memref<128x128xf32, #tpu.memory_space<vmem>>, vector<16xf32>,
          tpu.vector_store %arg16[%swap3A_280, %swap3A_281], %get3A_279 {add = true, strides = array<i32>} : memref<128x128xf32, #tpu.memory_space<vmem>>, vector<16xf32>,
          %get3A_283 = arith.index_cast %add3A_246 : i32 to index
          %get3A_284 = arith.constant 96 : index
          %get3A_285 = tpu.vector_load %arg18[%get3A_283, %get3A_284] {strides = array<i32>} : memref<128x128xf32, #tpu.memory_space<vmem>>, vector<16xf32>,
          %swap3A_286 = arith.index_cast %add3A_246 : i32 to index
          %swap3A_287 = arith.constant 96 : index
          %swap3A_288 = tpu.vector_load %arg16[%swap3A_286, %swap3A_287] {strides = array<i32>} : memref<128x128xf32, #tpu.memory_space<vmem>>, vector<16xf32>,
          tpu.vector_store %arg16[%swap3A_286, %swap3A_287], %get3A_285 {add = true, strides = array<i32>} : memref<128x128xf32, #tpu.memory_space<vmem>>, vector<16xf32>,
          %get3A_289 = arith.index_cast %add3A_246 : i32 to index
          %get3A_290 = arith.constant 112 : index
          %get3A_291 = tpu.vector_load %arg18[%get3A_289, %get3A_290] {strides = array<i32>} : memref<128x128xf32, #tpu.memory_space<vmem>>, vector<16xf32>,
          %swap3A_292 = arith.index_cast %add3A_246 : i32 to index
          %swap3A_293 = arith.constant 112 : index
          %swap3A_294 = tpu.vector_load %arg16[%swap3A_292, %swap3A_293] {strides = array<i32>} : memref<128x128xf32, #tpu.memory_space<vmem>>, vector<16xf32>,
          tpu.vector_store %arg16[%swap3A_292, %swap3A_293], %get3A_291 {add = true, strides = array<i32>} : memref<128x128xf32, #tpu.memory_space<vmem>>, vector<16xf32>,
        }
        %scan3A_75 = arith.constant 128 : i32
        "tpu.region"() ({
          %run_scoped3A = tpu.sem_alloc : memref<!tpu.dma_semaphore, #tpu.memory_space<semaphore_mem>>
          %dma_start3A = arith.constant 0 : i32
          %dma_start3A_82 = tpu.memref_slice %arg14[%add3A_55, %dma_start3A] : memref<80x128xi32, #tpu.memory_space<vmem>> -> memref<1x128xi32, #tpu.memory_space<vmem>>
          %dma_start3A_83 = tpu.memref_squeeze %dma_start3A_82 : memref<1x128xi32, #tpu.memory_space<vmem>> -> memref<128xi32, #tpu.memory_space<vmem>>
          %dma_start3A_84 = arith.constant 0 : i32
          %dma_start3A_85 = arith.constant 0 : i32
          %dma_start3A_86 = tpu.memref_slice %arg8[%dma_start3A_84, %dma_start3A_85] : memref<327680x128xf32, #tpu.memory_space<hbm>> -> memref<327680x128xf32, #tpu.memory_space<hbm>>
          tpu.enqueue_indirect_dma source(%arg16 : memref<128x128xf32, #tpu.memory_space<vmem>>) target(%dma_start3A_86 : memref<327680x128xf32, #tpu.memory_space<hbm>>) offsets(%dma_start3A_83 : memref<128xi32, #tpu.memory_space<vmem>>) semaphore(%run_scoped3A : memref<!tpu.dma_semaphore, #tpu.memory_space<semaphore_mem>>)
          %dma_wait3A_87 = arith.constant 0 : i32
          %dma_wait3A_88 = tpu.memref_slice %arg14[%add3A_55, %dma_wait3A_87] : memref<80x128xi32, #tpu.memory_space<vmem>> -> memref<1x128xi32, #tpu.memory_space<vmem>>
          %dma_wait3A_89 = tpu.memref_squeeze %dma_wait3A_88 : memref<1x128xi32, #tpu.memory_space<vmem>> -> memref<128xi32, #tpu.memory_space<vmem>>
          %dma_wait3A_90 = arith.constant 0 : i32
          %dma_wait3A_91 = arith.constant 0 : i32
          %dma_wait3A_92 = tpu.memref_slice %arg8[%dma_wait3A_90, %dma_wait3A_91] : memref<327680x128xf32, #tpu.memory_space<hbm>> -> memref<327680x128xf32, #tpu.memory_space<hbm>>
          tpu.wait_indirect_dma semaphore(%run_scoped3A : memref<!tpu.dma_semaphore, #tpu.memory_space<semaphore_mem>>) src(%arg16 : memref<128x128xf32, #tpu.memory_space<vmem>>) dst(%dma_wait3A_92 : memref<327680x128xf32, #tpu.memory_space<hbm>>)
          tpu.yield
        }) : () -> ()
        %add3A_76 = arith.constant 2 : i32
        %add3A_77 = arith.addi %add3A_55, %add3A_76 : i32
        %lt3A_78 = arith.cmpi slt, %add3A_77, %shift_right_logical3A_19 : i32
        %convert_element_type3A_79 = arith.extui %lt3A_78 : i1 to i32
        %cond3A_80 = arith.constant 0 : i32
        %cond3A_81 = arith.cmpi ne, %convert_element_type3A_79, %cond3A_80 : i32
        scf.if %cond3A_81 {
          %add3A_82 = arith.constant 2 : i32
          %add3A_83 = arith.addi %add3A_55, %add3A_82 : i32
          %dma_start3A = arith.constant 0 : i32
          %dma_start3A_84 = tpu.memref_slice %arg12[%add3A_83, %dma_start3A] : memref<80x128xi32, #tpu.memory_space<vmem>> -> memref<1x128xi32, #tpu.memory_space<vmem>>
          %dma_start3A_85 = tpu.memref_squeeze %dma_start3A_84 : memref<1x128xi32, #tpu.memory_space<vmem>> -> memref<128xi32, #tpu.memory_space<vmem>>
          %dma_start3A_86 = arith.constant 0 : i32
          %dma_start3A_87 = arith.constant 0 : i32
          %dma_start3A_88 = tpu.memref_slice %arg2[%dma_start3A_86, %dma_start3A_87] : memref<10000x128xf32, #tpu.memory_space<hbm>> -> memref<10000x128xf32, #tpu.memory_space<hbm>>
          tpu.enqueue_indirect_dma source(%dma_start3A_88 : memref<10000x128xf32, #tpu.memory_space<hbm>>) target(%arg16 : memref<128x128xf32, #tpu.memory_space<vmem>>) offsets(%dma_start3A_85 : memref<128xi32, #tpu.memory_space<vmem>>) semaphore(%arg20 : memref<!tpu.dma_semaphore, #tpu.memory_space<semaphore_mem>>)
          %add3A_89 = arith.constant 2 : i32
          %add3A_90 = arith.addi %add3A_55, %add3A_89 : i32
          %dma_start3A_91 = arith.constant 0 : i32
          %dma_start3A_92 = tpu.memref_slice %arg13[%add3A_90, %dma_start3A_91] : memref<80x128xi32, #tpu.memory_space<vmem>> -> memref<1x128xi32, #tpu.memory_space<vmem>>
          %dma_start3A_93 = tpu.memref_squeeze %dma_start3A_92 : memref<1x128xi32, #tpu.memory_space<vmem>> -> memref<128xi32, #tpu.memory_space<vmem>>
          %dma_start3A_94 = arith.constant 0 : i32
          %dma_start3A_95 = arith.constant 0 : i32
          %dma_start3A_96 = tpu.memref_slice %arg3[%dma_start3A_94, %dma_start3A_95] : memref<10000x128xf32, #tpu.memory_space<hbm>> -> memref<10000x128xf32, #tpu.memory_space<hbm>>
          tpu.enqueue_indirect_dma source(%dma_start3A_96 : memref<10000x128xf32, #tpu.memory_space<hbm>>) target(%arg18 : memref<128x128xf32, #tpu.memory_space<vmem>>) offsets(%dma_start3A_93 : memref<128xi32, #tpu.memory_space<vmem>>) semaphore(%arg22 : memref<!tpu.dma_semaphore, #tpu.memory_space<semaphore_mem>>)
        } else {
        }
      } else {
      }
    }
    return
  }
}

module attributes {stable_mosaic.version = 14 : i64} {
  func.func @_tc_first_kernel(%arg0: i32, %arg1: memref<1000x128xf32, #tpu.memory_space<vmem>>, %arg2: memref<128x128xf32, #tpu.memory_space<vmem>>, %arg3: memref<1000x2xf32, #tpu.memory_space<vmem>>, %arg4: memref<1000x128xf32, #tpu.memory_space<vmem>>, %arg5: memref<1000x1xf32, #tpu.memory_space<vmem>>) attributes {dimension_semantics = [#tpu.dimension_semantics<arbitrary>], iteration_bounds = array<i64: 10>, scalar_prefetch = 0 : i64, scratch_operands = 0 : i64, tpu.core_type = #tpu.core_type<tc>, window_params = [{transform_indices = @transform_0, window_bounds = array<i64: 1000, 128>}, {pipeline_mode = #tpu.pipeline_mode<synchronous>, transform_indices = @transform_1, window_bounds = array<i64: 128, 128>}, {transform_indices = @transform_2, window_bounds = array<i64: 1000, 2>}, {transform_indices = @transform_3, window_bounds = array<i64: 1000, 128>}, {transform_indices = @transform_4, window_bounds = array<i64: 1000, 1>}]} {
    %get3A = arith.constant 0 : index
    %get3A_0 = arith.constant 0 : index
    %get3A_1 = vector.load %arg3[%get3A, %get3A_0] : memref<1000x2xf32, #tpu.memory_space<vmem>>, vector<1000x1xf32>
    %add3A = arith.constant 1.000000e+00 : f32
    %add3A_2 = vector.broadcast %add3A : f32 to vector<1000x1xf32>
    %add3A_3 = arith.addf %add3A_2, %get3A_1 : vector<1000x1xf32>
    %get3A_4 = arith.constant 0 : index
    %get3A_5 = arith.constant 1 : index
    %get3A_6 = vector.load %arg3[%get3A_4, %get3A_5] : memref<1000x2xf32, #tpu.memory_space<vmem>>, vector<1000x1xf32>
    %add3A_7 = arith.addf %add3A_3, %get3A_6 : vector<1000x1xf32>
    %rsqrt3A = math.rsqrt %add3A_7 : vector<1000x1xf32>
    %swap3A = arith.constant 0 : index
    %swap3A_8 = arith.constant 0 : index
    %swap3A_9 = vector.load %arg5[%swap3A, %swap3A_8] : memref<1000x1xf32, #tpu.memory_space<vmem>>, vector<1000x1xf32>
    tpu.vector_store %arg5[%swap3A, %swap3A_8], %rsqrt3A {strides = array<i32>} : memref<1000x1xf32, #tpu.memory_space<vmem>>, vector<1000x1xf32>,
    %get3A_10 = arith.constant 0 : index
    %get3A_11 = arith.constant 0 : index
    %get3A_12 = vector.load %arg1[%get3A_10, %get3A_11] : memref<1000x128xf32, #tpu.memory_space<vmem>>, vector<1000x128xf32>
    %get3A_13 = arith.constant 0 : index
    %get3A_14 = arith.constant 0 : index
    %get3A_15 = vector.load %arg2[%get3A_13, %get3A_14] : memref<128x128xf32, #tpu.memory_space<vmem>>, vector<128x128xf32>
    %dot_general3A = arith.constant dense<0.000000e+00> : vector<1000x128xf32>
    %dot_general3A_16 = tpu.matmul %get3A_12, %get3A_15, %dot_general3A {dimension_numbers = #tpu.dot_dimension_numbers<[1], [0], [0], [1], [0, 0, 1, 1], [], []>, transpose_lhs_hint = false} : vector<1000x128xf32>, vector<128x128xf32>, vector<1000x128xf32> -> vector<1000x128xf32>
    %mul3A = vector.broadcast %rsqrt3A : vector<1000x1xf32> to vector<1000x128xf32>
    %mul3A_17 = arith.mulf %dot_general3A_16, %mul3A : vector<1000x128xf32>
    %swap3A_18 = arith.constant 0 : index
    %swap3A_19 = arith.constant 0 : index
    %swap3A_20 = vector.load %arg4[%swap3A_18, %swap3A_19] : memref<1000x128xf32, #tpu.memory_space<vmem>>, vector<1000x128xf32>
    tpu.vector_store %arg4[%swap3A_18, %swap3A_19], %mul3A_17 {strides = array<i32>} : memref<1000x128xf32, #tpu.memory_space<vmem>>, vector<1000x128xf32>,
    return
  }
  func.func @transform_0(%arg0: i32) -> (i32, i32) {
    %c0_i32 = arith.constant 0 : i32
    %c0_i32_0 = arith.constant 0 : i32
    return %arg0, %c0_i32 : i32, i32
  }
  func.func @transform_1(%arg0: i32) -> (i32, i32) {
    %c0_i32 = arith.constant 0 : i32
    %c0_i32_0 = arith.constant 0 : i32
    %c0_i32_1 = arith.constant 0 : i32
    return %c0_i32, %c0_i32_0 : i32, i32
  }
  func.func @transform_2(%arg0: i32) -> (i32, i32) {
    %c0_i32 = arith.constant 0 : i32
    %c0_i32_0 = arith.constant 0 : i32
    return %arg0, %c0_i32 : i32, i32
  }
  func.func @transform_3(%arg0: i32) -> (i32, i32) {
    %c0_i32 = arith.constant 0 : i32
    %c0_i32_0 = arith.constant 0 : i32
    return %arg0, %c0_i32 : i32, i32
  }
  func.func @transform_4(%arg0: i32) -> (i32, i32) {
    %c0_i32 = arith.constant 0 : i32
    %c0_i32_0 = arith.constant 0 : i32
    return %arg0, %c0_i32 : i32, i32
  }
}

module attributes {stable_mosaic.version = 14 : i64} {
  func.func @_tc_layer_kernel(%arg0: i32, %arg1: memref<2x1000x128xf32, #tpu.memory_space<vmem>>, %arg2: memref<1000x128xf32, #tpu.memory_space<vmem>>, %arg3: memref<1000x1xf32, #tpu.memory_space<vmem>>, %arg4: memref<1x128xf32, #tpu.memory_space<vmem>>, %arg5: memref<128x128xf32, #tpu.memory_space<vmem>>, %arg6: memref<1000x128xf32, #tpu.memory_space<vmem>>) attributes {dimension_semantics = [#tpu.dimension_semantics<arbitrary>], iteration_bounds = array<i64: 10>, scalar_prefetch = 0 : i64, scratch_operands = 0 : i64, tpu.core_type = #tpu.core_type<tc>, window_params = [{transform_indices = @transform_0, window_bounds = array<i64: 2, 1000, 128>}, {transform_indices = @transform_1, window_bounds = array<i64: 1000, 128>}, {transform_indices = @transform_2, window_bounds = array<i64: 1000, 1>}, {pipeline_mode = #tpu.pipeline_mode<synchronous>, transform_indices = @transform_3, window_bounds = array<i64: 1, 128>}, {pipeline_mode = #tpu.pipeline_mode<synchronous>, transform_indices = @transform_4, window_bounds = array<i64: 128, 128>}, {transform_indices = @transform_5, window_bounds = array<i64: 1000, 128>}]} {
    %get3A = arith.constant 0 : index
    %get3A_0 = arith.constant 0 : index
    %get3A_1 = arith.constant 0 : index
    %get3A_2 = vector.load %arg1[%get3A, %get3A_0, %get3A_1] : memref<2x1000x128xf32, #tpu.memory_space<vmem>>, vector<1x1000x128xf32>
    %get3A_3 = vector.shape_cast %get3A_2 : vector<1x1000x128xf32> to vector<1000x128xf32>
    %get3A_4 = arith.constant 1 : index
    %get3A_5 = arith.constant 0 : index
    %get3A_6 = arith.constant 0 : index
    %get3A_7 = vector.load %arg1[%get3A_4, %get3A_5, %get3A_6] : memref<2x1000x128xf32, #tpu.memory_space<vmem>>, vector<1x1000x128xf32>
    %get3A_8 = vector.shape_cast %get3A_7 : vector<1x1000x128xf32> to vector<1000x128xf32>
    %add3A = arith.addf %get3A_3, %get3A_8 : vector<1000x128xf32>
    %get3A_9 = arith.constant 0 : index
    %get3A_10 = arith.constant 0 : index
    %get3A_11 = vector.load %arg3[%get3A_9, %get3A_10] : memref<1000x1xf32, #tpu.memory_space<vmem>>, vector<1000x1xf32>
    %get3A_12 = arith.constant 0 : index
    %get3A_13 = arith.constant 0 : index
    %get3A_14 = vector.load %arg2[%get3A_12, %get3A_13] : memref<1000x128xf32, #tpu.memory_space<vmem>>, vector<1000x128xf32>
    %add3A_15 = arith.addf %add3A, %get3A_14 : vector<1000x128xf32>
    %mul3A = vector.broadcast %get3A_11 : vector<1000x1xf32> to vector<1000x128xf32>
    %mul3A_16 = arith.mulf %mul3A, %add3A_15 : vector<1000x128xf32>
    %get3A_17 = arith.constant 0 : index
    %get3A_18 = arith.constant 0 : index
    %get3A_19 = vector.load %arg4[%get3A_17, %get3A_18] : memref<1x128xf32, #tpu.memory_space<vmem>>, vector<1x128xf32>
    %add3A_20 = vector.broadcast %get3A_19 : vector<1x128xf32> to vector<1000x128xf32>
    %add3A_21 = arith.addf %mul3A_16, %add3A_20 : vector<1000x128xf32>
    %max3A = arith.constant 0.000000e+00 : f32
    %max3A_22 = vector.broadcast %max3A : f32 to vector<1000x128xf32>
    %max3A_23 = arith.maximumf %add3A_21, %max3A_22 : vector<1000x128xf32>
    %get3A_24 = arith.constant 0 : index
    %get3A_25 = arith.constant 0 : index
    %get3A_26 = vector.load %arg5[%get3A_24, %get3A_25] : memref<128x128xf32, #tpu.memory_space<vmem>>, vector<128x128xf32>
    %dot_general3A = arith.constant dense<0.000000e+00> : vector<1000x128xf32>
    %dot_general3A_27 = tpu.matmul %max3A_23, %get3A_26, %dot_general3A {dimension_numbers = #tpu.dot_dimension_numbers<[1], [0], [0], [1], [0, 0, 1, 1], [], []>, transpose_lhs_hint = false} : vector<1000x128xf32>, vector<128x128xf32>, vector<1000x128xf32> -> vector<1000x128xf32>
    %mul3A_28 = vector.broadcast %get3A_11 : vector<1000x1xf32> to vector<1000x128xf32>
    %mul3A_29 = arith.mulf %dot_general3A_27, %mul3A_28 : vector<1000x128xf32>
    %swap3A = arith.constant 0 : index
    %swap3A_30 = arith.constant 0 : index
    %swap3A_31 = vector.load %arg6[%swap3A, %swap3A_30] : memref<1000x128xf32, #tpu.memory_space<vmem>>, vector<1000x128xf32>
    tpu.vector_store %arg6[%swap3A, %swap3A_30], %mul3A_29 {strides = array<i32>} : memref<1000x128xf32, #tpu.memory_space<vmem>>, vector<1000x128xf32>,
    return
  }
  func.func @transform_0(%arg0: i32) -> (i32, i32, i32) {
    %c0_i32 = arith.constant 0 : i32
    %c0_i32_0 = arith.constant 0 : i32
    %c0_i32_1 = arith.constant 0 : i32
    return %c0_i32, %arg0, %c0_i32_0 : i32, i32, i32
  }
  func.func @transform_1(%arg0: i32) -> (i32, i32) {
    %c0_i32 = arith.constant 0 : i32
    %c0_i32_0 = arith.constant 0 : i32
    return %arg0, %c0_i32 : i32, i32
  }
  func.func @transform_2(%arg0: i32) -> (i32, i32) {
    %c0_i32 = arith.constant 0 : i32
    %c0_i32_0 = arith.constant 0 : i32
    return %arg0, %c0_i32 : i32, i32
  }
  func.func @transform_3(%arg0: i32) -> (i32, i32) {
    %c0_i32 = arith.constant 0 : i32
    %c0_i32_0 = arith.constant 0 : i32
    %c0_i32_1 = arith.constant 0 : i32
    return %c0_i32, %c0_i32_0 : i32, i32
  }
  func.func @transform_4(%arg0: i32) -> (i32, i32) {
    %c0_i32 = arith.constant 0 : i32
    %c0_i32_0 = arith.constant 0 : i32
    %c0_i32_1 = arith.constant 0 : i32
    return %c0_i32, %c0_i32_0 : i32, i32
  }
  func.func @transform_5(%arg0: i32) -> (i32, i32) {
    %c0_i32 = arith.constant 0 : i32
    %c0_i32_0 = arith.constant 0 : i32
    return %arg0, %c0_i32 : i32, i32
  }
}

module attributes {stable_mosaic.version = 14 : i64} {
  func.func @_tc_prep_kernel(%arg0: i32, %arg1: memref<1000x128xf32, #tpu.memory_space<vmem>>, %arg2: memref<128x128xf32, #tpu.memory_space<vmem>>, %arg3: memref<384x128xf32, #tpu.memory_space<vmem>>, %arg4: memref<384x128xf32, #tpu.memory_space<vmem>>, %arg5: memref<16x128xf32, #tpu.memory_space<vmem>>, %arg6: memref<1x128xf32, #tpu.memory_space<vmem>>, %arg7: memref<1x128xf32, #tpu.memory_space<vmem>>, %arg8: memref<1x128xf32, #tpu.memory_space<vmem>>, %arg9: memref<16x128xf32, #tpu.memory_space<vmem>>, %arg10: memref<1x128xf32, #tpu.memory_space<vmem>>, %arg11: memref<1x128xf32, #tpu.memory_space<vmem>>, %arg12: memref<1x128xf32, #tpu.memory_space<vmem>>) attributes {dimension_semantics = [#tpu.dimension_semantics<arbitrary>], iteration_bounds = array<i64: 10>, scalar_prefetch = 0 : i64, scratch_operands = 1 : i64, tpu.core_type = #tpu.core_type<tc>, window_params = [{transform_indices = @transform_0, window_bounds = array<i64: 1000, 128>}, {pipeline_mode = #tpu.pipeline_mode<synchronous>, transform_indices = @transform_1, window_bounds = array<i64: 128, 128>}, {pipeline_mode = #tpu.pipeline_mode<synchronous>, transform_indices = @transform_2, window_bounds = array<i64: 384, 128>}, {pipeline_mode = #tpu.pipeline_mode<synchronous>, transform_indices = @transform_3, window_bounds = array<i64: 384, 128>}, {pipeline_mode = #tpu.pipeline_mode<synchronous>, transform_indices = @transform_4, window_bounds = array<i64: 16, 128>}, {pipeline_mode = #tpu.pipeline_mode<synchronous>, transform_indices = @transform_5, window_bounds = array<i64: 1, 128>}, {pipeline_mode = #tpu.pipeline_mode<synchronous>, transform_indices = @transform_6, window_bounds = array<i64: 1, 128>}, {pipeline_mode = #tpu.pipeline_mode<synchronous>, transform_indices = @transform_7, window_bounds = array<i64: 1, 128>}, {pipeline_mode = #tpu.pipeline_mode<synchronous>, transform_indices = @transform_8, window_bounds = array<i64: 16, 128>}, {pipeline_mode = #tpu.pipeline_mode<synchronous>, transform_indices = @transform_9, window_bounds = array<i64: 1, 128>}, {pipeline_mode = #tpu.pipeline_mode<synchronous>, transform_indices = @transform_10, window_bounds = array<i64: 1, 128>}]} {
    %eq3A = arith.constant 0 : i32
    %eq3A_0 = arith.cmpi eq, %arg0, %eq3A : i32
    %convert_element_type3A = arith.extui %eq3A_0 : i1 to i32
    %cond3A = arith.constant 0 : i32
    %cond3A_1 = arith.cmpi ne, %convert_element_type3A, %cond3A : i32
    scf.if %cond3A_1 {
      %broadcast_in_dim3A_15 = arith.constant 0.000000e+00 : f32
      %broadcast_in_dim3A_16 = vector.broadcast %broadcast_in_dim3A_15 : f32 to vector<1x128xf32>
      %swap3A_17 = arith.constant 0 : index
      %swap3A_18 = arith.constant 0 : index
      %swap3A_19 = vector.load %arg12[%swap3A_17, %swap3A_18] : memref<1x128xf32, #tpu.memory_space<vmem>>, vector<1x128xf32>
      tpu.vector_store %arg12[%swap3A_17, %swap3A_18], %broadcast_in_dim3A_16 {strides = array<i32>} : memref<1x128xf32, #tpu.memory_space<vmem>>, vector<1x128xf32>,
    } else {
    }
    %get3A = arith.constant 0 : index
    %get3A_2 = arith.constant 0 : index
    %get3A_3 = vector.load %arg12[%get3A, %get3A_2] : memref<1x128xf32, #tpu.memory_space<vmem>>, vector<1x128xf32>
    %get3A_4 = arith.constant 0 : index
    %get3A_5 = arith.constant 0 : index
    %get3A_6 = vector.load %arg1[%get3A_4, %get3A_5] : memref<1000x128xf32, #tpu.memory_space<vmem>>, vector<1000x128xf32>
    %reduce_sum3A = arith.constant dense<0.000000e+00> : vector<128xf32>
    %reduce_sum3A_7 = vector.multi_reduction <add>, %get3A_6, %reduce_sum3A [0] : vector<1000x128xf32> to vector<128xf32>
    %broadcast_in_dim3A = vector.shape_cast %reduce_sum3A_7 : vector<128xf32> to vector<1x128xf32>
    %add3A = arith.addf %get3A_3, %broadcast_in_dim3A : vector<1x128xf32>
    %swap3A = arith.constant 0 : index
    %swap3A_8 = arith.constant 0 : index
    %swap3A_9 = vector.load %arg12[%swap3A, %swap3A_8] : memref<1x128xf32, #tpu.memory_space<vmem>>, vector<1x128xf32>
    tpu.vector_store %arg12[%swap3A, %swap3A_8], %add3A {strides = array<i32>} : memref<1x128xf32, #tpu.memory_space<vmem>>, vector<1x128xf32>,
    %eq3A_10 = arith.constant 9 : i32
    %eq3A_11 = arith.cmpi eq, %arg0, %eq3A_10 : i32
    %convert_element_type3A_12 = arith.extui %eq3A_11 : i1 to i32
    %cond3A_13 = arith.constant 0 : i32
    %cond3A_14 = arith.cmpi ne, %convert_element_type3A_12, %cond3A_13 : i32
    scf.if %cond3A_14 {
      %get3A_15 = arith.constant 256 : index
      %get3A_16 = arith.constant 0 : index
      %get3A_17 = vector.load %arg4[%get3A_15, %get3A_16] : memref<384x128xf32, #tpu.memory_space<vmem>>, vector<128x128xf32>
      %get3A_18 = arith.constant 0 : index
      %get3A_19 = arith.constant 0 : index
      %get3A_20 = vector.load %arg5[%get3A_18, %get3A_19] : memref<16x128xf32, #tpu.memory_space<vmem>>, vector<16x128xf32>
      %dot_general3A = arith.constant dense<0.000000e+00> : vector<16x128xf32>
      %dot_general3A_21 = tpu.matmul %get3A_20, %get3A_17, %dot_general3A {dimension_numbers = #tpu.dot_dimension_numbers<[1], [0], [0], [1], [0, 0, 1, 1], [], []>, transpose_lhs_hint = false} : vector<16x128xf32>, vector<128x128xf32>, vector<16x128xf32> -> vector<16x128xf32>
      %swap3A_22 = arith.constant 0 : index
      %swap3A_23 = arith.constant 0 : index
      %swap3A_24 = vector.load %arg9[%swap3A_22, %swap3A_23] : memref<16x128xf32, #tpu.memory_space<vmem>>, vector<16x128xf32>
      tpu.vector_store %arg9[%swap3A_22, %swap3A_23], %dot_general3A_21 {strides = array<i32>} : memref<16x128xf32, #tpu.memory_space<vmem>>, vector<16x128xf32>,
      %get3A_25 = arith.constant 0 : index
      %get3A_26 = arith.constant 0 : index
      %get3A_27 = vector.load %arg6[%get3A_25, %get3A_26] : memref<1x128xf32, #tpu.memory_space<vmem>>, vector<1x128xf32>
      %dot_general3A_28 = arith.constant dense<0.000000e+00> : vector<1x128xf32>
      %dot_general3A_29 = tpu.matmul %get3A_27, %get3A_17, %dot_general3A_28 {dimension_numbers = #tpu.dot_dimension_numbers<[1], [0], [0], [1], [0, 0, 1, 1], [], []>, transpose_lhs_hint = false} : vector<1x128xf32>, vector<128x128xf32>, vector<1x128xf32> -> vector<1x128xf32>
      %get3A_30 = arith.constant 0 : index
      %get3A_31 = arith.constant 0 : index
      %get3A_32 = vector.load %arg7[%get3A_30, %get3A_31] : memref<1x128xf32, #tpu.memory_space<vmem>>, vector<1x128xf32>
      %add3A_33 = arith.addf %dot_general3A_29, %get3A_32 : vector<1x128xf32>
      %swap3A_34 = arith.constant 0 : index
      %swap3A_35 = arith.constant 0 : index
      %swap3A_36 = vector.load %arg10[%swap3A_34, %swap3A_35] : memref<1x128xf32, #tpu.memory_space<vmem>>, vector<1x128xf32>
      tpu.vector_store %arg10[%swap3A_34, %swap3A_35], %add3A_33 {strides = array<i32>} : memref<1x128xf32, #tpu.memory_space<vmem>>, vector<1x128xf32>,
      %get3A_37 = arith.constant 0 : index
      %get3A_38 = arith.constant 0 : index
      %get3A_39 = vector.load %arg12[%get3A_37, %get3A_38] : memref<1x128xf32, #tpu.memory_space<vmem>>, vector<1x128xf32>
      %mul3A = arith.constant 9.99999974E-5 : f32
      %mul3A_40 = vector.broadcast %mul3A : f32 to vector<1x128xf32>
      %mul3A_41 = arith.mulf %get3A_39, %mul3A_40 : vector<1x128xf32>
      %get3A_42 = arith.constant 0 : index
      %get3A_43 = arith.constant 0 : index
      %get3A_44 = vector.load %arg2[%get3A_42, %get3A_43] : memref<128x128xf32, #tpu.memory_space<vmem>>, vector<128x128xf32>
      %dot_general3A_45 = arith.constant dense<0.000000e+00> : vector<1x128xf32>
      %dot_general3A_46 = tpu.matmul %mul3A_41, %get3A_44, %dot_general3A_45 {dimension_numbers = #tpu.dot_dimension_numbers<[1], [0], [0], [1], [0, 0, 1, 1], [], []>, transpose_lhs_hint = false} : vector<1x128xf32>, vector<128x128xf32>, vector<1x128xf32> -> vector<1x128xf32>
      %get3A_47 = arith.constant 0 : index
      %get3A_48 = arith.constant 0 : index
      %get3A_49 = vector.load %arg3[%get3A_47, %get3A_48] : memref<384x128xf32, #tpu.memory_space<vmem>>, vector<128x128xf32>
      %get3A_50 = arith.constant 128 : index
      %get3A_51 = arith.constant 0 : index
      %get3A_52 = vector.load %arg3[%get3A_50, %get3A_51] : memref<384x128xf32, #tpu.memory_space<vmem>>, vector<128x128xf32>
      %add3A_53 = arith.addf %get3A_49, %get3A_52 : vector<128x128xf32>
      %dot_general3A_54 = arith.constant dense<0.000000e+00> : vector<1x128xf32>
      %dot_general3A_55 = tpu.matmul %dot_general3A_46, %add3A_53, %dot_general3A_54 {dimension_numbers = #tpu.dot_dimension_numbers<[1], [0], [0], [1], [0, 0, 1, 1], [], []>, transpose_lhs_hint = false} : vector<1x128xf32>, vector<128x128xf32>, vector<1x128xf32> -> vector<1x128xf32>
      %get3A_56 = arith.constant 0 : index
      %get3A_57 = arith.constant 0 : index
      %get3A_58 = vector.load %arg8[%get3A_56, %get3A_57] : memref<1x128xf32, #tpu.memory_space<vmem>>, vector<1x128xf32>
      %add3A_59 = arith.addf %dot_general3A_55, %get3A_58 : vector<1x128xf32>
      %swap3A_60 = arith.constant 0 : index
      %swap3A_61 = arith.constant 0 : index
      %swap3A_62 = vector.load %arg11[%swap3A_60, %swap3A_61] : memref<1x128xf32, #tpu.memory_space<vmem>>, vector<1x128xf32>
      tpu.vector_store %arg11[%swap3A_60, %swap3A_61], %add3A_59 {strides = array<i32>} : memref<1x128xf32, #tpu.memory_space<vmem>>, vector<1x128xf32>,
    } else {
    }
    return
  }
  func.func @transform_0(%arg0: i32) -> (i32, i32) {
    %c0_i32 = arith.constant 0 : i32
    %c0_i32_0 = arith.constant 0 : i32
    return %arg0, %c0_i32 : i32, i32
  }
  func.func @transform_1(%arg0: i32) -> (i32, i32) {
    %c0_i32 = arith.constant 0 : i32
    %c0_i32_0 = arith.constant 0 : i32
    %c0_i32_1 = arith.constant 0 : i32
    return %c0_i32, %c0_i32_0 : i32, i32
  }
  func.func @transform_2(%arg0: i32) -> (i32, i32) {
    %c0_i32 = arith.constant 0 : i32
    %c0_i32_0 = arith.constant 0 : i32
    %c0_i32_1 = arith.constant 0 : i32
    return %c0_i32, %c0_i32_0 : i32, i32
  }
  func.func @transform_3(%arg0: i32) -> (i32, i32) {
    %c0_i32 = arith.constant 0 : i32
    %c0_i32_0 = arith.constant 0 : i32
    %c0_i32_1 = arith.constant 0 : i32
    return %c0_i32, %c0_i32_0 : i32, i32
  }
  func.func @transform_4(%arg0: i32) -> (i32, i32) {
    %c0_i32 = arith.constant 0 : i32
    %c0_i32_0 = arith.constant 0 : i32
    %c0_i32_1 = arith.constant 0 : i32
    return %c0_i32, %c0_i32_0 : i32, i32
  }
  func.func @transform_5(%arg0: i32) -> (i32, i32) {
    %c0_i32 = arith.constant 0 : i32
    %c0_i32_0 = arith.constant 0 : i32
    %c0_i32_1 = arith.constant 0 : i32
    return %c0_i32, %c0_i32_0 : i32, i32
  }
  func.func @transform_6(%arg0: i32) -> (i32, i32) {
    %c0_i32 = arith.constant 0 : i32
    %c0_i32_0 = arith.constant 0 : i32
    %c0_i32_1 = arith.constant 0 : i32
    return %c0_i32, %c0_i32_0 : i32, i32
  }
  func.func @transform_7(%arg0: i32) -> (i32, i32) {
    %c0_i32 = arith.constant 0 : i32
    %c0_i32_0 = arith.constant 0 : i32
    %c0_i32_1 = arith.constant 0 : i32
    return %c0_i32, %c0_i32_0 : i32, i32
  }
  func.func @transform_8(%arg0: i32) -> (i32, i32) {
    %c0_i32 = arith.constant 0 : i32
    %c0_i32_0 = arith.constant 0 : i32
    %c0_i32_1 = arith.constant 0 : i32
    return %c0_i32, %c0_i32_0 : i32, i32
  }
  func.func @transform_9(%arg0: i32) -> (i32, i32) {
    %c0_i32 = arith.constant 0 : i32
    %c0_i32_0 = arith.constant 0 : i32
    %c0_i32_1 = arith.constant 0 : i32
    return %c0_i32, %c0_i32_0 : i32, i32
  }
  func.func @transform_10(%arg0: i32) -> (i32, i32) {
    %c0_i32 = arith.constant 0 : i32
    %c0_i32_0 = arith.constant 0 : i32
    %c0_i32_1 = arith.constant 0 : i32
    return %c0_i32, %c0_i32_0 : i32, i32
  }
}

module attributes {stable_mosaic.version = 14 : i64} {
  func.func @_tc_last_kernel(%arg0: i32, %arg1: memref<2x1000x128xf32, #tpu.memory_space<vmem>>, %arg2: memref<1000x128xf32, #tpu.memory_space<vmem>>, %arg3: memref<1000x1xf32, #tpu.memory_space<vmem>>, %arg4: memref<1x128xf32, #tpu.memory_space<vmem>>, %arg5: memref<128x128xf32, #tpu.memory_space<vmem>>, %arg6: memref<128x128xf32, #tpu.memory_space<vmem>>, %arg7: memref<1x128xf32, #tpu.memory_space<vmem>>, %arg8: memref<1000x128xf32, #tpu.memory_space<vmem>>, %arg9: memref<1000x128xf32, #tpu.memory_space<vmem>>) attributes {dimension_semantics = [#tpu.dimension_semantics<arbitrary>], iteration_bounds = array<i64: 10>, scalar_prefetch = 0 : i64, scratch_operands = 0 : i64, tpu.core_type = #tpu.core_type<tc>, window_params = [{transform_indices = @transform_0, window_bounds = array<i64: 2, 1000, 128>}, {transform_indices = @transform_1, window_bounds = array<i64: 1000, 128>}, {transform_indices = @transform_2, window_bounds = array<i64: 1000, 1>}, {pipeline_mode = #tpu.pipeline_mode<synchronous>, transform_indices = @transform_3, window_bounds = array<i64: 1, 128>}, {pipeline_mode = #tpu.pipeline_mode<synchronous>, transform_indices = @transform_4, window_bounds = array<i64: 128, 128>}, {pipeline_mode = #tpu.pipeline_mode<synchronous>, transform_indices = @transform_5, window_bounds = array<i64: 128, 128>}, {pipeline_mode = #tpu.pipeline_mode<synchronous>, transform_indices = @transform_6, window_bounds = array<i64: 1, 128>}, {transform_indices = @transform_7, window_bounds = array<i64: 1000, 128>}, {transform_indices = @transform_8, window_bounds = array<i64: 1000, 128>}]} {
    %get3A = arith.constant 0 : index
    %get3A_0 = arith.constant 0 : index
    %get3A_1 = arith.constant 0 : index
    %get3A_2 = vector.load %arg1[%get3A, %get3A_0, %get3A_1] : memref<2x1000x128xf32, #tpu.memory_space<vmem>>, vector<1x1000x128xf32>
    %get3A_3 = vector.shape_cast %get3A_2 : vector<1x1000x128xf32> to vector<1000x128xf32>
    %get3A_4 = arith.constant 1 : index
    %get3A_5 = arith.constant 0 : index
    %get3A_6 = arith.constant 0 : index
    %get3A_7 = vector.load %arg1[%get3A_4, %get3A_5, %get3A_6] : memref<2x1000x128xf32, #tpu.memory_space<vmem>>, vector<1x1000x128xf32>
    %get3A_8 = vector.shape_cast %get3A_7 : vector<1x1000x128xf32> to vector<1000x128xf32>
    %add3A = arith.addf %get3A_3, %get3A_8 : vector<1000x128xf32>
    %get3A_9 = arith.constant 0 : index
    %get3A_10 = arith.constant 0 : index
    %get3A_11 = vector.load %arg3[%get3A_9, %get3A_10] : memref<1000x1xf32, #tpu.memory_space<vmem>>, vector<1000x1xf32>
    %get3A_12 = arith.constant 0 : index
    %get3A_13 = arith.constant 0 : index
    %get3A_14 = vector.load %arg2[%get3A_12, %get3A_13] : memref<1000x128xf32, #tpu.memory_space<vmem>>, vector<1000x128xf32>
    %add3A_15 = arith.addf %add3A, %get3A_14 : vector<1000x128xf32>
    %mul3A = vector.broadcast %get3A_11 : vector<1000x1xf32> to vector<1000x128xf32>
    %mul3A_16 = arith.mulf %mul3A, %add3A_15 : vector<1000x128xf32>
    %get3A_17 = arith.constant 0 : index
    %get3A_18 = arith.constant 0 : index
    %get3A_19 = vector.load %arg4[%get3A_17, %get3A_18] : memref<1x128xf32, #tpu.memory_space<vmem>>, vector<1x128xf32>
    %add3A_20 = vector.broadcast %get3A_19 : vector<1x128xf32> to vector<1000x128xf32>
    %add3A_21 = arith.addf %mul3A_16, %add3A_20 : vector<1000x128xf32>
    %max3A = arith.constant 0.000000e+00 : f32
    %max3A_22 = vector.broadcast %max3A : f32 to vector<1000x128xf32>
    %max3A_23 = arith.maximumf %add3A_21, %max3A_22 : vector<1000x128xf32>
    %get3A_24 = arith.constant 0 : index
    %get3A_25 = arith.constant 0 : index
    %get3A_26 = vector.load %arg5[%get3A_24, %get3A_25] : memref<128x128xf32, #tpu.memory_space<vmem>>, vector<128x128xf32>
    %dot_general3A = arith.constant dense<0.000000e+00> : vector<1000x128xf32>
    %dot_general3A_27 = tpu.matmul %max3A_23, %get3A_26, %dot_general3A {dimension_numbers = #tpu.dot_dimension_numbers<[1], [0], [0], [1], [0, 0, 1, 1], [], []>, transpose_lhs_hint = false} : vector<1000x128xf32>, vector<128x128xf32>, vector<1000x128xf32> -> vector<1000x128xf32>
    %get3A_28 = arith.constant 0 : index
    %get3A_29 = arith.constant 0 : index
    %get3A_30 = vector.load %arg7[%get3A_28, %get3A_29] : memref<1x128xf32, #tpu.memory_space<vmem>>, vector<1x128xf32>
    %add3A_31 = vector.broadcast %get3A_30 : vector<1x128xf32> to vector<1000x128xf32>
    %add3A_32 = arith.addf %dot_general3A_27, %add3A_31 : vector<1000x128xf32>
    %swap3A = arith.constant 0 : index
    %swap3A_33 = arith.constant 0 : index
    %swap3A_34 = vector.load %arg8[%swap3A, %swap3A_33] : memref<1000x128xf32, #tpu.memory_space<vmem>>, vector<1000x128xf32>
    tpu.vector_store %arg8[%swap3A, %swap3A_33], %add3A_32 {strides = array<i32>} : memref<1000x128xf32, #tpu.memory_space<vmem>>, vector<1000x128xf32>,
    %get3A_35 = arith.constant 0 : index
    %get3A_36 = arith.constant 0 : index
    %get3A_37 = vector.load %arg6[%get3A_35, %get3A_36] : memref<128x128xf32, #tpu.memory_space<vmem>>, vector<128x128xf32>
    %dot_general3A_38 = arith.constant dense<0.000000e+00> : vector<1000x128xf32>
    %dot_general3A_39 = tpu.matmul %max3A_23, %get3A_37, %dot_general3A_38 {dimension_numbers = #tpu.dot_dimension_numbers<[1], [0], [0], [1], [0, 0, 1, 1], [], []>, transpose_lhs_hint = false} : vector<1000x128xf32>, vector<128x128xf32>, vector<1000x128xf32> -> vector<1000x128xf32>
    %swap3A_40 = arith.constant 0 : index
    %swap3A_41 = arith.constant 0 : index
    %swap3A_42 = vector.load %arg9[%swap3A_40, %swap3A_41] : memref<1000x128xf32, #tpu.memory_space<vmem>>, vector<1000x128xf32>
    tpu.vector_store %arg9[%swap3A_40, %swap3A_41], %dot_general3A_39 {strides = array<i32>} : memref<1000x128xf32, #tpu.memory_space<vmem>>, vector<1000x128xf32>,
    return
  }
  func.func @transform_0(%arg0: i32) -> (i32, i32, i32) {
    %c0_i32 = arith.constant 0 : i32
    %c0_i32_0 = arith.constant 0 : i32
    %c0_i32_1 = arith.constant 0 : i32
    return %c0_i32, %arg0, %c0_i32_0 : i32, i32, i32
  }
  func.func @transform_1(%arg0: i32) -> (i32, i32) {
    %c0_i32 = arith.constant 0 : i32
    %c0_i32_0 = arith.constant 0 : i32
    return %arg0, %c0_i32 : i32, i32
  }
  func.func @transform_2(%arg0: i32) -> (i32, i32) {
    %c0_i32 = arith.constant 0 : i32
    %c0_i32_0 = arith.constant 0 : i32
    return %arg0, %c0_i32 : i32, i32
  }
  func.func @transform_3(%arg0: i32) -> (i32, i32) {
    %c0_i32 = arith.constant 0 : i32
    %c0_i32_0 = arith.constant 0 : i32
    %c0_i32_1 = arith.constant 0 : i32
    return %c0_i32, %c0_i32_0 : i32, i32
  }
  func.func @transform_4(%arg0: i32) -> (i32, i32) {
    %c0_i32 = arith.constant 0 : i32
    %c0_i32_0 = arith.constant 0 : i32
    %c0_i32_1 = arith.constant 0 : i32
    return %c0_i32, %c0_i32_0 : i32, i32
  }
  func.func @transform_5(%arg0: i32) -> (i32, i32) {
    %c0_i32 = arith.constant 0 : i32
    %c0_i32_0 = arith.constant 0 : i32
    %c0_i32_1 = arith.constant 0 : i32
    return %c0_i32, %c0_i32_0 : i32, i32
  }
  func.func @transform_6(%arg0: i32) -> (i32, i32) {
    %c0_i32 = arith.constant 0 : i32
    %c0_i32_0 = arith.constant 0 : i32
    %c0_i32_1 = arith.constant 0 : i32
    return %c0_i32, %c0_i32_0 : i32, i32
  }
  func.func @transform_7(%arg0: i32) -> (i32, i32) {
    %c0_i32 = arith.constant 0 : i32
    %c0_i32_0 = arith.constant 0 : i32
    return %arg0, %c0_i32 : i32, i32
  }
  func.func @transform_8(%arg0: i32) -> (i32, i32) {
    %c0_i32 = arith.constant 0 : i32
    %c0_i32_0 = arith.constant 0 : i32
    return %arg0, %c0_i32 : i32, i32
  }
}

module attributes {stable_mosaic.version = 14 : i64} {
  func.func @_tc_edge_kernel(%arg0: i32, %arg1: memref<6400x128xf32, #tpu.memory_space<vmem>>, %arg2: memref<6400x16xf32, #tpu.memory_space<vmem>>, %arg3: memref<6400x1xi32, #tpu.memory_space<vmem>>, %arg4: memref<16x128xf32, #tpu.memory_space<vmem>>, %arg5: memref<1x128xf32, #tpu.memory_space<vmem>>, %arg6: memref<128x128xf32, #tpu.memory_space<vmem>>, %arg7: memref<128x1xf32, #tpu.memory_space<vmem>>, %arg8: memref<1x1xf32, #tpu.memory_space<vmem>>, %arg9: memref<6400x1xf32, #tpu.memory_space<vmem>>) attributes {dimension_semantics = [#tpu.dimension_semantics<arbitrary>], iteration_bounds = array<i64: 50>, scalar_prefetch = 0 : i64, scratch_operands = 0 : i64, tpu.core_type = #tpu.core_type<tc>, window_params = [{transform_indices = @transform_0, window_bounds = array<i64: 6400, 128>}, {transform_indices = @transform_1, window_bounds = array<i64: 6400, 16>}, {transform_indices = @transform_2, window_bounds = array<i64: 6400, 1>}, {pipeline_mode = #tpu.pipeline_mode<synchronous>, transform_indices = @transform_3, window_bounds = array<i64: 16, 128>}, {pipeline_mode = #tpu.pipeline_mode<synchronous>, transform_indices = @transform_4, window_bounds = array<i64: 1, 128>}, {pipeline_mode = #tpu.pipeline_mode<synchronous>, transform_indices = @transform_5, window_bounds = array<i64: 128, 128>}, {pipeline_mode = #tpu.pipeline_mode<synchronous>, transform_indices = @transform_6, window_bounds = array<i64: 128, 1>}, {pipeline_mode = #tpu.pipeline_mode<synchronous>, transform_indices = @transform_7, window_bounds = array<i64: 1, 1>}, {transform_indices = @transform_8, window_bounds = array<i64: 6400, 1>}]} {
    %get3A = arith.constant 0 : index
    %get3A_0 = arith.constant 0 : index
    %get3A_1 = vector.load %arg1[%get3A, %get3A_0] : memref<6400x128xf32, #tpu.memory_space<vmem>>, vector<6400x128xf32>
    %get3A_2 = arith.constant 0 : index
    %get3A_3 = arith.constant 0 : index
    %get3A_4 = vector.load %arg2[%get3A_2, %get3A_3] : memref<6400x16xf32, #tpu.memory_space<vmem>>, vector<6400x16xf32>
    %get3A_5 = arith.constant 0 : index
    %get3A_6 = arith.constant 0 : index
    %get3A_7 = vector.load %arg4[%get3A_5, %get3A_6] : memref<16x128xf32, #tpu.memory_space<vmem>>, vector<16x128xf32>
    %dot_general3A = arith.constant dense<0.000000e+00> : vector<6400x128xf32>
    %dot_general3A_8 = tpu.matmul %get3A_4, %get3A_7, %dot_general3A {dimension_numbers = #tpu.dot_dimension_numbers<[1], [0], [0], [1], [0, 0, 1, 1], [], []>, transpose_lhs_hint = false} : vector<6400x16xf32>, vector<16x128xf32>, vector<6400x128xf32> -> vector<6400x128xf32>
    %add3A = arith.addf %get3A_1, %dot_general3A_8 : vector<6400x128xf32>
    %max3A = arith.constant 0.000000e+00 : f32
    %max3A_9 = vector.broadcast %max3A : f32 to vector<6400x128xf32>
    %max3A_10 = arith.maximumf %add3A, %max3A_9 : vector<6400x128xf32>
    %get3A_11 = arith.constant 0 : index
    %get3A_12 = arith.constant 0 : index
    %get3A_13 = vector.load %arg6[%get3A_11, %get3A_12] : memref<128x128xf32, #tpu.memory_space<vmem>>, vector<128x128xf32>
    %dot_general3A_14 = arith.constant dense<0.000000e+00> : vector<6400x128xf32>
    %dot_general3A_15 = tpu.matmul %max3A_10, %get3A_13, %dot_general3A_14 {dimension_numbers = #tpu.dot_dimension_numbers<[1], [0], [0], [1], [0, 0, 1, 1], [], []>, transpose_lhs_hint = false} : vector<6400x128xf32>, vector<128x128xf32>, vector<6400x128xf32> -> vector<6400x128xf32>
    %get3A_16 = arith.constant 0 : index
    %get3A_17 = arith.constant 0 : index
    %get3A_18 = vector.load %arg5[%get3A_16, %get3A_17] : memref<1x128xf32, #tpu.memory_space<vmem>>, vector<1x128xf32>
    %add3A_19 = vector.broadcast %get3A_18 : vector<1x128xf32> to vector<6400x128xf32>
    %add3A_20 = arith.addf %dot_general3A_15, %add3A_19 : vector<6400x128xf32>
    %max3A_21 = arith.constant 0.000000e+00 : f32
    %max3A_22 = vector.broadcast %max3A_21 : f32 to vector<6400x128xf32>
    %max3A_23 = arith.maximumf %add3A_20, %max3A_22 : vector<6400x128xf32>
    %get3A_24 = arith.constant 0 : index
    %get3A_25 = arith.constant 0 : index
    %get3A_26 = vector.load %arg7[%get3A_24, %get3A_25] : memref<128x1xf32, #tpu.memory_space<vmem>>, vector<128x1xf32>
    %dot_general3A_27 = arith.constant dense<0.000000e+00> : vector<6400x1xf32>
    %dot_general3A_28 = tpu.matmul %max3A_23, %get3A_26, %dot_general3A_27 {dimension_numbers = #tpu.dot_dimension_numbers<[1], [0], [0], [1], [0, 0, 1, 1], [], []>, transpose_lhs_hint = false} : vector<6400x128xf32>, vector<128x1xf32>, vector<6400x1xf32> -> vector<6400x1xf32>
    %get3A_29 = arith.constant 0 : index
    %get3A_30 = arith.constant 0 : index
    %get3A_31 = vector.load %arg8[%get3A_29, %get3A_30] : memref<1x1xf32, #tpu.memory_space<vmem>>, vector<1x1xf32>
    %add3A_32 = vector.broadcast %get3A_31 : vector<1x1xf32> to vector<6400x1xf32>
    %add3A_33 = arith.addf %dot_general3A_28, %add3A_32 : vector<6400x1xf32>
    %logistic3A = arith.negf %add3A_33 : vector<6400x1xf32>
    %logistic3A_34 = math.exp %logistic3A : vector<6400x1xf32>
    %logistic3A_35 = arith.constant 1.000000e+00 : f32
    %logistic3A_36 = vector.broadcast %logistic3A_35 : f32 to vector<6400x1xf32>
    %logistic3A_37 = arith.addf %logistic3A_36, %logistic3A_34 : vector<6400x1xf32>
    %logistic3A_38 = arith.divf %logistic3A_36, %logistic3A_37 : vector<6400x1xf32>
    %get3A_39 = arith.constant 0 : index
    %get3A_40 = arith.constant 0 : index
    %get3A_41 = vector.load %arg3[%get3A_39, %get3A_40] : memref<6400x1xi32, #tpu.memory_space<vmem>>, vector<6400x1xi32>
    %ne3A = arith.constant 0 : i32
    %ne3A_42 = vector.broadcast %ne3A : i32 to vector<6400x1xi32>
    %ne3A_43 = arith.cmpi ne, %get3A_41, %ne3A_42 : vector<6400x1xi32>
    %jit3A = arith.constant -1.000000e+03 : f32
    %broadcast_in_dim3A = vector.broadcast %jit3A : f32 to vector<6400x1xf32>
    %select_n3A = arith.select %ne3A_43, %logistic3A_38, %broadcast_in_dim3A : vector<6400x1xi1>, vector<6400x1xf32>
    %swap3A = arith.constant 0 : index
    %swap3A_44 = arith.constant 0 : index
    %swap3A_45 = vector.load %arg9[%swap3A, %swap3A_44] : memref<6400x1xf32, #tpu.memory_space<vmem>>, vector<6400x1xf32>
    tpu.vector_store %arg9[%swap3A, %swap3A_44], %select_n3A {strides = array<i32>} : memref<6400x1xf32, #tpu.memory_space<vmem>>, vector<6400x1xf32>,
    return
  }
  func.func @transform_0(%arg0: i32) -> (i32, i32) {
    %c0_i32 = arith.constant 0 : i32
    %c0_i32_0 = arith.constant 0 : i32
    return %arg0, %c0_i32 : i32, i32
  }
  func.func @transform_1(%arg0: i32) -> (i32, i32) {
    %c0_i32 = arith.constant 0 : i32
    %c0_i32_0 = arith.constant 0 : i32
    return %arg0, %c0_i32 : i32, i32
  }
  func.func @transform_2(%arg0: i32) -> (i32, i32) {
    %c0_i32 = arith.constant 0 : i32
    %c0_i32_0 = arith.constant 0 : i32
    return %arg0, %c0_i32 : i32, i32
  }
  func.func @transform_3(%arg0: i32) -> (i32, i32) {
    %c0_i32 = arith.constant 0 : i32
    %c0_i32_0 = arith.constant 0 : i32
    %c0_i32_1 = arith.constant 0 : i32
    return %c0_i32, %c0_i32_0 : i32, i32
  }
  func.func @transform_4(%arg0: i32) -> (i32, i32) {
    %c0_i32 = arith.constant 0 : i32
    %c0_i32_0 = arith.constant 0 : i32
    %c0_i32_1 = arith.constant 0 : i32
    return %c0_i32, %c0_i32_0 : i32, i32
  }
  func.func @transform_5(%arg0: i32) -> (i32, i32) {
    %c0_i32 = arith.constant 0 : i32
    %c0_i32_0 = arith.constant 0 : i32
    %c0_i32_1 = arith.constant 0 : i32
    return %c0_i32, %c0_i32_0 : i32, i32
  }
  func.func @transform_6(%arg0: i32) -> (i32, i32) {
    %c0_i32 = arith.constant 0 : i32
    %c0_i32_0 = arith.constant 0 : i32
    %c0_i32_1 = arith.constant 0 : i32
    return %c0_i32, %c0_i32_0 : i32, i32
  }
  func.func @transform_7(%arg0: i32) -> (i32, i32) {
    %c0_i32 = arith.constant 0 : i32
    %c0_i32_0 = arith.constant 0 : i32
    %c0_i32_1 = arith.constant 0 : i32
    return %c0_i32, %c0_i32_0 : i32, i32
  }
  func.func @transform_8(%arg0: i32) -> (i32, i32) {
    %c0_i32 = arith.constant 0 : i32
    %c0_i32_0 = arith.constant 0 : i32
    return %arg0, %c0_i32 : i32, i32
  }
}

</mosaic_0001>

<sc_bundles>
// kernel: kernel.13.cloned.1.call-start
scs
__scs_entry_jumppad:
0x0: {  	(pc) =	sbr.rel $0x88, $3  }
0x1: {  	(tag) =	ssettag $0x0;
	lr =	simm.s32 $0x1  }
0x2: {  	[smem:$0x3F8E] =	sst lr;
	_ =	strace $0xD0000000  }
0x3: {  	_ = 	snop  }
0x4: {  	_ = 	snop  }
0x5: {  	_ = 	snop  }
0x6: {  	_ = 	snop  }
0x7: {  	_ = 	snop  }
__scs_overlays_trampoline_lowered:
0x8: {  	[smem:$0x3F9D] =	sst s0  }
0x9: {  	[smem:$0x3F9E] =	sst s1  }
0xa: {  	[smem:$0x3F9F] =	sst s2  }
0xb: {  	[smem:$0x3FA0] =	sst s3  }
0xc: {  	[smem:$0x3FA1] =	sst s4  }
0xd: {  	[smem:$0x3FA2] =	sst s5  }
0xe: {  	[smem:$0x3FA3] =	sst s6  }
0xf: {  	[smem:$0x3FA4] =	sst s7  }
0x10: {  	[smem:$0x3FA5] =	sst s8  }
0x11: {  	[smem:$0x3FA6] =	sst s9;
	s0 =	simm.s32 @!p0 $0x0  }
0x12: {  	s1 =	sld [smem:$0x3F8C];
	s0 =	simm.s32 @p0 $0x1  }
0x13: {  	[smem:$0x3FA7] =	sst s0;
	s0 =	simm.s32 @!p1 $0x0  }
0x14: {  	s2 =	sld [smem:$0x3F8B];
	s0 =	simm.s32 @p1 $0x1  }
0x15: {  	[smem:$0x3FA8] =	sst s0;
	s0 =	simm.s32 @!p2 $0x0  }
0x16: {  	s3 =	sld [smem:$0x3FDB];
	s0 =	simm.s32 @p2 $0x1  }
0x17: {  	s4 =	simm.s32 $0x1BF5;
	[smem:$0x3FAA] =	sst s0  }
0x18: {  	s0 =	sld [smem:$0x3F8D];
	_ =	swait.ge [sflag:s4], $0x0  }
0x19: {  	s7 =	sld [smem:$0x3F8E]  }
0x1a: {  	s8 =	sadd.s32 $0xFFFFE003, lr  }
0x1b: {  	s9 =	sadd.s32 $0xFFFFFEF7, lr;
	s5 =	simm.s32 $0xFFFFFFFF;
	p2 =	slt.u32 s8, $0xFFFFF086  }
0x1c: {  	p1 =	slt.u32 s9, $0xF7A;
	s5 =	simm.s32 @!p2 $0x0  }
0x1d: {  	s5 =	simm.s32 @p1 $0x1;
	p0 =	seq.s32 s7, s2  }
0x1e: {  	s7 =	smul.u32 @!p0 $0xF7A, s2;
	p2 =	seq.s32 @!p0 s5, $0x0  }
0x1f: {  	s9 =	smul.u32 $0xF7A, s1;
	s8 =	simm.s32 @!p0 $0x1BF5;
	p2 =	por !p2, p0  }
0x20: {  	[sflag:s8] =	ssyncset.s32 @!p0 $0xFFFFF086;
	s6 =	sadd.s32 @!p0 s3, s7;
	s7 =	simm.s32 @!p0 $0x108  }
0x21: {  	s3 =	sadd.s32 s3, s9;
	s6 =	sadd.s32 @!p0 $0x88, s6;
	s7 =	simm.s32 @p2 $0x1082  }
0x22: {  	[simem:s7], [sflag:s8] =	dma.local @!p0 [hbm:s6], $0xF7A  }
0x23: {  	s9 =	sor.u32 $0xD0000000, s2;
	s6 =	simm.s32 $0x108;
	_ =	swait.ge @!p0 [sflag:s8], $0x0  }
0x24: {  	s3 =	sadd.s32 $0x88, s3;
	s6 =	simm.s32 @!p1 $0x1082;
	[sflag:s4] =	ssyncset.s32 $0xFFFFF086  }
0x25: {  	[simem:s6], [sflag:s4] =	dma.local [hbm:s3], $0xF7A  }
0x26: {  	[smem:$0x3F8E] =	sst s1;
	(tag) =	ssettag s2;
	_ =	strace s9  }
0x27: {  	s1 =	sld [smem:$0x3F9E]  }
0x28: {  	s2 =	sld [smem:$0x3F9F]  }
0x29: {  	s4 =	sld [smem:$0x3FA1]  }
0x2a: {  	p0 =	seq.s32 s5, $0x0;
	s5 =	sld [smem:$0x3FA2]  }
0x2b: {  	s6 =	sld [smem:$0x3FA3]  }
0x2c: {  	s7 =	sld [smem:$0x3FA4]  }
0x2d: {  	s3 =	simm.s32 $0x108;
	s8 =	sld [smem:$0x3FA5]  }
0x2e: {  	s3 =	simm.s32 @!p0 $0x1082;
	s9 =	sld [smem:$0x3FA6]  }
0x2f: {  	lr =	sadd.s32 s0, s3;
	s0 =	sld [smem:$0x3F9D]  }
0x30: {  	s3 =	sld [smem:$0x3FA0]  }
0x31: {  	[smem:$0x3FA9] =	sst s10  }
0x32: {  	s10 =	sld [smem:$0x3FA7];
	_ =	sdelay $0x3  }
0x33: {  	p0 =	seq.s32 s10, $0x1;
	s10 =	sld [smem:$0x3FA9];
	_ =	sdelay $0x3  }
0x34: {  	[smem:$0x3FA9] =	sst s10  }
0x35: {  	s10 =	sld [smem:$0x3FA8];
	_ =	sdelay $0x3  }
0x36: {  	p1 =	seq.s32 s10, $0x1;
	s10 =	sld [smem:$0x3FA9];
	_ =	sdelay $0x3  }
0x37: {  	[smem:$0x3FA9] =	sst s10  }
0x38: {  	s10 =	sld [smem:$0x3FAA]  }
0x39: {  	_ = 	snop;
	(pc) =	sbr.ind lr, $3  }
0x3a: {  	_ = 	snop  }
0x3b: {  	_ = 	snop  }
0x3c: {  	p2 =	seq.s32 s10, $0x1;
	s10 =	sld [smem:$0x3FA9]  }
0x3d: {  	_ =	shalt  }
0x3e: {  	_ =	shalt  }
0x3f: {  	_ =	shalt  }
0x40: {  	_ =	shalt  }
0x41: {  	_ =	shalt  }
0x42: {  	_ =	shalt  }
0x43: {  	_ =	shalt  }
0x44: {  	_ =	shalt  }
0x45: {  	_ =	shalt  }
0x46: {  	_ =	shalt  }
0x47: {  	_ =	shalt  }
0x48: {  	_ =	shalt  }
0x49: {  	_ =	shalt  }
0x4a: {  	_ =	shalt  }
0x4b: {  	_ =	shalt  }
0x4c: {  	_ =	shalt  }
0x4d: {  	_ =	shalt  }
0x4e: {  	_ =	shalt  }
0x4f: {  	_ =	shalt  }
0x50: {  	_ =	shalt  }
0x51: {  	_ =	shalt  }
0x52: {  	_ =	shalt  }
0x53: {  	_ =	shalt  }
0x54: {  	_ =	shalt  }
0x55: {  	_ =	shalt  }
0x56: {  	_ =	shalt  }
0x57: {  	_ =	shalt  }
0x58: {  	_ =	shalt  }
0x59: {  	_ =	shalt  }
0x5a: {  	_ =	shalt  }
0x5b: {  	_ =	shalt  }
0x5c: {  	_ =	shalt  }
0x5d: {  	_ =	shalt  }
0x5e: {  	_ =	shalt  }
0x5f: {  	_ =	shalt  }
0x60: {  	_ =	shalt  }
0x61: {  	_ =	shalt  }
0x62: {  	_ =	shalt  }
0x63: {  	_ =	shalt  }
0x64: {  	_ =	shalt  }
0x65: {  	_ =	shalt  }
0x66: {  	_ =	shalt  }
0x67: {  	_ =	shalt  }
0x68: {  	_ =	shalt  }
0x69: {  	_ =	shalt  }
0x6a: {  	_ =	shalt  }
0x6b: {  	_ =	shalt  }
0x6c: {  	_ =	shalt  }
0x6d: {  	_ =	shalt  }
0x6e: {  	_ =	shalt  }
0x6f: {  	_ =	shalt  }
0x70: {  	_ =	shalt  }
0x71: {  	_ =	shalt  }
0x72: {  	_ =	shalt  }
0x73: {  	_ =	shalt  }
0x74: {  	_ =	shalt  }
0x75: {  	_ =	shalt  }
0x76: {  	_ =	shalt  }
0x77: {  	_ =	shalt  }
0x78: {  	_ =	shalt  }
0x79: {  	_ =	shalt  }
0x7a: {  	_ =	shalt  }
0x7b: {  	_ =	shalt  }
0x7c: {  	_ =	shalt  }
0x7d: {  	_ =	shalt  }
0x7e: {  	_ =	shalt  }
0x7f: {  	_ =	shalt  }
0x80: {  	_ =	shalt  }
0x81: {  	_ =	shalt  }
0x82: {  	_ =	shalt  }
0x83: {  	_ =	shalt  }
0x84: {  	_ =	shalt  }
0x85: {  	_ =	shalt  }
0x86: {  	_ =	shalt  }
0x87: {  	_ =	shalt  }
.Lfunc_end0:
.L_simem_size_0:
called_computation_lowered:
.L_overlay_start_0:
0x88: {  	s2 =	sld [smem:$0x3FD9]  }
0x89: {  	s3 =	sld [smem:$0x3FFE];
	_ =	sdelay $0x1  }
0x8a: {  	s1 =	srdreg.scid  }
0x8b: {  	s0 =	sand.u32 $0x1, s1  }
0x8c: {  	s17 =	sshll.u32 s0, $0xA;
	s2 =	sadd.s32 s3, s2  }
0x8d: {  	s2 =	sadd.s32 s2, s17  }
0x8e: {  	[smem:$0x3FB5] =	sst s2  }
0x8f: {  	_ = 	snop  }
0x90: {  	s2 =	sld [smem:$0x3FD0];
	(tm) =	ssettm $0x1  }
0x91: {  	s18 =	sld [smem:$0x3FFB];
	_ =	sdelay $0x3  }
0x92: {  	_ =	strace s18  }
0x93: {  	s3 =	sld [smem:$0x3FFC];
	_ =	sdelay $0x3  }
0x94: {  	_ =	strace s3  }
0x95: {  	s3 =	sld [smem:$0x3FFD];
	_ =	sdelay $0x3  }
0x96: {  	_ =	strace s3  }
0x97: {  	_ =	strace $0x8FFFFFFF  }
0x98: {  	s19 =	sld [smem:$0x3FDB];
	_ =	sdelay $0x1  }
0x99: {  	s4 =	simm.s32 $_scs_section_size  }
0x9a: {  	s5 =	simm.s32 $_size__tile_overlayer_lowered;
	s6 =	simm.s32 $_tile_overlayer_lowered  }
0x9b: {  	s22 =	simm.s32 $0x1BFF;
	s21 =	sshll.u32 s6, $0x1;
	s3 =	sadd.s32 s4, s19  }
0x9c: {  	s7 =	simm.s32 $0x0;
	s20 =	sshll.u32 s5, $0x1;
	s5 =	sadd.s32 s21, s3  }
0x9d: {  	[timem:s7], [sflag:s22] =	dma.local [hbm:s5], s20  }
0x9e: {  	_ =	swait.ge [sflag:s22], s20  }
0x9f: {  	s4 =	ssub.s32 $0x0, s20;
	[sflag:s22] =	ssyncset.done $0x0  }
0xa0: {  	[sflag:s22] =	ssyncadd.s32 s4;
	_ =	sdelay $0x1  }
0xa1: {  	s23 =	simm.s32 $0x1B8B  }
0xa2: {  	_ =	swait.ge [sflag:s23], $0x1  }
0xa3: {  	[sflag:s23] =	ssyncset.done $0x0  }
0xa4: {  	s25 =	simm.s32 $0x1B8E;
	s24 =	sld [smem:$0x3FFE];
	[sflag:s23] =	ssyncadd.s32 $0xFFFFFFFF  }
0xa5: {  	s26 =	simm.s32 $execute0_lowered;
	[smem:$0x3FD2] =	sst s25  }
0xa6: {  	s5 =	sshll.u32 s26, $0x1;
	_ =	strace $0x80000046;
	[dreg:$0x1] =	wrdreg $0xFFFFFFFF  }
0xa7: {  	s28 =	simm.s32 $_size_execute0_lowered;
	s3 =	sadd.s32 s3, s5;
	[dreg:$0x0] =	wrdreg $0x0  }
0xa8: {  	s5 =	sshll.u32 s28, $0x1;
	[dreg:$0x2] =	wrdreg s3  }
0xa9: {  	[dreg:$0x3] =	wrdreg s5  }
0xaa: {  	[dreg:$0x4] =	wrdreg $0xC0  }
0xab: {  	_ =	task [dreg:s7], $0x5FFFF  }
0xac: {  	[dreg:$0x1] =	wrdreg $0xFFFFFFFF  }
0xad: {  	[dreg:$0x0] =	wrdreg $0x60  }
0xae: {  	[dreg:$0x2] =	wrdreg s24  }
0xaf: {  	[dreg:$0x3] =	wrdreg s2  }
0xb0: {  	[dreg:$0x4] =	wrdreg $0x0  }
0xb1: {  	[dreg:$0x5] =	wrdreg $0x9  }
0xb2: {  	_ =	task.clear_ibuf [dreg:s7], $0x6FFFF;
	_ =	strace $0x90000046  }
0xb3: {  	s29 =	simm.s32 $0x9;
	_ =	strace $0x80000048  }
0xb4: {  	_ =	swait.ge [sflag:s29], $0x1  }
0xb5: {  	[sflag:s29] =	ssyncadd.s32 $0xFFFFFFFF  }
0xb6: {  	_ =	strace $0x90000048  }
0xb7: {  	_ =	sfence  }
0xb8: {  	s30 =	sld [smem:$0x0];
	_ =	sdelay $0x2  }
0xb9: {  	s31 =	sshll.u32 s1, $0xD;
	s1 =	sshrl.u32 s1, $0x2  }
0xba: {  	s3 =	sand.u32 $0x4000, s31;
	s1 =	sadd.s32 s1, s30  }
0xbb: {  	s0 =	sor.u32 s3, s0;
	s1 =	sshll.u32 s1, $0x11  }
0xbc: {  	s0 =	sor.u32 s1, s0  }
0xbd: {  	s0 =	sadd.s32 $0x8F2B, s0  }
0xbe: {  	[sflag:s0] =	ssyncadd.remote.s32 $0x1  }
0xbf: {  	_ =	sfence.sel $0xFFFF  }
0xc0: {  	[dreg:$0x0] =	wrdreg $0xFFFFFFFF;
	(pc) =	sbr.abs _section_cstart, $3  }
0xc1: {  	[dreg:$0x1] =	wrdreg $0xFFFFFFFF  }
0xc2: {  	_ =	task.clear_ibuf [dreg:s7], $0x2FFFF;
	_ =	strace $0x9FFFFFFF  }
0xc3: {  	(tm) =	ssettm $0x7FFFFFFF  }
tec
execute0_lowered:
.L_overlay_start_1:
0x0: {  	(tag) =	ssettag $0x1  }
0x1: {  	s4 =	rddreg [dreg:$0x0]  }
0x2: {  	s8 =	rddreg [dreg:$0x1]  }
0x3: {  	s1 =	rddreg [dreg:$0x2]  }
0x4: {  	s2 =	srdreg.scid;
	s0 =	rddreg [dreg:$0x3]  }
0x5: {  	s3 =	simm.s32 $0x0;
	s12 =	simm.s32 $0x2A80;
	s13 =	simm.s32 $0x280  }
0x6: {  	s14 =	simm.s32 $0x80;
	s5 =	sand.u32 $0x1, s2;
	s2 =	stileid.u32  }
0x7: {  	s15 =	simm.s32 $0x0;
	[smem:$0x7FF] =	sst s3;
	s7 =	smul.u32 $0x280, s2  }
0x8: {  	s6 =	sshll.u32 s5, $0x4;
	s10 =	ssub.s32 $0x2, s5;
	s5 =	smul.u32 $0x2800, s5  }
0x9: {  	_ =	strace $0x80000047;
	s6 =	sor.u32 s2, s6;
	s30 =	sshrl.u32 s10, $0x1  }
0xa: {  	s6 =	smul.u32 $0x500, s6;
	s9 =	sshrl.u32 s7, $0x3;
	s31 =	sadd.s32 s7, s5  }
0xb: {  	s29 =	sadd.s32 s9, s4;
	s9 =	ssub.s32 s10, s30;
	s10 =	sshrl.u32 s31, $0x3  }
0xc: {  	s11 =	sadd.s32 s6, s4;
	s4 =	sadd.s32 $0x1B400, s4;
	s5 =	sadd.s32 $0x1B600, s29  }
0xd: {  	s6 =	sadd.s32 s7, s1;
	s8 =	sadd.s32 s8, s10;
	s9 =	smax.u32 s9, $0x1  }
0xe: {  	s10 =	simm.s32 $0x2B00;
	s7 =	sadd.s32 $0x7400, s11;
	s11 =	simm.s32 $0x1  }
.LBB2_1:
0xf: {  	[tilespmem:s10], [sflag:$0x1] =	stream.linear.gather [hbm4b:s5+s3], $0x280, $0x38;
	[tilespmem:$0x2D80] =	vst v63  }
0x10: {  	_ =	swait.ge [sflag:s11], $0x280  }
0x11: {  	[sflag:s11] =	ssyncset.done $0x0  }
0x12: {  	[sflag:s11] =	ssyncadd.s32 $0xFFFFFD80  }
0x13: {  	[spmem:s6] =	stream.linear.scatter [tilespmem:s10], [sflag:$0x1], $0x280, $0x38;
	[tilespmem:$0x2D80] =	vst v63  }
0x14: {  	_ =	swait.ge [sflag:s11], $0x280  }
0x15: {  	[sflag:s11] =	ssyncset.done $0x0  }
0x16: {  	[sflag:s11] =	ssyncadd.s32 $0xFFFFFD80  }
0x17: {  	[tilespmem:s12], [sflag:$0x1] =	stream.linear.gather [hbm4b:s4+s3], $0x80, $0x38;
	[tilespmem:$0x2D80] =	vst v63  }
0x18: {  	_ =	swait.ge [sflag:s11], $0x80  }
0x19: {  	[sflag:s11] =	ssyncset.done $0x0  }
0x1a: {  	[sflag:s11] =	ssyncadd.s32 $0xFFFFFF80  }
0x1b: {  	[tilespmem:s13], [sflag:$0x1] =	stream.linear.gather [hbm4b:s7+s3], $0x2800, $0x38;
	[tilespmem:$0x2D80] =	vst v63  }
0x1c: {  	_ =	swait.ge [sflag:s11], $0x2800  }
0x1d: {  	[sflag:s11] =	ssyncset.done $0x0  }
0x1e: {  	[sflag:s11] =	ssyncadd.s32 $0xFFFFD800  }
0x1f: {  	s16 =	simm.s32 $0x280;
	[bflag:$0x0] =	sbarrier.arrive $0xFFFF  }
0x20: {  	[spmem:s1] =	stream.indirect.scatter.add.f32 [tilespmem:s12], [sflag:$0x1], $0x1, s16, s14, $0xb8;
	[tilespmem:$0x2D80] =	vst v63  }
0x21: {  	s16 =	simm.s32 $0x200;
	_ =	swait.ge [sflag:s11], $0x80  }
.LBB2_2:
0x22: {  	s17 =	sshra.s32 s16, $0x2;
	[sflag:s11] =	ssyncset.done $0x0;
	p0 =	sne.s32 s16, $0x9E00  }
.Ltmp0:
0x23: {  	s17 =	sadd.s32 $0x280, s17;
	[sflag:s11] =	ssyncadd.s32 $0xFFFFFF80;
	(pc) =	sbr.rel @p0 .LBB2_2-.Ltmp0, $3  }
0x24: {  	[spmem:s1] =	stream.indirect.scatter.add.f32 [tilespmem:s12], [sflag:$0x1], $0x1, s17, s14, $0xb8;
	[tilespmem:$0x2D80] =	vst v63  }
0x25: {  	s16 =	sadd.s32 $0x200, s16;
	_ =	sdelay $0x1  }
0x26: {  	_ =	swait.ge [sflag:s11], $0x80  }
0x27: {  	[sflag:s11] =	ssyncset.done $0x0  }
0x28: {  	[sflag:s11] =	ssyncadd.s32 $0xFFFFFF80  }
0x29: {  	[bflag:$0x0] =	sbarrier.arrive $0xFFFF  }
0x2a: {  	[tilespmem:s10], [sflag:$0x1] =	stream.linear.gather [spmem:s6], $0x280, $0x38;
	[tilespmem:$0x2D80] =	vst v63  }
0x2b: {  	s15 =	sadd.s32 $0x1, s15;
	_ =	swait.ge [sflag:s11], $0x280  }
0x2c: {  	p0 =	sne.s32 s15, s9;
	[sflag:s11] =	ssyncset.done $0x0  }
.Ltmp1:
0x2d: {  	[sflag:s11] =	ssyncadd.s32 $0xFFFFFD80;
	(pc) =	sbr.rel @p0 .LBB2_1-.Ltmp1, $4  }
0x2e: {  	[hbm4b:s8+s3] =	stream.linear.scatter [tilespmem:s10], [sflag:$0x1], $0x280, $0x38;
	[tilespmem:$0x2D80] =	vst v63  }
0x2f: {  	_ =	swait.ge [sflag:s11], $0x280  }
0x30: {  	[sflag:s11] =	ssyncset.done $0x0  }
0x31: {  	[sflag:s11] =	ssyncadd.s32 $0xFFFFFD80  }
0x32: {  	_ =	sfence.sel $0x180000  }
0x33: {  	[bflag:$0x0] =	sbarrier.arrive $0xFFFF  }
0x34: {  	p0 =	sne.s32 s2, $0x0;
	_ =	strace $0x90000047  }
0x35: {  	s0 =	sadd.s32 @!p0 $0x100000, s0;
	[bflag:$0x2] =	sbarrier.arrive $0xFFFF  }
0x36: {  	[sflag:s0] =	ssyncadd.tile.s32 @!p0 $0x1;
	_ =	shalt  }
.Lfunc_end2:
_tile_overlayer_lowered:
.L_overlay_start_2:
0x37: {  	(tag) =	ssettag $0x2  }
0x38: {  	s0 =	rddreg [dreg:$0x0];
	s2 =	stileid.u32  }
0x39: {  	s1 =	rddreg [dreg:$0x1];
	p0 =	sne.s32 s2, $0x0  }
0x3a: {  	s3 =	rddreg [dreg:$0x2];
	[bflag:$0x3] =	sbarrier.arrive $0xFFFF;
	s2 =	simm.s32 @!p0 $0x1C01  }
0x3b: {  	[timem:s3], [sflag:s2] =	dma.local @!p0 [hbm:s0], s1  }
0x3c: {  	s0 =	simm.s32 @!p0 $0x1  }
0x3d: {  	_ =	swait.ge @!p0 [sflag:s0], s1  }
0x3e: {  	s1 =	ssub.s32 @!p0 $0x0, s1;
	[sflag:s0] =	ssyncset.done @!p0 $0x0  }
0x3f: {  	[sflag:s0] =	ssyncadd.s32 @!p0 s1  }
0x40: {  	[bflag:$0x3] =	sbarrier.arrive $0xFFFF  }
0x41: {  	_ =	shalt  }

// kernel: kernel.16.cloned.1.call-start
scs
__scs_entry_jumppad:
0x0: {  	(pc) =	sbr.rel $0x88, $3  }
0x1: {  	(tag) =	ssettag $0x0;
	lr =	simm.s32 $0x1  }
0x2: {  	[smem:$0x3F8E] =	sst lr;
	_ =	strace $0xD0000000  }
0x3: {  	_ = 	snop  }
0x4: {  	_ = 	snop  }
0x5: {  	_ = 	snop  }
0x6: {  	_ = 	snop  }
0x7: {  	_ = 	snop  }
__scs_overlays_trampoline_lowered:
0x8: {  	[smem:$0x3F9D] =	sst s0  }
0x9: {  	[smem:$0x3F9E] =	sst s1  }
0xa: {  	[smem:$0x3F9F] =	sst s2  }
0xb: {  	[smem:$0x3FA0] =	sst s3  }
0xc: {  	[smem:$0x3FA1] =	sst s4  }
0xd: {  	[smem:$0x3FA2] =	sst s5  }
0xe: {  	[smem:$0x3FA3] =	sst s6  }
0xf: {  	[smem:$0x3FA4] =	sst s7  }
0x10: {  	[smem:$0x3FA5] =	sst s8  }
0x11: {  	[smem:$0x3FA6] =	sst s9;
	s0 =	simm.s32 @!p0 $0x0  }
0x12: {  	s1 =	sld [smem:$0x3F8C];
	s0 =	simm.s32 @p0 $0x1  }
0x13: {  	[smem:$0x3FA7] =	sst s0;
	s0 =	simm.s32 @!p1 $0x0  }
0x14: {  	s2 =	sld [smem:$0x3F8B];
	s0 =	simm.s32 @p1 $0x1  }
0x15: {  	[smem:$0x3FA8] =	sst s0;
	s0 =	simm.s32 @!p2 $0x0  }
0x16: {  	s3 =	sld [smem:$0x3FDB];
	s0 =	simm.s32 @p2 $0x1  }
0x17: {  	s4 =	simm.s32 $0x1BF5;
	[smem:$0x3FAA] =	sst s0  }
0x18: {  	s0 =	sld [smem:$0x3F8D];
	_ =	swait.ge [sflag:s4], $0x0  }
0x19: {  	s7 =	sld [smem:$0x3F8E]  }
0x1a: {  	s8 =	sadd.s32 $0xFFFFE003, lr  }
0x1b: {  	s9 =	sadd.s32 $0xFFFFFEF7, lr;
	s5 =	simm.s32 $0xFFFFFFFF;
	p2 =	slt.u32 s8, $0xFFFFF086  }
0x1c: {  	p1 =	slt.u32 s9, $0xF7A;
	s5 =	simm.s32 @!p2 $0x0  }
0x1d: {  	s5 =	simm.s32 @p1 $0x1;
	p0 =	seq.s32 s7, s2  }
0x1e: {  	s7 =	smul.u32 @!p0 $0xF7A, s2;
	p2 =	seq.s32 @!p0 s5, $0x0  }
0x1f: {  	s9 =	smul.u32 $0xF7A, s1;
	s8 =	simm.s32 @!p0 $0x1BF5;
	p2 =	por !p2, p0  }
0x20: {  	[sflag:s8] =	ssyncset.s32 @!p0 $0xFFFFF086;
	s6 =	sadd.s32 @!p0 s3, s7;
	s7 =	simm.s32 @!p0 $0x108  }
0x21: {  	s3 =	sadd.s32 s3, s9;
	s6 =	sadd.s32 @!p0 $0x88, s6;
	s7 =	simm.s32 @p2 $0x1082  }
0x22: {  	[simem:s7], [sflag:s8] =	dma.local @!p0 [hbm:s6], $0xF7A  }
0x23: {  	s9 =	sor.u32 $0xD0000000, s2;
	s6 =	simm.s32 $0x108;
	_ =	swait.ge @!p0 [sflag:s8], $0x0  }
0x24: {  	s3 =	sadd.s32 $0x88, s3;
	s6 =	simm.s32 @!p1 $0x1082;
	[sflag:s4] =	ssyncset.s32 $0xFFFFF086  }
0x25: {  	[simem:s6], [sflag:s4] =	dma.local [hbm:s3], $0xF7A  }
0x26: {  	[smem:$0x3F8E] =	sst s1;
	(tag) =	ssettag s2;
	_ =	strace s9  }
0x27: {  	s1 =	sld [smem:$0x3F9E]  }
0x28: {  	s2 =	sld [smem:$0x3F9F]  }
0x29: {  	s4 =	sld [smem:$0x3FA1]  }
0x2a: {  	p0 =	seq.s32 s5, $0x0;
	s5 =	sld [smem:$0x3FA2]  }
0x2b: {  	s6 =	sld [smem:$0x3FA3]  }
0x2c: {  	s7 =	sld [smem:$0x3FA4]  }
0x2d: {  	s3 =	simm.s32 $0x108;
	s8 =	sld [smem:$0x3FA5]  }
0x2e: {  	s3 =	simm.s32 @!p0 $0x1082;
	s9 =	sld [smem:$0x3FA6]  }
0x2f: {  	lr =	sadd.s32 s0, s3;
	s0 =	sld [smem:$0x3F9D]  }
0x30: {  	s3 =	sld [smem:$0x3FA0]  }
0x31: {  	[smem:$0x3FA9] =	sst s10  }
0x32: {  	s10 =	sld [smem:$0x3FA7];
	_ =	sdelay $0x3  }
0x33: {  	p0 =	seq.s32 s10, $0x1;
	s10 =	sld [smem:$0x3FA9];
	_ =	sdelay $0x3  }
0x34: {  	[smem:$0x3FA9] =	sst s10  }
0x35: {  	s10 =	sld [smem:$0x3FA8];
	_ =	sdelay $0x3  }
0x36: {  	p1 =	seq.s32 s10, $0x1;
	s10 =	sld [smem:$0x3FA9];
	_ =	sdelay $0x3  }
0x37: {  	[smem:$0x3FA9] =	sst s10  }
0x38: {  	s10 =	sld [smem:$0x3FAA]  }
0x39: {  	_ = 	snop;
	(pc) =	sbr.ind lr, $3  }
0x3a: {  	_ = 	snop  }
0x3b: {  	_ = 	snop  }
0x3c: {  	p2 =	seq.s32 s10, $0x1;
	s10 =	sld [smem:$0x3FA9]  }
0x3d: {  	_ =	shalt  }
0x3e: {  	_ =	shalt  }
0x3f: {  	_ =	shalt  }
0x40: {  	_ =	shalt  }
0x41: {  	_ =	shalt  }
0x42: {  	_ =	shalt  }
0x43: {  	_ =	shalt  }
0x44: {  	_ =	shalt  }
0x45: {  	_ =	shalt  }
0x46: {  	_ =	shalt  }
0x47: {  	_ =	shalt  }
0x48: {  	_ =	shalt  }
0x49: {  	_ =	shalt  }
0x4a: {  	_ =	shalt  }
0x4b: {  	_ =	shalt  }
0x4c: {  	_ =	shalt  }
0x4d: {  	_ =	shalt  }
0x4e: {  	_ =	shalt  }
0x4f: {  	_ =	shalt  }
0x50: {  	_ =	shalt  }
0x51: {  	_ =	shalt  }
0x52: {  	_ =	shalt  }
0x53: {  	_ =	shalt  }
0x54: {  	_ =	shalt  }
0x55: {  	_ =	shalt  }
0x56: {  	_ =	shalt  }
0x57: {  	_ =	shalt  }
0x58: {  	_ =	shalt  }
0x59: {  	_ =	shalt  }
0x5a: {  	_ =	shalt  }
0x5b: {  	_ =	shalt  }
0x5c: {  	_ =	shalt  }
0x5d: {  	_ =	shalt  }
0x5e: {  	_ =	shalt  }
0x5f: {  	_ =	shalt  }
0x60: {  	_ =	shalt  }
0x61: {  	_ =	shalt  }
0x62: {  	_ =	shalt  }
0x63: {  	_ =	shalt  }
0x64: {  	_ =	shalt  }
0x65: {  	_ =	shalt  }
0x66: {  	_ =	shalt  }
0x67: {  	_ =	shalt  }
0x68: {  	_ =	shalt  }
0x69: {  	_ =	shalt  }
0x6a: {  	_ =	shalt  }
0x6b: {  	_ =	shalt  }
0x6c: {  	_ =	shalt  }
0x6d: {  	_ =	shalt  }
0x6e: {  	_ =	shalt  }
0x6f: {  	_ =	shalt  }
0x70: {  	_ =	shalt  }
0x71: {  	_ =	shalt  }
0x72: {  	_ =	shalt  }
0x73: {  	_ =	shalt  }
0x74: {  	_ =	shalt  }
0x75: {  	_ =	shalt  }
0x76: {  	_ =	shalt  }
0x77: {  	_ =	shalt  }
0x78: {  	_ =	shalt  }
0x79: {  	_ =	shalt  }
0x7a: {  	_ =	shalt  }
0x7b: {  	_ =	shalt  }
0x7c: {  	_ =	shalt  }
0x7d: {  	_ =	shalt  }
0x7e: {  	_ =	shalt  }
0x7f: {  	_ =	shalt  }
0x80: {  	_ =	shalt  }
0x81: {  	_ =	shalt  }
0x82: {  	_ =	shalt  }
0x83: {  	_ =	shalt  }
0x84: {  	_ =	shalt  }
0x85: {  	_ =	shalt  }
0x86: {  	_ =	shalt  }
0x87: {  	_ =	shalt  }
.Lfunc_end0:
.L_simem_size_0:
called_computation.1_lowered:
.L_overlay_start_0:
0x88: {  	s2 =	sld [smem:$0x3FD9]  }
0x89: {  	s3 =	sld [smem:$0x3FFE];
	_ =	sdelay $0x1  }
0x8a: {  	s1 =	srdreg.scid  }
0x8b: {  	s0 =	sand.u32 $0x1, s1  }
0x8c: {  	s16 =	sshll.u32 s0, $0xA;
	s2 =	sadd.s32 s3, s2  }
0x8d: {  	s2 =	sadd.s32 s2, s16  }
0x8e: {  	[smem:$0x3FB5] =	sst s2  }
0x8f: {  	_ = 	snop  }
0x90: {  	(tm) =	ssettm $0x1  }
0x91: {  	s17 =	sld [smem:$0x3FFB];
	_ =	sdelay $0x3  }
0x92: {  	_ =	strace s17  }
0x93: {  	s2 =	sld [smem:$0x3FFC];
	_ =	sdelay $0x3  }
0x94: {  	_ =	strace s2  }
0x95: {  	s2 =	sld [smem:$0x3FFD];
	_ =	sdelay $0x3  }
0x96: {  	_ =	strace s2  }
0x97: {  	_ =	strace $0x8FFFFFFF  }
0x98: {  	s18 =	sld [smem:$0x3FDB];
	_ =	sdelay $0x1  }
0x99: {  	s19 =	simm.s32 $_scs_section_size  }
0x9a: {  	s4 =	simm.s32 $_size__tile_overlayer_lowered;
	s5 =	simm.s32 $_tile_overlayer_lowered  }
0x9b: {  	s22 =	simm.s32 $0x1BFF;
	s21 =	sshll.u32 s5, $0x1;
	s2 =	sadd.s32 s19, s18  }
0x9c: {  	s6 =	simm.s32 $0x0;
	s20 =	sshll.u32 s4, $0x1;
	s4 =	sadd.s32 s21, s2  }
0x9d: {  	[timem:s6], [sflag:s22] =	dma.local [hbm:s4], s20  }
0x9e: {  	_ =	swait.ge [sflag:s22], s20  }
0x9f: {  	s3 =	ssub.s32 $0x0, s20;
	[sflag:s22] =	ssyncset.done $0x0  }
0xa0: {  	[sflag:s22] =	ssyncadd.s32 s3;
	_ =	sdelay $0x1  }
0xa1: {  	s23 =	simm.s32 $0x1B8B  }
0xa2: {  	_ =	swait.ge [sflag:s23], $0x1  }
0xa3: {  	[sflag:s23] =	ssyncset.done $0x0  }
0xa4: {  	s25 =	simm.s32 $0x1B8E;
	s24 =	sld [smem:$0x3FFE];
	[sflag:s23] =	ssyncadd.s32 $0xFFFFFFFF  }
0xa5: {  	s26 =	simm.s32 $execute0_lowered;
	[smem:$0x3FD2] =	sst s25  }
0xa6: {  	s4 =	sshll.u32 s26, $0x1;
	_ =	strace $0x80000049;
	[dreg:$0x1] =	wrdreg $0xFFFFFFFF  }
0xa7: {  	s28 =	simm.s32 $_size_execute0_lowered;
	s2 =	sadd.s32 s2, s4;
	[dreg:$0x0] =	wrdreg $0x0  }
0xa8: {  	s4 =	sshll.u32 s28, $0x1;
	[dreg:$0x2] =	wrdreg s2  }
0xa9: {  	[dreg:$0x3] =	wrdreg s4  }
0xaa: {  	[dreg:$0x4] =	wrdreg $0xC0  }
0xab: {  	_ =	task [dreg:s6], $0x5FFFF  }
0xac: {  	[dreg:$0x1] =	wrdreg $0xFFFFFFFF  }
0xad: {  	[dreg:$0x0] =	wrdreg $0x60  }
0xae: {  	[dreg:$0x2] =	wrdreg s24  }
0xaf: {  	[dreg:$0x3] =	wrdreg $0x0  }
0xb0: {  	[dreg:$0x4] =	wrdreg $0x9  }
0xb1: {  	_ =	task.clear_ibuf [dreg:s6], $0x5FFFF;
	_ =	strace $0x90000049  }
0xb2: {  	s29 =	simm.s32 $0x9;
	_ =	strace $0x8000004B  }
0xb3: {  	_ =	swait.ge [sflag:s29], $0x1  }
0xb4: {  	[sflag:s29] =	ssyncadd.s32 $0xFFFFFFFF  }
0xb5: {  	_ =	strace $0x9000004B  }
0xb6: {  	_ =	sfence  }
0xb7: {  	s30 =	sld [smem:$0x0];
	_ =	sdelay $0x2  }
0xb8: {  	s31 =	sshll.u32 s1, $0xD;
	s1 =	sshrl.u32 s1, $0x2  }
0xb9: {  	s3 =	sand.u32 $0x4000, s31;
	s1 =	sadd.s32 s1, s30  }
0xba: {  	s0 =	sor.u32 s3, s0;
	s1 =	sshll.u32 s1, $0x11  }
0xbb: {  	s0 =	sor.u32 s1, s0  }
0xbc: {  	s0 =	sadd.s32 $0x8F2B, s0  }
0xbd: {  	[sflag:s0] =	ssyncadd.remote.s32 $0x1  }
0xbe: {  	_ =	sfence.sel $0xFFFF  }
0xbf: {  	[dreg:$0x0] =	wrdreg $0xFFFFFFFF;
	(pc) =	sbr.abs _section_cstart, $3  }
0xc0: {  	[dreg:$0x1] =	wrdreg $0xFFFFFFFF  }
0xc1: {  	_ =	task.clear_ibuf [dreg:s6], $0x2FFFF;
	_ =	strace $0x9FFFFFFF  }
0xc2: {  	(tm) =	ssettm $0x7FFFFFFF  }
0xc3: {  	_ =	shalt  }
tec
execute0_lowered:
.L_overlay_start_1:
0x0: {  	(tag) =	ssettag $0x1  }
0x1: {  	s5 =	rddreg [dreg:$0x0]  }
0x2: {  	s2 =	rddreg [dreg:$0x1]  }
0x3: {  	s0 =	rddreg [dreg:$0x2]  }
0x4: {  	s1 =	stileid.u32;
	s4 =	srdreg.scid;
	s3 =	simm.s32 $0x0  }
0x5: {  	s15 =	simm.s32 $0x14000;
	s16 =	simm.s32 $0x15400;
	s17 =	simm.s32 $0x80  }
0x6: {  	s18 =	simm.s32 $0x16800;
	s19 =	simm.s32 $0x14080;
	s20 =	simm.s32 $0x1A800  }
0x7: {  	s21 =	simm.s32 $0x1;
	s22 =	simm.s32 $0x2;
	s23 =	simm.s32 $0x16700  }
0x8: {  	s24 =	simm.s32 $0x16780;
	s25 =	simm.s32 $0x0;
	s6 =	smul.u32 $0x14000, s1  }
0x9: {  	s7 =	sand.u32 $0x1, s4;
	[smem:$0x7FF] =	sst s3;
	s4 =	sadd.s32 $0x1B400, s5  }
0xa: {  	s11 =	sadd.s32 $0x11400, s5;
	s12 =	sadd.s32 $0x7400, s5;
	s9 =	smul.u32 $0x50000, s1  }
0xb: {  	s31 =	sshll.u32 s1, $0x6;
	s8 =	smul.u32 $0x140000, s7;
	s30 =	ssub.s32 $0x2, s7  }
0xc: {  	_ =	strace $0x8000004A;
	s7 =	sshll.u32 s7, $0x4;
	s10 =	sshrl.u32 s30, $0x1  }
0xd: {  	s9 =	sshrl.u32 s9, $0x2;
	s7 =	sor.u32 s1, s7;
	s8 =	sadd.s32 s6, s8  }
0xe: {  	s6 =	sshrl.u32 s6, $0x3;
	s10 =	ssub.s32 s30, s10;
	s13 =	sadd.s32 s9, s2  }
0xf: {  	s14 =	smul.u32 $0x500, s7;
	s8 =	sshrl.u32 s8, $0x3;
	s6 =	sadd.s32 s6, s5  }
0x10: {  	s13 =	sshrl.u32 s13, $0x3;
	s8 =	sadd.s32 s8, s5;
	s5 =	sadd.s32 $0x42600, s6  }
0x11: {  	s6 =	sor.u32 $0x1C03, s31;
	s9 =	sadd.s32 s11, s14;
	s7 =	sadd.s32 $0x6A600, s8  }
0x12: {  	s8 =	smax.u32 s10, $0x1;
	s10 =	sadd.s32 s12, s14;
	s14 =	sadd.s32 $0x280, s14  }
0x13: {  	s11 =	sadd.s32 s11, s14;
	s12 =	sadd.s32 s12, s14;
	s14 =	simm.s32 $0x3  }
.LBB2_1:
0x14: {  	[spmem:s13], [sflag:s6] =	dma.local [hbm:s5], $0x2800  }
0x15: {  	_ =	swait.ge [sflag:s14], $0x2800  }
0x16: {  	[sflag:s14] =	ssyncset.done $0x0  }
0x17: {  	[sflag:s14] =	ssyncadd.s32 $0xFFFFD800  }
0x18: {  	[bflag:$0x0] =	sbarrier.arrive $0xFFFF  }
0x19: {  	[tilespmem:s15], [sflag:$0x3] =	stream.linear.gather [hbm4b:s9+s3], $0x1400, $0x38;
	[tilespmem:$0x1E800] =	vst v63  }
0x1a: {  	_ =	swait.ge [sflag:s14], $0x1400  }
0x1b: {  	[sflag:s14] =	ssyncset.done $0x0  }
0x1c: {  	[sflag:s14] =	ssyncadd.s32 $0xFFFFEC00  }
0x1d: {  	[tilespmem:s16], [sflag:$0x3] =	stream.linear.gather [hbm4b:s10+s3], $0x1400, $0x38;
	[tilespmem:$0x1E800] =	vst v63  }
0x1e: {  	_ =	swait.ge [sflag:s14], $0x1400  }
0x1f: {  	[sflag:s14] =	ssyncset.done $0x0  }
0x20: {  	[sflag:s14] =	ssyncadd.s32 $0xFFFFEC00  }
0x21: {  	[tilespmem:s18], [sflag:$0x1] =	stream.indirect.gather [hbm4b:s4+s17], $0x80, s15, s17, $0xb8;
	[tilespmem:$0x1E800] =	vst v63  }
0x22: {  	_ = 	snop  }
0x23: {  	[tilespmem:s20], [sflag:$0x2] =	stream.indirect.gather [hbm4b:s4+s17], $0x80, s19, s17, $0xb8;
	[tilespmem:$0x1E800] =	vst v63  }
0x24: {  	_ =	swait.ge [sflag:s21], $0x4000  }
0x25: {  	[sflag:s21] =	ssyncset.done $0x0  }
0x26: {  	s26 =	simm.s32 $0x15400;
	[sflag:s21] =	ssyncadd.s32 $0xFFFFC000  }
0x27: {  	[spmem:s2] =	stream.indirect.scatter.add.f32 [tilespmem:s18], [sflag:$0x3], $0x80, s26, s17, $0xb8;
	[tilespmem:$0x1E800] =	vst v63  }
0x28: {  	_ =	swait.ge [sflag:s14], $0x4000  }
0x29: {  	[sflag:s14] =	ssyncset.done $0x0  }
0x2a: {  	s30 =	simm.s32 $0x14100;
	[sflag:s14] =	ssyncadd.s32 $0xFFFFC000  }
0x2b: {  	[tilespmem:s18], [sflag:$0x1] =	stream.indirect.gather [hbm4b:s4+s17], $0x80, s30, s17, $0xb8;
	[tilespmem:$0x1E800] =	vst v63  }
0x2c: {  	_ =	swait.ge [sflag:s22], $0x4000  }
0x2d: {  	[sflag:s22] =	ssyncset.done $0x0  }
0x2e: {  	s31 =	simm.s32 $0x15480;
	[sflag:s22] =	ssyncadd.s32 $0xFFFFC000  }
0x2f: {  	[spmem:s2] =	stream.indirect.scatter.add.f32 [tilespmem:s20], [sflag:$0x3], $0x80, s31, s17, $0xb8;
	[tilespmem:$0x1E800] =	vst v63  }
0x30: {  	_ =	swait.ge [sflag:s14], $0x4000  }
0x31: {  	[sflag:s14] =	ssyncset.done $0x0  }
0x32: {  	s28 =	simm.s32 $0x14180;
	s26 =	simm.s32 $0x400;
	[sflag:s14] =	ssyncadd.s32 $0xFFFFC000  }
.LBB2_2:
0x33: {  	[tilespmem:s20], [sflag:$0x2] =	stream.indirect.gather [hbm4b:s4+s17], $0x80, s28, s17, $0xb8;
	[tilespmem:$0x1E800] =	vst v63  }
0x34: {  	s28 =	smov.u32 s26  }
0x35: {  	p0 =	sne.s32 s26, $0x4800;
	s26 =	sadd.s32 $0x400, s26;
	_ =	swait.ge [sflag:s21], $0x4000  }
0x36: {  	s28 =	sshra.s32 s28, $0x2;
	[sflag:s21] =	ssyncset.done $0x0  }
0x37: {  	s29 =	sadd.s32 $0x15400, s28;
	[sflag:s21] =	ssyncadd.s32 $0xFFFFC000  }
0x38: {  	[spmem:s2] =	stream.indirect.scatter.add.f32 [tilespmem:s18], [sflag:$0x3], $0x80, s29, s17, $0xb8;
	[tilespmem:$0x1E800] =	vst v63  }
0x39: {  	_ =	swait.ge [sflag:s14], $0x4000  }
0x3a: {  	[sflag:s14] =	ssyncset.done $0x0  }
0x3b: {  	s29 =	sadd.s32 $0x14100, s28;
	[sflag:s14] =	ssyncadd.s32 $0xFFFFC000  }
0x3c: {  	[tilespmem:s18], [sflag:$0x1] =	stream.indirect.gather [hbm4b:s4+s17], $0x80, s29, s17, $0xb8;
	[tilespmem:$0x1E800] =	vst v63  }
0x3d: {  	_ =	swait.ge [sflag:s22], $0x4000  }
0x3e: {  	[sflag:s22] =	ssyncset.done $0x0  }
.Ltmp0:
0x3f: {  	s29 =	sadd.s32 $0x15480, s28;
	[sflag:s22] =	ssyncadd.s32 $0xFFFFC000;
	(pc) =	sbr.rel @p0 .LBB2_2-.Ltmp0, $4  }
0x40: {  	[spmem:s2] =	stream.indirect.scatter.add.f32 [tilespmem:s20], [sflag:$0x3], $0x80, s29, s17, $0xb8;
	[tilespmem:$0x1E800] =	vst v63  }
0x41: {  	_ =	swait.ge [sflag:s14], $0x4000  }
0x42: {  	[sflag:s14] =	ssyncset.done $0x0  }
0x43: {  	s28 =	sadd.s32 $0x14180, s28;
	[sflag:s14] =	ssyncadd.s32 $0xFFFFC000  }
0x44: {  	[tilespmem:s20], [sflag:$0x2] =	stream.indirect.gather [hbm4b:s4+s17], $0x80, s28, s17, $0xb8;
	[tilespmem:$0x1E800] =	vst v63  }
0x45: {  	_ =	swait.ge [sflag:s21], $0x4000  }
0x46: {  	[sflag:s21] =	ssyncset.done $0x0  }
0x47: {  	[sflag:s21] =	ssyncadd.s32 $0xFFFFC000  }
0x48: {  	[spmem:s2] =	stream.indirect.scatter.add.f32 [tilespmem:s18], [sflag:$0x3], $0x80, s23, s17, $0xb8;
	[tilespmem:$0x1E800] =	vst v63  }
0x49: {  	_ =	swait.ge [sflag:s14], $0x4000  }
0x4a: {  	[sflag:s14] =	ssyncset.done $0x0  }
0x4b: {  	[sflag:s14] =	ssyncadd.s32 $0xFFFFC000  }
0x4c: {  	_ =	swait.ge [sflag:s22], $0x4000  }
0x4d: {  	[sflag:s22] =	ssyncset.done $0x0  }
0x4e: {  	[sflag:s22] =	ssyncadd.s32 $0xFFFFC000  }
0x4f: {  	[spmem:s2] =	stream.indirect.scatter.add.f32 [tilespmem:s20], [sflag:$0x3], $0x80, s24, s17, $0xb8;
	[tilespmem:$0x1E800] =	vst v63  }
0x50: {  	_ =	swait.ge [sflag:s14], $0x4000  }
0x51: {  	[sflag:s14] =	ssyncset.done $0x0  }
0x52: {  	s26 =	simm.s32 $0x0;
	[sflag:s14] =	ssyncadd.s32 $0xFFFFC000  }
0x53: {  	[tilespmem:s15], [sflag:$0x3] =	stream.linear.gather [hbm4b:s11+s26], $0x1400, $0x38;
	[tilespmem:$0x1E800] =	vst v63  }
0x54: {  	_ =	swait.ge [sflag:s14], $0x1400  }
0x55: {  	[sflag:s14] =	ssyncset.done $0x0  }
0x56: {  	[sflag:s14] =	ssyncadd.s32 $0xFFFFEC00  }
0x57: {  	[tilespmem:s16], [sflag:$0x3] =	stream.linear.gather [hbm4b:s12+s26], $0x1400, $0x38;
	[tilespmem:$0x1E800] =	vst v63  }
0x58: {  	_ =	swait.ge [sflag:s14], $0x1400  }
0x59: {  	[sflag:s14] =	ssyncset.done $0x0  }
0x5a: {  	[sflag:s14] =	ssyncadd.s32 $0xFFFFEC00  }
0x5b: {  	[tilespmem:s18], [sflag:$0x1] =	stream.indirect.gather [hbm4b:s4+s17], $0x80, s15, s17, $0xb8;
	[tilespmem:$0x1E800] =	vst v63  }
0x5c: {  	_ = 	snop  }
0x5d: {  	[tilespmem:s20], [sflag:$0x2] =	stream.indirect.gather [hbm4b:s4+s17], $0x80, s19, s17, $0xb8;
	[tilespmem:$0x1E800] =	vst v63  }
0x5e: {  	_ =	swait.ge [sflag:s21], $0x4000  }
0x5f: {  	[sflag:s21] =	ssyncset.done $0x0  }
0x60: {  	s29 =	simm.s32 $0x15400;
	[sflag:s21] =	ssyncadd.s32 $0xFFFFC000  }
0x61: {  	[spmem:s2] =	stream.indirect.scatter.add.f32 [tilespmem:s18], [sflag:$0x3], $0x80, s29, s17, $0xb8;
	[tilespmem:$0x1E800] =	vst v63  }
0x62: {  	_ =	swait.ge [sflag:s14], $0x4000  }
0x63: {  	[sflag:s14] =	ssyncset.done $0x0  }
0x64: {  	s30 =	simm.s32 $0x14100;
	[sflag:s14] =	ssyncadd.s32 $0xFFFFC000  }
0x65: {  	[tilespmem:s18], [sflag:$0x1] =	stream.indirect.gather [hbm4b:s4+s17], $0x80, s30, s17, $0xb8;
	[tilespmem:$0x1E800] =	vst v63  }
0x66: {  	_ =	swait.ge [sflag:s22], $0x4000  }
0x67: {  	[sflag:s22] =	ssyncset.done $0x0  }
0x68: {  	s31 =	simm.s32 $0x15480;
	[sflag:s22] =	ssyncadd.s32 $0xFFFFC000  }
0x69: {  	[spmem:s2] =	stream.indirect.scatter.add.f32 [tilespmem:s20], [sflag:$0x3], $0x80, s31, s17, $0xb8;
	[tilespmem:$0x1E800] =	vst v63  }
0x6a: {  	_ =	swait.ge [sflag:s14], $0x4000  }
0x6b: {  	[sflag:s14] =	ssyncset.done $0x0  }
0x6c: {  	s28 =	simm.s32 $0x14180;
	s26 =	simm.s32 $0x400;
	[sflag:s14] =	ssyncadd.s32 $0xFFFFC000  }
.LBB2_4:
0x6d: {  	[tilespmem:s20], [sflag:$0x2] =	stream.indirect.gather [hbm4b:s4+s17], $0x80, s28, s17, $0xb8;
	[tilespmem:$0x1E800] =	vst v63  }
0x6e: {  	s28 =	smov.u32 s26  }
0x6f: {  	p0 =	sne.s32 s26, $0x4800;
	s26 =	sadd.s32 $0x400, s26;
	_ =	swait.ge [sflag:s21], $0x4000  }
0x70: {  	s28 =	sshra.s32 s28, $0x2;
	[sflag:s21] =	ssyncset.done $0x0  }
0x71: {  	s29 =	sadd.s32 $0x15400, s28;
	[sflag:s21] =	ssyncadd.s32 $0xFFFFC000  }
0x72: {  	[spmem:s2] =	stream.indirect.scatter.add.f32 [tilespmem:s18], [sflag:$0x3], $0x80, s29, s17, $0xb8;
	[tilespmem:$0x1E800] =	vst v63  }
0x73: {  	_ =	swait.ge [sflag:s14], $0x4000  }
0x74: {  	[sflag:s14] =	ssyncset.done $0x0  }
0x75: {  	s29 =	sadd.s32 $0x14100, s28;
	[sflag:s14] =	ssyncadd.s32 $0xFFFFC000  }
0x76: {  	[tilespmem:s18], [sflag:$0x1] =	stream.indirect.gather [hbm4b:s4+s17], $0x80, s29, s17, $0xb8;
	[tilespmem:$0x1E800] =	vst v63  }
0x77: {  	_ =	swait.ge [sflag:s22], $0x4000  }
0x78: {  	[sflag:s22] =	ssyncset.done $0x0  }
.Ltmp1:
0x79: {  	s29 =	sadd.s32 $0x15480, s28;
	[sflag:s22] =	ssyncadd.s32 $0xFFFFC000;
	(pc) =	sbr.rel @p0 .LBB2_4-.Ltmp1, $4  }
0x7a: {  	[spmem:s2] =	stream.indirect.scatter.add.f32 [tilespmem:s20], [sflag:$0x3], $0x80, s29, s17, $0xb8;
	[tilespmem:$0x1E800] =	vst v63  }
0x7b: {  	_ =	swait.ge [sflag:s14], $0x4000  }
0x7c: {  	[sflag:s14] =	ssyncset.done $0x0  }
0x7d: {  	s28 =	sadd.s32 $0x14180, s28;
	[sflag:s14] =	ssyncadd.s32 $0xFFFFC000  }
0x7e: {  	[tilespmem:s20], [sflag:$0x2] =	stream.indirect.gather [hbm4b:s4+s17], $0x80, s28, s17, $0xb8;
	[tilespmem:$0x1E800] =	vst v63  }
0x7f: {  	_ =	swait.ge [sflag:s21], $0x4000  }
0x80: {  	[sflag:s21] =	ssyncset.done $0x0  }
0x81: {  	[sflag:s21] =	ssyncadd.s32 $0xFFFFC000  }
0x82: {  	[spmem:s2] =	stream.indirect.scatter.add.f32 [tilespmem:s18], [sflag:$0x3], $0x80, s23, s17, $0xb8;
	[tilespmem:$0x1E800] =	vst v63  }
0x83: {  	_ =	swait.ge [sflag:s14], $0x4000  }
0x84: {  	[sflag:s14] =	ssyncset.done $0x0  }
0x85: {  	[sflag:s14] =	ssyncadd.s32 $0xFFFFC000  }
0x86: {  	_ =	swait.ge [sflag:s22], $0x4000  }
0x87: {  	[sflag:s22] =	ssyncset.done $0x0  }
0x88: {  	[sflag:s22] =	ssyncadd.s32 $0xFFFFC000  }
0x89: {  	[spmem:s2] =	stream.indirect.scatter.add.f32 [tilespmem:s20], [sflag:$0x3], $0x80, s24, s17, $0xb8;
	[tilespmem:$0x1E800] =	vst v63  }
0x8a: {  	_ =	swait.ge [sflag:s14], $0x4000  }
0x8b: {  	s25 =	sadd.s32 $0x1, s25;
	[sflag:s14] =	ssyncset.done $0x0  }
0x8c: {  	p0 =	sne.s32 s25, s8;
	[sflag:s14] =	ssyncadd.s32 $0xFFFFC000  }
.Ltmp2:
0x8d: {  	[bflag:$0x0] =	sbarrier.arrive $0xFFFF;
	(pc) =	sbr.rel @p0 .LBB2_1-.Ltmp2, $4  }
0x8e: {  	[hbm:s7], [sflag:s6] =	dma.local [spmem:s13], $0x2800  }
0x8f: {  	_ =	swait.ge [sflag:s14], $0x2800  }
0x90: {  	[sflag:s14] =	ssyncset.done $0x0  }
0x91: {  	[sflag:s14] =	ssyncadd.s32 $0xFFFFD800  }
0x92: {  	_ =	sfence.sel $0x180000  }
0x93: {  	[bflag:$0x0] =	sbarrier.arrive $0xFFFF  }
0x94: {  	p0 =	sne.s32 s1, $0x0;
	_ =	strace $0x9000004A  }
0x95: {  	s0 =	sadd.s32 @!p0 $0x100000, s0;
	[bflag:$0x2] =	sbarrier.arrive $0xFFFF  }
0x96: {  	[sflag:s0] =	ssyncadd.tile.s32 @!p0 $0x1;
	_ =	shalt  }
.Lfunc_end2:
_tile_overlayer_lowered:
.L_overlay_start_2:
0x97: {  	(tag) =	ssettag $0x2  }
0x98: {  	s0 =	rddreg [dreg:$0x0];
	s2 =	stileid.u32  }
0x99: {  	s1 =	rddreg [dreg:$0x1];
	p0 =	sne.s32 s2, $0x0  }
0x9a: {  	s3 =	rddreg [dreg:$0x2];
	[bflag:$0x3] =	sbarrier.arrive $0xFFFF;
	s2 =	simm.s32 @!p0 $0x1C03  }
0x9b: {  	[timem:s3], [sflag:s2] =	dma.local @!p0 [hbm:s0], s1  }
0x9c: {  	s0 =	simm.s32 @!p0 $0x3  }
0x9d: {  	_ =	swait.ge @!p0 [sflag:s0], s1  }
0x9e: {  	s1 =	ssub.s32 @!p0 $0x0, s1;
	[sflag:s0] =	ssyncset.done @!p0 $0x0  }
0x9f: {  	[sflag:s0] =	ssyncadd.s32 @!p0 s1  }
0xa0: {  	[bflag:$0x3] =	sbarrier.arrive $0xFFFF  }
0xa1: {  	_ =	shalt  }

// kernel: kernel.19.cloned.1.call-start
scs
__scs_entry_jumppad:
0x0: {  	(pc) =	sbr.rel $0x88, $3  }
0x1: {  	(tag) =	ssettag $0x0;
	lr =	simm.s32 $0x1  }
0x2: {  	[smem:$0x3F8E] =	sst lr;
	_ =	strace $0xD0000000  }
0x3: {  	_ = 	snop  }
0x4: {  	_ = 	snop  }
0x5: {  	_ = 	snop  }
0x6: {  	_ = 	snop  }
0x7: {  	_ = 	snop  }
__scs_overlays_trampoline_lowered:
0x8: {  	[smem:$0x3F9D] =	sst s0  }
0x9: {  	[smem:$0x3F9E] =	sst s1  }
0xa: {  	[smem:$0x3F9F] =	sst s2  }
0xb: {  	[smem:$0x3FA0] =	sst s3  }
0xc: {  	[smem:$0x3FA1] =	sst s4  }
0xd: {  	[smem:$0x3FA2] =	sst s5  }
0xe: {  	[smem:$0x3FA3] =	sst s6  }
0xf: {  	[smem:$0x3FA4] =	sst s7  }
0x10: {  	[smem:$0x3FA5] =	sst s8  }
0x11: {  	[smem:$0x3FA6] =	sst s9;
	s0 =	simm.s32 @!p0 $0x0  }
0x12: {  	s1 =	sld [smem:$0x3F8C];
	s0 =	simm.s32 @p0 $0x1  }
0x13: {  	[smem:$0x3FA7] =	sst s0;
	s0 =	simm.s32 @!p1 $0x0  }
0x14: {  	s2 =	sld [smem:$0x3F8B];
	s0 =	simm.s32 @p1 $0x1  }
0x15: {  	[smem:$0x3FA8] =	sst s0;
	s0 =	simm.s32 @!p2 $0x0  }
0x16: {  	s3 =	sld [smem:$0x3FDB];
	s0 =	simm.s32 @p2 $0x1  }
0x17: {  	s4 =	simm.s32 $0x1BF5;
	[smem:$0x3FAA] =	sst s0  }
0x18: {  	s0 =	sld [smem:$0x3F8D];
	_ =	swait.ge [sflag:s4], $0x0  }
0x19: {  	s7 =	sld [smem:$0x3F8E]  }
0x1a: {  	s8 =	sadd.s32 $0xFFFFE003, lr  }
0x1b: {  	s9 =	sadd.s32 $0xFFFFFEF7, lr;
	s5 =	simm.s32 $0xFFFFFFFF;
	p2 =	slt.u32 s8, $0xFFFFF086  }
0x1c: {  	p1 =	slt.u32 s9, $0xF7A;
	s5 =	simm.s32 @!p2 $0x0  }
0x1d: {  	s5 =	simm.s32 @p1 $0x1;
	p0 =	seq.s32 s7, s2  }
0x1e: {  	s7 =	smul.u32 @!p0 $0xF7A, s2;
	p2 =	seq.s32 @!p0 s5, $0x0  }
0x1f: {  	s9 =	smul.u32 $0xF7A, s1;
	s8 =	simm.s32 @!p0 $0x1BF5;
	p2 =	por !p2, p0  }
0x20: {  	[sflag:s8] =	ssyncset.s32 @!p0 $0xFFFFF086;
	s6 =	sadd.s32 @!p0 s3, s7;
	s7 =	simm.s32 @!p0 $0x108  }
0x21: {  	s3 =	sadd.s32 s3, s9;
	s6 =	sadd.s32 @!p0 $0x88, s6;
	s7 =	simm.s32 @p2 $0x1082  }
0x22: {  	[simem:s7], [sflag:s8] =	dma.local @!p0 [hbm:s6], $0xF7A  }
0x23: {  	s9 =	sor.u32 $0xD0000000, s2;
	s6 =	simm.s32 $0x108;
	_ =	swait.ge @!p0 [sflag:s8], $0x0  }
0x24: {  	s3 =	sadd.s32 $0x88, s3;
	s6 =	simm.s32 @!p1 $0x1082;
	[sflag:s4] =	ssyncset.s32 $0xFFFFF086  }
0x25: {  	[simem:s6], [sflag:s4] =	dma.local [hbm:s3], $0xF7A  }
0x26: {  	[smem:$0x3F8E] =	sst s1;
	(tag) =	ssettag s2;
	_ =	strace s9  }
0x27: {  	s1 =	sld [smem:$0x3F9E]  }
0x28: {  	s2 =	sld [smem:$0x3F9F]  }
0x29: {  	s4 =	sld [smem:$0x3FA1]  }
0x2a: {  	p0 =	seq.s32 s5, $0x0;
	s5 =	sld [smem:$0x3FA2]  }
0x2b: {  	s6 =	sld [smem:$0x3FA3]  }
0x2c: {  	s7 =	sld [smem:$0x3FA4]  }
0x2d: {  	s3 =	simm.s32 $0x108;
	s8 =	sld [smem:$0x3FA5]  }
0x2e: {  	s3 =	simm.s32 @!p0 $0x1082;
	s9 =	sld [smem:$0x3FA6]  }
0x2f: {  	lr =	sadd.s32 s0, s3;
	s0 =	sld [smem:$0x3F9D]  }
0x30: {  	s3 =	sld [smem:$0x3FA0]  }
0x31: {  	[smem:$0x3FA9] =	sst s10  }
0x32: {  	s10 =	sld [smem:$0x3FA7];
	_ =	sdelay $0x3  }
0x33: {  	p0 =	seq.s32 s10, $0x1;
	s10 =	sld [smem:$0x3FA9];
	_ =	sdelay $0x3  }
0x34: {  	[smem:$0x3FA9] =	sst s10  }
0x35: {  	s10 =	sld [smem:$0x3FA8];
	_ =	sdelay $0x3  }
0x36: {  	p1 =	seq.s32 s10, $0x1;
	s10 =	sld [smem:$0x3FA9];
	_ =	sdelay $0x3  }
0x37: {  	[smem:$0x3FA9] =	sst s10  }
0x38: {  	s10 =	sld [smem:$0x3FAA]  }
0x39: {  	_ = 	snop;
	(pc) =	sbr.ind lr, $3  }
0x3a: {  	_ = 	snop  }
0x3b: {  	_ = 	snop  }
0x3c: {  	p2 =	seq.s32 s10, $0x1;
	s10 =	sld [smem:$0x3FA9]  }
0x3d: {  	_ =	shalt  }
0x3e: {  	_ =	shalt  }
0x3f: {  	_ =	shalt  }
0x40: {  	_ =	shalt  }
0x41: {  	_ =	shalt  }
0x42: {  	_ =	shalt  }
0x43: {  	_ =	shalt  }
0x44: {  	_ =	shalt  }
0x45: {  	_ =	shalt  }
0x46: {  	_ =	shalt  }
0x47: {  	_ =	shalt  }
0x48: {  	_ =	shalt  }
0x49: {  	_ =	shalt  }
0x4a: {  	_ =	shalt  }
0x4b: {  	_ =	shalt  }
0x4c: {  	_ =	shalt  }
0x4d: {  	_ =	shalt  }
0x4e: {  	_ =	shalt  }
0x4f: {  	_ =	shalt  }
0x50: {  	_ =	shalt  }
0x51: {  	_ =	shalt  }
0x52: {  	_ =	shalt  }
0x53: {  	_ =	shalt  }
0x54: {  	_ =	shalt  }
0x55: {  	_ =	shalt  }
0x56: {  	_ =	shalt  }
0x57: {  	_ =	shalt  }
0x58: {  	_ =	shalt  }
0x59: {  	_ =	shalt  }
0x5a: {  	_ =	shalt  }
0x5b: {  	_ =	shalt  }
0x5c: {  	_ =	shalt  }
0x5d: {  	_ =	shalt  }
0x5e: {  	_ =	shalt  }
0x5f: {  	_ =	shalt  }
0x60: {  	_ =	shalt  }
0x61: {  	_ =	shalt  }
0x62: {  	_ =	shalt  }
0x63: {  	_ =	shalt  }
0x64: {  	_ =	shalt  }
0x65: {  	_ =	shalt  }
0x66: {  	_ =	shalt  }
0x67: {  	_ =	shalt  }
0x68: {  	_ =	shalt  }
0x69: {  	_ =	shalt  }
0x6a: {  	_ =	shalt  }
0x6b: {  	_ =	shalt  }
0x6c: {  	_ =	shalt  }
0x6d: {  	_ =	shalt  }
0x6e: {  	_ =	shalt  }
0x6f: {  	_ =	shalt  }
0x70: {  	_ =	shalt  }
0x71: {  	_ =	shalt  }
0x72: {  	_ =	shalt  }
0x73: {  	_ =	shalt  }
0x74: {  	_ =	shalt  }
0x75: {  	_ =	shalt  }
0x76: {  	_ =	shalt  }
0x77: {  	_ =	shalt  }
0x78: {  	_ =	shalt  }
0x79: {  	_ =	shalt  }
0x7a: {  	_ =	shalt  }
0x7b: {  	_ =	shalt  }
0x7c: {  	_ =	shalt  }
0x7d: {  	_ =	shalt  }
0x7e: {  	_ =	shalt  }
0x7f: {  	_ =	shalt  }
0x80: {  	_ =	shalt  }
0x81: {  	_ =	shalt  }
0x82: {  	_ =	shalt  }
0x83: {  	_ =	shalt  }
0x84: {  	_ =	shalt  }
0x85: {  	_ =	shalt  }
0x86: {  	_ =	shalt  }
0x87: {  	_ =	shalt  }
.Lfunc_end0:
.L_simem_size_0:
called_computation.2_lowered:
.L_overlay_start_0:
0x88: {  	s2 =	sld [smem:$0x3FD9]  }
0x89: {  	s3 =	sld [smem:$0x3FFE];
	_ =	sdelay $0x1  }
0x8a: {  	s1 =	srdreg.scid  }
0x8b: {  	s0 =	sand.u32 $0x1, s1  }
0x8c: {  	s16 =	sshll.u32 s0, $0xA;
	s2 =	sadd.s32 s3, s2  }
0x8d: {  	s2 =	sadd.s32 s2, s16  }
0x8e: {  	[smem:$0x3FB5] =	sst s2  }
0x8f: {  	_ = 	snop  }
0x90: {  	(tm) =	ssettm $0x1  }
0x91: {  	s17 =	sld [smem:$0x3FFB];
	_ =	sdelay $0x3  }
0x92: {  	_ =	strace s17  }
0x93: {  	s2 =	sld [smem:$0x3FFC];
	_ =	sdelay $0x3  }
0x94: {  	_ =	strace s2  }
0x95: {  	s2 =	sld [smem:$0x3FFD];
	_ =	sdelay $0x3  }
0x96: {  	_ =	strace s2  }
0x97: {  	_ =	strace $0x8FFFFFFF  }
0x98: {  	s18 =	sld [smem:$0x3FDB];
	_ =	sdelay $0x1  }
0x99: {  	s19 =	simm.s32 $_scs_section_size  }
0x9a: {  	s4 =	simm.s32 $_size__tile_overlayer_lowered;
	s5 =	simm.s32 $_tile_overlayer_lowered  }
0x9b: {  	s22 =	simm.s32 $0x1BFF;
	s21 =	sshll.u32 s5, $0x1;
	s2 =	sadd.s32 s19, s18  }
0x9c: {  	s6 =	simm.s32 $0x0;
	s20 =	sshll.u32 s4, $0x1;
	s4 =	sadd.s32 s21, s2  }
0x9d: {  	[timem:s6], [sflag:s22] =	dma.local [hbm:s4], s20  }
0x9e: {  	_ =	swait.ge [sflag:s22], s20  }
0x9f: {  	s3 =	ssub.s32 $0x0, s20;
	[sflag:s22] =	ssyncset.done $0x0  }
0xa0: {  	[sflag:s22] =	ssyncadd.s32 s3;
	_ =	sdelay $0x1  }
0xa1: {  	s23 =	simm.s32 $0x1B8B  }
0xa2: {  	_ =	swait.ge [sflag:s23], $0x1  }
0xa3: {  	[sflag:s23] =	ssyncset.done $0x0  }
0xa4: {  	s25 =	simm.s32 $0x1B8E;
	s24 =	sld [smem:$0x3FFE];
	[sflag:s23] =	ssyncadd.s32 $0xFFFFFFFF  }
0xa5: {  	s26 =	simm.s32 $execute0_lowered;
	[smem:$0x3FD2] =	sst s25  }
0xa6: {  	s4 =	sshll.u32 s26, $0x1;
	_ =	strace $0x8000004C;
	[dreg:$0x1] =	wrdreg $0xFFFFFFFF  }
0xa7: {  	s28 =	simm.s32 $_size_execute0_lowered;
	s2 =	sadd.s32 s2, s4;
	[dreg:$0x0] =	wrdreg $0x0  }
0xa8: {  	s4 =	sshll.u32 s28, $0x1;
	[dreg:$0x2] =	wrdreg s2  }
0xa9: {  	[dreg:$0x3] =	wrdreg s4  }
0xaa: {  	[dreg:$0x4] =	wrdreg $0xC0  }
0xab: {  	_ =	task [dreg:s6], $0x5FFFF  }
0xac: {  	[dreg:$0x1] =	wrdreg $0xFFFFFFFF  }
0xad: {  	[dreg:$0x0] =	wrdreg $0x60  }
0xae: {  	[dreg:$0x2] =	wrdreg s24  }
0xaf: {  	[dreg:$0x3] =	wrdreg $0x0  }
0xb0: {  	[dreg:$0x4] =	wrdreg $0x9  }
0xb1: {  	_ =	task.clear_ibuf [dreg:s6], $0x5FFFF;
	_ =	strace $0x9000004C  }
0xb2: {  	s29 =	simm.s32 $0x9;
	_ =	strace $0x8000004E  }
0xb3: {  	_ =	swait.ge [sflag:s29], $0x1  }
0xb4: {  	[sflag:s29] =	ssyncadd.s32 $0xFFFFFFFF  }
0xb5: {  	_ =	strace $0x9000004E  }
0xb6: {  	_ =	sfence  }
0xb7: {  	s30 =	sld [smem:$0x0];
	_ =	sdelay $0x2  }
0xb8: {  	s31 =	sshll.u32 s1, $0xD;
	s1 =	sshrl.u32 s1, $0x2  }
0xb9: {  	s3 =	sand.u32 $0x4000, s31;
	s1 =	sadd.s32 s1, s30  }
0xba: {  	s0 =	sor.u32 s3, s0;
	s1 =	sshll.u32 s1, $0x11  }
0xbb: {  	s0 =	sor.u32 s1, s0  }
0xbc: {  	s0 =	sadd.s32 $0x8F2B, s0  }
0xbd: {  	[sflag:s0] =	ssyncadd.remote.s32 $0x1  }
0xbe: {  	_ =	sfence.sel $0xFFFF  }
0xbf: {  	[dreg:$0x0] =	wrdreg $0xFFFFFFFF;
	(pc) =	sbr.abs _section_cstart, $3  }
0xc0: {  	[dreg:$0x1] =	wrdreg $0xFFFFFFFF  }
0xc1: {  	_ =	task.clear_ibuf [dreg:s6], $0x2FFFF;
	_ =	strace $0x9FFFFFFF  }
0xc2: {  	(tm) =	ssettm $0x7FFFFFFF  }
0xc3: {  	_ =	shalt  }
tec
execute0_lowered:
.L_overlay_start_1:
0x0: {  	(tag) =	ssettag $0x1  }
0x1: {  	s5 =	rddreg [dreg:$0x0]  }
0x2: {  	s2 =	rddreg [dreg:$0x1]  }
0x3: {  	s0 =	rddreg [dreg:$0x2]  }
0x4: {  	s1 =	stileid.u32;
	s4 =	srdreg.scid;
	s3 =	simm.s32 $0x0  }
0x5: {  	s15 =	simm.s32 $0x14000;
	s16 =	simm.s32 $0x15400;
	s17 =	simm.s32 $0x80  }
0x6: {  	s18 =	simm.s32 $0x16800;
	s19 =	simm.s32 $0x14080;
	s20 =	simm.s32 $0x1A800  }
0x7: {  	s21 =	simm.s32 $0x1;
	s22 =	simm.s32 $0x2;
	s23 =	simm.s32 $0x16700  }
0x8: {  	s24 =	simm.s32 $0x16780;
	s25 =	simm.s32 $0x0;
	s6 =	smul.u32 $0x14000, s1  }
0x9: {  	s7 =	sand.u32 $0x1, s4;
	[smem:$0x7FF] =	sst s3;
	s4 =	sadd.s32 $0x1B400, s5  }
0xa: {  	s11 =	sadd.s32 $0x11400, s5;
	s12 =	sadd.s32 $0x7400, s5;
	s9 =	smul.u32 $0x50000, s1  }
0xb: {  	s31 =	sshll.u32 s1, $0x6;
	s8 =	smul.u32 $0x140000, s7;
	s30 =	ssub.s32 $0x2, s7  }
0xc: {  	_ =	strace $0x8000004D;
	s7 =	sshll.u32 s7, $0x4;
	s10 =	sshrl.u32 s30, $0x1  }
0xd: {  	s9 =	sshrl.u32 s9, $0x2;
	s7 =	sor.u32 s1, s7;
	s8 =	sadd.s32 s6, s8  }
0xe: {  	s6 =	sshrl.u32 s6, $0x3;
	s10 =	ssub.s32 s30, s10;
	s13 =	sadd.s32 s9, s2  }
0xf: {  	s14 =	smul.u32 $0x500, s7;
	s8 =	sshrl.u32 s8, $0x3;
	s6 =	sadd.s32 s6, s5  }
0x10: {  	s13 =	sshrl.u32 s13, $0x3;
	s8 =	sadd.s32 s8, s5;
	s5 =	sadd.s32 $0x42600, s6  }
0x11: {  	s6 =	sor.u32 $0x1C03, s31;
	s9 =	sadd.s32 s11, s14;
	s7 =	sadd.s32 $0x6A600, s8  }
0x12: {  	s8 =	smax.u32 s10, $0x1;
	s10 =	sadd.s32 s12, s14;
	s14 =	sadd.s32 $0x280, s14  }
0x13: {  	s11 =	sadd.s32 s11, s14;
	s12 =	sadd.s32 s12, s14;
	s14 =	simm.s32 $0x3  }
.LBB2_1:
0x14: {  	[spmem:s13], [sflag:s6] =	dma.local [hbm:s5], $0x2800  }
0x15: {  	_ =	swait.ge [sflag:s14], $0x2800  }
0x16: {  	[sflag:s14] =	ssyncset.done $0x0  }
0x17: {  	[sflag:s14] =	ssyncadd.s32 $0xFFFFD800  }
0x18: {  	[bflag:$0x0] =	sbarrier.arrive $0xFFFF  }
0x19: {  	[tilespmem:s15], [sflag:$0x3] =	stream.linear.gather [hbm4b:s9+s3], $0x1400, $0x38;
	[tilespmem:$0x1E800] =	vst v63  }
0x1a: {  	_ =	swait.ge [sflag:s14], $0x1400  }
0x1b: {  	[sflag:s14] =	ssyncset.done $0x0  }
0x1c: {  	[sflag:s14] =	ssyncadd.s32 $0xFFFFEC00  }
0x1d: {  	[tilespmem:s16], [sflag:$0x3] =	stream.linear.gather [hbm4b:s10+s3], $0x1400, $0x38;
	[tilespmem:$0x1E800] =	vst v63  }
0x1e: {  	_ =	swait.ge [sflag:s14], $0x1400  }
0x1f: {  	[sflag:s14] =	ssyncset.done $0x0  }
0x20: {  	[sflag:s14] =	ssyncadd.s32 $0xFFFFEC00  }
0x21: {  	[tilespmem:s18], [sflag:$0x1] =	stream.indirect.gather [hbm4b:s4+s17], $0x80, s15, s17, $0xb8;
	[tilespmem:$0x1E800] =	vst v63  }
0x22: {  	_ = 	snop  }
0x23: {  	[tilespmem:s20], [sflag:$0x2] =	stream.indirect.gather [hbm4b:s4+s17], $0x80, s19, s17, $0xb8;
	[tilespmem:$0x1E800] =	vst v63  }
0x24: {  	_ =	swait.ge [sflag:s21], $0x4000  }
0x25: {  	[sflag:s21] =	ssyncset.done $0x0  }
0x26: {  	s26 =	simm.s32 $0x15400;
	[sflag:s21] =	ssyncadd.s32 $0xFFFFC000  }
0x27: {  	[spmem:s2] =	stream.indirect.scatter.add.f32 [tilespmem:s18], [sflag:$0x3], $0x80, s26, s17, $0xb8;
	[tilespmem:$0x1E800] =	vst v63  }
0x28: {  	_ =	swait.ge [sflag:s14], $0x4000  }
0x29: {  	[sflag:s14] =	ssyncset.done $0x0  }
0x2a: {  	s30 =	simm.s32 $0x14100;
	[sflag:s14] =	ssyncadd.s32 $0xFFFFC000  }
0x2b: {  	[tilespmem:s18], [sflag:$0x1] =	stream.indirect.gather [hbm4b:s4+s17], $0x80, s30, s17, $0xb8;
	[tilespmem:$0x1E800] =	vst v63  }
0x2c: {  	_ =	swait.ge [sflag:s22], $0x4000  }
0x2d: {  	[sflag:s22] =	ssyncset.done $0x0  }
0x2e: {  	s31 =	simm.s32 $0x15480;
	[sflag:s22] =	ssyncadd.s32 $0xFFFFC000  }
0x2f: {  	[spmem:s2] =	stream.indirect.scatter.add.f32 [tilespmem:s20], [sflag:$0x3], $0x80, s31, s17, $0xb8;
	[tilespmem:$0x1E800] =	vst v63  }
0x30: {  	_ =	swait.ge [sflag:s14], $0x4000  }
0x31: {  	[sflag:s14] =	ssyncset.done $0x0  }
0x32: {  	s28 =	simm.s32 $0x14180;
	s26 =	simm.s32 $0x400;
	[sflag:s14] =	ssyncadd.s32 $0xFFFFC000  }
.LBB2_2:
0x33: {  	[tilespmem:s20], [sflag:$0x2] =	stream.indirect.gather [hbm4b:s4+s17], $0x80, s28, s17, $0xb8;
	[tilespmem:$0x1E800] =	vst v63  }
0x34: {  	s28 =	smov.u32 s26  }
0x35: {  	p0 =	sne.s32 s26, $0x4800;
	s26 =	sadd.s32 $0x400, s26;
	_ =	swait.ge [sflag:s21], $0x4000  }
0x36: {  	s28 =	sshra.s32 s28, $0x2;
	[sflag:s21] =	ssyncset.done $0x0  }
0x37: {  	s29 =	sadd.s32 $0x15400, s28;
	[sflag:s21] =	ssyncadd.s32 $0xFFFFC000  }
0x38: {  	[spmem:s2] =	stream.indirect.scatter.add.f32 [tilespmem:s18], [sflag:$0x3], $0x80, s29, s17, $0xb8;
	[tilespmem:$0x1E800] =	vst v63  }
0x39: {  	_ =	swait.ge [sflag:s14], $0x4000  }
0x3a: {  	[sflag:s14] =	ssyncset.done $0x0  }
0x3b: {  	s29 =	sadd.s32 $0x14100, s28;
	[sflag:s14] =	ssyncadd.s32 $0xFFFFC000  }
0x3c: {  	[tilespmem:s18], [sflag:$0x1] =	stream.indirect.gather [hbm4b:s4+s17], $0x80, s29, s17, $0xb8;
	[tilespmem:$0x1E800] =	vst v63  }
0x3d: {  	_ =	swait.ge [sflag:s22], $0x4000  }
0x3e: {  	[sflag:s22] =	ssyncset.done $0x0  }
.Ltmp0:
0x3f: {  	s29 =	sadd.s32 $0x15480, s28;
	[sflag:s22] =	ssyncadd.s32 $0xFFFFC000;
	(pc) =	sbr.rel @p0 .LBB2_2-.Ltmp0, $4  }
0x40: {  	[spmem:s2] =	stream.indirect.scatter.add.f32 [tilespmem:s20], [sflag:$0x3], $0x80, s29, s17, $0xb8;
	[tilespmem:$0x1E800] =	vst v63  }
0x41: {  	_ =	swait.ge [sflag:s14], $0x4000  }
0x42: {  	[sflag:s14] =	ssyncset.done $0x0  }
0x43: {  	s28 =	sadd.s32 $0x14180, s28;
	[sflag:s14] =	ssyncadd.s32 $0xFFFFC000  }
0x44: {  	[tilespmem:s20], [sflag:$0x2] =	stream.indirect.gather [hbm4b:s4+s17], $0x80, s28, s17, $0xb8;
	[tilespmem:$0x1E800] =	vst v63  }
0x45: {  	_ =	swait.ge [sflag:s21], $0x4000  }
0x46: {  	[sflag:s21] =	ssyncset.done $0x0  }
0x47: {  	[sflag:s21] =	ssyncadd.s32 $0xFFFFC000  }
0x48: {  	[spmem:s2] =	stream.indirect.scatter.add.f32 [tilespmem:s18], [sflag:$0x3], $0x80, s23, s17, $0xb8;
	[tilespmem:$0x1E800] =	vst v63  }
0x49: {  	_ =	swait.ge [sflag:s14], $0x4000  }
0x4a: {  	[sflag:s14] =	ssyncset.done $0x0  }
0x4b: {  	[sflag:s14] =	ssyncadd.s32 $0xFFFFC000  }
0x4c: {  	_ =	swait.ge [sflag:s22], $0x4000  }
0x4d: {  	[sflag:s22] =	ssyncset.done $0x0  }
0x4e: {  	[sflag:s22] =	ssyncadd.s32 $0xFFFFC000  }
0x4f: {  	[spmem:s2] =	stream.indirect.scatter.add.f32 [tilespmem:s20], [sflag:$0x3], $0x80, s24, s17, $0xb8;
	[tilespmem:$0x1E800] =	vst v63  }
0x50: {  	_ =	swait.ge [sflag:s14], $0x4000  }
0x51: {  	[sflag:s14] =	ssyncset.done $0x0  }
0x52: {  	s26 =	simm.s32 $0x0;
	[sflag:s14] =	ssyncadd.s32 $0xFFFFC000  }
0x53: {  	[tilespmem:s15], [sflag:$0x3] =	stream.linear.gather [hbm4b:s11+s26], $0x1400, $0x38;
	[tilespmem:$0x1E800] =	vst v63  }
0x54: {  	_ =	swait.ge [sflag:s14], $0x1400  }
0x55: {  	[sflag:s14] =	ssyncset.done $0x0  }
0x56: {  	[sflag:s14] =	ssyncadd.s32 $0xFFFFEC00  }
0x57: {  	[tilespmem:s16], [sflag:$0x3] =	stream.linear.gather [hbm4b:s12+s26], $0x1400, $0x38;
	[tilespmem:$0x1E800] =	vst v63  }
0x58: {  	_ =	swait.ge [sflag:s14], $0x1400  }
0x59: {  	[sflag:s14] =	ssyncset.done $0x0  }
0x5a: {  	[sflag:s14] =	ssyncadd.s32 $0xFFFFEC00  }
0x5b: {  	[tilespmem:s18], [sflag:$0x1] =	stream.indirect.gather [hbm4b:s4+s17], $0x80, s15, s17, $0xb8;
	[tilespmem:$0x1E800] =	vst v63  }
0x5c: {  	_ = 	snop  }
0x5d: {  	[tilespmem:s20], [sflag:$0x2] =	stream.indirect.gather [hbm4b:s4+s17], $0x80, s19, s17, $0xb8;
	[tilespmem:$0x1E800] =	vst v63  }
0x5e: {  	_ =	swait.ge [sflag:s21], $0x4000  }
0x5f: {  	[sflag:s21] =	ssyncset.done $0x0  }
0x60: {  	s29 =	simm.s32 $0x15400;
	[sflag:s21] =	ssyncadd.s32 $0xFFFFC000  }
0x61: {  	[spmem:s2] =	stream.indirect.scatter.add.f32 [tilespmem:s18], [sflag:$0x3], $0x80, s29, s17, $0xb8;
	[tilespmem:$0x1E800] =	vst v63  }
0x62: {  	_ =	swait.ge [sflag:s14], $0x4000  }
0x63: {  	[sflag:s14] =	ssyncset.done $0x0  }
0x64: {  	s30 =	simm.s32 $0x14100;
	[sflag:s14] =	ssyncadd.s32 $0xFFFFC000  }
0x65: {  	[tilespmem:s18], [sflag:$0x1] =	stream.indirect.gather [hbm4b:s4+s17], $0x80, s30, s17, $0xb8;
	[tilespmem:$0x1E800] =	vst v63  }
0x66: {  	_ =	swait.ge [sflag:s22], $0x4000  }
0x67: {  	[sflag:s22] =	ssyncset.done $0x0  }
0x68: {  	s31 =	simm.s32 $0x15480;
	[sflag:s22] =	ssyncadd.s32 $0xFFFFC000  }
0x69: {  	[spmem:s2] =	stream.indirect.scatter.add.f32 [tilespmem:s20], [sflag:$0x3], $0x80, s31, s17, $0xb8;
	[tilespmem:$0x1E800] =	vst v63  }
0x6a: {  	_ =	swait.ge [sflag:s14], $0x4000  }
0x6b: {  	[sflag:s14] =	ssyncset.done $0x0  }
0x6c: {  	s28 =	simm.s32 $0x14180;
	s26 =	simm.s32 $0x400;
	[sflag:s14] =	ssyncadd.s32 $0xFFFFC000  }
.LBB2_4:
0x6d: {  	[tilespmem:s20], [sflag:$0x2] =	stream.indirect.gather [hbm4b:s4+s17], $0x80, s28, s17, $0xb8;
	[tilespmem:$0x1E800] =	vst v63  }
0x6e: {  	s28 =	smov.u32 s26  }
0x6f: {  	p0 =	sne.s32 s26, $0x4800;
	s26 =	sadd.s32 $0x400, s26;
	_ =	swait.ge [sflag:s21], $0x4000  }
0x70: {  	s28 =	sshra.s32 s28, $0x2;
	[sflag:s21] =	ssyncset.done $0x0  }
0x71: {  	s29 =	sadd.s32 $0x15400, s28;
	[sflag:s21] =	ssyncadd.s32 $0xFFFFC000  }
0x72: {  	[spmem:s2] =	stream.indirect.scatter.add.f32 [tilespmem:s18], [sflag:$0x3], $0x80, s29, s17, $0xb8;
	[tilespmem:$0x1E800] =	vst v63  }
0x73: {  	_ =	swait.ge [sflag:s14], $0x4000  }
0x74: {  	[sflag:s14] =	ssyncset.done $0x0  }
0x75: {  	s29 =	sadd.s32 $0x14100, s28;
	[sflag:s14] =	ssyncadd.s32 $0xFFFFC000  }
0x76: {  	[tilespmem:s18], [sflag:$0x1] =	stream.indirect.gather [hbm4b:s4+s17], $0x80, s29, s17, $0xb8;
	[tilespmem:$0x1E800] =	vst v63  }
0x77: {  	_ =	swait.ge [sflag:s22], $0x4000  }
0x78: {  	[sflag:s22] =	ssyncset.done $0x0  }
.Ltmp1:
0x79: {  	s29 =	sadd.s32 $0x15480, s28;
	[sflag:s22] =	ssyncadd.s32 $0xFFFFC000;
	(pc) =	sbr.rel @p0 .LBB2_4-.Ltmp1, $4  }
0x7a: {  	[spmem:s2] =	stream.indirect.scatter.add.f32 [tilespmem:s20], [sflag:$0x3], $0x80, s29, s17, $0xb8;
	[tilespmem:$0x1E800] =	vst v63  }
0x7b: {  	_ =	swait.ge [sflag:s14], $0x4000  }
0x7c: {  	[sflag:s14] =	ssyncset.done $0x0  }
0x7d: {  	s28 =	sadd.s32 $0x14180, s28;
	[sflag:s14] =	ssyncadd.s32 $0xFFFFC000  }
0x7e: {  	[tilespmem:s20], [sflag:$0x2] =	stream.indirect.gather [hbm4b:s4+s17], $0x80, s28, s17, $0xb8;
	[tilespmem:$0x1E800] =	vst v63  }
0x7f: {  	_ =	swait.ge [sflag:s21], $0x4000  }
0x80: {  	[sflag:s21] =	ssyncset.done $0x0  }
0x81: {  	[sflag:s21] =	ssyncadd.s32 $0xFFFFC000  }
0x82: {  	[spmem:s2] =	stream.indirect.scatter.add.f32 [tilespmem:s18], [sflag:$0x3], $0x80, s23, s17, $0xb8;
	[tilespmem:$0x1E800] =	vst v63  }
0x83: {  	_ =	swait.ge [sflag:s14], $0x4000  }
0x84: {  	[sflag:s14] =	ssyncset.done $0x0  }
0x85: {  	[sflag:s14] =	ssyncadd.s32 $0xFFFFC000  }
0x86: {  	_ =	swait.ge [sflag:s22], $0x4000  }
0x87: {  	[sflag:s22] =	ssyncset.done $0x0  }
0x88: {  	[sflag:s22] =	ssyncadd.s32 $0xFFFFC000  }
0x89: {  	[spmem:s2] =	stream.indirect.scatter.add.f32 [tilespmem:s20], [sflag:$0x3], $0x80, s24, s17, $0xb8;
	[tilespmem:$0x1E800] =	vst v63  }
0x8a: {  	_ =	swait.ge [sflag:s14], $0x4000  }
0x8b: {  	s25 =	sadd.s32 $0x1, s25;
	[sflag:s14] =	ssyncset.done $0x0  }
0x8c: {  	p0 =	sne.s32 s25, s8;
	[sflag:s14] =	ssyncadd.s32 $0xFFFFC000  }
.Ltmp2:
0x8d: {  	[bflag:$0x0] =	sbarrier.arrive $0xFFFF;
	(pc) =	sbr.rel @p0 .LBB2_1-.Ltmp2, $4  }
0x8e: {  	[hbm:s7], [sflag:s6] =	dma.local [spmem:s13], $0x2800  }
0x8f: {  	_ =	swait.ge [sflag:s14], $0x2800  }
0x90: {  	[sflag:s14] =	ssyncset.done $0x0  }
0x91: {  	[sflag:s14] =	ssyncadd.s32 $0xFFFFD800  }
0x92: {  	_ =	sfence.sel $0x180000  }
0x93: {  	[bflag:$0x0] =	sbarrier.arrive $0xFFFF  }
0x94: {  	p0 =	sne.s32 s1, $0x0;
	_ =	strace $0x9000004D  }
0x95: {  	s0 =	sadd.s32 @!p0 $0x100000, s0;
	[bflag:$0x2] =	sbarrier.arrive $0xFFFF  }
0x96: {  	[sflag:s0] =	ssyncadd.tile.s32 @!p0 $0x1;
	_ =	shalt  }
.Lfunc_end2:
_tile_overlayer_lowered:
.L_overlay_start_2:
0x97: {  	(tag) =	ssettag $0x2  }
0x98: {  	s0 =	rddreg [dreg:$0x0];
	s2 =	stileid.u32  }
0x99: {  	s1 =	rddreg [dreg:$0x1];
	p0 =	sne.s32 s2, $0x0  }
0x9a: {  	s3 =	rddreg [dreg:$0x2];
	[bflag:$0x3] =	sbarrier.arrive $0xFFFF;
	s2 =	simm.s32 @!p0 $0x1C03  }
0x9b: {  	[timem:s3], [sflag:s2] =	dma.local @!p0 [hbm:s0], s1  }
0x9c: {  	s0 =	simm.s32 @!p0 $0x3  }
0x9d: {  	_ =	swait.ge @!p0 [sflag:s0], s1  }
0x9e: {  	s1 =	ssub.s32 @!p0 $0x0, s1;
	[sflag:s0] =	ssyncset.done @!p0 $0x0  }
0x9f: {  	[sflag:s0] =	ssyncadd.s32 @!p0 s1  }
0xa0: {  	[bflag:$0x3] =	sbarrier.arrive $0xFFFF  }
0xa1: {  	_ =	shalt  }

// kernel: kernel.22.cloned.1.call-start
scs
__scs_entry_jumppad:
0x0: {  	(pc) =	sbr.rel $0x88, $3  }
0x1: {  	(tag) =	ssettag $0x0;
	lr =	simm.s32 $0x1  }
0x2: {  	[smem:$0x3F8E] =	sst lr;
	_ =	strace $0xD0000000  }
0x3: {  	_ = 	snop  }
0x4: {  	_ = 	snop  }
0x5: {  	_ = 	snop  }
0x6: {  	_ = 	snop  }
0x7: {  	_ = 	snop  }
__scs_overlays_trampoline_lowered:
0x8: {  	[smem:$0x3F9D] =	sst s0  }
0x9: {  	[smem:$0x3F9E] =	sst s1  }
0xa: {  	[smem:$0x3F9F] =	sst s2  }
0xb: {  	[smem:$0x3FA0] =	sst s3  }
0xc: {  	[smem:$0x3FA1] =	sst s4  }
0xd: {  	[smem:$0x3FA2] =	sst s5  }
0xe: {  	[smem:$0x3FA3] =	sst s6  }
0xf: {  	[smem:$0x3FA4] =	sst s7  }
0x10: {  	[smem:$0x3FA5] =	sst s8  }
0x11: {  	[smem:$0x3FA6] =	sst s9;
	s0 =	simm.s32 @!p0 $0x0  }
0x12: {  	s1 =	sld [smem:$0x3F8C];
	s0 =	simm.s32 @p0 $0x1  }
0x13: {  	[smem:$0x3FA7] =	sst s0;
	s0 =	simm.s32 @!p1 $0x0  }
0x14: {  	s2 =	sld [smem:$0x3F8B];
	s0 =	simm.s32 @p1 $0x1  }
0x15: {  	[smem:$0x3FA8] =	sst s0;
	s0 =	simm.s32 @!p2 $0x0  }
0x16: {  	s3 =	sld [smem:$0x3FDB];
	s0 =	simm.s32 @p2 $0x1  }
0x17: {  	s4 =	simm.s32 $0x1BF5;
	[smem:$0x3FAA] =	sst s0  }
0x18: {  	s0 =	sld [smem:$0x3F8D];
	_ =	swait.ge [sflag:s4], $0x0  }
0x19: {  	s7 =	sld [smem:$0x3F8E]  }
0x1a: {  	s8 =	sadd.s32 $0xFFFFE003, lr  }
0x1b: {  	s9 =	sadd.s32 $0xFFFFFEF7, lr;
	s5 =	simm.s32 $0xFFFFFFFF;
	p2 =	slt.u32 s8, $0xFFFFF086  }
0x1c: {  	p1 =	slt.u32 s9, $0xF7A;
	s5 =	simm.s32 @!p2 $0x0  }
0x1d: {  	s5 =	simm.s32 @p1 $0x1;
	p0 =	seq.s32 s7, s2  }
0x1e: {  	s7 =	smul.u32 @!p0 $0xF7A, s2;
	p2 =	seq.s32 @!p0 s5, $0x0  }
0x1f: {  	s9 =	smul.u32 $0xF7A, s1;
	s8 =	simm.s32 @!p0 $0x1BF5;
	p2 =	por !p2, p0  }
0x20: {  	[sflag:s8] =	ssyncset.s32 @!p0 $0xFFFFF086;
	s6 =	sadd.s32 @!p0 s3, s7;
	s7 =	simm.s32 @!p0 $0x108  }
0x21: {  	s3 =	sadd.s32 s3, s9;
	s6 =	sadd.s32 @!p0 $0x88, s6;
	s7 =	simm.s32 @p2 $0x1082  }
0x22: {  	[simem:s7], [sflag:s8] =	dma.local @!p0 [hbm:s6], $0xF7A  }
0x23: {  	s9 =	sor.u32 $0xD0000000, s2;
	s6 =	simm.s32 $0x108;
	_ =	swait.ge @!p0 [sflag:s8], $0x0  }
0x24: {  	s3 =	sadd.s32 $0x88, s3;
	s6 =	simm.s32 @!p1 $0x1082;
	[sflag:s4] =	ssyncset.s32 $0xFFFFF086  }
0x25: {  	[simem:s6], [sflag:s4] =	dma.local [hbm:s3], $0xF7A  }
0x26: {  	[smem:$0x3F8E] =	sst s1;
	(tag) =	ssettag s2;
	_ =	strace s9  }
0x27: {  	s1 =	sld [smem:$0x3F9E]  }
0x28: {  	s2 =	sld [smem:$0x3F9F]  }
0x29: {  	s4 =	sld [smem:$0x3FA1]  }
0x2a: {  	p0 =	seq.s32 s5, $0x0;
	s5 =	sld [smem:$0x3FA2]  }
0x2b: {  	s6 =	sld [smem:$0x3FA3]  }
0x2c: {  	s7 =	sld [smem:$0x3FA4]  }
0x2d: {  	s3 =	simm.s32 $0x108;
	s8 =	sld [smem:$0x3FA5]  }
0x2e: {  	s3 =	simm.s32 @!p0 $0x1082;
	s9 =	sld [smem:$0x3FA6]  }
0x2f: {  	lr =	sadd.s32 s0, s3;
	s0 =	sld [smem:$0x3F9D]  }
0x30: {  	s3 =	sld [smem:$0x3FA0]  }
0x31: {  	[smem:$0x3FA9] =	sst s10  }
0x32: {  	s10 =	sld [smem:$0x3FA7];
	_ =	sdelay $0x3  }
0x33: {  	p0 =	seq.s32 s10, $0x1;
	s10 =	sld [smem:$0x3FA9];
	_ =	sdelay $0x3  }
0x34: {  	[smem:$0x3FA9] =	sst s10  }
0x35: {  	s10 =	sld [smem:$0x3FA8];
	_ =	sdelay $0x3  }
0x36: {  	p1 =	seq.s32 s10, $0x1;
	s10 =	sld [smem:$0x3FA9];
	_ =	sdelay $0x3  }
0x37: {  	[smem:$0x3FA9] =	sst s10  }
0x38: {  	s10 =	sld [smem:$0x3FAA]  }
0x39: {  	_ = 	snop;
	(pc) =	sbr.ind lr, $3  }
0x3a: {  	_ = 	snop  }
0x3b: {  	_ = 	snop  }
0x3c: {  	p2 =	seq.s32 s10, $0x1;
	s10 =	sld [smem:$0x3FA9]  }
0x3d: {  	_ =	shalt  }
0x3e: {  	_ =	shalt  }
0x3f: {  	_ =	shalt  }
0x40: {  	_ =	shalt  }
0x41: {  	_ =	shalt  }
0x42: {  	_ =	shalt  }
0x43: {  	_ =	shalt  }
0x44: {  	_ =	shalt  }
0x45: {  	_ =	shalt  }
0x46: {  	_ =	shalt  }
0x47: {  	_ =	shalt  }
0x48: {  	_ =	shalt  }
0x49: {  	_ =	shalt  }
0x4a: {  	_ =	shalt  }
0x4b: {  	_ =	shalt  }
0x4c: {  	_ =	shalt  }
0x4d: {  	_ =	shalt  }
0x4e: {  	_ =	shalt  }
0x4f: {  	_ =	shalt  }
0x50: {  	_ =	shalt  }
0x51: {  	_ =	shalt  }
0x52: {  	_ =	shalt  }
0x53: {  	_ =	shalt  }
0x54: {  	_ =	shalt  }
0x55: {  	_ =	shalt  }
0x56: {  	_ =	shalt  }
0x57: {  	_ =	shalt  }
0x58: {  	_ =	shalt  }
0x59: {  	_ =	shalt  }
0x5a: {  	_ =	shalt  }
0x5b: {  	_ =	shalt  }
0x5c: {  	_ =	shalt  }
0x5d: {  	_ =	shalt  }
0x5e: {  	_ =	shalt  }
0x5f: {  	_ =	shalt  }
0x60: {  	_ =	shalt  }
0x61: {  	_ =	shalt  }
0x62: {  	_ =	shalt  }
0x63: {  	_ =	shalt  }
0x64: {  	_ =	shalt  }
0x65: {  	_ =	shalt  }
0x66: {  	_ =	shalt  }
0x67: {  	_ =	shalt  }
0x68: {  	_ =	shalt  }
0x69: {  	_ =	shalt  }
0x6a: {  	_ =	shalt  }
0x6b: {  	_ =	shalt  }
0x6c: {  	_ =	shalt  }
0x6d: {  	_ =	shalt  }
0x6e: {  	_ =	shalt  }
0x6f: {  	_ =	shalt  }
0x70: {  	_ =	shalt  }
0x71: {  	_ =	shalt  }
0x72: {  	_ =	shalt  }
0x73: {  	_ =	shalt  }
0x74: {  	_ =	shalt  }
0x75: {  	_ =	shalt  }
0x76: {  	_ =	shalt  }
0x77: {  	_ =	shalt  }
0x78: {  	_ =	shalt  }
0x79: {  	_ =	shalt  }
0x7a: {  	_ =	shalt  }
0x7b: {  	_ =	shalt  }
0x7c: {  	_ =	shalt  }
0x7d: {  	_ =	shalt  }
0x7e: {  	_ =	shalt  }
0x7f: {  	_ =	shalt  }
0x80: {  	_ =	shalt  }
0x81: {  	_ =	shalt  }
0x82: {  	_ =	shalt  }
0x83: {  	_ =	shalt  }
0x84: {  	_ =	shalt  }
0x85: {  	_ =	shalt  }
0x86: {  	_ =	shalt  }
0x87: {  	_ =	shalt  }
.Lfunc_end0:
.L_simem_size_0:
called_computation.3_lowered:
.L_overlay_start_0:
0x88: {  	s2 =	sld [smem:$0x3FD9]  }
0x89: {  	s3 =	sld [smem:$0x3FFE];
	_ =	sdelay $0x1  }
0x8a: {  	s1 =	srdreg.scid  }
0x8b: {  	s0 =	sand.u32 $0x1, s1  }
0x8c: {  	s16 =	sshll.u32 s0, $0xA;
	s2 =	sadd.s32 s3, s2  }
0x8d: {  	s2 =	sadd.s32 s2, s16  }
0x8e: {  	[smem:$0x3FB5] =	sst s2  }
0x8f: {  	_ = 	snop  }
0x90: {  	(tm) =	ssettm $0x1  }
0x91: {  	s17 =	sld [smem:$0x3FFB];
	_ =	sdelay $0x3  }
0x92: {  	_ =	strace s17  }
0x93: {  	s2 =	sld [smem:$0x3FFC];
	_ =	sdelay $0x3  }
0x94: {  	_ =	strace s2  }
0x95: {  	s2 =	sld [smem:$0x3FFD];
	_ =	sdelay $0x3  }
0x96: {  	_ =	strace s2  }
0x97: {  	_ =	strace $0x8FFFFFFF  }
0x98: {  	s18 =	sld [smem:$0x3FDB];
	_ =	sdelay $0x1  }
0x99: {  	s19 =	simm.s32 $_scs_section_size  }
0x9a: {  	s4 =	simm.s32 $_size__tile_overlayer_lowered;
	s5 =	simm.s32 $_tile_overlayer_lowered  }
0x9b: {  	s22 =	simm.s32 $0x1BFF;
	s21 =	sshll.u32 s5, $0x1;
	s2 =	sadd.s32 s19, s18  }
0x9c: {  	s6 =	simm.s32 $0x0;
	s20 =	sshll.u32 s4, $0x1;
	s4 =	sadd.s32 s21, s2  }
0x9d: {  	[timem:s6], [sflag:s22] =	dma.local [hbm:s4], s20  }
0x9e: {  	_ =	swait.ge [sflag:s22], s20  }
0x9f: {  	s3 =	ssub.s32 $0x0, s20;
	[sflag:s22] =	ssyncset.done $0x0  }
0xa0: {  	[sflag:s22] =	ssyncadd.s32 s3;
	_ =	sdelay $0x1  }
0xa1: {  	s23 =	simm.s32 $0x1B8B  }
0xa2: {  	_ =	swait.ge [sflag:s23], $0x1  }
0xa3: {  	[sflag:s23] =	ssyncset.done $0x0  }
0xa4: {  	s25 =	simm.s32 $0x1B8E;
	s24 =	sld [smem:$0x3FFE];
	[sflag:s23] =	ssyncadd.s32 $0xFFFFFFFF  }
0xa5: {  	s26 =	simm.s32 $execute0_lowered;
	[smem:$0x3FD2] =	sst s25  }
0xa6: {  	s4 =	sshll.u32 s26, $0x1;
	_ =	strace $0x8000004F;
	[dreg:$0x1] =	wrdreg $0xFFFFFFFF  }
0xa7: {  	s28 =	simm.s32 $_size_execute0_lowered;
	s2 =	sadd.s32 s2, s4;
	[dreg:$0x0] =	wrdreg $0x0  }
0xa8: {  	s4 =	sshll.u32 s28, $0x1;
	[dreg:$0x2] =	wrdreg s2  }
0xa9: {  	[dreg:$0x3] =	wrdreg s4  }
0xaa: {  	[dreg:$0x4] =	wrdreg $0xC0  }
0xab: {  	_ =	task [dreg:s6], $0x5FFFF  }
0xac: {  	[dreg:$0x1] =	wrdreg $0xFFFFFFFF  }
0xad: {  	[dreg:$0x0] =	wrdreg $0x60  }
0xae: {  	[dreg:$0x2] =	wrdreg s24  }
0xaf: {  	[dreg:$0x3] =	wrdreg $0x0  }
0xb0: {  	[dreg:$0x4] =	wrdreg $0x9  }
0xb1: {  	_ =	task.clear_ibuf [dreg:s6], $0x5FFFF;
	_ =	strace $0x9000004F  }
0xb2: {  	s29 =	simm.s32 $0x9;
	_ =	strace $0x80000051  }
0xb3: {  	_ =	swait.ge [sflag:s29], $0x1  }
0xb4: {  	[sflag:s29] =	ssyncadd.s32 $0xFFFFFFFF  }
0xb5: {  	_ =	strace $0x90000051  }
0xb6: {  	_ =	sfence  }
0xb7: {  	s30 =	sld [smem:$0x0];
	_ =	sdelay $0x2  }
0xb8: {  	s31 =	sshll.u32 s1, $0xD;
	s1 =	sshrl.u32 s1, $0x2  }
0xb9: {  	s3 =	sand.u32 $0x4000, s31;
	s1 =	sadd.s32 s1, s30  }
0xba: {  	s0 =	sor.u32 s3, s0;
	s1 =	sshll.u32 s1, $0x11  }
0xbb: {  	s0 =	sor.u32 s1, s0  }
0xbc: {  	s0 =	sadd.s32 $0x8F2B, s0  }
0xbd: {  	[sflag:s0] =	ssyncadd.remote.s32 $0x1  }
0xbe: {  	_ =	sfence.sel $0xFFFF  }
0xbf: {  	[dreg:$0x0] =	wrdreg $0xFFFFFFFF;
	(pc) =	sbr.abs _section_cstart, $3  }
0xc0: {  	[dreg:$0x1] =	wrdreg $0xFFFFFFFF  }
0xc1: {  	_ =	task.clear_ibuf [dreg:s6], $0x2FFFF;
	_ =	strace $0x9FFFFFFF  }
0xc2: {  	(tm) =	ssettm $0x7FFFFFFF  }
0xc3: {  	_ =	shalt  }
tec
execute0_lowered:
.L_overlay_start_1:
0x0: {  	(tag) =	ssettag $0x1  }
0x1: {  	s5 =	rddreg [dreg:$0x0]  }
0x2: {  	s2 =	rddreg [dreg:$0x1]  }
0x3: {  	s0 =	rddreg [dreg:$0x2]  }
0x4: {  	s1 =	stileid.u32;
	s4 =	srdreg.scid;
	s3 =	simm.s32 $0x0  }
0x5: {  	s15 =	simm.s32 $0x14000;
	s16 =	simm.s32 $0x15400;
	s17 =	simm.s32 $0x80  }
0x6: {  	s18 =	simm.s32 $0x16800;
	s19 =	simm.s32 $0x14080;
	s20 =	simm.s32 $0x1A800  }
0x7: {  	s21 =	simm.s32 $0x1;
	s22 =	simm.s32 $0x2;
	s23 =	simm.s32 $0x16700  }
0x8: {  	s24 =	simm.s32 $0x16780;
	s25 =	simm.s32 $0x0;
	s6 =	smul.u32 $0x14000, s1  }
0x9: {  	s7 =	sand.u32 $0x1, s4;
	[smem:$0x7FF] =	sst s3;
	s4 =	sadd.s32 $0x1B400, s5  }
0xa: {  	s11 =	sadd.s32 $0x11400, s5;
	s12 =	sadd.s32 $0x7400, s5;
	s9 =	smul.u32 $0x50000, s1  }
0xb: {  	s31 =	sshll.u32 s1, $0x6;
	s8 =	smul.u32 $0x140000, s7;
	s30 =	ssub.s32 $0x2, s7  }
0xc: {  	_ =	strace $0x80000050;
	s7 =	sshll.u32 s7, $0x4;
	s10 =	sshrl.u32 s30, $0x1  }
0xd: {  	s9 =	sshrl.u32 s9, $0x2;
	s7 =	sor.u32 s1, s7;
	s8 =	sadd.s32 s6, s8  }
0xe: {  	s6 =	sshrl.u32 s6, $0x3;
	s10 =	ssub.s32 s30, s10;
	s13 =	sadd.s32 s9, s2  }
0xf: {  	s14 =	smul.u32 $0x500, s7;
	s8 =	sshrl.u32 s8, $0x3;
	s6 =	sadd.s32 s6, s5  }
0x10: {  	s13 =	sshrl.u32 s13, $0x3;
	s8 =	sadd.s32 s8, s5;
	s5 =	sadd.s32 $0x42600, s6  }
0x11: {  	s6 =	sor.u32 $0x1C03, s31;
	s9 =	sadd.s32 s11, s14;
	s7 =	sadd.s32 $0x6A600, s8  }
0x12: {  	s8 =	smax.u32 s10, $0x1;
	s10 =	sadd.s32 s12, s14;
	s14 =	sadd.s32 $0x280, s14  }
0x13: {  	s11 =	sadd.s32 s11, s14;
	s12 =	sadd.s32 s12, s14;
	s14 =	simm.s32 $0x3  }
.LBB2_1:
0x14: {  	[spmem:s13], [sflag:s6] =	dma.local [hbm:s5], $0x2800  }
0x15: {  	_ =	swait.ge [sflag:s14], $0x2800  }
0x16: {  	[sflag:s14] =	ssyncset.done $0x0  }
0x17: {  	[sflag:s14] =	ssyncadd.s32 $0xFFFFD800  }
0x18: {  	[bflag:$0x0] =	sbarrier.arrive $0xFFFF  }
0x19: {  	[tilespmem:s15], [sflag:$0x3] =	stream.linear.gather [hbm4b:s9+s3], $0x1400, $0x38;
	[tilespmem:$0x1E800] =	vst v63  }
0x1a: {  	_ =	swait.ge [sflag:s14], $0x1400  }
0x1b: {  	[sflag:s14] =	ssyncset.done $0x0  }
0x1c: {  	[sflag:s14] =	ssyncadd.s32 $0xFFFFEC00  }
0x1d: {  	[tilespmem:s16], [sflag:$0x3] =	stream.linear.gather [hbm4b:s10+s3], $0x1400, $0x38;
	[tilespmem:$0x1E800] =	vst v63  }
0x1e: {  	_ =	swait.ge [sflag:s14], $0x1400  }
0x1f: {  	[sflag:s14] =	ssyncset.done $0x0  }
0x20: {  	[sflag:s14] =	ssyncadd.s32 $0xFFFFEC00  }
0x21: {  	[tilespmem:s18], [sflag:$0x1] =	stream.indirect.gather [hbm4b:s4+s17], $0x80, s15, s17, $0xb8;
	[tilespmem:$0x1E800] =	vst v63  }
0x22: {  	_ = 	snop  }
0x23: {  	[tilespmem:s20], [sflag:$0x2] =	stream.indirect.gather [hbm4b:s4+s17], $0x80, s19, s17, $0xb8;
	[tilespmem:$0x1E800] =	vst v63  }
0x24: {  	_ =	swait.ge [sflag:s21], $0x4000  }
0x25: {  	[sflag:s21] =	ssyncset.done $0x0  }
0x26: {  	s26 =	simm.s32 $0x15400;
	[sflag:s21] =	ssyncadd.s32 $0xFFFFC000  }
0x27: {  	[spmem:s2] =	stream.indirect.scatter.add.f32 [tilespmem:s18], [sflag:$0x3], $0x80, s26, s17, $0xb8;
	[tilespmem:$0x1E800] =	vst v63  }
0x28: {  	_ =	swait.ge [sflag:s14], $0x4000  }
0x29: {  	[sflag:s14] =	ssyncset.done $0x0  }
0x2a: {  	s30 =	simm.s32 $0x14100;
	[sflag:s14] =	ssyncadd.s32 $0xFFFFC000  }
0x2b: {  	[tilespmem:s18], [sflag:$0x1] =	stream.indirect.gather [hbm4b:s4+s17], $0x80, s30, s17, $0xb8;
	[tilespmem:$0x1E800] =	vst v63  }
0x2c: {  	_ =	swait.ge [sflag:s22], $0x4000  }
0x2d: {  	[sflag:s22] =	ssyncset.done $0x0  }
0x2e: {  	s31 =	simm.s32 $0x15480;
	[sflag:s22] =	ssyncadd.s32 $0xFFFFC000  }
0x2f: {  	[spmem:s2] =	stream.indirect.scatter.add.f32 [tilespmem:s20], [sflag:$0x3], $0x80, s31, s17, $0xb8;
	[tilespmem:$0x1E800] =	vst v63  }
0x30: {  	_ =	swait.ge [sflag:s14], $0x4000  }
0x31: {  	[sflag:s14] =	ssyncset.done $0x0  }
0x32: {  	s28 =	simm.s32 $0x14180;
	s26 =	simm.s32 $0x400;
	[sflag:s14] =	ssyncadd.s32 $0xFFFFC000  }
.LBB2_2:
0x33: {  	[tilespmem:s20], [sflag:$0x2] =	stream.indirect.gather [hbm4b:s4+s17], $0x80, s28, s17, $0xb8;
	[tilespmem:$0x1E800] =	vst v63  }
0x34: {  	s28 =	smov.u32 s26  }
0x35: {  	p0 =	sne.s32 s26, $0x4800;
	s26 =	sadd.s32 $0x400, s26;
	_ =	swait.ge [sflag:s21], $0x4000  }
0x36: {  	s28 =	sshra.s32 s28, $0x2;
	[sflag:s21] =	ssyncset.done $0x0  }
0x37: {  	s29 =	sadd.s32 $0x15400, s28;
	[sflag:s21] =	ssyncadd.s32 $0xFFFFC000  }
0x38: {  	[spmem:s2] =	stream.indirect.scatter.add.f32 [tilespmem:s18], [sflag:$0x3], $0x80, s29, s17, $0xb8;
	[tilespmem:$0x1E800] =	vst v63  }
0x39: {  	_ =	swait.ge [sflag:s14], $0x4000  }
0x3a: {  	[sflag:s14] =	ssyncset.done $0x0  }
0x3b: {  	s29 =	sadd.s32 $0x14100, s28;
	[sflag:s14] =	ssyncadd.s32 $0xFFFFC000  }
0x3c: {  	[tilespmem:s18], [sflag:$0x1] =	stream.indirect.gather [hbm4b:s4+s17], $0x80, s29, s17, $0xb8;
	[tilespmem:$0x1E800] =	vst v63  }
0x3d: {  	_ =	swait.ge [sflag:s22], $0x4000  }
0x3e: {  	[sflag:s22] =	ssyncset.done $0x0  }
.Ltmp0:
0x3f: {  	s29 =	sadd.s32 $0x15480, s28;
	[sflag:s22] =	ssyncadd.s32 $0xFFFFC000;
	(pc) =	sbr.rel @p0 .LBB2_2-.Ltmp0, $4  }
0x40: {  	[spmem:s2] =	stream.indirect.scatter.add.f32 [tilespmem:s20], [sflag:$0x3], $0x80, s29, s17, $0xb8;
	[tilespmem:$0x1E800] =	vst v63  }
0x41: {  	_ =	swait.ge [sflag:s14], $0x4000  }
0x42: {  	[sflag:s14] =	ssyncset.done $0x0  }
0x43: {  	s28 =	sadd.s32 $0x14180, s28;
	[sflag:s14] =	ssyncadd.s32 $0xFFFFC000  }
0x44: {  	[tilespmem:s20], [sflag:$0x2] =	stream.indirect.gather [hbm4b:s4+s17], $0x80, s28, s17, $0xb8;
	[tilespmem:$0x1E800] =	vst v63  }
0x45: {  	_ =	swait.ge [sflag:s21], $0x4000  }
0x46: {  	[sflag:s21] =	ssyncset.done $0x0  }
0x47: {  	[sflag:s21] =	ssyncadd.s32 $0xFFFFC000  }
0x48: {  	[spmem:s2] =	stream.indirect.scatter.add.f32 [tilespmem:s18], [sflag:$0x3], $0x80, s23, s17, $0xb8;
	[tilespmem:$0x1E800] =	vst v63  }
0x49: {  	_ =	swait.ge [sflag:s14], $0x4000  }
0x4a: {  	[sflag:s14] =	ssyncset.done $0x0  }
0x4b: {  	[sflag:s14] =	ssyncadd.s32 $0xFFFFC000  }
0x4c: {  	_ =	swait.ge [sflag:s22], $0x4000  }
0x4d: {  	[sflag:s22] =	ssyncset.done $0x0  }
0x4e: {  	[sflag:s22] =	ssyncadd.s32 $0xFFFFC000  }
0x4f: {  	[spmem:s2] =	stream.indirect.scatter.add.f32 [tilespmem:s20], [sflag:$0x3], $0x80, s24, s17, $0xb8;
	[tilespmem:$0x1E800] =	vst v63  }
0x50: {  	_ =	swait.ge [sflag:s14], $0x4000  }
0x51: {  	[sflag:s14] =	ssyncset.done $0x0  }
0x52: {  	s26 =	simm.s32 $0x0;
	[sflag:s14] =	ssyncadd.s32 $0xFFFFC000  }
0x53: {  	[tilespmem:s15], [sflag:$0x3] =	stream.linear.gather [hbm4b:s11+s26], $0x1400, $0x38;
	[tilespmem:$0x1E800] =	vst v63  }
0x54: {  	_ =	swait.ge [sflag:s14], $0x1400  }
0x55: {  	[sflag:s14] =	ssyncset.done $0x0  }
0x56: {  	[sflag:s14] =	ssyncadd.s32 $0xFFFFEC00  }
0x57: {  	[tilespmem:s16], [sflag:$0x3] =	stream.linear.gather [hbm4b:s12+s26], $0x1400, $0x38;
	[tilespmem:$0x1E800] =	vst v63  }
0x58: {  	_ =	swait.ge [sflag:s14], $0x1400  }
0x59: {  	[sflag:s14] =	ssyncset.done $0x0  }
0x5a: {  	[sflag:s14] =	ssyncadd.s32 $0xFFFFEC00  }
0x5b: {  	[tilespmem:s18], [sflag:$0x1] =	stream.indirect.gather [hbm4b:s4+s17], $0x80, s15, s17, $0xb8;
	[tilespmem:$0x1E800] =	vst v63  }
0x5c: {  	_ = 	snop  }
0x5d: {  	[tilespmem:s20], [sflag:$0x2] =	stream.indirect.gather [hbm4b:s4+s17], $0x80, s19, s17, $0xb8;
	[tilespmem:$0x1E800] =	vst v63  }
0x5e: {  	_ =	swait.ge [sflag:s21], $0x4000  }
0x5f: {  	[sflag:s21] =	ssyncset.done $0x0  }
0x60: {  	s29 =	simm.s32 $0x15400;
	[sflag:s21] =	ssyncadd.s32 $0xFFFFC000  }
0x61: {  	[spmem:s2] =	stream.indirect.scatter.add.f32 [tilespmem:s18], [sflag:$0x3], $0x80, s29, s17, $0xb8;
	[tilespmem:$0x1E800] =	vst v63  }
0x62: {  	_ =	swait.ge [sflag:s14], $0x4000  }
0x63: {  	[sflag:s14] =	ssyncset.done $0x0  }
0x64: {  	s30 =	simm.s32 $0x14100;
	[sflag:s14] =	ssyncadd.s32 $0xFFFFC000  }
0x65: {  	[tilespmem:s18], [sflag:$0x1] =	stream.indirect.gather [hbm4b:s4+s17], $0x80, s30, s17, $0xb8;
	[tilespmem:$0x1E800] =	vst v63  }
0x66: {  	_ =	swait.ge [sflag:s22], $0x4000  }
0x67: {  	[sflag:s22] =	ssyncset.done $0x0  }
0x68: {  	s31 =	simm.s32 $0x15480;
	[sflag:s22] =	ssyncadd.s32 $0xFFFFC000  }
0x69: {  	[spmem:s2] =	stream.indirect.scatter.add.f32 [tilespmem:s20], [sflag:$0x3], $0x80, s31, s17, $0xb8;
	[tilespmem:$0x1E800] =	vst v63  }
0x6a: {  	_ =	swait.ge [sflag:s14], $0x4000  }
0x6b: {  	[sflag:s14] =	ssyncset.done $0x0  }
0x6c: {  	s28 =	simm.s32 $0x14180;
	s26 =	simm.s32 $0x400;
	[sflag:s14] =	ssyncadd.s32 $0xFFFFC000  }
.LBB2_4:
0x6d: {  	[tilespmem:s20], [sflag:$0x2] =	stream.indirect.gather [hbm4b:s4+s17], $0x80, s28, s17, $0xb8;
	[tilespmem:$0x1E800] =	vst v63  }
0x6e: {  	s28 =	smov.u32 s26  }
0x6f: {  	p0 =	sne.s32 s26, $0x4800;
	s26 =	sadd.s32 $0x400, s26;
	_ =	swait.ge [sflag:s21], $0x4000  }
0x70: {  	s28 =	sshra.s32 s28, $0x2;
	[sflag:s21] =	ssyncset.done $0x0  }
0x71: {  	s29 =	sadd.s32 $0x15400, s28;
	[sflag:s21] =	ssyncadd.s32 $0xFFFFC000  }
0x72: {  	[spmem:s2] =	stream.indirect.scatter.add.f32 [tilespmem:s18], [sflag:$0x3], $0x80, s29, s17, $0xb8;
	[tilespmem:$0x1E800] =	vst v63  }
0x73: {  	_ =	swait.ge [sflag:s14], $0x4000  }
0x74: {  	[sflag:s14] =	ssyncset.done $0x0  }
0x75: {  	s29 =	sadd.s32 $0x14100, s28;
	[sflag:s14] =	ssyncadd.s32 $0xFFFFC000  }
0x76: {  	[tilespmem:s18], [sflag:$0x1] =	stream.indirect.gather [hbm4b:s4+s17], $0x80, s29, s17, $0xb8;
	[tilespmem:$0x1E800] =	vst v63  }
0x77: {  	_ =	swait.ge [sflag:s22], $0x4000  }
0x78: {  	[sflag:s22] =	ssyncset.done $0x0  }
.Ltmp1:
0x79: {  	s29 =	sadd.s32 $0x15480, s28;
	[sflag:s22] =	ssyncadd.s32 $0xFFFFC000;
	(pc) =	sbr.rel @p0 .LBB2_4-.Ltmp1, $4  }
0x7a: {  	[spmem:s2] =	stream.indirect.scatter.add.f32 [tilespmem:s20], [sflag:$0x3], $0x80, s29, s17, $0xb8;
	[tilespmem:$0x1E800] =	vst v63  }
0x7b: {  	_ =	swait.ge [sflag:s14], $0x4000  }
0x7c: {  	[sflag:s14] =	ssyncset.done $0x0  }
0x7d: {  	s28 =	sadd.s32 $0x14180, s28;
	[sflag:s14] =	ssyncadd.s32 $0xFFFFC000  }
0x7e: {  	[tilespmem:s20], [sflag:$0x2] =	stream.indirect.gather [hbm4b:s4+s17], $0x80, s28, s17, $0xb8;
	[tilespmem:$0x1E800] =	vst v63  }
0x7f: {  	_ =	swait.ge [sflag:s21], $0x4000  }
0x80: {  	[sflag:s21] =	ssyncset.done $0x0  }
0x81: {  	[sflag:s21] =	ssyncadd.s32 $0xFFFFC000  }
0x82: {  	[spmem:s2] =	stream.indirect.scatter.add.f32 [tilespmem:s18], [sflag:$0x3], $0x80, s23, s17, $0xb8;
	[tilespmem:$0x1E800] =	vst v63  }
0x83: {  	_ =	swait.ge [sflag:s14], $0x4000  }
0x84: {  	[sflag:s14] =	ssyncset.done $0x0  }
0x85: {  	[sflag:s14] =	ssyncadd.s32 $0xFFFFC000  }
0x86: {  	_ =	swait.ge [sflag:s22], $0x4000  }
0x87: {  	[sflag:s22] =	ssyncset.done $0x0  }
0x88: {  	[sflag:s22] =	ssyncadd.s32 $0xFFFFC000  }
0x89: {  	[spmem:s2] =	stream.indirect.scatter.add.f32 [tilespmem:s20], [sflag:$0x3], $0x80, s24, s17, $0xb8;
	[tilespmem:$0x1E800] =	vst v63  }
0x8a: {  	_ =	swait.ge [sflag:s14], $0x4000  }
0x8b: {  	s25 =	sadd.s32 $0x1, s25;
	[sflag:s14] =	ssyncset.done $0x0  }
0x8c: {  	p0 =	sne.s32 s25, s8;
	[sflag:s14] =	ssyncadd.s32 $0xFFFFC000  }
.Ltmp2:
0x8d: {  	[bflag:$0x0] =	sbarrier.arrive $0xFFFF;
	(pc) =	sbr.rel @p0 .LBB2_1-.Ltmp2, $4  }
0x8e: {  	[hbm:s7], [sflag:s6] =	dma.local [spmem:s13], $0x2800  }
0x8f: {  	_ =	swait.ge [sflag:s14], $0x2800  }
0x90: {  	[sflag:s14] =	ssyncset.done $0x0  }
0x91: {  	[sflag:s14] =	ssyncadd.s32 $0xFFFFD800  }
0x92: {  	_ =	sfence.sel $0x180000  }
0x93: {  	[bflag:$0x0] =	sbarrier.arrive $0xFFFF  }
0x94: {  	p0 =	sne.s32 s1, $0x0;
	_ =	strace $0x90000050  }
0x95: {  	s0 =	sadd.s32 @!p0 $0x100000, s0;
	[bflag:$0x2] =	sbarrier.arrive $0xFFFF  }
0x96: {  	[sflag:s0] =	ssyncadd.tile.s32 @!p0 $0x1;
	_ =	shalt  }
.Lfunc_end2:
_tile_overlayer_lowered:
.L_overlay_start_2:
0x97: {  	(tag) =	ssettag $0x2  }
0x98: {  	s0 =	rddreg [dreg:$0x0];
	s2 =	stileid.u32  }
0x99: {  	s1 =	rddreg [dreg:$0x1];
	p0 =	sne.s32 s2, $0x0  }
0x9a: {  	s3 =	rddreg [dreg:$0x2];
	[bflag:$0x3] =	sbarrier.arrive $0xFFFF;
	s2 =	simm.s32 @!p0 $0x1C03  }
0x9b: {  	[timem:s3], [sflag:s2] =	dma.local @!p0 [hbm:s0], s1  }
0x9c: {  	s0 =	simm.s32 @!p0 $0x3  }
0x9d: {  	_ =	swait.ge @!p0 [sflag:s0], s1  }
0x9e: {  	s1 =	ssub.s32 @!p0 $0x0, s1;
	[sflag:s0] =	ssyncset.done @!p0 $0x0  }
0x9f: {  	[sflag:s0] =	ssyncadd.s32 @!p0 s1  }
0xa0: {  	[bflag:$0x3] =	sbarrier.arrive $0xFFFF  }
0xa1: {  	_ =	shalt  }

// kernel: kernel.25.cloned.1.call-start
scs
__scs_entry_jumppad:
0x0: {  	(pc) =	sbr.rel $0x88, $3  }
0x1: {  	(tag) =	ssettag $0x0;
	lr =	simm.s32 $0x1  }
0x2: {  	[smem:$0x3F8E] =	sst lr;
	_ =	strace $0xD0000000  }
0x3: {  	_ = 	snop  }
0x4: {  	_ = 	snop  }
0x5: {  	_ = 	snop  }
0x6: {  	_ = 	snop  }
0x7: {  	_ = 	snop  }
__scs_overlays_trampoline_lowered:
0x8: {  	[smem:$0x3F9D] =	sst s0  }
0x9: {  	[smem:$0x3F9E] =	sst s1  }
0xa: {  	[smem:$0x3F9F] =	sst s2  }
0xb: {  	[smem:$0x3FA0] =	sst s3  }
0xc: {  	[smem:$0x3FA1] =	sst s4  }
0xd: {  	[smem:$0x3FA2] =	sst s5  }
0xe: {  	[smem:$0x3FA3] =	sst s6  }
0xf: {  	[smem:$0x3FA4] =	sst s7  }
0x10: {  	[smem:$0x3FA5] =	sst s8  }
0x11: {  	[smem:$0x3FA6] =	sst s9;
	s0 =	simm.s32 @!p0 $0x0  }
0x12: {  	s1 =	sld [smem:$0x3F8C];
	s0 =	simm.s32 @p0 $0x1  }
0x13: {  	[smem:$0x3FA7] =	sst s0;
	s0 =	simm.s32 @!p1 $0x0  }
0x14: {  	s2 =	sld [smem:$0x3F8B];
	s0 =	simm.s32 @p1 $0x1  }
0x15: {  	[smem:$0x3FA8] =	sst s0;
	s0 =	simm.s32 @!p2 $0x0  }
0x16: {  	s3 =	sld [smem:$0x3FDB];
	s0 =	simm.s32 @p2 $0x1  }
0x17: {  	s4 =	simm.s32 $0x1BF5;
	[smem:$0x3FAA] =	sst s0  }
0x18: {  	s0 =	sld [smem:$0x3F8D];
	_ =	swait.ge [sflag:s4], $0x0  }
0x19: {  	s7 =	sld [smem:$0x3F8E]  }
0x1a: {  	s8 =	sadd.s32 $0xFFFFE003, lr  }
0x1b: {  	s9 =	sadd.s32 $0xFFFFFEF7, lr;
	s5 =	simm.s32 $0xFFFFFFFF;
	p2 =	slt.u32 s8, $0xFFFFF086  }
0x1c: {  	p1 =	slt.u32 s9, $0xF7A;
	s5 =	simm.s32 @!p2 $0x0  }
0x1d: {  	s5 =	simm.s32 @p1 $0x1;
	p0 =	seq.s32 s7, s2  }
0x1e: {  	s7 =	smul.u32 @!p0 $0xF7A, s2;
	p2 =	seq.s32 @!p0 s5, $0x0  }
0x1f: {  	s9 =	smul.u32 $0xF7A, s1;
	s8 =	simm.s32 @!p0 $0x1BF5;
	p2 =	por !p2, p0  }
0x20: {  	[sflag:s8] =	ssyncset.s32 @!p0 $0xFFFFF086;
	s6 =	sadd.s32 @!p0 s3, s7;
	s7 =	simm.s32 @!p0 $0x108  }
0x21: {  	s3 =	sadd.s32 s3, s9;
	s6 =	sadd.s32 @!p0 $0x88, s6;
	s7 =	simm.s32 @p2 $0x1082  }
0x22: {  	[simem:s7], [sflag:s8] =	dma.local @!p0 [hbm:s6], $0xF7A  }
0x23: {  	s9 =	sor.u32 $0xD0000000, s2;
	s6 =	simm.s32 $0x108;
	_ =	swait.ge @!p0 [sflag:s8], $0x0  }
0x24: {  	s3 =	sadd.s32 $0x88, s3;
	s6 =	simm.s32 @!p1 $0x1082;
	[sflag:s4] =	ssyncset.s32 $0xFFFFF086  }
0x25: {  	[simem:s6], [sflag:s4] =	dma.local [hbm:s3], $0xF7A  }
0x26: {  	[smem:$0x3F8E] =	sst s1;
	(tag) =	ssettag s2;
	_ =	strace s9  }
0x27: {  	s1 =	sld [smem:$0x3F9E]  }
0x28: {  	s2 =	sld [smem:$0x3F9F]  }
0x29: {  	s4 =	sld [smem:$0x3FA1]  }
0x2a: {  	p0 =	seq.s32 s5, $0x0;
	s5 =	sld [smem:$0x3FA2]  }
0x2b: {  	s6 =	sld [smem:$0x3FA3]  }
0x2c: {  	s7 =	sld [smem:$0x3FA4]  }
0x2d: {  	s3 =	simm.s32 $0x108;
	s8 =	sld [smem:$0x3FA5]  }
0x2e: {  	s3 =	simm.s32 @!p0 $0x1082;
	s9 =	sld [smem:$0x3FA6]  }
0x2f: {  	lr =	sadd.s32 s0, s3;
	s0 =	sld [smem:$0x3F9D]  }
0x30: {  	s3 =	sld [smem:$0x3FA0]  }
0x31: {  	[smem:$0x3FA9] =	sst s10  }
0x32: {  	s10 =	sld [smem:$0x3FA7];
	_ =	sdelay $0x3  }
0x33: {  	p0 =	seq.s32 s10, $0x1;
	s10 =	sld [smem:$0x3FA9];
	_ =	sdelay $0x3  }
0x34: {  	[smem:$0x3FA9] =	sst s10  }
0x35: {  	s10 =	sld [smem:$0x3FA8];
	_ =	sdelay $0x3  }
0x36: {  	p1 =	seq.s32 s10, $0x1;
	s10 =	sld [smem:$0x3FA9];
	_ =	sdelay $0x3  }
0x37: {  	[smem:$0x3FA9] =	sst s10  }
0x38: {  	s10 =	sld [smem:$0x3FAA]  }
0x39: {  	_ = 	snop;
	(pc) =	sbr.ind lr, $3  }
0x3a: {  	_ = 	snop  }
0x3b: {  	_ = 	snop  }
0x3c: {  	p2 =	seq.s32 s10, $0x1;
	s10 =	sld [smem:$0x3FA9]  }
0x3d: {  	_ =	shalt  }
0x3e: {  	_ =	shalt  }
0x3f: {  	_ =	shalt  }
0x40: {  	_ =	shalt  }
0x41: {  	_ =	shalt  }
0x42: {  	_ =	shalt  }
0x43: {  	_ =	shalt  }
0x44: {  	_ =	shalt  }
0x45: {  	_ =	shalt  }
0x46: {  	_ =	shalt  }
0x47: {  	_ =	shalt  }
0x48: {  	_ =	shalt  }
0x49: {  	_ =	shalt  }
0x4a: {  	_ =	shalt  }
0x4b: {  	_ =	shalt  }
0x4c: {  	_ =	shalt  }
0x4d: {  	_ =	shalt  }
0x4e: {  	_ =	shalt  }
0x4f: {  	_ =	shalt  }
0x50: {  	_ =	shalt  }
0x51: {  	_ =	shalt  }
0x52: {  	_ =	shalt  }
0x53: {  	_ =	shalt  }
0x54: {  	_ =	shalt  }
0x55: {  	_ =	shalt  }
0x56: {  	_ =	shalt  }
0x57: {  	_ =	shalt  }
0x58: {  	_ =	shalt  }
0x59: {  	_ =	shalt  }
0x5a: {  	_ =	shalt  }
0x5b: {  	_ =	shalt  }
0x5c: {  	_ =	shalt  }
0x5d: {  	_ =	shalt  }
0x5e: {  	_ =	shalt  }
0x5f: {  	_ =	shalt  }
0x60: {  	_ =	shalt  }
0x61: {  	_ =	shalt  }
0x62: {  	_ =	shalt  }
0x63: {  	_ =	shalt  }
0x64: {  	_ =	shalt  }
0x65: {  	_ =	shalt  }
0x66: {  	_ =	shalt  }
0x67: {  	_ =	shalt  }
0x68: {  	_ =	shalt  }
0x69: {  	_ =	shalt  }
0x6a: {  	_ =	shalt  }
0x6b: {  	_ =	shalt  }
0x6c: {  	_ =	shalt  }
0x6d: {  	_ =	shalt  }
0x6e: {  	_ =	shalt  }
0x6f: {  	_ =	shalt  }
0x70: {  	_ =	shalt  }
0x71: {  	_ =	shalt  }
0x72: {  	_ =	shalt  }
0x73: {  	_ =	shalt  }
0x74: {  	_ =	shalt  }
0x75: {  	_ =	shalt  }
0x76: {  	_ =	shalt  }
0x77: {  	_ =	shalt  }
0x78: {  	_ =	shalt  }
0x79: {  	_ =	shalt  }
0x7a: {  	_ =	shalt  }
0x7b: {  	_ =	shalt  }
0x7c: {  	_ =	shalt  }
0x7d: {  	_ =	shalt  }
0x7e: {  	_ =	shalt  }
0x7f: {  	_ =	shalt  }
0x80: {  	_ =	shalt  }
0x81: {  	_ =	shalt  }
0x82: {  	_ =	shalt  }
0x83: {  	_ =	shalt  }
0x84: {  	_ =	shalt  }
0x85: {  	_ =	shalt  }
0x86: {  	_ =	shalt  }
0x87: {  	_ =	shalt  }
.Lfunc_end0:
.L_simem_size_0:
called_computation.4_lowered:
.L_overlay_start_0:
0x88: {  	s2 =	sld [smem:$0x3FD9]  }
0x89: {  	s3 =	sld [smem:$0x3FFE];
	_ =	sdelay $0x1  }
0x8a: {  	s1 =	srdreg.scid  }
0x8b: {  	s0 =	sand.u32 $0x1, s1  }
0x8c: {  	s16 =	sshll.u32 s0, $0xA;
	s2 =	sadd.s32 s3, s2  }
0x8d: {  	s2 =	sadd.s32 s2, s16  }
0x8e: {  	[smem:$0x3FB5] =	sst s2  }
0x8f: {  	_ = 	snop  }
0x90: {  	(tm) =	ssettm $0x1  }
0x91: {  	s17 =	sld [smem:$0x3FFB];
	_ =	sdelay $0x3  }
0x92: {  	_ =	strace s17  }
0x93: {  	s2 =	sld [smem:$0x3FFC];
	_ =	sdelay $0x3  }
0x94: {  	_ =	strace s2  }
0x95: {  	s2 =	sld [smem:$0x3FFD];
	_ =	sdelay $0x3  }
0x96: {  	_ =	strace s2  }
0x97: {  	_ =	strace $0x8FFFFFFF  }
0x98: {  	s18 =	sld [smem:$0x3FDB];
	_ =	sdelay $0x1  }
0x99: {  	s19 =	simm.s32 $_scs_section_size  }
0x9a: {  	s4 =	simm.s32 $_size__tile_overlayer_lowered;
	s5 =	simm.s32 $_tile_overlayer_lowered  }
0x9b: {  	s22 =	simm.s32 $0x1BFF;
	s21 =	sshll.u32 s5, $0x1;
	s2 =	sadd.s32 s19, s18  }
0x9c: {  	s6 =	simm.s32 $0x0;
	s20 =	sshll.u32 s4, $0x1;
	s4 =	sadd.s32 s21, s2  }
0x9d: {  	[timem:s6], [sflag:s22] =	dma.local [hbm:s4], s20  }
0x9e: {  	_ =	swait.ge [sflag:s22], s20  }
0x9f: {  	s3 =	ssub.s32 $0x0, s20;
	[sflag:s22] =	ssyncset.done $0x0  }
0xa0: {  	[sflag:s22] =	ssyncadd.s32 s3;
	_ =	sdelay $0x1  }
0xa1: {  	s23 =	simm.s32 $0x1B8B  }
0xa2: {  	_ =	swait.ge [sflag:s23], $0x1  }
0xa3: {  	[sflag:s23] =	ssyncset.done $0x0  }
0xa4: {  	s25 =	simm.s32 $0x1B8E;
	s24 =	sld [smem:$0x3FFE];
	[sflag:s23] =	ssyncadd.s32 $0xFFFFFFFF  }
0xa5: {  	s26 =	simm.s32 $execute0_lowered;
	[smem:$0x3FD2] =	sst s25  }
0xa6: {  	s4 =	sshll.u32 s26, $0x1;
	_ =	strace $0x80000052;
	[dreg:$0x1] =	wrdreg $0xFFFFFFFF  }
0xa7: {  	s28 =	simm.s32 $_size_execute0_lowered;
	s2 =	sadd.s32 s2, s4;
	[dreg:$0x0] =	wrdreg $0x0  }
0xa8: {  	s4 =	sshll.u32 s28, $0x1;
	[dreg:$0x2] =	wrdreg s2  }
0xa9: {  	[dreg:$0x3] =	wrdreg s4  }
0xaa: {  	[dreg:$0x4] =	wrdreg $0xC0  }
0xab: {  	_ =	task [dreg:s6], $0x5FFFF  }
0xac: {  	[dreg:$0x1] =	wrdreg $0xFFFFFFFF  }
0xad: {  	[dreg:$0x0] =	wrdreg $0x60  }
0xae: {  	[dreg:$0x2] =	wrdreg s24  }
0xaf: {  	[dreg:$0x3] =	wrdreg $0x9  }
0xb0: {  	_ =	task.clear_ibuf [dreg:s6], $0x4FFFF;
	_ =	strace $0x90000052  }
0xb1: {  	s29 =	simm.s32 $0x9;
	_ =	strace $0x80000054  }
0xb2: {  	_ =	swait.ge [sflag:s29], $0x1  }
0xb3: {  	[sflag:s29] =	ssyncadd.s32 $0xFFFFFFFF  }
0xb4: {  	_ =	strace $0x90000054  }
0xb5: {  	_ =	sfence  }
0xb6: {  	s30 =	sld [smem:$0x0];
	_ =	sdelay $0x2  }
0xb7: {  	s31 =	sshll.u32 s1, $0xD;
	s1 =	sshrl.u32 s1, $0x2  }
0xb8: {  	s3 =	sand.u32 $0x4000, s31;
	s1 =	sadd.s32 s1, s30  }
0xb9: {  	s0 =	sor.u32 s3, s0;
	s1 =	sshll.u32 s1, $0x11  }
0xba: {  	s0 =	sor.u32 s1, s0  }
0xbb: {  	s0 =	sadd.s32 $0x8F2B, s0  }
0xbc: {  	[sflag:s0] =	ssyncadd.remote.s32 $0x1  }
0xbd: {  	_ =	sfence.sel $0xFFFF  }
0xbe: {  	[dreg:$0x0] =	wrdreg $0xFFFFFFFF;
	(pc) =	sbr.abs _section_cstart, $3  }
0xbf: {  	[dreg:$0x1] =	wrdreg $0xFFFFFFFF  }
0xc0: {  	_ =	task.clear_ibuf [dreg:s6], $0x2FFFF;
	_ =	strace $0x9FFFFFFF  }
0xc1: {  	(tm) =	ssettm $0x7FFFFFFF  }
tec
execute0_lowered:
.L_overlay_start_1:
0x0: {  	(tag) =	ssettag $0x1  }
0x1: {  	s0 =	srdreg.scid  }
0x2: {  	s1 =	rddreg [dreg:$0x0];
	s8 =	stileid.u32  }
0x3: {  	s2 =	simm.s32 $0x0;
	s12 =	simm.s32 $0x5;
	s14 =	simm.s32 $0x5000  }
0x4: {  	s15 =	simm.s32 $0x7800;
	s16 =	simm.s32 $0xA000;
	s17 =	simm.s32 $0xC800  }
0x5: {  	s18 =	simm.s32 $0x1;
	s19 =	simm.s32 $0x3;
	s20 =	simm.s32 $0x80  }
0x6: {  	s21 =	simm.s32 $0xF000;
	s22 =	simm.s32 $0x2;
	s0 =	sand.u32 $0x1, s0  }
0x7: {  	s23 =	simm.s32 $0x4;
	s11 =	smul.u32 $0x2800, s8;
	s3 =	sshll.u32 s0, $0x4  }
0x8: {  	s7 =	ssub.s32 $0x2, s0;
	s0 =	smul.u32 $0x28000, s0;
	s3 =	sor.u32 s8, s3  }
0x9: {  	s24 =	simm.s32 $0x13000;
	s25 =	simm.s32 $0x0;
	s5 =	smul.u32 $0x500, s3  }
.Ltmp0:
0xa: {  	[smem:$0x7FF] =	sst s2;
	s4 =	sadd.s32 $0x42600, s1;
	(pc) =	sbr.rel .LBB2_1-.Ltmp0, $4  }
0xb: {  	s6 =	sadd.s32 $0xC4A00, s1;
	_ =	strace $0x80000053;
	s31 =	sshrl.u32 s7, $0x1  }
0xc: {  	s3 =	sadd.s32 $0x1B400, s1;
	s11 =	sadd.s32 s11, s0;
	s9 =	sadd.s32 s5, s1  }
0xd: {  	s5 =	sadd.s32 $0x69800, s1;
	s1 =	ssub.s32 s7, s31;
	s7 =	sadd.s32 $0x11400, s9  }
0xe: {  	v0 =	vlaneseq.u32;
	s8 =	sadd.s32 $0x7400, s9;
	s9 =	sadd.s32 $0xBAA00, s9;
	s10 =	smax.u32 s1, $0x1  }
.LBB2_13:
0xf: {  	s25 =	sadd.s32 $0x1, s25  }
0x10: {  	p0 =	sne.s32 s25, s10  }
.Ltmp1:
0x11: {  	_ = 	snop;
	(pc) =	sbr.rel @!p0 .LBB2_14-.Ltmp1, $1  }
0x12: {  	_ =	sdelay $0x3  }
.LBB2_1:
0x13: {  	[tilespmem:s2], [sflag:$0x5] =	stream.linear.gather [hbm4b:s7+s2], $0x2800, $0x38;
	[tilespmem:$0x1F000] =	vst v63  }
0x14: {  	_ =	swait.ge [sflag:s12], $0x2800  }
0x15: {  	[sflag:s12] =	ssyncset.done $0x0  }
0x16: {  	s0 =	simm.s32 $0x2800;
	[sflag:s12] =	ssyncadd.s32 $0xFFFFD800  }
0x17: {  	[tilespmem:s0], [sflag:$0x5] =	stream.linear.gather [hbm4b:s8+s2], $0x2800, $0x38;
	[tilespmem:$0x1F000] =	vst v63  }
0x18: {  	_ =	swait.ge [sflag:s12], $0x2800  }
0x19: {  	[sflag:s12] =	ssyncset.done $0x0  }
0x1a: {  	[sflag:s12] =	ssyncadd.s32 $0xFFFFD800  }
0x1b: {  	[tilespmem:s14], [sflag:$0x5] =	stream.linear.gather [hbm4b:s9+s2], $0x2800, $0x38;
	[tilespmem:$0x1F000] =	vst v63  }
0x1c: {  	_ =	swait.ge [sflag:s12], $0x2800  }
0x1d: {  	[sflag:s12] =	ssyncset.done $0x0  }
0x1e: {  	[sflag:s12] =	ssyncadd.s32 $0xFFFFD800  }
0x1f: {  	[tilespmem:s15], [sflag:$0x5] =	stream.linear.gather [hbm4b:s7+s2], $0x2800, $0x38;
	[tilespmem:$0x1F000] =	vst v63  }
0x20: {  	_ =	swait.ge [sflag:s12], $0x2800  }
0x21: {  	[sflag:s12] =	ssyncset.done $0x0  }
0x22: {  	[sflag:s12] =	ssyncadd.s32 $0xFFFFD800  }
0x23: {  	[tilespmem:s16], [sflag:$0x5] =	stream.linear.gather [hbm4b:s8+s2], $0x2800, $0x38;
	[tilespmem:$0x1F000] =	vst v63  }
0x24: {  	_ =	swait.ge [sflag:s12], $0x2800  }
0x25: {  	[sflag:s12] =	ssyncset.done $0x0  }
0x26: {  	[sflag:s12] =	ssyncadd.s32 $0xFFFFD800  }
0x27: {  	[tilespmem:s17], [sflag:$0x5] =	stream.linear.gather [hbm4b:s5+s2], $0x2800, $0x38;
	[tilespmem:$0x1F000] =	vst v63  }
0x28: {  	_ =	swait.ge [sflag:s12], $0x2800  }
0x29: {  	s1 =	simm.s32 $0x5040;
	s13 =	simm.s32 $0x40;
	[sflag:s12] =	ssyncset.done $0x0  }
0x2a: {  	v1 =	vimm.s32 $0x0;
	s26 =	simm.s32 $0x0;
	s0 =	simm.s32 $0x2840;
	[sflag:s12] =	ssyncadd.s32 $0xFFFFD800  }
.LBB2_2:
0x2b: {  	v2 =	vld [tilespmem:s1+$0xFFFFFFC0];
	_ =	sdelay $0x4  }
0x2c: {  	(xrf0) =	vadd.scan.msk.s32 $0xffff, v2;
	_ =	sdelay $0x5  }
0x2d: {  	v3, _, _ =	vpop (xrf0)  }
0x2e: {  	vm0 =	vne.s32 v2, $0x0;
	v2 =	vadd.s32 v3, v1  }
0x2f: {  	v3 =	vld [tilespmem:s13+$0xFFFFFFC0];
	v2 =	vadd.s32 $0xFFFFFFFF, v2  }
0x30: {  	v4 =	vld [tilespmem:s0+$0xFFFFFFC0];
	_ =	sdelay $0x3  }
0x31: {  	s28 =	sadd.s32 s26, s11;
	[tilespmem:v2+s15+$0x0] =	vst.idx.msk vm0, v3  }
0x32: {  	v3 =	vor.u32 s28, v0;
	[tilespmem:v2+s16+$0x0] =	vst.idx.msk vm0, v4  }
0x33: {  	[tilespmem:v2+s17+$0x0] =	vst.idx.msk vm0, v3  }
0x34: {  	v2 =	vld [tilespmem:s1+$0xFFFFFFD0];
	_ =	sdelay $0x4  }
0x35: {  	(xrf0) =	vadd.scan.msk.s32 $0xffff, v2;
	_ =	sdelay $0x1  }
0x36: {  	v3 =	vmpcnt.ones.xlane vm0;
	_ =	sdelay $0x3  }
0x37: {  	v1 =	vadd.s32 v1, v3;
	v3, _, _ =	vpop (xrf0)  }
0x38: {  	vm9 =	vne.s32 v2, $0x0;
	v2 =	vadd.s32 v3, v1  }
0x39: {  	v3 =	vld [tilespmem:s13+$0xFFFFFFD0];
	v2 =	vadd.s32 $0xFFFFFFFF, v2  }
0x3a: {  	v4 =	vld [tilespmem:s0+$0xFFFFFFD0];
	_ =	sdelay $0x3  }
0x3b: {  	s29 =	sadd.s32 $0x10, s28;
	[tilespmem:v2+s15+$0x0] =	vst.idx.msk vm9, v3  }
0x3c: {  	v3 =	vor.u32 s29, v0;
	[tilespmem:v2+s16+$0x0] =	vst.idx.msk vm9, v4  }
0x3d: {  	[tilespmem:v2+s17+$0x0] =	vst.idx.msk vm9, v3  }
0x3e: {  	v2 =	vld [tilespmem:s1+$0xFFFFFFE0];
	_ =	sdelay $0x4  }
0x3f: {  	(xrf0) =	vadd.scan.msk.s32 $0xffff, v2;
	_ =	sdelay $0x1  }
0x40: {  	v3 =	vmpcnt.ones.xlane vm9;
	_ =	sdelay $0x3  }
0x41: {  	v1 =	vadd.s32 v1, v3;
	v3, _, _ =	vpop (xrf0)  }
0x42: {  	vm10 =	vne.s32 v2, $0x0;
	v2 =	vadd.s32 v3, v1  }
0x43: {  	v3 =	vld [tilespmem:s13+$0xFFFFFFE0];
	v2 =	vadd.s32 $0xFFFFFFFF, v2  }
0x44: {  	v4 =	vld [tilespmem:s0+$0xFFFFFFE0];
	_ =	sdelay $0x3  }
0x45: {  	s31 =	sadd.s32 $0x20, s28;
	[tilespmem:v2+s15+$0x0] =	vst.idx.msk vm10, v3  }
0x46: {  	v3 =	vor.u32 s31, v0;
	[tilespmem:v2+s16+$0x0] =	vst.idx.msk vm10, v4  }
0x47: {  	[tilespmem:v2+s17+$0x0] =	vst.idx.msk vm10, v3  }
0x48: {  	v2 =	vld [tilespmem:s1+$0xFFFFFFF0];
	_ =	sdelay $0x4  }
0x49: {  	(xrf0) =	vadd.scan.msk.s32 $0xffff, v2;
	_ =	sdelay $0x1  }
0x4a: {  	v3 =	vmpcnt.ones.xlane vm10;
	_ =	sdelay $0x3  }
0x4b: {  	v1 =	vadd.s32 v1, v3;
	v3, _, _ =	vpop (xrf0)  }
0x4c: {  	vm11 =	vne.s32 v2, $0x0;
	v2 =	vadd.s32 v3, v1  }
0x4d: {  	v3 =	vld [tilespmem:s13+$0xFFFFFFF0];
	v2 =	vadd.s32 $0xFFFFFFFF, v2  }
0x4e: {  	v4 =	vld [tilespmem:s0+$0xFFFFFFF0];
	_ =	sdelay $0x3  }
0x4f: {  	s30 =	sadd.s32 $0x30, s28;
	[tilespmem:v2+s15+$0x0] =	vst.idx.msk vm11, v3  }
0x50: {  	v3 =	vor.u32 s30, v0;
	[tilespmem:v2+s16+$0x0] =	vst.idx.msk vm11, v4  }
0x51: {  	[tilespmem:v2+s17+$0x0] =	vst.idx.msk vm11, v3  }
0x52: {  	v2 =	vld [tilespmem:s1+$0x0];
	_ =	sdelay $0x4  }
0x53: {  	(xrf0) =	vadd.scan.msk.s32 $0xffff, v2;
	_ =	sdelay $0x1  }
0x54: {  	v3 =	vmpcnt.ones.xlane vm11;
	_ =	sdelay $0x3  }
0x55: {  	v1 =	vadd.s32 v1, v3;
	v3, _, _ =	vpop (xrf0)  }
0x56: {  	vm12 =	vne.s32 v2, $0x0;
	v2 =	vadd.s32 v3, v1  }
0x57: {  	v3 =	vld [tilespmem:s13+$0x0];
	v2 =	vadd.s32 $0xFFFFFFFF, v2  }
0x58: {  	v4 =	vld [tilespmem:s0+$0x0];
	_ =	sdelay $0x3  }
0x59: {  	s31 =	sadd.s32 $0x40, s28;
	[tilespmem:v2+s15+$0x0] =	vst.idx.msk vm12, v3  }
0x5a: {  	v3 =	vor.u32 s31, v0;
	[tilespmem:v2+s16+$0x0] =	vst.idx.msk vm12, v4  }
0x5b: {  	[tilespmem:v2+s17+$0x0] =	vst.idx.msk vm12, v3  }
0x5c: {  	v2 =	vld [tilespmem:s1+$0x10];
	_ =	sdelay $0x4  }
0x5d: {  	(xrf0) =	vadd.scan.msk.s32 $0xffff, v2;
	_ =	sdelay $0x1  }
0x5e: {  	v3 =	vmpcnt.ones.xlane vm12;
	_ =	sdelay $0x3  }
0x5f: {  	v1 =	vadd.s32 v1, v3;
	v3, _, _ =	vpop (xrf0)  }
0x60: {  	vm13 =	vne.s32 v2, $0x0;
	v2 =	vadd.s32 v3, v1  }
0x61: {  	v3 =	vld [tilespmem:s13+$0x10];
	v2 =	vadd.s32 $0xFFFFFFFF, v2  }
0x62: {  	v4 =	vld [tilespmem:s0+$0x10];
	_ =	sdelay $0x3  }
0x63: {  	s30 =	sadd.s32 $0x50, s28;
	[tilespmem:v2+s15+$0x0] =	vst.idx.msk vm13, v3  }
0x64: {  	v3 =	vor.u32 s30, v0;
	[tilespmem:v2+s16+$0x0] =	vst.idx.msk vm13, v4  }
0x65: {  	[tilespmem:v2+s17+$0x0] =	vst.idx.msk vm13, v3  }
0x66: {  	v2 =	vld [tilespmem:s1+$0x20];
	_ =	sdelay $0x4  }
0x67: {  	(xrf0) =	vadd.scan.msk.s32 $0xffff, v2;
	_ =	sdelay $0x1  }
0x68: {  	v3 =	vmpcnt.ones.xlane vm13;
	_ =	sdelay $0x3  }
0x69: {  	v1 =	vadd.s32 v1, v3;
	v3, _, _ =	vpop (xrf0)  }
0x6a: {  	vm14 =	vne.s32 v2, $0x0;
	v2 =	vadd.s32 v3, v1  }
0x6b: {  	v3 =	vld [tilespmem:s13+$0x20];
	v2 =	vadd.s32 $0xFFFFFFFF, v2  }
0x6c: {  	v4 =	vld [tilespmem:s0+$0x20];
	_ =	sdelay $0x3  }
0x6d: {  	s31 =	sadd.s32 $0x60, s28;
	[tilespmem:v2+s15+$0x0] =	vst.idx.msk vm14, v3  }
0x6e: {  	v3 =	vor.u32 s31, v0;
	[tilespmem:v2+s16+$0x0] =	vst.idx.msk vm14, v4  }
0x6f: {  	[tilespmem:v2+s17+$0x0] =	vst.idx.msk vm14, v3  }
0x70: {  	v2 =	vld [tilespmem:s1+$0x30];
	_ =	sdelay $0x4  }
0x71: {  	(xrf0) =	vadd.scan.msk.s32 $0xffff, v2;
	_ =	sdelay $0x1  }
0x72: {  	v3 =	vmpcnt.ones.xlane vm14;
	_ =	sdelay $0x3  }
0x73: {  	v1 =	vadd.s32 v1, v3;
	v3, _, _ =	vpop (xrf0)  }
0x74: {  	vm15 =	vne.s32 v2, $0x0;
	v2 =	vadd.s32 v3, v1  }
0x75: {  	v3 =	vld [tilespmem:s13+$0x30];
	v2 =	vadd.s32 $0xFFFFFFFF, v2  }
0x76: {  	v4 =	vld [tilespmem:s0+$0x30]  }
0x77: {  	p0 =	sne.s32 s26, $0x2780  }
.Ltmp2:
0x78: {  	_ = 	snop;
	(pc) =	sbr.rel @p0 .LBB2_2-.Ltmp2, $4  }
0x79: {  	_ = 	snop  }
0x7a: {  	s28 =	sadd.s32 $0x70, s28;
	[tilespmem:v2+s15+$0x0] =	vst.idx.msk vm15, v3;
	v3 =	vmpcnt.ones.xlane vm15  }
0x7b: {  	s26 =	sadd.s32 $0x80, s26;
	v5 =	vor.u32 s28, v0;
	[tilespmem:v2+s16+$0x0] =	vst.idx.msk vm15, v4  }
0x7c: {  	s0 =	sadd.s32 $0x80, s0;
	s1 =	sadd.s32 $0x80, s1;
	s13 =	sadd.s32 $0x80, s13;
	[tilespmem:v2+s17+$0x0] =	vst.idx.msk vm15, v5;
	v1 =	vadd.s32 v1, v3  }
0x7d: {  	(v2sf) =	vpush v1, $0x0;
	_ =	sdelay $0xe  }
0x7e: {  	s0 =	spop (v2sf)  }
0x7f: {  	s0 =	sadd.s32 $0x7F, s0  }
0x80: {  	s26 =	sshrl.u32 s0, $0x7  }
0x81: {  	p0 =	seq.s32 s26, $0x0  }
0x82: {  	s1 =	simm.s32 @!p0 $0x80;
	s13 =	simm.s32 @!p0 $0x7800;
	s28 =	simm.s32 @!p0 $0xF000  }
0x83: {  	[tilespmem:s28], [sflag:$0x1] =	stream.indirect.gather @!p0 [hbm4b:s3+s1], $0x80, s13, s1, $0xb8;
	[tilespmem:$0x1F000] =	vst v63  }
0x84: {  	s13 =	simm.s32 @!p0 $0xA000;
	s28 =	simm.s32 @!p0 $0x17000  }
0x85: {  	[tilespmem:s28], [sflag:$0x3] =	stream.indirect.gather @!p0 [hbm4b:s4+s1], $0x80, s13, s1, $0xb8;
	[tilespmem:$0x1F000] =	vst v63  }
0x86: {  	s31 =	sadd.s32 $0x1, s26;
	p0 =	slt.u32 s0, $0x100  }
0x87: {  	s0 =	simm.s32 @!p0 $0x80;
	s1 =	simm.s32 @!p0 $0x7880;
	s13 =	simm.s32 @!p0 $0x13000  }
0x88: {  	[tilespmem:s13], [sflag:$0x2] =	stream.indirect.gather @!p0 [hbm4b:s3+s0], $0x80, s1, s0, $0xb8;
	[tilespmem:$0x1F000] =	vst v63  }
0x89: {  	s28 =	sshrl.u32 s31, $0x1;
	s1 =	simm.s32 @!p0 $0xA080;
	s13 =	simm.s32 @!p0 $0x1B000  }
0x8a: {  	[tilespmem:s13], [sflag:$0x4] =	stream.indirect.gather @!p0 [hbm4b:s4+s0], $0x80, s1, s0, $0xb8;
	[tilespmem:$0x1F000] =	vst v63  }
0x8b: {  	p0 =	seq.s32 s28, $0x0  }
.Ltmp3:
0x8c: {  	_ = 	snop;
	(pc) =	sbr.rel @!p0 .LBB2_4-.Ltmp3, $4  }
.Ltmp4:
0x8d: {  	_ = 	snop;
	(pc) =	sbr.rel @p0 .LBB2_13-.Ltmp4, $4  }
0x8e: {  	_ = 	snop  }
0x8f: {  	_ = 	snop  }
0x90: {  	s29 =	simm.s32 $0x0  }
0x91: {  	_ = 	snop  }
.LBB2_12:
0x92: {  	s29 =	sadd.s32 $0x1, s29  }
0x93: {  	p0 =	sne.s32 s29, s28  }
.Ltmp5:
0x94: {  	_ = 	snop;
	(pc) =	sbr.rel @!p0 .LBB2_13-.Ltmp5, $1  }
0x95: {  	_ =	sdelay $0x3  }
.LBB2_4:
0x96: {  	s30 =	sshll.u32 s29, $0x1  }
0x97: {  	p0 =	sge.u32 s30, s26  }
.Ltmp6:
0x98: {  	_ = 	snop;
	(pc) =	sbr.rel @p0 .LBB2_8-.Ltmp6, $1  }
0x99: {  	_ =	sdelay $0x3  }
0x9a: {  	_ =	swait.ge [sflag:s18], $0x4000  }
0x9b: {  	[sflag:s18] =	ssyncset.done $0x0  }
0x9c: {  	[sflag:s18] =	ssyncadd.s32 $0xFFFFC000  }
0x9d: {  	_ =	swait.ge [sflag:s19], $0x4000  }
0x9e: {  	[sflag:s19] =	ssyncset.done $0x0  }
0x9f: {  	s31 =	simm.s32 $0x0;
	[sflag:s19] =	ssyncadd.s32 $0xFFFFC000  }
0xa0: {  	v1 =	vld [tilespmem:s31+$0x171F0]  }
0xa1: {  	v2 =	vld [tilespmem:s31+$0x17000]  }
0xa2: {  	v3 =	vld [tilespmem:s31+$0x17010]  }
0xa3: {  	v4 =	vld [tilespmem:s31+$0x17020]  }
0xa4: {  	v5 =	vld [tilespmem:s31+$0x17030]  }
0xa5: {  	v6 =	vld [tilespmem:s31+$0x17040]  }
0xa6: {  	v7 =	vld [tilespmem:s31+$0x17050]  }
0xa7: {  	v8 =	vld [tilespmem:s31+$0x17060]  }
0xa8: {  	v9 =	vld [tilespmem:s31+$0x17070]  }
0xa9: {  	v10 =	vld [tilespmem:s31+$0x17080]  }
0xaa: {  	v11 =	vld [tilespmem:s31+$0x17090]  }
0xab: {  	v12 =	vld [tilespmem:s31+$0x170A0]  }
0xac: {  	v13 =	vld [tilespmem:s31+$0x170B0]  }
0xad: {  	v14 =	vld [tilespmem:s31+$0x170C0]  }
0xae: {  	v15 =	vld [tilespmem:s31+$0x170D0]  }
0xaf: {  	v16 =	vld [tilespmem:s31+$0x170E0]  }
0xb0: {  	v17 =	vld [tilespmem:s31+$0x170F0]  }
0xb1: {  	v18 =	vld [tilespmem:s31+$0x17100]  }
0xb2: {  	v19 =	vld [tilespmem:s31+$0x17110]  }
0xb3: {  	v20 =	vld [tilespmem:s31+$0x17120]  }
0xb4: {  	v21 =	vld [tilespmem:s31+$0x17130]  }
0xb5: {  	v22 =	vld [tilespmem:s31+$0x17140]  }
0xb6: {  	v23 =	vld [tilespmem:s31+$0x17150]  }
0xb7: {  	v24 =	vld [tilespmem:s31+$0x17160]  }
0xb8: {  	v25 =	vld [tilespmem:s31+$0x17170]  }
0xb9: {  	v26 =	vld [tilespmem:s31+$0x17180]  }
0xba: {  	v27 =	vld [tilespmem:s31+$0x17190]  }
0xbb: {  	v28 =	vld [tilespmem:s31+$0x171A0]  }
0xbc: {  	v29 =	vld [tilespmem:s31+$0x171B0]  }
0xbd: {  	v30 =	vld [tilespmem:s31+$0x171C0]  }
0xbe: {  	v31 =	vld [tilespmem:s31+$0x171D0]  }
0xbf: {  	[tilespmem:s31+$0xF1F0] =	vst.add.f32.msk $0xffff, v1  }
0xc0: {  	v1 =	vld [tilespmem:s31+$0x171E0]  }
0xc1: {  	[tilespmem:s31+$0xF000] =	vst.add.f32.msk $0xffff, v2  }
0xc2: {  	[tilespmem:s31+$0xF010] =	vst.add.f32.msk $0xffff, v3  }
0xc3: {  	[tilespmem:s31+$0xF020] =	vst.add.f32.msk $0xffff, v4  }
0xc4: {  	[tilespmem:s31+$0xF030] =	vst.add.f32.msk $0xffff, v5  }
0xc5: {  	[tilespmem:s31+$0xF040] =	vst.add.f32.msk $0xffff, v6  }
0xc6: {  	[tilespmem:s31+$0xF050] =	vst.add.f32.msk $0xffff, v7  }
0xc7: {  	[tilespmem:s31+$0xF060] =	vst.add.f32.msk $0xffff, v8  }
0xc8: {  	[tilespmem:s31+$0xF070] =	vst.add.f32.msk $0xffff, v9  }
0xc9: {  	[tilespmem:s31+$0xF080] =	vst.add.f32.msk $0xffff, v10  }
0xca: {  	[tilespmem:s31+$0xF090] =	vst.add.f32.msk $0xffff, v11  }
0xcb: {  	[tilespmem:s31+$0xF0A0] =	vst.add.f32.msk $0xffff, v12  }
0xcc: {  	[tilespmem:s31+$0xF0B0] =	vst.add.f32.msk $0xffff, v13  }
0xcd: {  	[tilespmem:s31+$0xF0C0] =	vst.add.f32.msk $0xffff, v14  }
0xce: {  	[tilespmem:s31+$0xF0D0] =	vst.add.f32.msk $0xffff, v15  }
0xcf: {  	[tilespmem:s31+$0xF0E0] =	vst.add.f32.msk $0xffff, v16  }
0xd0: {  	[tilespmem:s31+$0xF0F0] =	vst.add.f32.msk $0xffff, v17  }
0xd1: {  	[tilespmem:s31+$0xF100] =	vst.add.f32.msk $0xffff, v18  }
0xd2: {  	[tilespmem:s31+$0xF110] =	vst.add.f32.msk $0xffff, v19  }
0xd3: {  	[tilespmem:s31+$0xF120] =	vst.add.f32.msk $0xffff, v20  }
0xd4: {  	[tilespmem:s31+$0xF130] =	vst.add.f32.msk $0xffff, v21  }
0xd5: {  	[tilespmem:s31+$0xF140] =	vst.add.f32.msk $0xffff, v22  }
0xd6: {  	[tilespmem:s31+$0xF150] =	vst.add.f32.msk $0xffff, v23  }
0xd7: {  	[tilespmem:s31+$0xF160] =	vst.add.f32.msk $0xffff, v24  }
0xd8: {  	[tilespmem:s31+$0xF170] =	vst.add.f32.msk $0xffff, v25  }
0xd9: {  	[tilespmem:s31+$0xF180] =	vst.add.f32.msk $0xffff, v26  }
0xda: {  	[tilespmem:s31+$0xF190] =	vst.add.f32.msk $0xffff, v27  }
0xdb: {  	[tilespmem:s31+$0xF1A0] =	vst.add.f32.msk $0xffff, v28  }
0xdc: {  	[tilespmem:s31+$0xF1B0] =	vst.add.f32.msk $0xffff, v29  }
0xdd: {  	[tilespmem:s31+$0xF1C0] =	vst.add.f32.msk $0xffff, v30  }
0xde: {  	s0 =	simm.s32 $0x0;
	s1 =	simm.s32 $0x800;
	[tilespmem:s31+$0xF1D0] =	vst.add.f32.msk $0xffff, v31  }
.LBB2_6:
0xdf: {  	s0 =	sadd.s32 $0x4, s0;
	[tilespmem:s31+$0xF1E0] =	vst.add.f32.msk $0xffff, v1;
	s31 =	sshra.s32 s1, $0x2  }
0xe0: {  	v1 =	vld [tilespmem:s31+$0x171F0];
	p0 =	slt.u32 s0, $0x7C  }
0xe1: {  	v2 =	vld [tilespmem:s31+$0x17000]  }
0xe2: {  	v3 =	vld [tilespmem:s31+$0x17010]  }
0xe3: {  	v4 =	vld [tilespmem:s31+$0x17020]  }
0xe4: {  	v5 =	vld [tilespmem:s31+$0x17030]  }
0xe5: {  	[tilespmem:s31+$0xF1F0] =	vst.add.f32.msk $0xffff, v1  }
0xe6: {  	v6 =	vld [tilespmem:s31+$0x17040]  }
0xe7: {  	v7 =	vld [tilespmem:s31+$0x17050]  }
0xe8: {  	v8 =	vld [tilespmem:s31+$0x17060]  }
0xe9: {  	v9 =	vld [tilespmem:s31+$0x17070]  }
0xea: {  	v10 =	vld [tilespmem:s31+$0x17080]  }
0xeb: {  	v11 =	vld [tilespmem:s31+$0x17090]  }
0xec: {  	v12 =	vld [tilespmem:s31+$0x170A0]  }
0xed: {  	v13 =	vld [tilespmem:s31+$0x170B0]  }
0xee: {  	v14 =	vld [tilespmem:s31+$0x170C0]  }
0xef: {  	v15 =	vld [tilespmem:s31+$0x170D0]  }
0xf0: {  	v16 =	vld [tilespmem:s31+$0x170E0]  }
0xf1: {  	v17 =	vld [tilespmem:s31+$0x170F0]  }
0xf2: {  	v18 =	vld [tilespmem:s31+$0x17100]  }
0xf3: {  	v19 =	vld [tilespmem:s31+$0x17110]  }
0xf4: {  	v20 =	vld [tilespmem:s31+$0x17120]  }
0xf5: {  	v21 =	vld [tilespmem:s31+$0x17130]  }
0xf6: {  	v22 =	vld [tilespmem:s31+$0x17140]  }
0xf7: {  	v23 =	vld [tilespmem:s31+$0x17150]  }
0xf8: {  	v24 =	vld [tilespmem:s31+$0x17160]  }
0xf9: {  	v25 =	vld [tilespmem:s31+$0x17170]  }
0xfa: {  	v26 =	vld [tilespmem:s31+$0x17180]  }
0xfb: {  	v27 =	vld [tilespmem:s31+$0x17190]  }
0xfc: {  	v28 =	vld [tilespmem:s31+$0x171A0]  }
0xfd: {  	v29 =	vld [tilespmem:s31+$0x171B0]  }
0xfe: {  	v30 =	vld [tilespmem:s31+$0x171C0]  }
0xff: {  	v31 =	vld [tilespmem:s31+$0x171D0]  }
0x100: {  	v1 =	vld [tilespmem:s31+$0x171E0]  }
0x101: {  	[tilespmem:s31+$0xF000] =	vst.add.f32.msk $0xffff, v2  }
0x102: {  	[tilespmem:s31+$0xF010] =	vst.add.f32.msk $0xffff, v3  }
0x103: {  	[tilespmem:s31+$0xF020] =	vst.add.f32.msk $0xffff, v4  }
0x104: {  	[tilespmem:s31+$0xF030] =	vst.add.f32.msk $0xffff, v5  }
0x105: {  	[tilespmem:s31+$0xF040] =	vst.add.f32.msk $0xffff, v6  }
0x106: {  	[tilespmem:s31+$0xF050] =	vst.add.f32.msk $0xffff, v7  }
0x107: {  	[tilespmem:s31+$0xF060] =	vst.add.f32.msk $0xffff, v8  }
0x108: {  	[tilespmem:s31+$0xF070] =	vst.add.f32.msk $0xffff, v9  }
0x109: {  	[tilespmem:s31+$0xF080] =	vst.add.f32.msk $0xffff, v10  }
0x10a: {  	[tilespmem:s31+$0xF090] =	vst.add.f32.msk $0xffff, v11  }
0x10b: {  	[tilespmem:s31+$0xF0A0] =	vst.add.f32.msk $0xffff, v12  }
0x10c: {  	[tilespmem:s31+$0xF0B0] =	vst.add.f32.msk $0xffff, v13  }
0x10d: {  	[tilespmem:s31+$0xF0C0] =	vst.add.f32.msk $0xffff, v14  }
0x10e: {  	[tilespmem:s31+$0xF0D0] =	vst.add.f32.msk $0xffff, v15  }
0x10f: {  	[tilespmem:s31+$0xF0E0] =	vst.add.f32.msk $0xffff, v16  }
0x110: {  	[tilespmem:s31+$0xF0F0] =	vst.add.f32.msk $0xffff, v17  }
0x111: {  	[tilespmem:s31+$0xF100] =	vst.add.f32.msk $0xffff, v18  }
0x112: {  	[tilespmem:s31+$0xF110] =	vst.add.f32.msk $0xffff, v19  }
0x113: {  	[tilespmem:s31+$0xF120] =	vst.add.f32.msk $0xffff, v20  }
0x114: {  	[tilespmem:s31+$0xF130] =	vst.add.f32.msk $0xffff, v21  }
0x115: {  	[tilespmem:s31+$0xF140] =	vst.add.f32.msk $0xffff, v22  }
0x116: {  	[tilespmem:s31+$0xF150] =	vst.add.f32.msk $0xffff, v23  }
0x117: {  	[tilespmem:s31+$0xF160] =	vst.add.f32.msk $0xffff, v24  }
0x118: {  	[tilespmem:s31+$0xF170] =	vst.add.f32.msk $0xffff, v25  }
0x119: {  	[tilespmem:s31+$0xF180] =	vst.add.f32.msk $0xffff, v26  }
.Ltmp7:
0x11a: {  	[tilespmem:s31+$0xF190] =	vst.add.f32.msk $0xffff, v27;
	(pc) =	sbr.rel @p0 .LBB2_6-.Ltmp7, $4  }
0x11b: {  	[tilespmem:s31+$0xF1A0] =	vst.add.f32.msk $0xffff, v28  }
0x11c: {  	[tilespmem:s31+$0xF1B0] =	vst.add.f32.msk $0xffff, v29  }
0x11d: {  	[tilespmem:s31+$0xF1C0] =	vst.add.f32.msk $0xffff, v30  }
0x11e: {  	s1 =	sadd.s32 $0x800, s1;
	[tilespmem:s31+$0xF1D0] =	vst.add.f32.msk $0xffff, v31  }
0x11f: {  	s0 =	sshll.u32 s29, $0xA  }
0x120: {  	s0 =	sshra.s32 s0, $0x2  }
0x121: {  	[tilespmem:s31+$0xF1E0] =	vst.add.f32.msk $0xffff, v1;
	s0 =	sadd.s32 $0xC800, s0  }
0x122: {  	[hbm4b:s6+s20] =	stream.indirect.scatter [tilespmem:s21], [sflag:$0x5], $0x80, s0, s20, $0xb8;
	[tilespmem:$0x1F000] =	vst v63  }
0x123: {  	s0 =	sadd.s32 $0x2, s30  }
0x124: {  	_ =	swait.ge [sflag:s12], $0x4000;
	p0 =	sge.u32 s0, s26  }
0x125: {  	[sflag:s12] =	ssyncset.done $0x0;
	s0 =	sshll.u32 @!p0 s0, $0x7;
	s13 =	simm.s32 @!p0 $0x80  }
0x126: {  	s31 =	simm.s32 @!p0 $0xF000;
	[sflag:s12] =	ssyncadd.s32 $0xFFFFC000;
	s1 =	sadd.s32 @!p0 $0x7800, s0  }
0x127: {  	[tilespmem:s31], [sflag:$0x1] =	stream.indirect.gather @!p0 [hbm4b:s3+s13], $0x80, s1, s13, $0xb8;
	[tilespmem:$0x1F000] =	vst v63  }
0x128: {  	s0 =	sadd.s32 @!p0 $0xA000, s0;
	s1 =	simm.s32 @!p0 $0x17000  }
0x129: {  	[tilespmem:s1], [sflag:$0x3] =	stream.indirect.gather @!p0 [hbm4b:s4+s13], $0x80, s0, s13, $0xb8;
	[tilespmem:$0x1F000] =	vst v63  }
.LBB2_8:
0x12a: {  	s31 =	sor.u32 $0x1, s30  }
0x12b: {  	p0 =	sge.u32 s31, s26  }
.Ltmp8:
0x12c: {  	_ = 	snop;
	(pc) =	sbr.rel @p0 .LBB2_12-.Ltmp8, $1  }
0x12d: {  	_ =	sdelay $0x3  }
0x12e: {  	_ =	swait.ge [sflag:s22], $0x4000  }
0x12f: {  	[sflag:s22] =	ssyncset.done $0x0  }
0x130: {  	[sflag:s22] =	ssyncadd.s32 $0xFFFFC000  }
0x131: {  	_ =	swait.ge [sflag:s23], $0x4000  }
0x132: {  	[sflag:s23] =	ssyncset.done $0x0  }
0x133: {  	s0 =	simm.s32 $0x0;
	[sflag:s23] =	ssyncadd.s32 $0xFFFFC000  }
0x134: {  	v1 =	vld [tilespmem:s0+$0x1B1F0]  }
0x135: {  	v2 =	vld [tilespmem:s0+$0x1B000]  }
0x136: {  	v3 =	vld [tilespmem:s0+$0x1B010]  }
0x137: {  	v4 =	vld [tilespmem:s0+$0x1B020]  }
0x138: {  	v5 =	vld [tilespmem:s0+$0x1B030]  }
0x139: {  	v6 =	vld [tilespmem:s0+$0x1B040]  }
0x13a: {  	v7 =	vld [tilespmem:s0+$0x1B050]  }
0x13b: {  	v8 =	vld [tilespmem:s0+$0x1B060]  }
0x13c: {  	v9 =	vld [tilespmem:s0+$0x1B070]  }
0x13d: {  	v10 =	vld [tilespmem:s0+$0x1B080]  }
0x13e: {  	v11 =	vld [tilespmem:s0+$0x1B090]  }
0x13f: {  	v12 =	vld [tilespmem:s0+$0x1B0A0]  }
0x140: {  	v13 =	vld [tilespmem:s0+$0x1B0B0]  }
0x141: {  	v14 =	vld [tilespmem:s0+$0x1B0C0]  }
0x142: {  	v15 =	vld [tilespmem:s0+$0x1B0D0]  }
0x143: {  	v16 =	vld [tilespmem:s0+$0x1B0E0]  }
0x144: {  	v17 =	vld [tilespmem:s0+$0x1B0F0]  }
0x145: {  	v18 =	vld [tilespmem:s0+$0x1B100]  }
0x146: {  	v19 =	vld [tilespmem:s0+$0x1B110]  }
0x147: {  	v20 =	vld [tilespmem:s0+$0x1B120]  }
0x148: {  	v21 =	vld [tilespmem:s0+$0x1B130]  }
0x149: {  	v22 =	vld [tilespmem:s0+$0x1B140]  }
0x14a: {  	v23 =	vld [tilespmem:s0+$0x1B150]  }
0x14b: {  	v24 =	vld [tilespmem:s0+$0x1B160]  }
0x14c: {  	v25 =	vld [tilespmem:s0+$0x1B170]  }
0x14d: {  	v26 =	vld [tilespmem:s0+$0x1B180]  }
0x14e: {  	v27 =	vld [tilespmem:s0+$0x1B190]  }
0x14f: {  	v28 =	vld [tilespmem:s0+$0x1B1A0]  }
0x150: {  	v29 =	vld [tilespmem:s0+$0x1B1B0]  }
0x151: {  	v30 =	vld [tilespmem:s0+$0x1B1C0]  }
0x152: {  	v31 =	vld [tilespmem:s0+$0x1B1D0]  }
0x153: {  	[tilespmem:s0+$0x131F0] =	vst.add.f32.msk $0xffff, v1  }
0x154: {  	v1 =	vld [tilespmem:s0+$0x1B1E0]  }
0x155: {  	[tilespmem:s0+$0x13000] =	vst.add.f32.msk $0xffff, v2  }
0x156: {  	[tilespmem:s0+$0x13010] =	vst.add.f32.msk $0xffff, v3  }
0x157: {  	[tilespmem:s0+$0x13020] =	vst.add.f32.msk $0xffff, v4  }
0x158: {  	[tilespmem:s0+$0x13030] =	vst.add.f32.msk $0xffff, v5  }
0x159: {  	[tilespmem:s0+$0x13040] =	vst.add.f32.msk $0xffff, v6  }
0x15a: {  	[tilespmem:s0+$0x13050] =	vst.add.f32.msk $0xffff, v7  }
0x15b: {  	[tilespmem:s0+$0x13060] =	vst.add.f32.msk $0xffff, v8  }
0x15c: {  	[tilespmem:s0+$0x13070] =	vst.add.f32.msk $0xffff, v9  }
0x15d: {  	[tilespmem:s0+$0x13080] =	vst.add.f32.msk $0xffff, v10  }
0x15e: {  	[tilespmem:s0+$0x13090] =	vst.add.f32.msk $0xffff, v11  }
0x15f: {  	[tilespmem:s0+$0x130A0] =	vst.add.f32.msk $0xffff, v12  }
0x160: {  	[tilespmem:s0+$0x130B0] =	vst.add.f32.msk $0xffff, v13  }
0x161: {  	[tilespmem:s0+$0x130C0] =	vst.add.f32.msk $0xffff, v14  }
0x162: {  	[tilespmem:s0+$0x130D0] =	vst.add.f32.msk $0xffff, v15  }
0x163: {  	[tilespmem:s0+$0x130E0] =	vst.add.f32.msk $0xffff, v16  }
0x164: {  	[tilespmem:s0+$0x130F0] =	vst.add.f32.msk $0xffff, v17  }
0x165: {  	[tilespmem:s0+$0x13100] =	vst.add.f32.msk $0xffff, v18  }
0x166: {  	[tilespmem:s0+$0x13110] =	vst.add.f32.msk $0xffff, v19  }
0x167: {  	[tilespmem:s0+$0x13120] =	vst.add.f32.msk $0xffff, v20  }
0x168: {  	[tilespmem:s0+$0x13130] =	vst.add.f32.msk $0xffff, v21  }
0x169: {  	[tilespmem:s0+$0x13140] =	vst.add.f32.msk $0xffff, v22  }
0x16a: {  	[tilespmem:s0+$0x13150] =	vst.add.f32.msk $0xffff, v23  }
0x16b: {  	[tilespmem:s0+$0x13160] =	vst.add.f32.msk $0xffff, v24  }
0x16c: {  	[tilespmem:s0+$0x13170] =	vst.add.f32.msk $0xffff, v25  }
0x16d: {  	[tilespmem:s0+$0x13180] =	vst.add.f32.msk $0xffff, v26  }
0x16e: {  	[tilespmem:s0+$0x13190] =	vst.add.f32.msk $0xffff, v27  }
0x16f: {  	[tilespmem:s0+$0x131A0] =	vst.add.f32.msk $0xffff, v28  }
0x170: {  	[tilespmem:s0+$0x131B0] =	vst.add.f32.msk $0xffff, v29  }
0x171: {  	[tilespmem:s0+$0x131C0] =	vst.add.f32.msk $0xffff, v30  }
0x172: {  	s1 =	simm.s32 $0x0;
	s13 =	simm.s32 $0x800;
	[tilespmem:s0+$0x131D0] =	vst.add.f32.msk $0xffff, v31  }
.LBB2_10:
0x173: {  	s1 =	sadd.s32 $0x4, s1;
	[tilespmem:s0+$0x131E0] =	vst.add.f32.msk $0xffff, v1;
	s0 =	sshra.s32 s13, $0x2  }
0x174: {  	v1 =	vld [tilespmem:s0+$0x1B1F0];
	p0 =	slt.u32 s1, $0x7C  }
0x175: {  	v2 =	vld [tilespmem:s0+$0x1B000]  }
0x176: {  	v3 =	vld [tilespmem:s0+$0x1B010]  }
0x177: {  	v4 =	vld [tilespmem:s0+$0x1B020]  }
0x178: {  	v5 =	vld [tilespmem:s0+$0x1B030]  }
0x179: {  	[tilespmem:s0+$0x131F0] =	vst.add.f32.msk $0xffff, v1  }
0x17a: {  	v6 =	vld [tilespmem:s0+$0x1B040]  }
0x17b: {  	v7 =	vld [tilespmem:s0+$0x1B050]  }
0x17c: {  	v8 =	vld [tilespmem:s0+$0x1B060]  }
0x17d: {  	v9 =	vld [tilespmem:s0+$0x1B070]  }
0x17e: {  	v10 =	vld [tilespmem:s0+$0x1B080]  }
0x17f: {  	v11 =	vld [tilespmem:s0+$0x1B090]  }
0x180: {  	v12 =	vld [tilespmem:s0+$0x1B0A0]  }
0x181: {  	v13 =	vld [tilespmem:s0+$0x1B0B0]  }
0x182: {  	v14 =	vld [tilespmem:s0+$0x1B0C0]  }
0x183: {  	v15 =	vld [tilespmem:s0+$0x1B0D0]  }
0x184: {  	v16 =	vld [tilespmem:s0+$0x1B0E0]  }
0x185: {  	v17 =	vld [tilespmem:s0+$0x1B0F0]  }
0x186: {  	v18 =	vld [tilespmem:s0+$0x1B100]  }
0x187: {  	v19 =	vld [tilespmem:s0+$0x1B110]  }
0x188: {  	v20 =	vld [tilespmem:s0+$0x1B120]  }
0x189: {  	v21 =	vld [tilespmem:s0+$0x1B130]  }
0x18a: {  	v22 =	vld [tilespmem:s0+$0x1B140]  }
0x18b: {  	v23 =	vld [tilespmem:s0+$0x1B150]  }
0x18c: {  	v24 =	vld [tilespmem:s0+$0x1B160]  }
0x18d: {  	v25 =	vld [tilespmem:s0+$0x1B170]  }
0x18e: {  	v26 =	vld [tilespmem:s0+$0x1B180]  }
0x18f: {  	v27 =	vld [tilespmem:s0+$0x1B190]  }
0x190: {  	v28 =	vld [tilespmem:s0+$0x1B1A0]  }
0x191: {  	v29 =	vld [tilespmem:s0+$0x1B1B0]  }
0x192: {  	v30 =	vld [tilespmem:s0+$0x1B1C0]  }
0x193: {  	v31 =	vld [tilespmem:s0+$0x1B1D0]  }
0x194: {  	v1 =	vld [tilespmem:s0+$0x1B1E0]  }
0x195: {  	[tilespmem:s0+$0x13000] =	vst.add.f32.msk $0xffff, v2  }
0x196: {  	[tilespmem:s0+$0x13010] =	vst.add.f32.msk $0xffff, v3  }
0x197: {  	[tilespmem:s0+$0x13020] =	vst.add.f32.msk $0xffff, v4  }
0x198: {  	[tilespmem:s0+$0x13030] =	vst.add.f32.msk $0xffff, v5  }
0x199: {  	[tilespmem:s0+$0x13040] =	vst.add.f32.msk $0xffff, v6  }
0x19a: {  	[tilespmem:s0+$0x13050] =	vst.add.f32.msk $0xffff, v7  }
0x19b: {  	[tilespmem:s0+$0x13060] =	vst.add.f32.msk $0xffff, v8  }
0x19c: {  	[tilespmem:s0+$0x13070] =	vst.add.f32.msk $0xffff, v9  }
0x19d: {  	[tilespmem:s0+$0x13080] =	vst.add.f32.msk $0xffff, v10  }
0x19e: {  	[tilespmem:s0+$0x13090] =	vst.add.f32.msk $0xffff, v11  }
0x19f: {  	[tilespmem:s0+$0x130A0] =	vst.add.f32.msk $0xffff, v12  }
0x1a0: {  	[tilespmem:s0+$0x130B0] =	vst.add.f32.msk $0xffff, v13  }
0x1a1: {  	[tilespmem:s0+$0x130C0] =	vst.add.f32.msk $0xffff, v14  }
0x1a2: {  	[tilespmem:s0+$0x130D0] =	vst.add.f32.msk $0xffff, v15  }
0x1a3: {  	[tilespmem:s0+$0x130E0] =	vst.add.f32.msk $0xffff, v16  }
0x1a4: {  	[tilespmem:s0+$0x130F0] =	vst.add.f32.msk $0xffff, v17  }
0x1a5: {  	[tilespmem:s0+$0x13100] =	vst.add.f32.msk $0xffff, v18  }
0x1a6: {  	[tilespmem:s0+$0x13110] =	vst.add.f32.msk $0xffff, v19  }
0x1a7: {  	[tilespmem:s0+$0x13120] =	vst.add.f32.msk $0xffff, v20  }
0x1a8: {  	[tilespmem:s0+$0x13130] =	vst.add.f32.msk $0xffff, v21  }
0x1a9: {  	[tilespmem:s0+$0x13140] =	vst.add.f32.msk $0xffff, v22  }
0x1aa: {  	[tilespmem:s0+$0x13150] =	vst.add.f32.msk $0xffff, v23  }
0x1ab: {  	[tilespmem:s0+$0x13160] =	vst.add.f32.msk $0xffff, v24  }
0x1ac: {  	[tilespmem:s0+$0x13170] =	vst.add.f32.msk $0xffff, v25  }
0x1ad: {  	[tilespmem:s0+$0x13180] =	vst.add.f32.msk $0xffff, v26  }
.Ltmp9:
0x1ae: {  	[tilespmem:s0+$0x13190] =	vst.add.f32.msk $0xffff, v27;
	(pc) =	sbr.rel @p0 .LBB2_10-.Ltmp9, $4  }
0x1af: {  	[tilespmem:s0+$0x131A0] =	vst.add.f32.msk $0xffff, v28  }
0x1b0: {  	[tilespmem:s0+$0x131B0] =	vst.add.f32.msk $0xffff, v29  }
0x1b1: {  	[tilespmem:s0+$0x131C0] =	vst.add.f32.msk $0xffff, v30  }
0x1b2: {  	s13 =	sadd.s32 $0x800, s13;
	[tilespmem:s0+$0x131D0] =	vst.add.f32.msk $0xffff, v31  }
0x1b3: {  	s1 =	sshll.u32 s31, $0x9  }
0x1b4: {  	[tilespmem:s0+$0x131E0] =	vst.add.f32.msk $0xffff, v1;
	s0 =	sadd.s32 $0x3, s30;
	s1 =	sshra.s32 s1, $0x2  }
0x1b5: {  	p0 =	sge.u32 s0, s26;
	s31 =	sadd.s32 $0xC800, s1  }
0x1b6: {  	[hbm4b:s6+s20] =	stream.indirect.scatter [tilespmem:s24], [sflag:$0x5], $0x80, s31, s20, $0xb8;
	[tilespmem:$0x1F000] =	vst v63  }
0x1b7: {  	s0 =	sshll.u32 @!p0 s0, $0x7;
	_ =	swait.ge [sflag:s12], $0x4000  }
.Ltmp10:
0x1b8: {  	s13 =	simm.s32 @!p0 $0x80;
	[sflag:s12] =	ssyncset.done $0x0;
	(pc) =	sbr.rel .LBB2_12-.Ltmp10, $4  }
0x1b9: {  	s30 =	simm.s32 @!p0 $0x13000;
	s1 =	sadd.s32 @!p0 $0x7800, s0;
	[sflag:s12] =	ssyncadd.s32 $0xFFFFC000  }
0x1ba: {  	[tilespmem:s30], [sflag:$0x2] =	stream.indirect.gather @!p0 [hbm4b:s3+s13], $0x80, s1, s13, $0xb8;
	[tilespmem:$0x1F000] =	vst v63  }
0x1bb: {  	s0 =	sadd.s32 @!p0 $0xA000, s0;
	s1 =	simm.s32 @!p0 $0x1B000  }
0x1bc: {  	[tilespmem:s1], [sflag:$0x4] =	stream.indirect.gather @!p0 [hbm4b:s4+s13], $0x80, s0, s13, $0xb8;
	[tilespmem:$0x1F000] =	vst v63  }
.LBB2_14:
0x1bd: {  	_ =	sfence.sel $0x180000  }
0x1be: {  	[bflag:$0x0] =	sbarrier.arrive $0xFFFF  }
0x1bf: {  	_ =	strace $0x90000053  }
0x1c0: {  	s0 =	stileid.u32;
	[bflag:$0x2] =	sbarrier.arrive $0xFFFF  }
0x1c1: {  	p0 =	sne.s32 s0, $0x0;
	s0 =	rddreg [dreg:$0x1]  }
0x1c2: {  	s0 =	sadd.s32 @!p0 $0x100000, s0  }
0x1c3: {  	[sflag:s0] =	ssyncadd.tile.s32 @!p0 $0x1;
	_ =	shalt  }
.Lfunc_end2:
_tile_overlayer_lowered:
.L_overlay_start_2:
0x1c4: {  	(tag) =	ssettag $0x2  }
0x1c5: {  	s0 =	rddreg [dreg:$0x0];
	s2 =	stileid.u32  }
0x1c6: {  	s1 =	rddreg [dreg:$0x1];
	p0 =	sne.s32 s2, $0x0  }
0x1c7: {  	s3 =	rddreg [dreg:$0x2];
	[bflag:$0x3] =	sbarrier.arrive $0xFFFF;
	s2 =	simm.s32 @!p0 $0x1C05  }
0x1c8: {  	[timem:s3], [sflag:s2] =	dma.local @!p0 [hbm:s0], s1  }
0x1c9: {  	s0 =	simm.s32 @!p0 $0x5  }
0x1ca: {  	_ =	swait.ge @!p0 [sflag:s0], s1  }
0x1cb: {  	s1 =	ssub.s32 @!p0 $0x0, s1;
	[sflag:s0] =	ssyncset.done @!p0 $0x0  }
0x1cc: {  	[sflag:s0] =	ssyncadd.s32 @!p0 s1  }
0x1cd: {  	[bflag:$0x3] =	sbarrier.arrive $0xFFFF  }
0x1ce: {  	_ =	shalt  }

</sc_bundles>
